<compile_context>
chip_gen: v7x
topology: tpu7x:2x2x1
jax: 0.10.2.dev20260603
libtpu: 0.0.44.dev20260713+nightly
codegen_flags: <defaults>
</compile_context>

<pallas_src>
import functools

import jax
import jax.numpy as jnp
from jax import lax
from jax.experimental import pallas as pl
from jax.experimental.pallas import tpu as pltpu
from jax.experimental.pallas import tpu_sc as plsc

N = 10000
E = 320000
IN_DIM = 128
HID = 16
OUT = 8

NC = 2
NS = 16
NW = NC * NS
CH = 128
GB = 16
EPW = 10240
EP = NW * EPW
NCH = EPW // CH
NT = NCH // GB
NP = 10240
RPS = NP // NS

_mesh = plsc.VectorSubcoreMesh(
    core_axis_name="c", subcore_axis_name="s", num_cores=NC, num_subcores=NS
)
_sc_params = pltpu.CompilerParams(use_tc_tiling_on_sc=False)


def _sc_degree_body(dst_hbm, zeros_hbm, out_hbm, idx_v, ones_v, slab_v, deg_sh, sem):
    c = lax.axis_index("c")
    s = lax.axis_index("s")
    wid = s * NC + c
    rs = pl.ds(s * RPS, RPS)
    pltpu.sync_copy(zeros_hbm.at[rs], slab_v)
    pltpu.sync_copy(slab_v, deg_sh.at[rs])
    for j in range(CH // 16):
        ones_v[pl.ds(j * 16, 16)] = jnp.ones((16,), jnp.float32)
    plsc.subcore_barrier()

    def loop(t, carry):
        rowbase = wid * NCH + t * GB
        pltpu.sync_copy(dst_hbm.at[pl.ds(rowbase, GB)], idx_v)
        ds = [pltpu.async_copy(ones_v, deg_sh.at[idx_v.at[j]], sem, add=True)
              for j in range(GB)]
        for d in ds:
            d.wait()
        return carry

    lax.fori_loop(0, NT, loop, 0)
    plsc.subcore_barrier()
    pltpu.sync_copy(deg_sh.at[rs], slab_v)
    pltpu.sync_copy(slab_v, out_hbm.at[pl.ds(c * NP + s * RPS, RPS)])


def _make_sc_scatter_body(D):
    def body(src_hbm, dst_hbm, h_hbm, zeros_hbm, out_hbm,
             isrc_v, idst_v, rows_v, h_sh, acc_sh,
             gsem0, gsem1, ssem0, ssem1):
        c = lax.axis_index("c")
        s = lax.axis_index("s")
        wid = s * NC + c
        rs = pl.ds(s * RPS, RPS)
        gsems = [gsem0, gsem1]
        ssems = [ssem0, ssem1]

        @pl.when(s == 0)
        def _init():
            pltpu.sync_copy(zeros_hbm, acc_sh)

        pltpu.sync_copy(h_hbm.at[rs], h_sh.at[rs])
        plsc.subcore_barrier()

        def idx_load(t, b):
            rowbase = wid * NCH + t * GB
            pltpu.sync_copy(src_hbm.at[pl.ds(rowbase, GB)], isrc_v.at[b])
            pltpu.sync_copy(dst_hbm.at[pl.ds(rowbase, GB)], idst_v.at[b])

        def fire_gathers(b):
            return [pltpu.async_copy(h_sh.at[isrc_v.at[b, j]],
                                     rows_v.at[b, j], gsems[b])
                    for j in range(GB)]

        def fire_scatters(b):
            return [pltpu.async_copy(rows_v.at[b, j],
                                     acc_sh.at[idst_v.at[b, j]],
                                     ssems[b], add=True)
                    for j in range(GB)]

        def loop(t, carry):
            idx_load(t, 0)
            for d in fire_gathers(0):
                d.wait()
            for d in fire_scatters(0):
                d.wait()
            return carry

        lax.fori_loop(0, NT, loop, 0)

        plsc.subcore_barrier()

        @pl.when(s == 0)
        def _drain():
            pltpu.sync_copy(acc_sh, out_hbm.at[c])

    return body


def _sc_degree(dst_p, zeros1):
    return pl.kernel(
        _sc_degree_body,
        out_type=jax.ShapeDtypeStruct((NC * NP,), jnp.float32),
        mesh=_mesh,
        compiler_params=_sc_params,
        scratch_types=[
            pltpu.VMEM((GB, CH), jnp.int32),
            pltpu.VMEM((CH,), jnp.float32),
            pltpu.VMEM((RPS,), jnp.float32),
            pltpu.VMEM_SHARED((NP,), jnp.float32),
            pltpu.SemaphoreType.DMA,
        ],
    )(dst_p, zeros1)


def _sc_scatter(src_p, dst_p, h_p, zeros_d, D):
    return pl.kernel(
        _make_sc_scatter_body(D),
        out_type=jax.ShapeDtypeStruct((NC, NP, D), jnp.float32),
        mesh=_mesh,
        compiler_params=_sc_params,
        scratch_types=[
            pltpu.VMEM((2, GB, CH), jnp.int32),
            pltpu.VMEM((2, GB, CH), jnp.int32),
            pltpu.VMEM((2, GB, CH, D), jnp.float32),
            pltpu.VMEM_SHARED((NP, D), jnp.float32),
            pltpu.VMEM_SHARED((NP, D), jnp.float32),
            pltpu.SemaphoreType.DMA,
            pltpu.SemaphoreType.DMA,
            pltpu.SemaphoreType.DMA,
            pltpu.SemaphoreType.DMA,
        ],
    )(src_p, dst_p, h_p, zeros_d)


def _tc_a_body(xp_ref, w1_ref, degt_ref, h1p_ref, dinv_ref):
    deg = degt_ref[:, 0:1] + degt_ref[:, 1:2] + 1.0
    dinv = lax.rsqrt(deg)
    h1 = jnp.dot(xp_ref[...], w1_ref[...], preferred_element_type=jnp.float32)
    h1p_ref[...] = h1 * dinv
    dinv_ref[...] = dinv


def _tc_b_body(accp_ref, h1p_ref, dinv_ref, b1_ref, w2_ref, h2p_ref):
    dinv = dinv_ref[...]
    agg = dinv * (accp_ref[0] + accp_ref[1] + h1p_ref[...]) + b1_ref[...]
    h = jnp.maximum(agg, 0.0)
    h2 = jnp.dot(h, w2_ref[...], preferred_element_type=jnp.float32)
    mask = (lax.broadcasted_iota(jnp.int32, (NP, 1), 0) < N).astype(jnp.float32)
    h2p_ref[...] = h2 * dinv * mask


def _tc_c_body(accp_ref, h2p_ref, dinv_ref, b2_ref, wfc_ref, bfc_ref, out_ref):
    dinv = dinv_ref[...]
    agg = dinv * (accp_ref[0] + accp_ref[1] + h2p_ref[...]) + b2_ref[...]
    z = jnp.dot(agg, wfc_ref[...], preferred_element_type=jnp.float32) + bfc_ref[...]
    out_ref[...] = jax.nn.sigmoid(z)


def kernel(x, edge_index, W1, b1, W2, b2, Wfc, bfc):
    src = edge_index[0].astype(jnp.int32)
    dst = edge_index[1].astype(jnp.int32)
    padv = N + (jnp.arange(EP - E, dtype=jnp.int32) % (NP - N))
    src_p = jnp.concatenate([src, padv]).reshape(EP // CH, CH)
    dst_p = jnp.concatenate([dst, padv]).reshape(EP // CH, CH)

    xp = jnp.pad(x, ((0, NP - N), (0, 0)))
    zeros1 = jnp.zeros((NP,), jnp.float32)
    zeros16 = jnp.zeros((NP, HID), jnp.float32)
    zeros8 = jnp.zeros((NP, OUT), jnp.float32)

    degp = _sc_degree(dst_p, zeros1)
    degt = degp.reshape(NC, NP).T

    h1p, dinv = pl.pallas_call(
        _tc_a_body,
        out_shape=[
            jax.ShapeDtypeStruct((NP, HID), jnp.float32),
            jax.ShapeDtypeStruct((NP, 1), jnp.float32),
        ],
    )(xp, W1, degt)

    accp1 = _sc_scatter(src_p, dst_p, h1p, zeros16, HID)

    h2p = pl.pallas_call(
        _tc_b_body,
        out_shape=jax.ShapeDtypeStruct((NP, OUT), jnp.float32),
    )(accp1, h1p, dinv, b1.reshape(1, HID), W2)

    accp2 = _sc_scatter(src_p, dst_p, h2p, zeros8, OUT)

    outp = pl.pallas_call(
        _tc_c_body,
        out_shape=jax.ShapeDtypeStruct((NP, 1), jnp.float32),
    )(accp2, h2p, dinv, b2.reshape(1, OUT), Wfc, bfc.reshape(1, 1))

    return outp[:N]

# --- scband reference (transcript-rebuilt; emitter-appended) ---
"""Pipeline reference for scband-gnnclassifier-56521769615598 (READ-ONLY COPY).

The authoritative reference and input builder live on the scoring server;
editing this copy changes nothing except your own understanding.
"""

import jax, jax.numpy as jnp
import numpy as np

N_NODES = 10000
N_EDGES = 320000
IN_DIM = 128
HID_DIM = 16
OUT_DIM = 8


def setup_inputs(seed: int = 0) -> dict:
    key = jax.random.key(seed)
    ks = jax.random.split(key, 8)
    x = jax.random.normal(ks[0], (N_NODES, IN_DIM), dtype=jnp.float32)
    edge_index = jax.random.randint(ks[1], (2, N_EDGES), 0, N_NODES, dtype=jnp.int64)
    W1 = jax.random.normal(ks[2], (IN_DIM, HID_DIM), dtype=jnp.float32) * (1.0 / np.sqrt(IN_DIM))
    b1 = jnp.zeros((HID_DIM,), dtype=jnp.float32)
    W2 = jax.random.normal(ks[3], (HID_DIM, OUT_DIM), dtype=jnp.float32) * (1.0 / np.sqrt(HID_DIM))
    b2 = jnp.zeros((OUT_DIM,), dtype=jnp.float32)
    Wfc = jax.random.normal(ks[4], (OUT_DIM, 1), dtype=jnp.float32) * (1.0 / np.sqrt(OUT_DIM))
    bfc = jnp.zeros((1,), dtype=jnp.float32)
    return {"x": x, "edge_index": edge_index, "W1": W1, "b1": b1, "W2": W2, "b2": b2, "Wfc": Wfc, "bfc": bfc}


def _gcn_conv(x, edge_index, W, b):
    # Faithful GCNConv: linear transform, add self-loops, symmetric normalization, scatter-add aggregate.
    n = x.shape[0]
    loops = jnp.arange(n, dtype=edge_index.dtype)
    src = jnp.concatenate([edge_index[0], loops])
    dst = jnp.concatenate([edge_index[1], loops])
    deg = jax.ops.segment_sum(jnp.ones_like(src, dtype=x.dtype), dst, num_segments=n)
    dinv = jnp.where(deg > 0, 1.0 / jnp.sqrt(deg), 0.0)
    norm = dinv[src] * dinv[dst]
    h = x @ W
    msgs = h[src] * norm[:, None]
    out = jax.ops.segment_sum(msgs, dst, num_segments=n)
    return out + b


def reference(x, edge_index, W1, b1, W2, b2, Wfc, bfc):
    h = _gcn_conv(x, edge_index, W1, b1)
    h = jax.nn.relu(h)
    h = _gcn_conv(h, edge_index, W2, b2)
    out = h @ Wfc + bfc
    return jax.nn.sigmoid(out)

if __name__ == "__main__":
    import jax
    _d = setup_inputs()
    print(jax.jit(kernel)(*tuple(_d.values())))

</pallas_src>

<mosaic_0001>
#map = affine_map<(d0, d1) -> (0, 0)>
#map1 = affine_map<(d0, d1) -> (0)>
module attributes {stable_mosaic.version = 14 : i64} {
  func.func @_sc_degree_body(%arg0: i32, %arg1: i32, %arg2: memref<2560x128xi32, #tpu.memory_space<hbm>>, %arg3: memref<10240xf32, #tpu.memory_space<hbm>>, %arg4: memref<20480xf32, #tpu.memory_space<hbm>>, %arg5: memref<16x128xi32, #tpu.memory_space<vmem>>, %arg6: memref<128xf32, #tpu.memory_space<vmem>>, %arg7: memref<640xf32, #tpu.memory_space<vmem>>, %arg8: memref<10240xf32, #tpu.memory_space<vmem_shared>>, %arg9: memref<!tpu.dma_semaphore, #tpu.memory_space<semaphore_mem>>) attributes {dimension_semantics = [#tpu.dimension_semantics<core_parallel>, #tpu.dimension_semantics<subcore_parallel>], iteration_bounds = array<i64: 2, 16>, scalar_prefetch = 0 : i64, scratch_operands = 5 : i64, tpu.core_type = #tpu.core_type<sc_vector_subcore>, window_params = [{transform_indices = #map}, {transform_indices = #map1}, {transform_indices = #map1}]} {
    %mul3A = arith.constant 2 : i32
    %mul3A_0 = arith.muli %arg1, %mul3A : i32
    %add3A = arith.addi %mul3A_0, %arg0 : i32
    %mul3A_1 = arith.constant 640 : i32
    %mul3A_2 = arith.muli %arg1, %mul3A_1 : i32
    "tpu.region"() ({
      %run_scoped3A = tpu.sem_alloc : memref<!tpu.dma_semaphore, #tpu.memory_space<semaphore_mem>>
      %dma_start3A = tpu.memref_slice %arg3[%mul3A_2] : memref<10240xf32, #tpu.memory_space<hbm>> -> memref<640xf32, #tpu.memory_space<hbm>>
      %dma_start3A_60 = tpu.memref_slice %arg3[%mul3A_2] : memref<10240xf32, #tpu.memory_space<hbm>> -> memref<640xf32, #tpu.memory_space<hbm>>
      tpu.enqueue_dma source(%dma_start3A_60 : memref<640xf32, #tpu.memory_space<hbm>>) target(%arg7 : memref<640xf32, #tpu.memory_space<vmem>>) target_semaphore(%run_scoped3A : memref<!tpu.dma_semaphore, #tpu.memory_space<semaphore_mem>>)
      %dma_wait3A = tpu.memref_slice %arg3[%mul3A_2] : memref<10240xf32, #tpu.memory_space<hbm>> -> memref<640xf32, #tpu.memory_space<hbm>>
      %dma_wait3A_61 = tpu.memref_slice %arg3[%mul3A_2] : memref<10240xf32, #tpu.memory_space<hbm>> -> memref<640xf32, #tpu.memory_space<hbm>>
      tpu.wait_dma2 semaphore(%run_scoped3A : memref<!tpu.dma_semaphore, #tpu.memory_space<semaphore_mem>>) src(%dma_wait3A_61 : memref<640xf32, #tpu.memory_space<hbm>>) dst(%arg7 : memref<640xf32, #tpu.memory_space<vmem>>)
      tpu.yield
    }) : () -> ()
    "tpu.region"() ({
      %run_scoped3A = tpu.sem_alloc : memref<!tpu.dma_semaphore, #tpu.memory_space<semaphore_mem>>
      %dma_start3A = tpu.memref_slice %arg8[%mul3A_2] : memref<10240xf32, #tpu.memory_space<vmem_shared>> -> memref<640xf32, #tpu.memory_space<vmem_shared>>
      %dma_start3A_60 = tpu.memref_slice %arg8[%mul3A_2] : memref<10240xf32, #tpu.memory_space<vmem_shared>> -> memref<640xf32, #tpu.memory_space<vmem_shared>>
      tpu.enqueue_dma source(%arg7 : memref<640xf32, #tpu.memory_space<vmem>>) target(%dma_start3A_60 : memref<640xf32, #tpu.memory_space<vmem_shared>>) target_semaphore(%run_scoped3A : memref<!tpu.dma_semaphore, #tpu.memory_space<semaphore_mem>>)
      %dma_wait3A = tpu.memref_slice %arg8[%mul3A_2] : memref<10240xf32, #tpu.memory_space<vmem_shared>> -> memref<640xf32, #tpu.memory_space<vmem_shared>>
      %dma_wait3A_61 = tpu.memref_slice %arg8[%mul3A_2] : memref<10240xf32, #tpu.memory_space<vmem_shared>> -> memref<640xf32, #tpu.memory_space<vmem_shared>>
      tpu.wait_dma2 semaphore(%run_scoped3A : memref<!tpu.dma_semaphore, #tpu.memory_space<semaphore_mem>>) src(%arg7 : memref<640xf32, #tpu.memory_space<vmem>>) dst(%dma_wait3A_61 : memref<640xf32, #tpu.memory_space<vmem_shared>>)
      tpu.yield
    }) : () -> ()
    %broadcast_in_dim3A = arith.constant 1.000000e+00 : f32
    %broadcast_in_dim3A_3 = vector.broadcast %broadcast_in_dim3A : f32 to vector<16xf32>
    %swap3A = arith.constant 0 : index
    %swap3A_4 = tpu.vector_load %arg6[%swap3A] {strides = array<i32>} : memref<128xf32, #tpu.memory_space<vmem>>, vector<16xf32>,
    %swap3A_5 = vector.shape_cast %swap3A_4 : vector<16xf32> to vector<16xf32>
    %swap3A_6 = vector.shape_cast %broadcast_in_dim3A_3 : vector<16xf32> to vector<16xf32>
    tpu.vector_store %arg6[%swap3A], %swap3A_6 {strides = array<i32>} : memref<128xf32, #tpu.memory_space<vmem>>, vector<16xf32>,
    %broadcast_in_dim3A_7 = arith.constant 1.000000e+00 : f32
    %broadcast_in_dim3A_8 = vector.broadcast %broadcast_in_dim3A_7 : f32 to vector<16xf32>
    %swap3A_9 = arith.constant 16 : index
    %swap3A_10 = tpu.vector_load %arg6[%swap3A_9] {strides = array<i32>} : memref<128xf32, #tpu.memory_space<vmem>>, vector<16xf32>,
    %swap3A_11 = vector.shape_cast %swap3A_10 : vector<16xf32> to vector<16xf32>
    %swap3A_12 = vector.shape_cast %broadcast_in_dim3A_8 : vector<16xf32> to vector<16xf32>
    tpu.vector_store %arg6[%swap3A_9], %swap3A_12 {strides = array<i32>} : memref<128xf32, #tpu.memory_space<vmem>>, vector<16xf32>,
    %broadcast_in_dim3A_13 = arith.constant 1.000000e+00 : f32
    %broadcast_in_dim3A_14 = vector.broadcast %broadcast_in_dim3A_13 : f32 to vector<16xf32>
    %swap3A_15 = arith.constant 32 : index
    %swap3A_16 = tpu.vector_load %arg6[%swap3A_15] {strides = array<i32>} : memref<128xf32, #tpu.memory_space<vmem>>, vector<16xf32>,
    %swap3A_17 = vector.shape_cast %swap3A_16 : vector<16xf32> to vector<16xf32>
    %swap3A_18 = vector.shape_cast %broadcast_in_dim3A_14 : vector<16xf32> to vector<16xf32>
    tpu.vector_store %arg6[%swap3A_15], %swap3A_18 {strides = array<i32>} : memref<128xf32, #tpu.memory_space<vmem>>, vector<16xf32>,
    %broadcast_in_dim3A_19 = arith.constant 1.000000e+00 : f32
    %broadcast_in_dim3A_20 = vector.broadcast %broadcast_in_dim3A_19 : f32 to vector<16xf32>
    %swap3A_21 = arith.constant 48 : index
    %swap3A_22 = tpu.vector_load %arg6[%swap3A_21] {strides = array<i32>} : memref<128xf32, #tpu.memory_space<vmem>>, vector<16xf32>,
    %swap3A_23 = vector.shape_cast %swap3A_22 : vector<16xf32> to vector<16xf32>
    %swap3A_24 = vector.shape_cast %broadcast_in_dim3A_20 : vector<16xf32> to vector<16xf32>
    tpu.vector_store %arg6[%swap3A_21], %swap3A_24 {strides = array<i32>} : memref<128xf32, #tpu.memory_space<vmem>>, vector<16xf32>,
    %broadcast_in_dim3A_25 = arith.constant 1.000000e+00 : f32
    %broadcast_in_dim3A_26 = vector.broadcast %broadcast_in_dim3A_25 : f32 to vector<16xf32>
    %swap3A_27 = arith.constant 64 : index
    %swap3A_28 = tpu.vector_load %arg6[%swap3A_27] {strides = array<i32>} : memref<128xf32, #tpu.memory_space<vmem>>, vector<16xf32>,
    %swap3A_29 = vector.shape_cast %swap3A_28 : vector<16xf32> to vector<16xf32>
    %swap3A_30 = vector.shape_cast %broadcast_in_dim3A_26 : vector<16xf32> to vector<16xf32>
    tpu.vector_store %arg6[%swap3A_27], %swap3A_30 {strides = array<i32>} : memref<128xf32, #tpu.memory_space<vmem>>, vector<16xf32>,
    %broadcast_in_dim3A_31 = arith.constant 1.000000e+00 : f32
    %broadcast_in_dim3A_32 = vector.broadcast %broadcast_in_dim3A_31 : f32 to vector<16xf32>
    %swap3A_33 = arith.constant 80 : index
    %swap3A_34 = tpu.vector_load %arg6[%swap3A_33] {strides = array<i32>} : memref<128xf32, #tpu.memory_space<vmem>>, vector<16xf32>,
    %swap3A_35 = vector.shape_cast %swap3A_34 : vector<16xf32> to vector<16xf32>
    %swap3A_36 = vector.shape_cast %broadcast_in_dim3A_32 : vector<16xf32> to vector<16xf32>
    tpu.vector_store %arg6[%swap3A_33], %swap3A_36 {strides = array<i32>} : memref<128xf32, #tpu.memory_space<vmem>>, vector<16xf32>,
    %broadcast_in_dim3A_37 = arith.constant 1.000000e+00 : f32
    %broadcast_in_dim3A_38 = vector.broadcast %broadcast_in_dim3A_37 : f32 to vector<16xf32>
    %swap3A_39 = arith.constant 96 : index
    %swap3A_40 = tpu.vector_load %arg6[%swap3A_39] {strides = array<i32>} : memref<128xf32, #tpu.memory_space<vmem>>, vector<16xf32>,
    %swap3A_41 = vector.shape_cast %swap3A_40 : vector<16xf32> to vector<16xf32>
    %swap3A_42 = vector.shape_cast %broadcast_in_dim3A_38 : vector<16xf32> to vector<16xf32>
    tpu.vector_store %arg6[%swap3A_39], %swap3A_42 {strides = array<i32>} : memref<128xf32, #tpu.memory_space<vmem>>, vector<16xf32>,
    %broadcast_in_dim3A_43 = arith.constant 1.000000e+00 : f32
    %broadcast_in_dim3A_44 = vector.broadcast %broadcast_in_dim3A_43 : f32 to vector<16xf32>
    %swap3A_45 = arith.constant 112 : index
    %swap3A_46 = tpu.vector_load %arg6[%swap3A_45] {strides = array<i32>} : memref<128xf32, #tpu.memory_space<vmem>>, vector<16xf32>,
    %swap3A_47 = vector.shape_cast %swap3A_46 : vector<16xf32> to vector<16xf32>
    %swap3A_48 = vector.shape_cast %broadcast_in_dim3A_44 : vector<16xf32> to vector<16xf32>
    tpu.vector_store %arg6[%swap3A_45], %swap3A_48 {strides = array<i32>} : memref<128xf32, #tpu.memory_space<vmem>>, vector<16xf32>,
    %barrier3A = arith.constant 0 : index
    tpu.barrier barrier_id(%barrier3A)
    %scan3A = arith.constant 0 : i32
    %scan3A_49 = arith.constant 0 : i32
    %scan3A_50 = arith.constant 5 : i32
    %scan3A_51 = arith.addi %scan3A_49, %scan3A_50 : i32
    %scan3A_52 = arith.constant 1 : i32
    scf.for %scan3A_60 = %scan3A_49 to %scan3A_51 step %scan3A_52  : i32 {
      %mul3A_61 = arith.constant 80 : i32
      %mul3A_62 = arith.muli %add3A, %mul3A_61 : i32
      %mul3A_63 = arith.constant 16 : i32
      %mul3A_64 = arith.muli %scan3A_60, %mul3A_63 : i32
      %add3A_65 = arith.addi %mul3A_62, %mul3A_64 : i32
      "tpu.region"() ({
        %run_scoped3A = tpu.sem_alloc : memref<!tpu.dma_semaphore, #tpu.memory_space<semaphore_mem>>
        %dma_start3A_256 = arith.constant 0 : i32
        %dma_start3A_257 = tpu.memref_slice %arg2[%add3A_65, %dma_start3A_256] : memref<2560x128xi32, #tpu.memory_space<hbm>> -> memref<16x128xi32, #tpu.memory_space<hbm>>
        %dma_start3A_258 = arith.constant 0 : i32
        %dma_start3A_259 = tpu.memref_slice %arg2[%add3A_65, %dma_start3A_258] : memref<2560x128xi32, #tpu.memory_space<hbm>> -> memref<16x128xi32, #tpu.memory_space<hbm>>
        tpu.enqueue_dma source(%dma_start3A_259 : memref<16x128xi32, #tpu.memory_space<hbm>>) target(%arg5 : memref<16x128xi32, #tpu.memory_space<vmem>>) target_semaphore(%run_scoped3A : memref<!tpu.dma_semaphore, #tpu.memory_space<semaphore_mem>>)
        %dma_wait3A_260 = arith.constant 0 : i32
        %dma_wait3A_261 = tpu.memref_slice %arg2[%add3A_65, %dma_wait3A_260] : memref<2560x128xi32, #tpu.memory_space<hbm>> -> memref<16x128xi32, #tpu.memory_space<hbm>>
        %dma_wait3A_262 = arith.constant 0 : i32
        %dma_wait3A_263 = tpu.memref_slice %arg2[%add3A_65, %dma_wait3A_262] : memref<2560x128xi32, #tpu.memory_space<hbm>> -> memref<16x128xi32, #tpu.memory_space<hbm>>
        tpu.wait_dma2 semaphore(%run_scoped3A : memref<!tpu.dma_semaphore, #tpu.memory_space<semaphore_mem>>) src(%dma_wait3A_263 : memref<16x128xi32, #tpu.memory_space<hbm>>) dst(%arg5 : memref<16x128xi32, #tpu.memory_space<vmem>>)
        tpu.yield
      }) : () -> ()
      %dma_start3A = arith.constant 0 : i32
      %dma_start3A_66 = arith.constant 0 : i32
      %dma_start3A_67 = tpu.memref_slice %arg5[%dma_start3A, %dma_start3A_66] : memref<16x128xi32, #tpu.memory_space<vmem>> -> memref<1x128xi32, #tpu.memory_space<vmem>>
      %dma_start3A_68 = tpu.memref_squeeze %dma_start3A_67 : memref<1x128xi32, #tpu.memory_space<vmem>> -> memref<128xi32, #tpu.memory_space<vmem>>
      %dma_start3A_69 = arith.constant 0 : i32
      %dma_start3A_70 = tpu.memref_slice %arg8[%dma_start3A_69] : memref<10240xf32, #tpu.memory_space<vmem_shared>> -> memref<10240xf32, #tpu.memory_space<vmem_shared>>
      tpu.enqueue_indirect_dma source(%arg6 : memref<128xf32, #tpu.memory_space<vmem>>) target(%dma_start3A_70 : memref<10240xf32, #tpu.memory_space<vmem_shared>>) offsets(%dma_start3A_68 : memref<128xi32, #tpu.memory_space<vmem>>) semaphore(%arg9 : memref<!tpu.dma_semaphore, #tpu.memory_space<semaphore_mem>>) {add = true}
      %dma_start3A_71 = arith.constant 1 : i32
      %dma_start3A_72 = arith.constant 0 : i32
      %dma_start3A_73 = tpu.memref_slice %arg5[%dma_start3A_71, %dma_start3A_72] : memref<16x128xi32, #tpu.memory_space<vmem>> -> memref<1x128xi32, #tpu.memory_space<vmem>>
      %dma_start3A_74 = tpu.memref_squeeze %dma_start3A_73 : memref<1x128xi32, #tpu.memory_space<vmem>> -> memref<128xi32, #tpu.memory_space<vmem>>
      %dma_start3A_75 = arith.constant 0 : i32
      %dma_start3A_76 = tpu.memref_slice %arg8[%dma_start3A_75] : memref<10240xf32, #tpu.memory_space<vmem_shared>> -> memref<10240xf32, #tpu.memory_space<vmem_shared>>
      tpu.enqueue_indirect_dma source(%arg6 : memref<128xf32, #tpu.memory_space<vmem>>) target(%dma_start3A_76 : memref<10240xf32, #tpu.memory_space<vmem_shared>>) offsets(%dma_start3A_74 : memref<128xi32, #tpu.memory_space<vmem>>) semaphore(%arg9 : memref<!tpu.dma_semaphore, #tpu.memory_space<semaphore_mem>>) {add = true}
      %dma_start3A_77 = arith.constant 2 : i32
      %dma_start3A_78 = arith.constant 0 : i32
      %dma_start3A_79 = tpu.memref_slice %arg5[%dma_start3A_77, %dma_start3A_78] : memref<16x128xi32, #tpu.memory_space<vmem>> -> memref<1x128xi32, #tpu.memory_space<vmem>>
      %dma_start3A_80 = tpu.memref_squeeze %dma_start3A_79 : memref<1x128xi32, #tpu.memory_space<vmem>> -> memref<128xi32, #tpu.memory_space<vmem>>
      %dma_start3A_81 = arith.constant 0 : i32
      %dma_start3A_82 = tpu.memref_slice %arg8[%dma_start3A_81] : memref<10240xf32, #tpu.memory_space<vmem_shared>> -> memref<10240xf32, #tpu.memory_space<vmem_shared>>
      tpu.enqueue_indirect_dma source(%arg6 : memref<128xf32, #tpu.memory_space<vmem>>) target(%dma_start3A_82 : memref<10240xf32, #tpu.memory_space<vmem_shared>>) offsets(%dma_start3A_80 : memref<128xi32, #tpu.memory_space<vmem>>) semaphore(%arg9 : memref<!tpu.dma_semaphore, #tpu.memory_space<semaphore_mem>>) {add = true}
      %dma_start3A_83 = arith.constant 3 : i32
      %dma_start3A_84 = arith.constant 0 : i32
      %dma_start3A_85 = tpu.memref_slice %arg5[%dma_start3A_83, %dma_start3A_84] : memref<16x128xi32, #tpu.memory_space<vmem>> -> memref<1x128xi32, #tpu.memory_space<vmem>>
      %dma_start3A_86 = tpu.memref_squeeze %dma_start3A_85 : memref<1x128xi32, #tpu.memory_space<vmem>> -> memref<128xi32, #tpu.memory_space<vmem>>
      %dma_start3A_87 = arith.constant 0 : i32
      %dma_start3A_88 = tpu.memref_slice %arg8[%dma_start3A_87] : memref<10240xf32, #tpu.memory_space<vmem_shared>> -> memref<10240xf32, #tpu.memory_space<vmem_shared>>
      tpu.enqueue_indirect_dma source(%arg6 : memref<128xf32, #tpu.memory_space<vmem>>) target(%dma_start3A_88 : memref<10240xf32, #tpu.memory_space<vmem_shared>>) offsets(%dma_start3A_86 : memref<128xi32, #tpu.memory_space<vmem>>) semaphore(%arg9 : memref<!tpu.dma_semaphore, #tpu.memory_space<semaphore_mem>>) {add = true}
      %dma_start3A_89 = arith.constant 4 : i32
      %dma_start3A_90 = arith.constant 0 : i32
      %dma_start3A_91 = tpu.memref_slice %arg5[%dma_start3A_89, %dma_start3A_90] : memref<16x128xi32, #tpu.memory_space<vmem>> -> memref<1x128xi32, #tpu.memory_space<vmem>>
      %dma_start3A_92 = tpu.memref_squeeze %dma_start3A_91 : memref<1x128xi32, #tpu.memory_space<vmem>> -> memref<128xi32, #tpu.memory_space<vmem>>
      %dma_start3A_93 = arith.constant 0 : i32
      %dma_start3A_94 = tpu.memref_slice %arg8[%dma_start3A_93] : memref<10240xf32, #tpu.memory_space<vmem_shared>> -> memref<10240xf32, #tpu.memory_space<vmem_shared>>
      tpu.enqueue_indirect_dma source(%arg6 : memref<128xf32, #tpu.memory_space<vmem>>) target(%dma_start3A_94 : memref<10240xf32, #tpu.memory_space<vmem_shared>>) offsets(%dma_start3A_92 : memref<128xi32, #tpu.memory_space<vmem>>) semaphore(%arg9 : memref<!tpu.dma_semaphore, #tpu.memory_space<semaphore_mem>>) {add = true}
      %dma_start3A_95 = arith.constant 5 : i32
      %dma_start3A_96 = arith.constant 0 : i32
      %dma_start3A_97 = tpu.memref_slice %arg5[%dma_start3A_95, %dma_start3A_96] : memref<16x128xi32, #tpu.memory_space<vmem>> -> memref<1x128xi32, #tpu.memory_space<vmem>>
      %dma_start3A_98 = tpu.memref_squeeze %dma_start3A_97 : memref<1x128xi32, #tpu.memory_space<vmem>> -> memref<128xi32, #tpu.memory_space<vmem>>
      %dma_start3A_99 = arith.constant 0 : i32
      %dma_start3A_100 = tpu.memref_slice %arg8[%dma_start3A_99] : memref<10240xf32, #tpu.memory_space<vmem_shared>> -> memref<10240xf32, #tpu.memory_space<vmem_shared>>
      tpu.enqueue_indirect_dma source(%arg6 : memref<128xf32, #tpu.memory_space<vmem>>) target(%dma_start3A_100 : memref<10240xf32, #tpu.memory_space<vmem_shared>>) offsets(%dma_start3A_98 : memref<128xi32, #tpu.memory_space<vmem>>) semaphore(%arg9 : memref<!tpu.dma_semaphore, #tpu.memory_space<semaphore_mem>>) {add = true}
      %dma_start3A_101 = arith.constant 6 : i32
      %dma_start3A_102 = arith.constant 0 : i32
      %dma_start3A_103 = tpu.memref_slice %arg5[%dma_start3A_101, %dma_start3A_102] : memref<16x128xi32, #tpu.memory_space<vmem>> -> memref<1x128xi32, #tpu.memory_space<vmem>>
      %dma_start3A_104 = tpu.memref_squeeze %dma_start3A_103 : memref<1x128xi32, #tpu.memory_space<vmem>> -> memref<128xi32, #tpu.memory_space<vmem>>
      %dma_start3A_105 = arith.constant 0 : i32
      %dma_start3A_106 = tpu.memref_slice %arg8[%dma_start3A_105] : memref<10240xf32, #tpu.memory_space<vmem_shared>> -> memref<10240xf32, #tpu.memory_space<vmem_shared>>
      tpu.enqueue_indirect_dma source(%arg6 : memref<128xf32, #tpu.memory_space<vmem>>) target(%dma_start3A_106 : memref<10240xf32, #tpu.memory_space<vmem_shared>>) offsets(%dma_start3A_104 : memref<128xi32, #tpu.memory_space<vmem>>) semaphore(%arg9 : memref<!tpu.dma_semaphore, #tpu.memory_space<semaphore_mem>>) {add = true}
      %dma_start3A_107 = arith.constant 7 : i32
      %dma_start3A_108 = arith.constant 0 : i32
      %dma_start3A_109 = tpu.memref_slice %arg5[%dma_start3A_107, %dma_start3A_108] : memref<16x128xi32, #tpu.memory_space<vmem>> -> memref<1x128xi32, #tpu.memory_space<vmem>>
      %dma_start3A_110 = tpu.memref_squeeze %dma_start3A_109 : memref<1x128xi32, #tpu.memory_space<vmem>> -> memref<128xi32, #tpu.memory_space<vmem>>
      %dma_start3A_111 = arith.constant 0 : i32
      %dma_start3A_112 = tpu.memref_slice %arg8[%dma_start3A_111] : memref<10240xf32, #tpu.memory_space<vmem_shared>> -> memref<10240xf32, #tpu.memory_space<vmem_shared>>
      tpu.enqueue_indirect_dma source(%arg6 : memref<128xf32, #tpu.memory_space<vmem>>) target(%dma_start3A_112 : memref<10240xf32, #tpu.memory_space<vmem_shared>>) offsets(%dma_start3A_110 : memref<128xi32, #tpu.memory_space<vmem>>) semaphore(%arg9 : memref<!tpu.dma_semaphore, #tpu.memory_space<semaphore_mem>>) {add = true}
      %dma_start3A_113 = arith.constant 8 : i32
      %dma_start3A_114 = arith.constant 0 : i32
      %dma_start3A_115 = tpu.memref_slice %arg5[%dma_start3A_113, %dma_start3A_114] : memref<16x128xi32, #tpu.memory_space<vmem>> -> memref<1x128xi32, #tpu.memory_space<vmem>>
      %dma_start3A_116 = tpu.memref_squeeze %dma_start3A_115 : memref<1x128xi32, #tpu.memory_space<vmem>> -> memref<128xi32, #tpu.memory_space<vmem>>
      %dma_start3A_117 = arith.constant 0 : i32
      %dma_start3A_118 = tpu.memref_slice %arg8[%dma_start3A_117] : memref<10240xf32, #tpu.memory_space<vmem_shared>> -> memref<10240xf32, #tpu.memory_space<vmem_shared>>
      tpu.enqueue_indirect_dma source(%arg6 : memref<128xf32, #tpu.memory_space<vmem>>) target(%dma_start3A_118 : memref<10240xf32, #tpu.memory_space<vmem_shared>>) offsets(%dma_start3A_116 : memref<128xi32, #tpu.memory_space<vmem>>) semaphore(%arg9 : memref<!tpu.dma_semaphore, #tpu.memory_space<semaphore_mem>>) {add = true}
      %dma_start3A_119 = arith.constant 9 : i32
      %dma_start3A_120 = arith.constant 0 : i32
      %dma_start3A_121 = tpu.memref_slice %arg5[%dma_start3A_119, %dma_start3A_120] : memref<16x128xi32, #tpu.memory_space<vmem>> -> memref<1x128xi32, #tpu.memory_space<vmem>>
      %dma_start3A_122 = tpu.memref_squeeze %dma_start3A_121 : memref<1x128xi32, #tpu.memory_space<vmem>> -> memref<128xi32, #tpu.memory_space<vmem>>
      %dma_start3A_123 = arith.constant 0 : i32
      %dma_start3A_124 = tpu.memref_slice %arg8[%dma_start3A_123] : memref<10240xf32, #tpu.memory_space<vmem_shared>> -> memref<10240xf32, #tpu.memory_space<vmem_shared>>
      tpu.enqueue_indirect_dma source(%arg6 : memref<128xf32, #tpu.memory_space<vmem>>) target(%dma_start3A_124 : memref<10240xf32, #tpu.memory_space<vmem_shared>>) offsets(%dma_start3A_122 : memref<128xi32, #tpu.memory_space<vmem>>) semaphore(%arg9 : memref<!tpu.dma_semaphore, #tpu.memory_space<semaphore_mem>>) {add = true}
      %dma_start3A_125 = arith.constant 10 : i32
      %dma_start3A_126 = arith.constant 0 : i32
      %dma_start3A_127 = tpu.memref_slice %arg5[%dma_start3A_125, %dma_start3A_126] : memref<16x128xi32, #tpu.memory_space<vmem>> -> memref<1x128xi32, #tpu.memory_space<vmem>>
      %dma_start3A_128 = tpu.memref_squeeze %dma_start3A_127 : memref<1x128xi32, #tpu.memory_space<vmem>> -> memref<128xi32, #tpu.memory_space<vmem>>
      %dma_start3A_129 = arith.constant 0 : i32
      %dma_start3A_130 = tpu.memref_slice %arg8[%dma_start3A_129] : memref<10240xf32, #tpu.memory_space<vmem_shared>> -> memref<10240xf32, #tpu.memory_space<vmem_shared>>
      tpu.enqueue_indirect_dma source(%arg6 : memref<128xf32, #tpu.memory_space<vmem>>) target(%dma_start3A_130 : memref<10240xf32, #tpu.memory_space<vmem_shared>>) offsets(%dma_start3A_128 : memref<128xi32, #tpu.memory_space<vmem>>) semaphore(%arg9 : memref<!tpu.dma_semaphore, #tpu.memory_space<semaphore_mem>>) {add = true}
      %dma_start3A_131 = arith.constant 11 : i32
      %dma_start3A_132 = arith.constant 0 : i32
      %dma_start3A_133 = tpu.memref_slice %arg5[%dma_start3A_131, %dma_start3A_132] : memref<16x128xi32, #tpu.memory_space<vmem>> -> memref<1x128xi32, #tpu.memory_space<vmem>>
      %dma_start3A_134 = tpu.memref_squeeze %dma_start3A_133 : memref<1x128xi32, #tpu.memory_space<vmem>> -> memref<128xi32, #tpu.memory_space<vmem>>
      %dma_start3A_135 = arith.constant 0 : i32
      %dma_start3A_136 = tpu.memref_slice %arg8[%dma_start3A_135] : memref<10240xf32, #tpu.memory_space<vmem_shared>> -> memref<10240xf32, #tpu.memory_space<vmem_shared>>
      tpu.enqueue_indirect_dma source(%arg6 : memref<128xf32, #tpu.memory_space<vmem>>) target(%dma_start3A_136 : memref<10240xf32, #tpu.memory_space<vmem_shared>>) offsets(%dma_start3A_134 : memref<128xi32, #tpu.memory_space<vmem>>) semaphore(%arg9 : memref<!tpu.dma_semaphore, #tpu.memory_space<semaphore_mem>>) {add = true}
      %dma_start3A_137 = arith.constant 12 : i32
      %dma_start3A_138 = arith.constant 0 : i32
      %dma_start3A_139 = tpu.memref_slice %arg5[%dma_start3A_137, %dma_start3A_138] : memref<16x128xi32, #tpu.memory_space<vmem>> -> memref<1x128xi32, #tpu.memory_space<vmem>>
      %dma_start3A_140 = tpu.memref_squeeze %dma_start3A_139 : memref<1x128xi32, #tpu.memory_space<vmem>> -> memref<128xi32, #tpu.memory_space<vmem>>
      %dma_start3A_141 = arith.constant 0 : i32
      %dma_start3A_142 = tpu.memref_slice %arg8[%dma_start3A_141] : memref<10240xf32, #tpu.memory_space<vmem_shared>> -> memref<10240xf32, #tpu.memory_space<vmem_shared>>
      tpu.enqueue_indirect_dma source(%arg6 : memref<128xf32, #tpu.memory_space<vmem>>) target(%dma_start3A_142 : memref<10240xf32, #tpu.memory_space<vmem_shared>>) offsets(%dma_start3A_140 : memref<128xi32, #tpu.memory_space<vmem>>) semaphore(%arg9 : memref<!tpu.dma_semaphore, #tpu.memory_space<semaphore_mem>>) {add = true}
      %dma_start3A_143 = arith.constant 13 : i32
      %dma_start3A_144 = arith.constant 0 : i32
      %dma_start3A_145 = tpu.memref_slice %arg5[%dma_start3A_143, %dma_start3A_144] : memref<16x128xi32, #tpu.memory_space<vmem>> -> memref<1x128xi32, #tpu.memory_space<vmem>>
      %dma_start3A_146 = tpu.memref_squeeze %dma_start3A_145 : memref<1x128xi32, #tpu.memory_space<vmem>> -> memref<128xi32, #tpu.memory_space<vmem>>
      %dma_start3A_147 = arith.constant 0 : i32
      %dma_start3A_148 = tpu.memref_slice %arg8[%dma_start3A_147] : memref<10240xf32, #tpu.memory_space<vmem_shared>> -> memref<10240xf32, #tpu.memory_space<vmem_shared>>
      tpu.enqueue_indirect_dma source(%arg6 : memref<128xf32, #tpu.memory_space<vmem>>) target(%dma_start3A_148 : memref<10240xf32, #tpu.memory_space<vmem_shared>>) offsets(%dma_start3A_146 : memref<128xi32, #tpu.memory_space<vmem>>) semaphore(%arg9 : memref<!tpu.dma_semaphore, #tpu.memory_space<semaphore_mem>>) {add = true}
      %dma_start3A_149 = arith.constant 14 : i32
      %dma_start3A_150 = arith.constant 0 : i32
      %dma_start3A_151 = tpu.memref_slice %arg5[%dma_start3A_149, %dma_start3A_150] : memref<16x128xi32, #tpu.memory_space<vmem>> -> memref<1x128xi32, #tpu.memory_space<vmem>>
      %dma_start3A_152 = tpu.memref_squeeze %dma_start3A_151 : memref<1x128xi32, #tpu.memory_space<vmem>> -> memref<128xi32, #tpu.memory_space<vmem>>
      %dma_start3A_153 = arith.constant 0 : i32
      %dma_start3A_154 = tpu.memref_slice %arg8[%dma_start3A_153] : memref<10240xf32, #tpu.memory_space<vmem_shared>> -> memref<10240xf32, #tpu.memory_space<vmem_shared>>
      tpu.enqueue_indirect_dma source(%arg6 : memref<128xf32, #tpu.memory_space<vmem>>) target(%dma_start3A_154 : memref<10240xf32, #tpu.memory_space<vmem_shared>>) offsets(%dma_start3A_152 : memref<128xi32, #tpu.memory_space<vmem>>) semaphore(%arg9 : memref<!tpu.dma_semaphore, #tpu.memory_space<semaphore_mem>>) {add = true}
      %dma_start3A_155 = arith.constant 15 : i32
      %dma_start3A_156 = arith.constant 0 : i32
      %dma_start3A_157 = tpu.memref_slice %arg5[%dma_start3A_155, %dma_start3A_156] : memref<16x128xi32, #tpu.memory_space<vmem>> -> memref<1x128xi32, #tpu.memory_space<vmem>>
      %dma_start3A_158 = tpu.memref_squeeze %dma_start3A_157 : memref<1x128xi32, #tpu.memory_space<vmem>> -> memref<128xi32, #tpu.memory_space<vmem>>
      %dma_start3A_159 = arith.constant 0 : i32
      %dma_start3A_160 = tpu.memref_slice %arg8[%dma_start3A_159] : memref<10240xf32, #tpu.memory_space<vmem_shared>> -> memref<10240xf32, #tpu.memory_space<vmem_shared>>
      tpu.enqueue_indirect_dma source(%arg6 : memref<128xf32, #tpu.memory_space<vmem>>) target(%dma_start3A_160 : memref<10240xf32, #tpu.memory_space<vmem_shared>>) offsets(%dma_start3A_158 : memref<128xi32, #tpu.memory_space<vmem>>) semaphore(%arg9 : memref<!tpu.dma_semaphore, #tpu.memory_space<semaphore_mem>>) {add = true}
      %dma_wait3A = arith.constant 0 : i32
      %dma_wait3A_161 = arith.constant 0 : i32
      %dma_wait3A_162 = tpu.memref_slice %arg5[%dma_wait3A, %dma_wait3A_161] : memref<16x128xi32, #tpu.memory_space<vmem>> -> memref<1x128xi32, #tpu.memory_space<vmem>>
      %dma_wait3A_163 = tpu.memref_squeeze %dma_wait3A_162 : memref<1x128xi32, #tpu.memory_space<vmem>> -> memref<128xi32, #tpu.memory_space<vmem>>
      %dma_wait3A_164 = arith.constant 0 : i32
      %dma_wait3A_165 = tpu.memref_slice %arg8[%dma_wait3A_164] : memref<10240xf32, #tpu.memory_space<vmem_shared>> -> memref<10240xf32, #tpu.memory_space<vmem_shared>>
      tpu.wait_indirect_dma semaphore(%arg9 : memref<!tpu.dma_semaphore, #tpu.memory_space<semaphore_mem>>) src(%arg6 : memref<128xf32, #tpu.memory_space<vmem>>) dst(%dma_wait3A_165 : memref<10240xf32, #tpu.memory_space<vmem_shared>>)
      %dma_wait3A_166 = arith.constant 1 : i32
      %dma_wait3A_167 = arith.constant 0 : i32
      %dma_wait3A_168 = tpu.memref_slice %arg5[%dma_wait3A_166, %dma_wait3A_167] : memref<16x128xi32, #tpu.memory_space<vmem>> -> memref<1x128xi32, #tpu.memory_space<vmem>>
      %dma_wait3A_169 = tpu.memref_squeeze %dma_wait3A_168 : memref<1x128xi32, #tpu.memory_space<vmem>> -> memref<128xi32, #tpu.memory_space<vmem>>
      %dma_wait3A_170 = arith.constant 0 : i32
      %dma_wait3A_171 = tpu.memref_slice %arg8[%dma_wait3A_170] : memref<10240xf32, #tpu.memory_space<vmem_shared>> -> memref<10240xf32, #tpu.memory_space<vmem_shared>>
      tpu.wait_indirect_dma semaphore(%arg9 : memref<!tpu.dma_semaphore, #tpu.memory_space<semaphore_mem>>) src(%arg6 : memref<128xf32, #tpu.memory_space<vmem>>) dst(%dma_wait3A_171 : memref<10240xf32, #tpu.memory_space<vmem_shared>>)
      %dma_wait3A_172 = arith.constant 2 : i32
      %dma_wait3A_173 = arith.constant 0 : i32
      %dma_wait3A_174 = tpu.memref_slice %arg5[%dma_wait3A_172, %dma_wait3A_173] : memref<16x128xi32, #tpu.memory_space<vmem>> -> memref<1x128xi32, #tpu.memory_space<vmem>>
      %dma_wait3A_175 = tpu.memref_squeeze %dma_wait3A_174 : memref<1x128xi32, #tpu.memory_space<vmem>> -> memref<128xi32, #tpu.memory_space<vmem>>
      %dma_wait3A_176 = arith.constant 0 : i32
      %dma_wait3A_177 = tpu.memref_slice %arg8[%dma_wait3A_176] : memref<10240xf32, #tpu.memory_space<vmem_shared>> -> memref<10240xf32, #tpu.memory_space<vmem_shared>>
      tpu.wait_indirect_dma semaphore(%arg9 : memref<!tpu.dma_semaphore, #tpu.memory_space<semaphore_mem>>) src(%arg6 : memref<128xf32, #tpu.memory_space<vmem>>) dst(%dma_wait3A_177 : memref<10240xf32, #tpu.memory_space<vmem_shared>>)
      %dma_wait3A_178 = arith.constant 3 : i32
      %dma_wait3A_179 = arith.constant 0 : i32
      %dma_wait3A_180 = tpu.memref_slice %arg5[%dma_wait3A_178, %dma_wait3A_179] : memref<16x128xi32, #tpu.memory_space<vmem>> -> memref<1x128xi32, #tpu.memory_space<vmem>>
      %dma_wait3A_181 = tpu.memref_squeeze %dma_wait3A_180 : memref<1x128xi32, #tpu.memory_space<vmem>> -> memref<128xi32, #tpu.memory_space<vmem>>
      %dma_wait3A_182 = arith.constant 0 : i32
      %dma_wait3A_183 = tpu.memref_slice %arg8[%dma_wait3A_182] : memref<10240xf32, #tpu.memory_space<vmem_shared>> -> memref<10240xf32, #tpu.memory_space<vmem_shared>>
      tpu.wait_indirect_dma semaphore(%arg9 : memref<!tpu.dma_semaphore, #tpu.memory_space<semaphore_mem>>) src(%arg6 : memref<128xf32, #tpu.memory_space<vmem>>) dst(%dma_wait3A_183 : memref<10240xf32, #tpu.memory_space<vmem_shared>>)
      %dma_wait3A_184 = arith.constant 4 : i32
      %dma_wait3A_185 = arith.constant 0 : i32
      %dma_wait3A_186 = tpu.memref_slice %arg5[%dma_wait3A_184, %dma_wait3A_185] : memref<16x128xi32, #tpu.memory_space<vmem>> -> memref<1x128xi32, #tpu.memory_space<vmem>>
      %dma_wait3A_187 = tpu.memref_squeeze %dma_wait3A_186 : memref<1x128xi32, #tpu.memory_space<vmem>> -> memref<128xi32, #tpu.memory_space<vmem>>
      %dma_wait3A_188 = arith.constant 0 : i32
      %dma_wait3A_189 = tpu.memref_slice %arg8[%dma_wait3A_188] : memref<10240xf32, #tpu.memory_space<vmem_shared>> -> memref<10240xf32, #tpu.memory_space<vmem_shared>>
      tpu.wait_indirect_dma semaphore(%arg9 : memref<!tpu.dma_semaphore, #tpu.memory_space<semaphore_mem>>) src(%arg6 : memref<128xf32, #tpu.memory_space<vmem>>) dst(%dma_wait3A_189 : memref<10240xf32, #tpu.memory_space<vmem_shared>>)
      %dma_wait3A_190 = arith.constant 5 : i32
      %dma_wait3A_191 = arith.constant 0 : i32
      %dma_wait3A_192 = tpu.memref_slice %arg5[%dma_wait3A_190, %dma_wait3A_191] : memref<16x128xi32, #tpu.memory_space<vmem>> -> memref<1x128xi32, #tpu.memory_space<vmem>>
      %dma_wait3A_193 = tpu.memref_squeeze %dma_wait3A_192 : memref<1x128xi32, #tpu.memory_space<vmem>> -> memref<128xi32, #tpu.memory_space<vmem>>
      %dma_wait3A_194 = arith.constant 0 : i32
      %dma_wait3A_195 = tpu.memref_slice %arg8[%dma_wait3A_194] : memref<10240xf32, #tpu.memory_space<vmem_shared>> -> memref<10240xf32, #tpu.memory_space<vmem_shared>>
      tpu.wait_indirect_dma semaphore(%arg9 : memref<!tpu.dma_semaphore, #tpu.memory_space<semaphore_mem>>) src(%arg6 : memref<128xf32, #tpu.memory_space<vmem>>) dst(%dma_wait3A_195 : memref<10240xf32, #tpu.memory_space<vmem_shared>>)
      %dma_wait3A_196 = arith.constant 6 : i32
      %dma_wait3A_197 = arith.constant 0 : i32
      %dma_wait3A_198 = tpu.memref_slice %arg5[%dma_wait3A_196, %dma_wait3A_197] : memref<16x128xi32, #tpu.memory_space<vmem>> -> memref<1x128xi32, #tpu.memory_space<vmem>>
      %dma_wait3A_199 = tpu.memref_squeeze %dma_wait3A_198 : memref<1x128xi32, #tpu.memory_space<vmem>> -> memref<128xi32, #tpu.memory_space<vmem>>
      %dma_wait3A_200 = arith.constant 0 : i32
      %dma_wait3A_201 = tpu.memref_slice %arg8[%dma_wait3A_200] : memref<10240xf32, #tpu.memory_space<vmem_shared>> -> memref<10240xf32, #tpu.memory_space<vmem_shared>>
      tpu.wait_indirect_dma semaphore(%arg9 : memref<!tpu.dma_semaphore, #tpu.memory_space<semaphore_mem>>) src(%arg6 : memref<128xf32, #tpu.memory_space<vmem>>) dst(%dma_wait3A_201 : memref<10240xf32, #tpu.memory_space<vmem_shared>>)
      %dma_wait3A_202 = arith.constant 7 : i32
      %dma_wait3A_203 = arith.constant 0 : i32
      %dma_wait3A_204 = tpu.memref_slice %arg5[%dma_wait3A_202, %dma_wait3A_203] : memref<16x128xi32, #tpu.memory_space<vmem>> -> memref<1x128xi32, #tpu.memory_space<vmem>>
      %dma_wait3A_205 = tpu.memref_squeeze %dma_wait3A_204 : memref<1x128xi32, #tpu.memory_space<vmem>> -> memref<128xi32, #tpu.memory_space<vmem>>
      %dma_wait3A_206 = arith.constant 0 : i32
      %dma_wait3A_207 = tpu.memref_slice %arg8[%dma_wait3A_206] : memref<10240xf32, #tpu.memory_space<vmem_shared>> -> memref<10240xf32, #tpu.memory_space<vmem_shared>>
      tpu.wait_indirect_dma semaphore(%arg9 : memref<!tpu.dma_semaphore, #tpu.memory_space<semaphore_mem>>) src(%arg6 : memref<128xf32, #tpu.memory_space<vmem>>) dst(%dma_wait3A_207 : memref<10240xf32, #tpu.memory_space<vmem_shared>>)
      %dma_wait3A_208 = arith.constant 8 : i32
      %dma_wait3A_209 = arith.constant 0 : i32
      %dma_wait3A_210 = tpu.memref_slice %arg5[%dma_wait3A_208, %dma_wait3A_209] : memref<16x128xi32, #tpu.memory_space<vmem>> -> memref<1x128xi32, #tpu.memory_space<vmem>>
      %dma_wait3A_211 = tpu.memref_squeeze %dma_wait3A_210 : memref<1x128xi32, #tpu.memory_space<vmem>> -> memref<128xi32, #tpu.memory_space<vmem>>
      %dma_wait3A_212 = arith.constant 0 : i32
      %dma_wait3A_213 = tpu.memref_slice %arg8[%dma_wait3A_212] : memref<10240xf32, #tpu.memory_space<vmem_shared>> -> memref<10240xf32, #tpu.memory_space<vmem_shared>>
      tpu.wait_indirect_dma semaphore(%arg9 : memref<!tpu.dma_semaphore, #tpu.memory_space<semaphore_mem>>) src(%arg6 : memref<128xf32, #tpu.memory_space<vmem>>) dst(%dma_wait3A_213 : memref<10240xf32, #tpu.memory_space<vmem_shared>>)
      %dma_wait3A_214 = arith.constant 9 : i32
      %dma_wait3A_215 = arith.constant 0 : i32
      %dma_wait3A_216 = tpu.memref_slice %arg5[%dma_wait3A_214, %dma_wait3A_215] : memref<16x128xi32, #tpu.memory_space<vmem>> -> memref<1x128xi32, #tpu.memory_space<vmem>>
      %dma_wait3A_217 = tpu.memref_squeeze %dma_wait3A_216 : memref<1x128xi32, #tpu.memory_space<vmem>> -> memref<128xi32, #tpu.memory_space<vmem>>
      %dma_wait3A_218 = arith.constant 0 : i32
      %dma_wait3A_219 = tpu.memref_slice %arg8[%dma_wait3A_218] : memref<10240xf32, #tpu.memory_space<vmem_shared>> -> memref<10240xf32, #tpu.memory_space<vmem_shared>>
      tpu.wait_indirect_dma semaphore(%arg9 : memref<!tpu.dma_semaphore, #tpu.memory_space<semaphore_mem>>) src(%arg6 : memref<128xf32, #tpu.memory_space<vmem>>) dst(%dma_wait3A_219 : memref<10240xf32, #tpu.memory_space<vmem_shared>>)
      %dma_wait3A_220 = arith.constant 10 : i32
      %dma_wait3A_221 = arith.constant 0 : i32
      %dma_wait3A_222 = tpu.memref_slice %arg5[%dma_wait3A_220, %dma_wait3A_221] : memref<16x128xi32, #tpu.memory_space<vmem>> -> memref<1x128xi32, #tpu.memory_space<vmem>>
      %dma_wait3A_223 = tpu.memref_squeeze %dma_wait3A_222 : memref<1x128xi32, #tpu.memory_space<vmem>> -> memref<128xi32, #tpu.memory_space<vmem>>
      %dma_wait3A_224 = arith.constant 0 : i32
      %dma_wait3A_225 = tpu.memref_slice %arg8[%dma_wait3A_224] : memref<10240xf32, #tpu.memory_space<vmem_shared>> -> memref<10240xf32, #tpu.memory_space<vmem_shared>>
      tpu.wait_indirect_dma semaphore(%arg9 : memref<!tpu.dma_semaphore, #tpu.memory_space<semaphore_mem>>) src(%arg6 : memref<128xf32, #tpu.memory_space<vmem>>) dst(%dma_wait3A_225 : memref<10240xf32, #tpu.memory_space<vmem_shared>>)
      %dma_wait3A_226 = arith.constant 11 : i32
      %dma_wait3A_227 = arith.constant 0 : i32
      %dma_wait3A_228 = tpu.memref_slice %arg5[%dma_wait3A_226, %dma_wait3A_227] : memref<16x128xi32, #tpu.memory_space<vmem>> -> memref<1x128xi32, #tpu.memory_space<vmem>>
      %dma_wait3A_229 = tpu.memref_squeeze %dma_wait3A_228 : memref<1x128xi32, #tpu.memory_space<vmem>> -> memref<128xi32, #tpu.memory_space<vmem>>
      %dma_wait3A_230 = arith.constant 0 : i32
      %dma_wait3A_231 = tpu.memref_slice %arg8[%dma_wait3A_230] : memref<10240xf32, #tpu.memory_space<vmem_shared>> -> memref<10240xf32, #tpu.memory_space<vmem_shared>>
      tpu.wait_indirect_dma semaphore(%arg9 : memref<!tpu.dma_semaphore, #tpu.memory_space<semaphore_mem>>) src(%arg6 : memref<128xf32, #tpu.memory_space<vmem>>) dst(%dma_wait3A_231 : memref<10240xf32, #tpu.memory_space<vmem_shared>>)
      %dma_wait3A_232 = arith.constant 12 : i32
      %dma_wait3A_233 = arith.constant 0 : i32
      %dma_wait3A_234 = tpu.memref_slice %arg5[%dma_wait3A_232, %dma_wait3A_233] : memref<16x128xi32, #tpu.memory_space<vmem>> -> memref<1x128xi32, #tpu.memory_space<vmem>>
      %dma_wait3A_235 = tpu.memref_squeeze %dma_wait3A_234 : memref<1x128xi32, #tpu.memory_space<vmem>> -> memref<128xi32, #tpu.memory_space<vmem>>
      %dma_wait3A_236 = arith.constant 0 : i32
      %dma_wait3A_237 = tpu.memref_slice %arg8[%dma_wait3A_236] : memref<10240xf32, #tpu.memory_space<vmem_shared>> -> memref<10240xf32, #tpu.memory_space<vmem_shared>>
      tpu.wait_indirect_dma semaphore(%arg9 : memref<!tpu.dma_semaphore, #tpu.memory_space<semaphore_mem>>) src(%arg6 : memref<128xf32, #tpu.memory_space<vmem>>) dst(%dma_wait3A_237 : memref<10240xf32, #tpu.memory_space<vmem_shared>>)
      %dma_wait3A_238 = arith.constant 13 : i32
      %dma_wait3A_239 = arith.constant 0 : i32
      %dma_wait3A_240 = tpu.memref_slice %arg5[%dma_wait3A_238, %dma_wait3A_239] : memref<16x128xi32, #tpu.memory_space<vmem>> -> memref<1x128xi32, #tpu.memory_space<vmem>>
      %dma_wait3A_241 = tpu.memref_squeeze %dma_wait3A_240 : memref<1x128xi32, #tpu.memory_space<vmem>> -> memref<128xi32, #tpu.memory_space<vmem>>
      %dma_wait3A_242 = arith.constant 0 : i32
      %dma_wait3A_243 = tpu.memref_slice %arg8[%dma_wait3A_242] : memref<10240xf32, #tpu.memory_space<vmem_shared>> -> memref<10240xf32, #tpu.memory_space<vmem_shared>>
      tpu.wait_indirect_dma semaphore(%arg9 : memref<!tpu.dma_semaphore, #tpu.memory_space<semaphore_mem>>) src(%arg6 : memref<128xf32, #tpu.memory_space<vmem>>) dst(%dma_wait3A_243 : memref<10240xf32, #tpu.memory_space<vmem_shared>>)
      %dma_wait3A_244 = arith.constant 14 : i32
      %dma_wait3A_245 = arith.constant 0 : i32
      %dma_wait3A_246 = tpu.memref_slice %arg5[%dma_wait3A_244, %dma_wait3A_245] : memref<16x128xi32, #tpu.memory_space<vmem>> -> memref<1x128xi32, #tpu.memory_space<vmem>>
      %dma_wait3A_247 = tpu.memref_squeeze %dma_wait3A_246 : memref<1x128xi32, #tpu.memory_space<vmem>> -> memref<128xi32, #tpu.memory_space<vmem>>
      %dma_wait3A_248 = arith.constant 0 : i32
      %dma_wait3A_249 = tpu.memref_slice %arg8[%dma_wait3A_248] : memref<10240xf32, #tpu.memory_space<vmem_shared>> -> memref<10240xf32, #tpu.memory_space<vmem_shared>>
      tpu.wait_indirect_dma semaphore(%arg9 : memref<!tpu.dma_semaphore, #tpu.memory_space<semaphore_mem>>) src(%arg6 : memref<128xf32, #tpu.memory_space<vmem>>) dst(%dma_wait3A_249 : memref<10240xf32, #tpu.memory_space<vmem_shared>>)
      %dma_wait3A_250 = arith.constant 15 : i32
      %dma_wait3A_251 = arith.constant 0 : i32
      %dma_wait3A_252 = tpu.memref_slice %arg5[%dma_wait3A_250, %dma_wait3A_251] : memref<16x128xi32, #tpu.memory_space<vmem>> -> memref<1x128xi32, #tpu.memory_space<vmem>>
      %dma_wait3A_253 = tpu.memref_squeeze %dma_wait3A_252 : memref<1x128xi32, #tpu.memory_space<vmem>> -> memref<128xi32, #tpu.memory_space<vmem>>
      %dma_wait3A_254 = arith.constant 0 : i32
      %dma_wait3A_255 = tpu.memref_slice %arg8[%dma_wait3A_254] : memref<10240xf32, #tpu.memory_space<vmem_shared>> -> memref<10240xf32, #tpu.memory_space<vmem_shared>>
      tpu.wait_indirect_dma semaphore(%arg9 : memref<!tpu.dma_semaphore, #tpu.memory_space<semaphore_mem>>) src(%arg6 : memref<128xf32, #tpu.memory_space<vmem>>) dst(%dma_wait3A_255 : memref<10240xf32, #tpu.memory_space<vmem_shared>>)
    }
    %scan3A_53 = arith.constant 5 : i32
    %barrier3A_54 = arith.constant 0 : index
    tpu.barrier barrier_id(%barrier3A_54)
    "tpu.region"() ({
      %run_scoped3A = tpu.sem_alloc : memref<!tpu.dma_semaphore, #tpu.memory_space<semaphore_mem>>
      %dma_start3A = tpu.memref_slice %arg8[%mul3A_2] : memref<10240xf32, #tpu.memory_space<vmem_shared>> -> memref<640xf32, #tpu.memory_space<vmem_shared>>
      %dma_start3A_60 = tpu.memref_slice %arg8[%mul3A_2] : memref<10240xf32, #tpu.memory_space<vmem_shared>> -> memref<640xf32, #tpu.memory_space<vmem_shared>>
      tpu.enqueue_dma source(%dma_start3A_60 : memref<640xf32, #tpu.memory_space<vmem_shared>>) target(%arg7 : memref<640xf32, #tpu.memory_space<vmem>>) target_semaphore(%run_scoped3A : memref<!tpu.dma_semaphore, #tpu.memory_space<semaphore_mem>>)
      %dma_wait3A = tpu.memref_slice %arg8[%mul3A_2] : memref<10240xf32, #tpu.memory_space<vmem_shared>> -> memref<640xf32, #tpu.memory_space<vmem_shared>>
      %dma_wait3A_61 = tpu.memref_slice %arg8[%mul3A_2] : memref<10240xf32, #tpu.memory_space<vmem_shared>> -> memref<640xf32, #tpu.memory_space<vmem_shared>>
      tpu.wait_dma2 semaphore(%run_scoped3A : memref<!tpu.dma_semaphore, #tpu.memory_space<semaphore_mem>>) src(%dma_wait3A_61 : memref<640xf32, #tpu.memory_space<vmem_shared>>) dst(%arg7 : memref<640xf32, #tpu.memory_space<vmem>>)
      tpu.yield
    }) : () -> ()
    %mul3A_55 = arith.constant 10240 : i32
    %mul3A_56 = arith.muli %arg0, %mul3A_55 : i32
    %mul3A_57 = arith.constant 640 : i32
    %mul3A_58 = arith.muli %arg1, %mul3A_57 : i32
    %add3A_59 = arith.addi %mul3A_56, %mul3A_58 : i32
    "tpu.region"() ({
      %run_scoped3A = tpu.sem_alloc : memref<!tpu.dma_semaphore, #tpu.memory_space<semaphore_mem>>
      %dma_start3A = tpu.memref_slice %arg4[%add3A_59] : memref<20480xf32, #tpu.memory_space<hbm>> -> memref<640xf32, #tpu.memory_space<hbm>>
      %dma_start3A_60 = tpu.memref_slice %arg4[%add3A_59] : memref<20480xf32, #tpu.memory_space<hbm>> -> memref<640xf32, #tpu.memory_space<hbm>>
      tpu.enqueue_dma source(%arg7 : memref<640xf32, #tpu.memory_space<vmem>>) target(%dma_start3A_60 : memref<640xf32, #tpu.memory_space<hbm>>) target_semaphore(%run_scoped3A : memref<!tpu.dma_semaphore, #tpu.memory_space<semaphore_mem>>)
      %dma_wait3A = tpu.memref_slice %arg4[%add3A_59] : memref<20480xf32, #tpu.memory_space<hbm>> -> memref<640xf32, #tpu.memory_space<hbm>>
      %dma_wait3A_61 = tpu.memref_slice %arg4[%add3A_59] : memref<20480xf32, #tpu.memory_space<hbm>> -> memref<640xf32, #tpu.memory_space<hbm>>
      tpu.wait_dma2 semaphore(%run_scoped3A : memref<!tpu.dma_semaphore, #tpu.memory_space<semaphore_mem>>) src(%arg7 : memref<640xf32, #tpu.memory_space<vmem>>) dst(%dma_wait3A_61 : memref<640xf32, #tpu.memory_space<hbm>>)
      tpu.yield
    }) : () -> ()
    return
  }
}

#map = affine_map<(d0, d1) -> (0, 0)>
#map1 = affine_map<(d0, d1) -> (0, 0, 0)>
module attributes {stable_mosaic.version = 14 : i64} {
  func.func @body(%arg0: i32, %arg1: i32, %arg2: memref<2560x128xi32, #tpu.memory_space<hbm>>, %arg3: memref<2560x128xi32, #tpu.memory_space<hbm>>, %arg4: memref<10240x8xf32, #tpu.memory_space<hbm>>, %arg5: memref<10240x8xf32, #tpu.memory_space<hbm>>, %arg6: memref<2x10240x8xf32, #tpu.memory_space<hbm>>, %arg7: memref<2x16x128xi32, #tpu.memory_space<vmem>>, %arg8: memref<2x16x128xi32, #tpu.memory_space<vmem>>, %arg9: memref<2x16x128x8xf32, #tpu.memory_space<vmem>>, %arg10: memref<10240x8xf32, #tpu.memory_space<vmem_shared>>, %arg11: memref<10240x8xf32, #tpu.memory_space<vmem_shared>>, %arg12: memref<!tpu.dma_semaphore, #tpu.memory_space<semaphore_mem>>, %arg13: memref<!tpu.dma_semaphore, #tpu.memory_space<semaphore_mem>>, %arg14: memref<!tpu.dma_semaphore, #tpu.memory_space<semaphore_mem>>, %arg15: memref<!tpu.dma_semaphore, #tpu.memory_space<semaphore_mem>>) attributes {dimension_semantics = [#tpu.dimension_semantics<core_parallel>, #tpu.dimension_semantics<subcore_parallel>], iteration_bounds = array<i64: 2, 16>, scalar_prefetch = 0 : i64, scratch_operands = 9 : i64, tpu.core_type = #tpu.core_type<sc_vector_subcore>, window_params = [{transform_indices = #map}, {transform_indices = #map}, {transform_indices = #map}, {transform_indices = #map}, {transform_indices = #map1}]} {
    %mul3A = arith.constant 2 : i32
    %mul3A_0 = arith.muli %arg1, %mul3A : i32
    %add3A = arith.addi %mul3A_0, %arg0 : i32
    %mul3A_1 = arith.constant 640 : i32
    %mul3A_2 = arith.muli %arg1, %mul3A_1 : i32
    %eq3A = arith.constant 0 : i32
    %eq3A_3 = arith.cmpi eq, %arg1, %eq3A : i32
    %convert_element_type3A = arith.extui %eq3A_3 : i1 to i32
    %cond3A = arith.constant 0 : i32
    %cond3A_4 = arith.cmpi ne, %convert_element_type3A, %cond3A : i32
    scf.if %cond3A_4 {
      "tpu.region"() ({
        %run_scoped3A = tpu.sem_alloc : memref<!tpu.dma_semaphore, #tpu.memory_space<semaphore_mem>>
        tpu.enqueue_dma source(%arg5 : memref<10240x8xf32, #tpu.memory_space<hbm>>) target(%arg11 : memref<10240x8xf32, #tpu.memory_space<vmem_shared>>) target_semaphore(%run_scoped3A : memref<!tpu.dma_semaphore, #tpu.memory_space<semaphore_mem>>)
        tpu.wait_dma2 semaphore(%run_scoped3A : memref<!tpu.dma_semaphore, #tpu.memory_space<semaphore_mem>>) src(%arg5 : memref<10240x8xf32, #tpu.memory_space<hbm>>) dst(%arg11 : memref<10240x8xf32, #tpu.memory_space<vmem_shared>>)
        tpu.yield
      }) : () -> ()
    } else {
    }
    "tpu.region"() ({
      %run_scoped3A = tpu.sem_alloc : memref<!tpu.dma_semaphore, #tpu.memory_space<semaphore_mem>>
      %dma_start3A = arith.constant 0 : i32
      %dma_start3A_16 = tpu.memref_slice %arg10[%mul3A_2, %dma_start3A] : memref<10240x8xf32, #tpu.memory_space<vmem_shared>> -> memref<640x8xf32, #tpu.memory_space<vmem_shared>>
      %dma_start3A_17 = arith.constant 0 : i32
      %dma_start3A_18 = tpu.memref_slice %arg4[%mul3A_2, %dma_start3A_17] : memref<10240x8xf32, #tpu.memory_space<hbm>> -> memref<640x8xf32, #tpu.memory_space<hbm>>
      tpu.enqueue_dma source(%dma_start3A_18 : memref<640x8xf32, #tpu.memory_space<hbm>>) target(%dma_start3A_16 : memref<640x8xf32, #tpu.memory_space<vmem_shared>>) target_semaphore(%run_scoped3A : memref<!tpu.dma_semaphore, #tpu.memory_space<semaphore_mem>>)
      %dma_wait3A = arith.constant 0 : i32
      %dma_wait3A_19 = tpu.memref_slice %arg10[%mul3A_2, %dma_wait3A] : memref<10240x8xf32, #tpu.memory_space<vmem_shared>> -> memref<640x8xf32, #tpu.memory_space<vmem_shared>>
      %dma_wait3A_20 = arith.constant 0 : i32
      %dma_wait3A_21 = tpu.memref_slice %arg4[%mul3A_2, %dma_wait3A_20] : memref<10240x8xf32, #tpu.memory_space<hbm>> -> memref<640x8xf32, #tpu.memory_space<hbm>>
      tpu.wait_dma2 semaphore(%run_scoped3A : memref<!tpu.dma_semaphore, #tpu.memory_space<semaphore_mem>>) src(%dma_wait3A_21 : memref<640x8xf32, #tpu.memory_space<hbm>>) dst(%dma_wait3A_19 : memref<640x8xf32, #tpu.memory_space<vmem_shared>>)
      tpu.yield
    }) : () -> ()
    %barrier3A = arith.constant 0 : index
    tpu.barrier barrier_id(%barrier3A)
    %scan3A = arith.constant 0 : i32
    %scan3A_5 = arith.constant 0 : i32
    %scan3A_6 = arith.constant 5 : i32
    %scan3A_7 = arith.addi %scan3A_5, %scan3A_6 : i32
    %scan3A_8 = arith.constant 1 : i32
    scf.for %scan3A_16 = %scan3A_5 to %scan3A_7 step %scan3A_8  : i32 {
      %mul3A_17 = arith.constant 80 : i32
      %mul3A_18 = arith.muli %add3A, %mul3A_17 : i32
      %mul3A_19 = arith.constant 16 : i32
      %mul3A_20 = arith.muli %scan3A_16, %mul3A_19 : i32
      %add3A_21 = arith.addi %mul3A_18, %mul3A_20 : i32
      %run_scoped3A = arith.constant 0 : i32
      "tpu.region"() ({
        %run_scoped3A_917 = tpu.sem_alloc : memref<!tpu.dma_semaphore, #tpu.memory_space<semaphore_mem>>
        %dma_start3A_918 = arith.constant 0 : i32
        %dma_start3A_919 = arith.constant 0 : i32
        %dma_start3A_920 = tpu.memref_slice %arg7[%run_scoped3A, %dma_start3A_918, %dma_start3A_919] : memref<2x16x128xi32, #tpu.memory_space<vmem>> -> memref<1x16x128xi32, #tpu.memory_space<vmem>>
        %dma_start3A_921 = tpu.memref_squeeze %dma_start3A_920 : memref<1x16x128xi32, #tpu.memory_space<vmem>> -> memref<16x128xi32, #tpu.memory_space<vmem>>
        %dma_start3A_922 = arith.constant 0 : i32
        %dma_start3A_923 = tpu.memref_slice %arg2[%add3A_21, %dma_start3A_922] : memref<2560x128xi32, #tpu.memory_space<hbm>> -> memref<16x128xi32, #tpu.memory_space<hbm>>
        %dma_start3A_924 = arith.constant 0 : i32
        %dma_start3A_925 = arith.constant 0 : i32
        %dma_start3A_926 = tpu.memref_slice %arg7[%run_scoped3A, %dma_start3A_924, %dma_start3A_925] : memref<2x16x128xi32, #tpu.memory_space<vmem>> -> memref<1x16x128xi32, #tpu.memory_space<vmem>>
        %dma_start3A_927 = tpu.memref_squeeze %dma_start3A_926 : memref<1x16x128xi32, #tpu.memory_space<vmem>> -> memref<16x128xi32, #tpu.memory_space<vmem>>
        %dma_start3A_928 = arith.constant 0 : i32
        %dma_start3A_929 = tpu.memref_slice %arg2[%add3A_21, %dma_start3A_928] : memref<2560x128xi32, #tpu.memory_space<hbm>> -> memref<16x128xi32, #tpu.memory_space<hbm>>
        tpu.enqueue_dma source(%dma_start3A_929 : memref<16x128xi32, #tpu.memory_space<hbm>>) target(%dma_start3A_927 : memref<16x128xi32, #tpu.memory_space<vmem>>) target_semaphore(%run_scoped3A_917 : memref<!tpu.dma_semaphore, #tpu.memory_space<semaphore_mem>>)
        %dma_wait3A_930 = arith.constant 0 : i32
        %dma_wait3A_931 = arith.constant 0 : i32
        %dma_wait3A_932 = tpu.memref_slice %arg7[%run_scoped3A, %dma_wait3A_930, %dma_wait3A_931] : memref<2x16x128xi32, #tpu.memory_space<vmem>> -> memref<1x16x128xi32, #tpu.memory_space<vmem>>
        %dma_wait3A_933 = tpu.memref_squeeze %dma_wait3A_932 : memref<1x16x128xi32, #tpu.memory_space<vmem>> -> memref<16x128xi32, #tpu.memory_space<vmem>>
        %dma_wait3A_934 = arith.constant 0 : i32
        %dma_wait3A_935 = tpu.memref_slice %arg2[%add3A_21, %dma_wait3A_934] : memref<2560x128xi32, #tpu.memory_space<hbm>> -> memref<16x128xi32, #tpu.memory_space<hbm>>
        %dma_wait3A_936 = arith.constant 0 : i32
        %dma_wait3A_937 = arith.constant 0 : i32
        %dma_wait3A_938 = tpu.memref_slice %arg7[%run_scoped3A, %dma_wait3A_936, %dma_wait3A_937] : memref<2x16x128xi32, #tpu.memory_space<vmem>> -> memref<1x16x128xi32, #tpu.memory_space<vmem>>
        %dma_wait3A_939 = tpu.memref_squeeze %dma_wait3A_938 : memref<1x16x128xi32, #tpu.memory_space<vmem>> -> memref<16x128xi32, #tpu.memory_space<vmem>>
        %dma_wait3A_940 = arith.constant 0 : i32
        %dma_wait3A_941 = tpu.memref_slice %arg2[%add3A_21, %dma_wait3A_940] : memref<2560x128xi32, #tpu.memory_space<hbm>> -> memref<16x128xi32, #tpu.memory_space<hbm>>
        tpu.wait_dma2 semaphore(%run_scoped3A_917 : memref<!tpu.dma_semaphore, #tpu.memory_space<semaphore_mem>>) src(%dma_wait3A_941 : memref<16x128xi32, #tpu.memory_space<hbm>>) dst(%dma_wait3A_939 : memref<16x128xi32, #tpu.memory_space<vmem>>)
        tpu.yield
      }) : () -> ()
      %run_scoped3A_22 = arith.constant 0 : i32
      "tpu.region"() ({
        %run_scoped3A_917 = tpu.sem_alloc : memref<!tpu.dma_semaphore, #tpu.memory_space<semaphore_mem>>
        %dma_start3A_918 = arith.constant 0 : i32
        %dma_start3A_919 = arith.constant 0 : i32
        %dma_start3A_920 = tpu.memref_slice %arg8[%run_scoped3A_22, %dma_start3A_918, %dma_start3A_919] : memref<2x16x128xi32, #tpu.memory_space<vmem>> -> memref<1x16x128xi32, #tpu.memory_space<vmem>>
        %dma_start3A_921 = tpu.memref_squeeze %dma_start3A_920 : memref<1x16x128xi32, #tpu.memory_space<vmem>> -> memref<16x128xi32, #tpu.memory_space<vmem>>
        %dma_start3A_922 = arith.constant 0 : i32
        %dma_start3A_923 = tpu.memref_slice %arg3[%add3A_21, %dma_start3A_922] : memref<2560x128xi32, #tpu.memory_space<hbm>> -> memref<16x128xi32, #tpu.memory_space<hbm>>
        %dma_start3A_924 = arith.constant 0 : i32
        %dma_start3A_925 = arith.constant 0 : i32
        %dma_start3A_926 = tpu.memref_slice %arg8[%run_scoped3A_22, %dma_start3A_924, %dma_start3A_925] : memref<2x16x128xi32, #tpu.memory_space<vmem>> -> memref<1x16x128xi32, #tpu.memory_space<vmem>>
        %dma_start3A_927 = tpu.memref_squeeze %dma_start3A_926 : memref<1x16x128xi32, #tpu.memory_space<vmem>> -> memref<16x128xi32, #tpu.memory_space<vmem>>
        %dma_start3A_928 = arith.constant 0 : i32
        %dma_start3A_929 = tpu.memref_slice %arg3[%add3A_21, %dma_start3A_928] : memref<2560x128xi32, #tpu.memory_space<hbm>> -> memref<16x128xi32, #tpu.memory_space<hbm>>
        tpu.enqueue_dma source(%dma_start3A_929 : memref<16x128xi32, #tpu.memory_space<hbm>>) target(%dma_start3A_927 : memref<16x128xi32, #tpu.memory_space<vmem>>) target_semaphore(%run_scoped3A_917 : memref<!tpu.dma_semaphore, #tpu.memory_space<semaphore_mem>>)
        %dma_wait3A_930 = arith.constant 0 : i32
        %dma_wait3A_931 = arith.constant 0 : i32
        %dma_wait3A_932 = tpu.memref_slice %arg8[%run_scoped3A_22, %dma_wait3A_930, %dma_wait3A_931] : memref<2x16x128xi32, #tpu.memory_space<vmem>> -> memref<1x16x128xi32, #tpu.memory_space<vmem>>
        %dma_wait3A_933 = tpu.memref_squeeze %dma_wait3A_932 : memref<1x16x128xi32, #tpu.memory_space<vmem>> -> memref<16x128xi32, #tpu.memory_space<vmem>>
        %dma_wait3A_934 = arith.constant 0 : i32
        %dma_wait3A_935 = tpu.memref_slice %arg3[%add3A_21, %dma_wait3A_934] : memref<2560x128xi32, #tpu.memory_space<hbm>> -> memref<16x128xi32, #tpu.memory_space<hbm>>
        %dma_wait3A_936 = arith.constant 0 : i32
        %dma_wait3A_937 = arith.constant 0 : i32
        %dma_wait3A_938 = tpu.memref_slice %arg8[%run_scoped3A_22, %dma_wait3A_936, %dma_wait3A_937] : memref<2x16x128xi32, #tpu.memory_space<vmem>> -> memref<1x16x128xi32, #tpu.memory_space<vmem>>
        %dma_wait3A_939 = tpu.memref_squeeze %dma_wait3A_938 : memref<1x16x128xi32, #tpu.memory_space<vmem>> -> memref<16x128xi32, #tpu.memory_space<vmem>>
        %dma_wait3A_940 = arith.constant 0 : i32
        %dma_wait3A_941 = tpu.memref_slice %arg3[%add3A_21, %dma_wait3A_940] : memref<2560x128xi32, #tpu.memory_space<hbm>> -> memref<16x128xi32, #tpu.memory_space<hbm>>
        tpu.wait_dma2 semaphore(%run_scoped3A_917 : memref<!tpu.dma_semaphore, #tpu.memory_space<semaphore_mem>>) src(%dma_wait3A_941 : memref<16x128xi32, #tpu.memory_space<hbm>>) dst(%dma_wait3A_939 : memref<16x128xi32, #tpu.memory_space<vmem>>)
        tpu.yield
      }) : () -> ()
      %dma_start3A = arith.constant 0 : i32
      %dma_start3A_23 = arith.constant 0 : i32
      %dma_start3A_24 = arith.constant 0 : i32
      %dma_start3A_25 = arith.constant 0 : i32
      %dma_start3A_26 = arith.constant 0 : i32
      %dma_start3A_27 = arith.constant 0 : i32
      %dma_start3A_28 = tpu.memref_slice %arg9[%dma_start3A_24, %dma_start3A_25, %dma_start3A_26, %dma_start3A_27] : memref<2x16x128x8xf32, #tpu.memory_space<vmem>> -> memref<1x1x128x8xf32, #tpu.memory_space<vmem>>
      %dma_start3A_29 = tpu.memref_squeeze %dma_start3A_28 : memref<1x1x128x8xf32, #tpu.memory_space<vmem>> -> memref<128x8xf32, #tpu.memory_space<vmem>>
      %dma_start3A_30 = arith.constant 0 : i32
      %dma_start3A_31 = tpu.memref_slice %arg7[%dma_start3A, %dma_start3A_23, %dma_start3A_30] : memref<2x16x128xi32, #tpu.memory_space<vmem>> -> memref<1x1x128xi32, #tpu.memory_space<vmem>>
      %dma_start3A_32 = tpu.memref_squeeze %dma_start3A_31 : memref<1x1x128xi32, #tpu.memory_space<vmem>> -> memref<128xi32, #tpu.memory_space<vmem>>
      %dma_start3A_33 = arith.constant 0 : i32
      %dma_start3A_34 = arith.constant 0 : i32
      %dma_start3A_35 = tpu.memref_slice %arg10[%dma_start3A_33, %dma_start3A_34] : memref<10240x8xf32, #tpu.memory_space<vmem_shared>> -> memref<10240x8xf32, #tpu.memory_space<vmem_shared>>
      tpu.enqueue_indirect_dma source(%dma_start3A_35 : memref<10240x8xf32, #tpu.memory_space<vmem_shared>>) target(%dma_start3A_29 : memref<128x8xf32, #tpu.memory_space<vmem>>) offsets(%dma_start3A_32 : memref<128xi32, #tpu.memory_space<vmem>>) semaphore(%arg12 : memref<!tpu.dma_semaphore, #tpu.memory_space<semaphore_mem>>)
      %dma_start3A_36 = arith.constant 0 : i32
      %dma_start3A_37 = arith.constant 1 : i32
      %dma_start3A_38 = arith.constant 0 : i32
      %dma_start3A_39 = arith.constant 1 : i32
      %dma_start3A_40 = arith.constant 0 : i32
      %dma_start3A_41 = arith.constant 0 : i32
      %dma_start3A_42 = tpu.memref_slice %arg9[%dma_start3A_38, %dma_start3A_39, %dma_start3A_40, %dma_start3A_41] : memref<2x16x128x8xf32, #tpu.memory_space<vmem>> -> memref<1x1x128x8xf32, #tpu.memory_space<vmem>>
      %dma_start3A_43 = tpu.memref_squeeze %dma_start3A_42 : memref<1x1x128x8xf32, #tpu.memory_space<vmem>> -> memref<128x8xf32, #tpu.memory_space<vmem>>
      %dma_start3A_44 = arith.constant 0 : i32
      %dma_start3A_45 = tpu.memref_slice %arg7[%dma_start3A_36, %dma_start3A_37, %dma_start3A_44] : memref<2x16x128xi32, #tpu.memory_space<vmem>> -> memref<1x1x128xi32, #tpu.memory_space<vmem>>
      %dma_start3A_46 = tpu.memref_squeeze %dma_start3A_45 : memref<1x1x128xi32, #tpu.memory_space<vmem>> -> memref<128xi32, #tpu.memory_space<vmem>>
      %dma_start3A_47 = arith.constant 0 : i32
      %dma_start3A_48 = arith.constant 0 : i32
      %dma_start3A_49 = tpu.memref_slice %arg10[%dma_start3A_47, %dma_start3A_48] : memref<10240x8xf32, #tpu.memory_space<vmem_shared>> -> memref<10240x8xf32, #tpu.memory_space<vmem_shared>>
      tpu.enqueue_indirect_dma source(%dma_start3A_49 : memref<10240x8xf32, #tpu.memory_space<vmem_shared>>) target(%dma_start3A_43 : memref<128x8xf32, #tpu.memory_space<vmem>>) offsets(%dma_start3A_46 : memref<128xi32, #tpu.memory_space<vmem>>) semaphore(%arg12 : memref<!tpu.dma_semaphore, #tpu.memory_space<semaphore_mem>>)
      %dma_start3A_50 = arith.constant 0 : i32
      %dma_start3A_51 = arith.constant 2 : i32
      %dma_start3A_52 = arith.constant 0 : i32
      %dma_start3A_53 = arith.constant 2 : i32
      %dma_start3A_54 = arith.constant 0 : i32
      %dma_start3A_55 = arith.constant 0 : i32
      %dma_start3A_56 = tpu.memref_slice %arg9[%dma_start3A_52, %dma_start3A_53, %dma_start3A_54, %dma_start3A_55] : memref<2x16x128x8xf32, #tpu.memory_space<vmem>> -> memref<1x1x128x8xf32, #tpu.memory_space<vmem>>
      %dma_start3A_57 = tpu.memref_squeeze %dma_start3A_56 : memref<1x1x128x8xf32, #tpu.memory_space<vmem>> -> memref<128x8xf32, #tpu.memory_space<vmem>>
      %dma_start3A_58 = arith.constant 0 : i32
      %dma_start3A_59 = tpu.memref_slice %arg7[%dma_start3A_50, %dma_start3A_51, %dma_start3A_58] : memref<2x16x128xi32, #tpu.memory_space<vmem>> -> memref<1x1x128xi32, #tpu.memory_space<vmem>>
      %dma_start3A_60 = tpu.memref_squeeze %dma_start3A_59 : memref<1x1x128xi32, #tpu.memory_space<vmem>> -> memref<128xi32, #tpu.memory_space<vmem>>
      %dma_start3A_61 = arith.constant 0 : i32
      %dma_start3A_62 = arith.constant 0 : i32
      %dma_start3A_63 = tpu.memref_slice %arg10[%dma_start3A_61, %dma_start3A_62] : memref<10240x8xf32, #tpu.memory_space<vmem_shared>> -> memref<10240x8xf32, #tpu.memory_space<vmem_shared>>
      tpu.enqueue_indirect_dma source(%dma_start3A_63 : memref<10240x8xf32, #tpu.memory_space<vmem_shared>>) target(%dma_start3A_57 : memref<128x8xf32, #tpu.memory_space<vmem>>) offsets(%dma_start3A_60 : memref<128xi32, #tpu.memory_space<vmem>>) semaphore(%arg12 : memref<!tpu.dma_semaphore, #tpu.memory_space<semaphore_mem>>)
      %dma_start3A_64 = arith.constant 0 : i32
      %dma_start3A_65 = arith.constant 3 : i32
      %dma_start3A_66 = arith.constant 0 : i32
      %dma_start3A_67 = arith.constant 3 : i32
      %dma_start3A_68 = arith.constant 0 : i32
      %dma_start3A_69 = arith.constant 0 : i32
      %dma_start3A_70 = tpu.memref_slice %arg9[%dma_start3A_66, %dma_start3A_67, %dma_start3A_68, %dma_start3A_69] : memref<2x16x128x8xf32, #tpu.memory_space<vmem>> -> memref<1x1x128x8xf32, #tpu.memory_space<vmem>>
      %dma_start3A_71 = tpu.memref_squeeze %dma_start3A_70 : memref<1x1x128x8xf32, #tpu.memory_space<vmem>> -> memref<128x8xf32, #tpu.memory_space<vmem>>
      %dma_start3A_72 = arith.constant 0 : i32
      %dma_start3A_73 = tpu.memref_slice %arg7[%dma_start3A_64, %dma_start3A_65, %dma_start3A_72] : memref<2x16x128xi32, #tpu.memory_space<vmem>> -> memref<1x1x128xi32, #tpu.memory_space<vmem>>
      %dma_start3A_74 = tpu.memref_squeeze %dma_start3A_73 : memref<1x1x128xi32, #tpu.memory_space<vmem>> -> memref<128xi32, #tpu.memory_space<vmem>>
      %dma_start3A_75 = arith.constant 0 : i32
      %dma_start3A_76 = arith.constant 0 : i32
      %dma_start3A_77 = tpu.memref_slice %arg10[%dma_start3A_75, %dma_start3A_76] : memref<10240x8xf32, #tpu.memory_space<vmem_shared>> -> memref<10240x8xf32, #tpu.memory_space<vmem_shared>>
      tpu.enqueue_indirect_dma source(%dma_start3A_77 : memref<10240x8xf32, #tpu.memory_space<vmem_shared>>) target(%dma_start3A_71 : memref<128x8xf32, #tpu.memory_space<vmem>>) offsets(%dma_start3A_74 : memref<128xi32, #tpu.memory_space<vmem>>) semaphore(%arg12 : memref<!tpu.dma_semaphore, #tpu.memory_space<semaphore_mem>>)
      %dma_start3A_78 = arith.constant 0 : i32
      %dma_start3A_79 = arith.constant 4 : i32
      %dma_start3A_80 = arith.constant 0 : i32
      %dma_start3A_81 = arith.constant 4 : i32
      %dma_start3A_82 = arith.constant 0 : i32
      %dma_start3A_83 = arith.constant 0 : i32
      %dma_start3A_84 = tpu.memref_slice %arg9[%dma_start3A_80, %dma_start3A_81, %dma_start3A_82, %dma_start3A_83] : memref<2x16x128x8xf32, #tpu.memory_space<vmem>> -> memref<1x1x128x8xf32, #tpu.memory_space<vmem>>
      %dma_start3A_85 = tpu.memref_squeeze %dma_start3A_84 : memref<1x1x128x8xf32, #tpu.memory_space<vmem>> -> memref<128x8xf32, #tpu.memory_space<vmem>>
      %dma_start3A_86 = arith.constant 0 : i32
      %dma_start3A_87 = tpu.memref_slice %arg7[%dma_start3A_78, %dma_start3A_79, %dma_start3A_86] : memref<2x16x128xi32, #tpu.memory_space<vmem>> -> memref<1x1x128xi32, #tpu.memory_space<vmem>>
      %dma_start3A_88 = tpu.memref_squeeze %dma_start3A_87 : memref<1x1x128xi32, #tpu.memory_space<vmem>> -> memref<128xi32, #tpu.memory_space<vmem>>
      %dma_start3A_89 = arith.constant 0 : i32
      %dma_start3A_90 = arith.constant 0 : i32
      %dma_start3A_91 = tpu.memref_slice %arg10[%dma_start3A_89, %dma_start3A_90] : memref<10240x8xf32, #tpu.memory_space<vmem_shared>> -> memref<10240x8xf32, #tpu.memory_space<vmem_shared>>
      tpu.enqueue_indirect_dma source(%dma_start3A_91 : memref<10240x8xf32, #tpu.memory_space<vmem_shared>>) target(%dma_start3A_85 : memref<128x8xf32, #tpu.memory_space<vmem>>) offsets(%dma_start3A_88 : memref<128xi32, #tpu.memory_space<vmem>>) semaphore(%arg12 : memref<!tpu.dma_semaphore, #tpu.memory_space<semaphore_mem>>)
      %dma_start3A_92 = arith.constant 0 : i32
      %dma_start3A_93 = arith.constant 5 : i32
      %dma_start3A_94 = arith.constant 0 : i32
      %dma_start3A_95 = arith.constant 5 : i32
      %dma_start3A_96 = arith.constant 0 : i32
      %dma_start3A_97 = arith.constant 0 : i32
      %dma_start3A_98 = tpu.memref_slice %arg9[%dma_start3A_94, %dma_start3A_95, %dma_start3A_96, %dma_start3A_97] : memref<2x16x128x8xf32, #tpu.memory_space<vmem>> -> memref<1x1x128x8xf32, #tpu.memory_space<vmem>>
      %dma_start3A_99 = tpu.memref_squeeze %dma_start3A_98 : memref<1x1x128x8xf32, #tpu.memory_space<vmem>> -> memref<128x8xf32, #tpu.memory_space<vmem>>
      %dma_start3A_100 = arith.constant 0 : i32
      %dma_start3A_101 = tpu.memref_slice %arg7[%dma_start3A_92, %dma_start3A_93, %dma_start3A_100] : memref<2x16x128xi32, #tpu.memory_space<vmem>> -> memref<1x1x128xi32, #tpu.memory_space<vmem>>
      %dma_start3A_102 = tpu.memref_squeeze %dma_start3A_101 : memref<1x1x128xi32, #tpu.memory_space<vmem>> -> memref<128xi32, #tpu.memory_space<vmem>>
      %dma_start3A_103 = arith.constant 0 : i32
      %dma_start3A_104 = arith.constant 0 : i32
      %dma_start3A_105 = tpu.memref_slice %arg10[%dma_start3A_103, %dma_start3A_104] : memref<10240x8xf32, #tpu.memory_space<vmem_shared>> -> memref<10240x8xf32, #tpu.memory_space<vmem_shared>>
      tpu.enqueue_indirect_dma source(%dma_start3A_105 : memref<10240x8xf32, #tpu.memory_space<vmem_shared>>) target(%dma_start3A_99 : memref<128x8xf32, #tpu.memory_space<vmem>>) offsets(%dma_start3A_102 : memref<128xi32, #tpu.memory_space<vmem>>) semaphore(%arg12 : memref<!tpu.dma_semaphore, #tpu.memory_space<semaphore_mem>>)
      %dma_start3A_106 = arith.constant 0 : i32
      %dma_start3A_107 = arith.constant 6 : i32
      %dma_start3A_108 = arith.constant 0 : i32
      %dma_start3A_109 = arith.constant 6 : i32
      %dma_start3A_110 = arith.constant 0 : i32
      %dma_start3A_111 = arith.constant 0 : i32
      %dma_start3A_112 = tpu.memref_slice %arg9[%dma_start3A_108, %dma_start3A_109, %dma_start3A_110, %dma_start3A_111] : memref<2x16x128x8xf32, #tpu.memory_space<vmem>> -> memref<1x1x128x8xf32, #tpu.memory_space<vmem>>
      %dma_start3A_113 = tpu.memref_squeeze %dma_start3A_112 : memref<1x1x128x8xf32, #tpu.memory_space<vmem>> -> memref<128x8xf32, #tpu.memory_space<vmem>>
      %dma_start3A_114 = arith.constant 0 : i32
      %dma_start3A_115 = tpu.memref_slice %arg7[%dma_start3A_106, %dma_start3A_107, %dma_start3A_114] : memref<2x16x128xi32, #tpu.memory_space<vmem>> -> memref<1x1x128xi32, #tpu.memory_space<vmem>>
      %dma_start3A_116 = tpu.memref_squeeze %dma_start3A_115 : memref<1x1x128xi32, #tpu.memory_space<vmem>> -> memref<128xi32, #tpu.memory_space<vmem>>
      %dma_start3A_117 = arith.constant 0 : i32
      %dma_start3A_118 = arith.constant 0 : i32
      %dma_start3A_119 = tpu.memref_slice %arg10[%dma_start3A_117, %dma_start3A_118] : memref<10240x8xf32, #tpu.memory_space<vmem_shared>> -> memref<10240x8xf32, #tpu.memory_space<vmem_shared>>
      tpu.enqueue_indirect_dma source(%dma_start3A_119 : memref<10240x8xf32, #tpu.memory_space<vmem_shared>>) target(%dma_start3A_113 : memref<128x8xf32, #tpu.memory_space<vmem>>) offsets(%dma_start3A_116 : memref<128xi32, #tpu.memory_space<vmem>>) semaphore(%arg12 : memref<!tpu.dma_semaphore, #tpu.memory_space<semaphore_mem>>)
      %dma_start3A_120 = arith.constant 0 : i32
      %dma_start3A_121 = arith.constant 7 : i32
      %dma_start3A_122 = arith.constant 0 : i32
      %dma_start3A_123 = arith.constant 7 : i32
      %dma_start3A_124 = arith.constant 0 : i32
      %dma_start3A_125 = arith.constant 0 : i32
      %dma_start3A_126 = tpu.memref_slice %arg9[%dma_start3A_122, %dma_start3A_123, %dma_start3A_124, %dma_start3A_125] : memref<2x16x128x8xf32, #tpu.memory_space<vmem>> -> memref<1x1x128x8xf32, #tpu.memory_space<vmem>>
      %dma_start3A_127 = tpu.memref_squeeze %dma_start3A_126 : memref<1x1x128x8xf32, #tpu.memory_space<vmem>> -> memref<128x8xf32, #tpu.memory_space<vmem>>
      %dma_start3A_128 = arith.constant 0 : i32
      %dma_start3A_129 = tpu.memref_slice %arg7[%dma_start3A_120, %dma_start3A_121, %dma_start3A_128] : memref<2x16x128xi32, #tpu.memory_space<vmem>> -> memref<1x1x128xi32, #tpu.memory_space<vmem>>
      %dma_start3A_130 = tpu.memref_squeeze %dma_start3A_129 : memref<1x1x128xi32, #tpu.memory_space<vmem>> -> memref<128xi32, #tpu.memory_space<vmem>>
      %dma_start3A_131 = arith.constant 0 : i32
      %dma_start3A_132 = arith.constant 0 : i32
      %dma_start3A_133 = tpu.memref_slice %arg10[%dma_start3A_131, %dma_start3A_132] : memref<10240x8xf32, #tpu.memory_space<vmem_shared>> -> memref<10240x8xf32, #tpu.memory_space<vmem_shared>>
      tpu.enqueue_indirect_dma source(%dma_start3A_133 : memref<10240x8xf32, #tpu.memory_space<vmem_shared>>) target(%dma_start3A_127 : memref<128x8xf32, #tpu.memory_space<vmem>>) offsets(%dma_start3A_130 : memref<128xi32, #tpu.memory_space<vmem>>) semaphore(%arg12 : memref<!tpu.dma_semaphore, #tpu.memory_space<semaphore_mem>>)
      %dma_start3A_134 = arith.constant 0 : i32
      %dma_start3A_135 = arith.constant 8 : i32
      %dma_start3A_136 = arith.constant 0 : i32
      %dma_start3A_137 = arith.constant 8 : i32
      %dma_start3A_138 = arith.constant 0 : i32
      %dma_start3A_139 = arith.constant 0 : i32
      %dma_start3A_140 = tpu.memref_slice %arg9[%dma_start3A_136, %dma_start3A_137, %dma_start3A_138, %dma_start3A_139] : memref<2x16x128x8xf32, #tpu.memory_space<vmem>> -> memref<1x1x128x8xf32, #tpu.memory_space<vmem>>
      %dma_start3A_141 = tpu.memref_squeeze %dma_start3A_140 : memref<1x1x128x8xf32, #tpu.memory_space<vmem>> -> memref<128x8xf32, #tpu.memory_space<vmem>>
      %dma_start3A_142 = arith.constant 0 : i32
      %dma_start3A_143 = tpu.memref_slice %arg7[%dma_start3A_134, %dma_start3A_135, %dma_start3A_142] : memref<2x16x128xi32, #tpu.memory_space<vmem>> -> memref<1x1x128xi32, #tpu.memory_space<vmem>>
      %dma_start3A_144 = tpu.memref_squeeze %dma_start3A_143 : memref<1x1x128xi32, #tpu.memory_space<vmem>> -> memref<128xi32, #tpu.memory_space<vmem>>
      %dma_start3A_145 = arith.constant 0 : i32
      %dma_start3A_146 = arith.constant 0 : i32
      %dma_start3A_147 = tpu.memref_slice %arg10[%dma_start3A_145, %dma_start3A_146] : memref<10240x8xf32, #tpu.memory_space<vmem_shared>> -> memref<10240x8xf32, #tpu.memory_space<vmem_shared>>
      tpu.enqueue_indirect_dma source(%dma_start3A_147 : memref<10240x8xf32, #tpu.memory_space<vmem_shared>>) target(%dma_start3A_141 : memref<128x8xf32, #tpu.memory_space<vmem>>) offsets(%dma_start3A_144 : memref<128xi32, #tpu.memory_space<vmem>>) semaphore(%arg12 : memref<!tpu.dma_semaphore, #tpu.memory_space<semaphore_mem>>)
      %dma_start3A_148 = arith.constant 0 : i32
      %dma_start3A_149 = arith.constant 9 : i32
      %dma_start3A_150 = arith.constant 0 : i32
      %dma_start3A_151 = arith.constant 9 : i32
      %dma_start3A_152 = arith.constant 0 : i32
      %dma_start3A_153 = arith.constant 0 : i32
      %dma_start3A_154 = tpu.memref_slice %arg9[%dma_start3A_150, %dma_start3A_151, %dma_start3A_152, %dma_start3A_153] : memref<2x16x128x8xf32, #tpu.memory_space<vmem>> -> memref<1x1x128x8xf32, #tpu.memory_space<vmem>>
      %dma_start3A_155 = tpu.memref_squeeze %dma_start3A_154 : memref<1x1x128x8xf32, #tpu.memory_space<vmem>> -> memref<128x8xf32, #tpu.memory_space<vmem>>
      %dma_start3A_156 = arith.constant 0 : i32
      %dma_start3A_157 = tpu.memref_slice %arg7[%dma_start3A_148, %dma_start3A_149, %dma_start3A_156] : memref<2x16x128xi32, #tpu.memory_space<vmem>> -> memref<1x1x128xi32, #tpu.memory_space<vmem>>
      %dma_start3A_158 = tpu.memref_squeeze %dma_start3A_157 : memref<1x1x128xi32, #tpu.memory_space<vmem>> -> memref<128xi32, #tpu.memory_space<vmem>>
      %dma_start3A_159 = arith.constant 0 : i32
      %dma_start3A_160 = arith.constant 0 : i32
      %dma_start3A_161 = tpu.memref_slice %arg10[%dma_start3A_159, %dma_start3A_160] : memref<10240x8xf32, #tpu.memory_space<vmem_shared>> -> memref<10240x8xf32, #tpu.memory_space<vmem_shared>>
      tpu.enqueue_indirect_dma source(%dma_start3A_161 : memref<10240x8xf32, #tpu.memory_space<vmem_shared>>) target(%dma_start3A_155 : memref<128x8xf32, #tpu.memory_space<vmem>>) offsets(%dma_start3A_158 : memref<128xi32, #tpu.memory_space<vmem>>) semaphore(%arg12 : memref<!tpu.dma_semaphore, #tpu.memory_space<semaphore_mem>>)
      %dma_start3A_162 = arith.constant 0 : i32
      %dma_start3A_163 = arith.constant 10 : i32
      %dma_start3A_164 = arith.constant 0 : i32
      %dma_start3A_165 = arith.constant 10 : i32
      %dma_start3A_166 = arith.constant 0 : i32
      %dma_start3A_167 = arith.constant 0 : i32
      %dma_start3A_168 = tpu.memref_slice %arg9[%dma_start3A_164, %dma_start3A_165, %dma_start3A_166, %dma_start3A_167] : memref<2x16x128x8xf32, #tpu.memory_space<vmem>> -> memref<1x1x128x8xf32, #tpu.memory_space<vmem>>
      %dma_start3A_169 = tpu.memref_squeeze %dma_start3A_168 : memref<1x1x128x8xf32, #tpu.memory_space<vmem>> -> memref<128x8xf32, #tpu.memory_space<vmem>>
      %dma_start3A_170 = arith.constant 0 : i32
      %dma_start3A_171 = tpu.memref_slice %arg7[%dma_start3A_162, %dma_start3A_163, %dma_start3A_170] : memref<2x16x128xi32, #tpu.memory_space<vmem>> -> memref<1x1x128xi32, #tpu.memory_space<vmem>>
      %dma_start3A_172 = tpu.memref_squeeze %dma_start3A_171 : memref<1x1x128xi32, #tpu.memory_space<vmem>> -> memref<128xi32, #tpu.memory_space<vmem>>
      %dma_start3A_173 = arith.constant 0 : i32
      %dma_start3A_174 = arith.constant 0 : i32
      %dma_start3A_175 = tpu.memref_slice %arg10[%dma_start3A_173, %dma_start3A_174] : memref<10240x8xf32, #tpu.memory_space<vmem_shared>> -> memref<10240x8xf32, #tpu.memory_space<vmem_shared>>
      tpu.enqueue_indirect_dma source(%dma_start3A_175 : memref<10240x8xf32, #tpu.memory_space<vmem_shared>>) target(%dma_start3A_169 : memref<128x8xf32, #tpu.memory_space<vmem>>) offsets(%dma_start3A_172 : memref<128xi32, #tpu.memory_space<vmem>>) semaphore(%arg12 : memref<!tpu.dma_semaphore, #tpu.memory_space<semaphore_mem>>)
      %dma_start3A_176 = arith.constant 0 : i32
      %dma_start3A_177 = arith.constant 11 : i32
      %dma_start3A_178 = arith.constant 0 : i32
      %dma_start3A_179 = arith.constant 11 : i32
      %dma_start3A_180 = arith.constant 0 : i32
      %dma_start3A_181 = arith.constant 0 : i32
      %dma_start3A_182 = tpu.memref_slice %arg9[%dma_start3A_178, %dma_start3A_179, %dma_start3A_180, %dma_start3A_181] : memref<2x16x128x8xf32, #tpu.memory_space<vmem>> -> memref<1x1x128x8xf32, #tpu.memory_space<vmem>>
      %dma_start3A_183 = tpu.memref_squeeze %dma_start3A_182 : memref<1x1x128x8xf32, #tpu.memory_space<vmem>> -> memref<128x8xf32, #tpu.memory_space<vmem>>
      %dma_start3A_184 = arith.constant 0 : i32
      %dma_start3A_185 = tpu.memref_slice %arg7[%dma_start3A_176, %dma_start3A_177, %dma_start3A_184] : memref<2x16x128xi32, #tpu.memory_space<vmem>> -> memref<1x1x128xi32, #tpu.memory_space<vmem>>
      %dma_start3A_186 = tpu.memref_squeeze %dma_start3A_185 : memref<1x1x128xi32, #tpu.memory_space<vmem>> -> memref<128xi32, #tpu.memory_space<vmem>>
      %dma_start3A_187 = arith.constant 0 : i32
      %dma_start3A_188 = arith.constant 0 : i32
      %dma_start3A_189 = tpu.memref_slice %arg10[%dma_start3A_187, %dma_start3A_188] : memref<10240x8xf32, #tpu.memory_space<vmem_shared>> -> memref<10240x8xf32, #tpu.memory_space<vmem_shared>>
      tpu.enqueue_indirect_dma source(%dma_start3A_189 : memref<10240x8xf32, #tpu.memory_space<vmem_shared>>) target(%dma_start3A_183 : memref<128x8xf32, #tpu.memory_space<vmem>>) offsets(%dma_start3A_186 : memref<128xi32, #tpu.memory_space<vmem>>) semaphore(%arg12 : memref<!tpu.dma_semaphore, #tpu.memory_space<semaphore_mem>>)
      %dma_start3A_190 = arith.constant 0 : i32
      %dma_start3A_191 = arith.constant 12 : i32
      %dma_start3A_192 = arith.constant 0 : i32
      %dma_start3A_193 = arith.constant 12 : i32
      %dma_start3A_194 = arith.constant 0 : i32
      %dma_start3A_195 = arith.constant 0 : i32
      %dma_start3A_196 = tpu.memref_slice %arg9[%dma_start3A_192, %dma_start3A_193, %dma_start3A_194, %dma_start3A_195] : memref<2x16x128x8xf32, #tpu.memory_space<vmem>> -> memref<1x1x128x8xf32, #tpu.memory_space<vmem>>
      %dma_start3A_197 = tpu.memref_squeeze %dma_start3A_196 : memref<1x1x128x8xf32, #tpu.memory_space<vmem>> -> memref<128x8xf32, #tpu.memory_space<vmem>>
      %dma_start3A_198 = arith.constant 0 : i32
      %dma_start3A_199 = tpu.memref_slice %arg7[%dma_start3A_190, %dma_start3A_191, %dma_start3A_198] : memref<2x16x128xi32, #tpu.memory_space<vmem>> -> memref<1x1x128xi32, #tpu.memory_space<vmem>>
      %dma_start3A_200 = tpu.memref_squeeze %dma_start3A_199 : memref<1x1x128xi32, #tpu.memory_space<vmem>> -> memref<128xi32, #tpu.memory_space<vmem>>
      %dma_start3A_201 = arith.constant 0 : i32
      %dma_start3A_202 = arith.constant 0 : i32
      %dma_start3A_203 = tpu.memref_slice %arg10[%dma_start3A_201, %dma_start3A_202] : memref<10240x8xf32, #tpu.memory_space<vmem_shared>> -> memref<10240x8xf32, #tpu.memory_space<vmem_shared>>
      tpu.enqueue_indirect_dma source(%dma_start3A_203 : memref<10240x8xf32, #tpu.memory_space<vmem_shared>>) target(%dma_start3A_197 : memref<128x8xf32, #tpu.memory_space<vmem>>) offsets(%dma_start3A_200 : memref<128xi32, #tpu.memory_space<vmem>>) semaphore(%arg12 : memref<!tpu.dma_semaphore, #tpu.memory_space<semaphore_mem>>)
      %dma_start3A_204 = arith.constant 0 : i32
      %dma_start3A_205 = arith.constant 13 : i32
      %dma_start3A_206 = arith.constant 0 : i32
      %dma_start3A_207 = arith.constant 13 : i32
      %dma_start3A_208 = arith.constant 0 : i32
      %dma_start3A_209 = arith.constant 0 : i32
      %dma_start3A_210 = tpu.memref_slice %arg9[%dma_start3A_206, %dma_start3A_207, %dma_start3A_208, %dma_start3A_209] : memref<2x16x128x8xf32, #tpu.memory_space<vmem>> -> memref<1x1x128x8xf32, #tpu.memory_space<vmem>>
      %dma_start3A_211 = tpu.memref_squeeze %dma_start3A_210 : memref<1x1x128x8xf32, #tpu.memory_space<vmem>> -> memref<128x8xf32, #tpu.memory_space<vmem>>
      %dma_start3A_212 = arith.constant 0 : i32
      %dma_start3A_213 = tpu.memref_slice %arg7[%dma_start3A_204, %dma_start3A_205, %dma_start3A_212] : memref<2x16x128xi32, #tpu.memory_space<vmem>> -> memref<1x1x128xi32, #tpu.memory_space<vmem>>
      %dma_start3A_214 = tpu.memref_squeeze %dma_start3A_213 : memref<1x1x128xi32, #tpu.memory_space<vmem>> -> memref<128xi32, #tpu.memory_space<vmem>>
      %dma_start3A_215 = arith.constant 0 : i32
      %dma_start3A_216 = arith.constant 0 : i32
      %dma_start3A_217 = tpu.memref_slice %arg10[%dma_start3A_215, %dma_start3A_216] : memref<10240x8xf32, #tpu.memory_space<vmem_shared>> -> memref<10240x8xf32, #tpu.memory_space<vmem_shared>>
      tpu.enqueue_indirect_dma source(%dma_start3A_217 : memref<10240x8xf32, #tpu.memory_space<vmem_shared>>) target(%dma_start3A_211 : memref<128x8xf32, #tpu.memory_space<vmem>>) offsets(%dma_start3A_214 : memref<128xi32, #tpu.memory_space<vmem>>) semaphore(%arg12 : memref<!tpu.dma_semaphore, #tpu.memory_space<semaphore_mem>>)
      %dma_start3A_218 = arith.constant 0 : i32
      %dma_start3A_219 = arith.constant 14 : i32
      %dma_start3A_220 = arith.constant 0 : i32
      %dma_start3A_221 = arith.constant 14 : i32
      %dma_start3A_222 = arith.constant 0 : i32
      %dma_start3A_223 = arith.constant 0 : i32
      %dma_start3A_224 = tpu.memref_slice %arg9[%dma_start3A_220, %dma_start3A_221, %dma_start3A_222, %dma_start3A_223] : memref<2x16x128x8xf32, #tpu.memory_space<vmem>> -> memref<1x1x128x8xf32, #tpu.memory_space<vmem>>
      %dma_start3A_225 = tpu.memref_squeeze %dma_start3A_224 : memref<1x1x128x8xf32, #tpu.memory_space<vmem>> -> memref<128x8xf32, #tpu.memory_space<vmem>>
      %dma_start3A_226 = arith.constant 0 : i32
      %dma_start3A_227 = tpu.memref_slice %arg7[%dma_start3A_218, %dma_start3A_219, %dma_start3A_226] : memref<2x16x128xi32, #tpu.memory_space<vmem>> -> memref<1x1x128xi32, #tpu.memory_space<vmem>>
      %dma_start3A_228 = tpu.memref_squeeze %dma_start3A_227 : memref<1x1x128xi32, #tpu.memory_space<vmem>> -> memref<128xi32, #tpu.memory_space<vmem>>
      %dma_start3A_229 = arith.constant 0 : i32
      %dma_start3A_230 = arith.constant 0 : i32
      %dma_start3A_231 = tpu.memref_slice %arg10[%dma_start3A_229, %dma_start3A_230] : memref<10240x8xf32, #tpu.memory_space<vmem_shared>> -> memref<10240x8xf32, #tpu.memory_space<vmem_shared>>
      tpu.enqueue_indirect_dma source(%dma_start3A_231 : memref<10240x8xf32, #tpu.memory_space<vmem_shared>>) target(%dma_start3A_225 : memref<128x8xf32, #tpu.memory_space<vmem>>) offsets(%dma_start3A_228 : memref<128xi32, #tpu.memory_space<vmem>>) semaphore(%arg12 : memref<!tpu.dma_semaphore, #tpu.memory_space<semaphore_mem>>)
      %dma_start3A_232 = arith.constant 0 : i32
      %dma_start3A_233 = arith.constant 15 : i32
      %dma_start3A_234 = arith.constant 0 : i32
      %dma_start3A_235 = arith.constant 15 : i32
      %dma_start3A_236 = arith.constant 0 : i32
      %dma_start3A_237 = arith.constant 0 : i32
      %dma_start3A_238 = tpu.memref_slice %arg9[%dma_start3A_234, %dma_start3A_235, %dma_start3A_236, %dma_start3A_237] : memref<2x16x128x8xf32, #tpu.memory_space<vmem>> -> memref<1x1x128x8xf32, #tpu.memory_space<vmem>>
      %dma_start3A_239 = tpu.memref_squeeze %dma_start3A_238 : memref<1x1x128x8xf32, #tpu.memory_space<vmem>> -> memref<128x8xf32, #tpu.memory_space<vmem>>
      %dma_start3A_240 = arith.constant 0 : i32
      %dma_start3A_241 = tpu.memref_slice %arg7[%dma_start3A_232, %dma_start3A_233, %dma_start3A_240] : memref<2x16x128xi32, #tpu.memory_space<vmem>> -> memref<1x1x128xi32, #tpu.memory_space<vmem>>
      %dma_start3A_242 = tpu.memref_squeeze %dma_start3A_241 : memref<1x1x128xi32, #tpu.memory_space<vmem>> -> memref<128xi32, #tpu.memory_space<vmem>>
      %dma_start3A_243 = arith.constant 0 : i32
      %dma_start3A_244 = arith.constant 0 : i32
      %dma_start3A_245 = tpu.memref_slice %arg10[%dma_start3A_243, %dma_start3A_244] : memref<10240x8xf32, #tpu.memory_space<vmem_shared>> -> memref<10240x8xf32, #tpu.memory_space<vmem_shared>>
      tpu.enqueue_indirect_dma source(%dma_start3A_245 : memref<10240x8xf32, #tpu.memory_space<vmem_shared>>) target(%dma_start3A_239 : memref<128x8xf32, #tpu.memory_space<vmem>>) offsets(%dma_start3A_242 : memref<128xi32, #tpu.memory_space<vmem>>) semaphore(%arg12 : memref<!tpu.dma_semaphore, #tpu.memory_space<semaphore_mem>>)
      %dma_wait3A = arith.constant 0 : i32
      %dma_wait3A_246 = arith.constant 0 : i32
      %dma_wait3A_247 = arith.constant 0 : i32
      %dma_wait3A_248 = arith.constant 0 : i32
      %dma_wait3A_249 = arith.constant 0 : i32
      %dma_wait3A_250 = arith.constant 0 : i32
      %dma_wait3A_251 = tpu.memref_slice %arg9[%dma_wait3A_247, %dma_wait3A_248, %dma_wait3A_249, %dma_wait3A_250] : memref<2x16x128x8xf32, #tpu.memory_space<vmem>> -> memref<1x1x128x8xf32, #tpu.memory_space<vmem>>
      %dma_wait3A_252 = tpu.memref_squeeze %dma_wait3A_251 : memref<1x1x128x8xf32, #tpu.memory_space<vmem>> -> memref<128x8xf32, #tpu.memory_space<vmem>>
      %dma_wait3A_253 = arith.constant 0 : i32
      %dma_wait3A_254 = tpu.memref_slice %arg7[%dma_wait3A, %dma_wait3A_246, %dma_wait3A_253] : memref<2x16x128xi32, #tpu.memory_space<vmem>> -> memref<1x1x128xi32, #tpu.memory_space<vmem>>
      %dma_wait3A_255 = tpu.memref_squeeze %dma_wait3A_254 : memref<1x1x128xi32, #tpu.memory_space<vmem>> -> memref<128xi32, #tpu.memory_space<vmem>>
      %dma_wait3A_256 = arith.constant 0 : i32
      %dma_wait3A_257 = arith.constant 0 : i32
      %dma_wait3A_258 = tpu.memref_slice %arg10[%dma_wait3A_256, %dma_wait3A_257] : memref<10240x8xf32, #tpu.memory_space<vmem_shared>> -> memref<10240x8xf32, #tpu.memory_space<vmem_shared>>
      tpu.wait_indirect_dma semaphore(%arg12 : memref<!tpu.dma_semaphore, #tpu.memory_space<semaphore_mem>>) src(%dma_wait3A_258 : memref<10240x8xf32, #tpu.memory_space<vmem_shared>>) dst(%dma_wait3A_252 : memref<128x8xf32, #tpu.memory_space<vmem>>)
      %dma_wait3A_259 = arith.constant 0 : i32
      %dma_wait3A_260 = arith.constant 1 : i32
      %dma_wait3A_261 = arith.constant 0 : i32
      %dma_wait3A_262 = arith.constant 1 : i32
      %dma_wait3A_263 = arith.constant 0 : i32
      %dma_wait3A_264 = arith.constant 0 : i32
      %dma_wait3A_265 = tpu.memref_slice %arg9[%dma_wait3A_261, %dma_wait3A_262, %dma_wait3A_263, %dma_wait3A_264] : memref<2x16x128x8xf32, #tpu.memory_space<vmem>> -> memref<1x1x128x8xf32, #tpu.memory_space<vmem>>
      %dma_wait3A_266 = tpu.memref_squeeze %dma_wait3A_265 : memref<1x1x128x8xf32, #tpu.memory_space<vmem>> -> memref<128x8xf32, #tpu.memory_space<vmem>>
      %dma_wait3A_267 = arith.constant 0 : i32
      %dma_wait3A_268 = tpu.memref_slice %arg7[%dma_wait3A_259, %dma_wait3A_260, %dma_wait3A_267] : memref<2x16x128xi32, #tpu.memory_space<vmem>> -> memref<1x1x128xi32, #tpu.memory_space<vmem>>
      %dma_wait3A_269 = tpu.memref_squeeze %dma_wait3A_268 : memref<1x1x128xi32, #tpu.memory_space<vmem>> -> memref<128xi32, #tpu.memory_space<vmem>>
      %dma_wait3A_270 = arith.constant 0 : i32
      %dma_wait3A_271 = arith.constant 0 : i32
      %dma_wait3A_272 = tpu.memref_slice %arg10[%dma_wait3A_270, %dma_wait3A_271] : memref<10240x8xf32, #tpu.memory_space<vmem_shared>> -> memref<10240x8xf32, #tpu.memory_space<vmem_shared>>
      tpu.wait_indirect_dma semaphore(%arg12 : memref<!tpu.dma_semaphore, #tpu.memory_space<semaphore_mem>>) src(%dma_wait3A_272 : memref<10240x8xf32, #tpu.memory_space<vmem_shared>>) dst(%dma_wait3A_266 : memref<128x8xf32, #tpu.memory_space<vmem>>)
      %dma_wait3A_273 = arith.constant 0 : i32
      %dma_wait3A_274 = arith.constant 2 : i32
      %dma_wait3A_275 = arith.constant 0 : i32
      %dma_wait3A_276 = arith.constant 2 : i32
      %dma_wait3A_277 = arith.constant 0 : i32
      %dma_wait3A_278 = arith.constant 0 : i32
      %dma_wait3A_279 = tpu.memref_slice %arg9[%dma_wait3A_275, %dma_wait3A_276, %dma_wait3A_277, %dma_wait3A_278] : memref<2x16x128x8xf32, #tpu.memory_space<vmem>> -> memref<1x1x128x8xf32, #tpu.memory_space<vmem>>
      %dma_wait3A_280 = tpu.memref_squeeze %dma_wait3A_279 : memref<1x1x128x8xf32, #tpu.memory_space<vmem>> -> memref<128x8xf32, #tpu.memory_space<vmem>>
      %dma_wait3A_281 = arith.constant 0 : i32
      %dma_wait3A_282 = tpu.memref_slice %arg7[%dma_wait3A_273, %dma_wait3A_274, %dma_wait3A_281] : memref<2x16x128xi32, #tpu.memory_space<vmem>> -> memref<1x1x128xi32, #tpu.memory_space<vmem>>
      %dma_wait3A_283 = tpu.memref_squeeze %dma_wait3A_282 : memref<1x1x128xi32, #tpu.memory_space<vmem>> -> memref<128xi32, #tpu.memory_space<vmem>>
      %dma_wait3A_284 = arith.constant 0 : i32
      %dma_wait3A_285 = arith.constant 0 : i32
      %dma_wait3A_286 = tpu.memref_slice %arg10[%dma_wait3A_284, %dma_wait3A_285] : memref<10240x8xf32, #tpu.memory_space<vmem_shared>> -> memref<10240x8xf32, #tpu.memory_space<vmem_shared>>
      tpu.wait_indirect_dma semaphore(%arg12 : memref<!tpu.dma_semaphore, #tpu.memory_space<semaphore_mem>>) src(%dma_wait3A_286 : memref<10240x8xf32, #tpu.memory_space<vmem_shared>>) dst(%dma_wait3A_280 : memref<128x8xf32, #tpu.memory_space<vmem>>)
      %dma_wait3A_287 = arith.constant 0 : i32
      %dma_wait3A_288 = arith.constant 3 : i32
      %dma_wait3A_289 = arith.constant 0 : i32
      %dma_wait3A_290 = arith.constant 3 : i32
      %dma_wait3A_291 = arith.constant 0 : i32
      %dma_wait3A_292 = arith.constant 0 : i32
      %dma_wait3A_293 = tpu.memref_slice %arg9[%dma_wait3A_289, %dma_wait3A_290, %dma_wait3A_291, %dma_wait3A_292] : memref<2x16x128x8xf32, #tpu.memory_space<vmem>> -> memref<1x1x128x8xf32, #tpu.memory_space<vmem>>
      %dma_wait3A_294 = tpu.memref_squeeze %dma_wait3A_293 : memref<1x1x128x8xf32, #tpu.memory_space<vmem>> -> memref<128x8xf32, #tpu.memory_space<vmem>>
      %dma_wait3A_295 = arith.constant 0 : i32
      %dma_wait3A_296 = tpu.memref_slice %arg7[%dma_wait3A_287, %dma_wait3A_288, %dma_wait3A_295] : memref<2x16x128xi32, #tpu.memory_space<vmem>> -> memref<1x1x128xi32, #tpu.memory_space<vmem>>
      %dma_wait3A_297 = tpu.memref_squeeze %dma_wait3A_296 : memref<1x1x128xi32, #tpu.memory_space<vmem>> -> memref<128xi32, #tpu.memory_space<vmem>>
      %dma_wait3A_298 = arith.constant 0 : i32
      %dma_wait3A_299 = arith.constant 0 : i32
      %dma_wait3A_300 = tpu.memref_slice %arg10[%dma_wait3A_298, %dma_wait3A_299] : memref<10240x8xf32, #tpu.memory_space<vmem_shared>> -> memref<10240x8xf32, #tpu.memory_space<vmem_shared>>
      tpu.wait_indirect_dma semaphore(%arg12 : memref<!tpu.dma_semaphore, #tpu.memory_space<semaphore_mem>>) src(%dma_wait3A_300 : memref<10240x8xf32, #tpu.memory_space<vmem_shared>>) dst(%dma_wait3A_294 : memref<128x8xf32, #tpu.memory_space<vmem>>)
      %dma_wait3A_301 = arith.constant 0 : i32
      %dma_wait3A_302 = arith.constant 4 : i32
      %dma_wait3A_303 = arith.constant 0 : i32
      %dma_wait3A_304 = arith.constant 4 : i32
      %dma_wait3A_305 = arith.constant 0 : i32
      %dma_wait3A_306 = arith.constant 0 : i32
      %dma_wait3A_307 = tpu.memref_slice %arg9[%dma_wait3A_303, %dma_wait3A_304, %dma_wait3A_305, %dma_wait3A_306] : memref<2x16x128x8xf32, #tpu.memory_space<vmem>> -> memref<1x1x128x8xf32, #tpu.memory_space<vmem>>
      %dma_wait3A_308 = tpu.memref_squeeze %dma_wait3A_307 : memref<1x1x128x8xf32, #tpu.memory_space<vmem>> -> memref<128x8xf32, #tpu.memory_space<vmem>>
      %dma_wait3A_309 = arith.constant 0 : i32
      %dma_wait3A_310 = tpu.memref_slice %arg7[%dma_wait3A_301, %dma_wait3A_302, %dma_wait3A_309] : memref<2x16x128xi32, #tpu.memory_space<vmem>> -> memref<1x1x128xi32, #tpu.memory_space<vmem>>
      %dma_wait3A_311 = tpu.memref_squeeze %dma_wait3A_310 : memref<1x1x128xi32, #tpu.memory_space<vmem>> -> memref<128xi32, #tpu.memory_space<vmem>>
      %dma_wait3A_312 = arith.constant 0 : i32
      %dma_wait3A_313 = arith.constant 0 : i32
      %dma_wait3A_314 = tpu.memref_slice %arg10[%dma_wait3A_312, %dma_wait3A_313] : memref<10240x8xf32, #tpu.memory_space<vmem_shared>> -> memref<10240x8xf32, #tpu.memory_space<vmem_shared>>
      tpu.wait_indirect_dma semaphore(%arg12 : memref<!tpu.dma_semaphore, #tpu.memory_space<semaphore_mem>>) src(%dma_wait3A_314 : memref<10240x8xf32, #tpu.memory_space<vmem_shared>>) dst(%dma_wait3A_308 : memref<128x8xf32, #tpu.memory_space<vmem>>)
      %dma_wait3A_315 = arith.constant 0 : i32
      %dma_wait3A_316 = arith.constant 5 : i32
      %dma_wait3A_317 = arith.constant 0 : i32
      %dma_wait3A_318 = arith.constant 5 : i32
      %dma_wait3A_319 = arith.constant 0 : i32
      %dma_wait3A_320 = arith.constant 0 : i32
      %dma_wait3A_321 = tpu.memref_slice %arg9[%dma_wait3A_317, %dma_wait3A_318, %dma_wait3A_319, %dma_wait3A_320] : memref<2x16x128x8xf32, #tpu.memory_space<vmem>> -> memref<1x1x128x8xf32, #tpu.memory_space<vmem>>
      %dma_wait3A_322 = tpu.memref_squeeze %dma_wait3A_321 : memref<1x1x128x8xf32, #tpu.memory_space<vmem>> -> memref<128x8xf32, #tpu.memory_space<vmem>>
      %dma_wait3A_323 = arith.constant 0 : i32
      %dma_wait3A_324 = tpu.memref_slice %arg7[%dma_wait3A_315, %dma_wait3A_316, %dma_wait3A_323] : memref<2x16x128xi32, #tpu.memory_space<vmem>> -> memref<1x1x128xi32, #tpu.memory_space<vmem>>
      %dma_wait3A_325 = tpu.memref_squeeze %dma_wait3A_324 : memref<1x1x128xi32, #tpu.memory_space<vmem>> -> memref<128xi32, #tpu.memory_space<vmem>>
      %dma_wait3A_326 = arith.constant 0 : i32
      %dma_wait3A_327 = arith.constant 0 : i32
      %dma_wait3A_328 = tpu.memref_slice %arg10[%dma_wait3A_326, %dma_wait3A_327] : memref<10240x8xf32, #tpu.memory_space<vmem_shared>> -> memref<10240x8xf32, #tpu.memory_space<vmem_shared>>
      tpu.wait_indirect_dma semaphore(%arg12 : memref<!tpu.dma_semaphore, #tpu.memory_space<semaphore_mem>>) src(%dma_wait3A_328 : memref<10240x8xf32, #tpu.memory_space<vmem_shared>>) dst(%dma_wait3A_322 : memref<128x8xf32, #tpu.memory_space<vmem>>)
      %dma_wait3A_329 = arith.constant 0 : i32
      %dma_wait3A_330 = arith.constant 6 : i32
      %dma_wait3A_331 = arith.constant 0 : i32
      %dma_wait3A_332 = arith.constant 6 : i32
      %dma_wait3A_333 = arith.constant 0 : i32
      %dma_wait3A_334 = arith.constant 0 : i32
      %dma_wait3A_335 = tpu.memref_slice %arg9[%dma_wait3A_331, %dma_wait3A_332, %dma_wait3A_333, %dma_wait3A_334] : memref<2x16x128x8xf32, #tpu.memory_space<vmem>> -> memref<1x1x128x8xf32, #tpu.memory_space<vmem>>
      %dma_wait3A_336 = tpu.memref_squeeze %dma_wait3A_335 : memref<1x1x128x8xf32, #tpu.memory_space<vmem>> -> memref<128x8xf32, #tpu.memory_space<vmem>>
      %dma_wait3A_337 = arith.constant 0 : i32
      %dma_wait3A_338 = tpu.memref_slice %arg7[%dma_wait3A_329, %dma_wait3A_330, %dma_wait3A_337] : memref<2x16x128xi32, #tpu.memory_space<vmem>> -> memref<1x1x128xi32, #tpu.memory_space<vmem>>
      %dma_wait3A_339 = tpu.memref_squeeze %dma_wait3A_338 : memref<1x1x128xi32, #tpu.memory_space<vmem>> -> memref<128xi32, #tpu.memory_space<vmem>>
      %dma_wait3A_340 = arith.constant 0 : i32
      %dma_wait3A_341 = arith.constant 0 : i32
      %dma_wait3A_342 = tpu.memref_slice %arg10[%dma_wait3A_340, %dma_wait3A_341] : memref<10240x8xf32, #tpu.memory_space<vmem_shared>> -> memref<10240x8xf32, #tpu.memory_space<vmem_shared>>
      tpu.wait_indirect_dma semaphore(%arg12 : memref<!tpu.dma_semaphore, #tpu.memory_space<semaphore_mem>>) src(%dma_wait3A_342 : memref<10240x8xf32, #tpu.memory_space<vmem_shared>>) dst(%dma_wait3A_336 : memref<128x8xf32, #tpu.memory_space<vmem>>)
      %dma_wait3A_343 = arith.constant 0 : i32
      %dma_wait3A_344 = arith.constant 7 : i32
      %dma_wait3A_345 = arith.constant 0 : i32
      %dma_wait3A_346 = arith.constant 7 : i32
      %dma_wait3A_347 = arith.constant 0 : i32
      %dma_wait3A_348 = arith.constant 0 : i32
      %dma_wait3A_349 = tpu.memref_slice %arg9[%dma_wait3A_345, %dma_wait3A_346, %dma_wait3A_347, %dma_wait3A_348] : memref<2x16x128x8xf32, #tpu.memory_space<vmem>> -> memref<1x1x128x8xf32, #tpu.memory_space<vmem>>
      %dma_wait3A_350 = tpu.memref_squeeze %dma_wait3A_349 : memref<1x1x128x8xf32, #tpu.memory_space<vmem>> -> memref<128x8xf32, #tpu.memory_space<vmem>>
      %dma_wait3A_351 = arith.constant 0 : i32
      %dma_wait3A_352 = tpu.memref_slice %arg7[%dma_wait3A_343, %dma_wait3A_344, %dma_wait3A_351] : memref<2x16x128xi32, #tpu.memory_space<vmem>> -> memref<1x1x128xi32, #tpu.memory_space<vmem>>
      %dma_wait3A_353 = tpu.memref_squeeze %dma_wait3A_352 : memref<1x1x128xi32, #tpu.memory_space<vmem>> -> memref<128xi32, #tpu.memory_space<vmem>>
      %dma_wait3A_354 = arith.constant 0 : i32
      %dma_wait3A_355 = arith.constant 0 : i32
      %dma_wait3A_356 = tpu.memref_slice %arg10[%dma_wait3A_354, %dma_wait3A_355] : memref<10240x8xf32, #tpu.memory_space<vmem_shared>> -> memref<10240x8xf32, #tpu.memory_space<vmem_shared>>
      tpu.wait_indirect_dma semaphore(%arg12 : memref<!tpu.dma_semaphore, #tpu.memory_space<semaphore_mem>>) src(%dma_wait3A_356 : memref<10240x8xf32, #tpu.memory_space<vmem_shared>>) dst(%dma_wait3A_350 : memref<128x8xf32, #tpu.memory_space<vmem>>)
      %dma_wait3A_357 = arith.constant 0 : i32
      %dma_wait3A_358 = arith.constant 8 : i32
      %dma_wait3A_359 = arith.constant 0 : i32
      %dma_wait3A_360 = arith.constant 8 : i32
      %dma_wait3A_361 = arith.constant 0 : i32
      %dma_wait3A_362 = arith.constant 0 : i32
      %dma_wait3A_363 = tpu.memref_slice %arg9[%dma_wait3A_359, %dma_wait3A_360, %dma_wait3A_361, %dma_wait3A_362] : memref<2x16x128x8xf32, #tpu.memory_space<vmem>> -> memref<1x1x128x8xf32, #tpu.memory_space<vmem>>
      %dma_wait3A_364 = tpu.memref_squeeze %dma_wait3A_363 : memref<1x1x128x8xf32, #tpu.memory_space<vmem>> -> memref<128x8xf32, #tpu.memory_space<vmem>>
      %dma_wait3A_365 = arith.constant 0 : i32
      %dma_wait3A_366 = tpu.memref_slice %arg7[%dma_wait3A_357, %dma_wait3A_358, %dma_wait3A_365] : memref<2x16x128xi32, #tpu.memory_space<vmem>> -> memref<1x1x128xi32, #tpu.memory_space<vmem>>
      %dma_wait3A_367 = tpu.memref_squeeze %dma_wait3A_366 : memref<1x1x128xi32, #tpu.memory_space<vmem>> -> memref<128xi32, #tpu.memory_space<vmem>>
      %dma_wait3A_368 = arith.constant 0 : i32
      %dma_wait3A_369 = arith.constant 0 : i32
      %dma_wait3A_370 = tpu.memref_slice %arg10[%dma_wait3A_368, %dma_wait3A_369] : memref<10240x8xf32, #tpu.memory_space<vmem_shared>> -> memref<10240x8xf32, #tpu.memory_space<vmem_shared>>
      tpu.wait_indirect_dma semaphore(%arg12 : memref<!tpu.dma_semaphore, #tpu.memory_space<semaphore_mem>>) src(%dma_wait3A_370 : memref<10240x8xf32, #tpu.memory_space<vmem_shared>>) dst(%dma_wait3A_364 : memref<128x8xf32, #tpu.memory_space<vmem>>)
      %dma_wait3A_371 = arith.constant 0 : i32
      %dma_wait3A_372 = arith.constant 9 : i32
      %dma_wait3A_373 = arith.constant 0 : i32
      %dma_wait3A_374 = arith.constant 9 : i32
      %dma_wait3A_375 = arith.constant 0 : i32
      %dma_wait3A_376 = arith.constant 0 : i32
      %dma_wait3A_377 = tpu.memref_slice %arg9[%dma_wait3A_373, %dma_wait3A_374, %dma_wait3A_375, %dma_wait3A_376] : memref<2x16x128x8xf32, #tpu.memory_space<vmem>> -> memref<1x1x128x8xf32, #tpu.memory_space<vmem>>
      %dma_wait3A_378 = tpu.memref_squeeze %dma_wait3A_377 : memref<1x1x128x8xf32, #tpu.memory_space<vmem>> -> memref<128x8xf32, #tpu.memory_space<vmem>>
      %dma_wait3A_379 = arith.constant 0 : i32
      %dma_wait3A_380 = tpu.memref_slice %arg7[%dma_wait3A_371, %dma_wait3A_372, %dma_wait3A_379] : memref<2x16x128xi32, #tpu.memory_space<vmem>> -> memref<1x1x128xi32, #tpu.memory_space<vmem>>
      %dma_wait3A_381 = tpu.memref_squeeze %dma_wait3A_380 : memref<1x1x128xi32, #tpu.memory_space<vmem>> -> memref<128xi32, #tpu.memory_space<vmem>>
      %dma_wait3A_382 = arith.constant 0 : i32
      %dma_wait3A_383 = arith.constant 0 : i32
      %dma_wait3A_384 = tpu.memref_slice %arg10[%dma_wait3A_382, %dma_wait3A_383] : memref<10240x8xf32, #tpu.memory_space<vmem_shared>> -> memref<10240x8xf32, #tpu.memory_space<vmem_shared>>
      tpu.wait_indirect_dma semaphore(%arg12 : memref<!tpu.dma_semaphore, #tpu.memory_space<semaphore_mem>>) src(%dma_wait3A_384 : memref<10240x8xf32, #tpu.memory_space<vmem_shared>>) dst(%dma_wait3A_378 : memref<128x8xf32, #tpu.memory_space<vmem>>)
      %dma_wait3A_385 = arith.constant 0 : i32
      %dma_wait3A_386 = arith.constant 10 : i32
      %dma_wait3A_387 = arith.constant 0 : i32
      %dma_wait3A_388 = arith.constant 10 : i32
      %dma_wait3A_389 = arith.constant 0 : i32
      %dma_wait3A_390 = arith.constant 0 : i32
      %dma_wait3A_391 = tpu.memref_slice %arg9[%dma_wait3A_387, %dma_wait3A_388, %dma_wait3A_389, %dma_wait3A_390] : memref<2x16x128x8xf32, #tpu.memory_space<vmem>> -> memref<1x1x128x8xf32, #tpu.memory_space<vmem>>
      %dma_wait3A_392 = tpu.memref_squeeze %dma_wait3A_391 : memref<1x1x128x8xf32, #tpu.memory_space<vmem>> -> memref<128x8xf32, #tpu.memory_space<vmem>>
      %dma_wait3A_393 = arith.constant 0 : i32
      %dma_wait3A_394 = tpu.memref_slice %arg7[%dma_wait3A_385, %dma_wait3A_386, %dma_wait3A_393] : memref<2x16x128xi32, #tpu.memory_space<vmem>> -> memref<1x1x128xi32, #tpu.memory_space<vmem>>
      %dma_wait3A_395 = tpu.memref_squeeze %dma_wait3A_394 : memref<1x1x128xi32, #tpu.memory_space<vmem>> -> memref<128xi32, #tpu.memory_space<vmem>>
      %dma_wait3A_396 = arith.constant 0 : i32
      %dma_wait3A_397 = arith.constant 0 : i32
      %dma_wait3A_398 = tpu.memref_slice %arg10[%dma_wait3A_396, %dma_wait3A_397] : memref<10240x8xf32, #tpu.memory_space<vmem_shared>> -> memref<10240x8xf32, #tpu.memory_space<vmem_shared>>
      tpu.wait_indirect_dma semaphore(%arg12 : memref<!tpu.dma_semaphore, #tpu.memory_space<semaphore_mem>>) src(%dma_wait3A_398 : memref<10240x8xf32, #tpu.memory_space<vmem_shared>>) dst(%dma_wait3A_392 : memref<128x8xf32, #tpu.memory_space<vmem>>)
      %dma_wait3A_399 = arith.constant 0 : i32
      %dma_wait3A_400 = arith.constant 11 : i32
      %dma_wait3A_401 = arith.constant 0 : i32
      %dma_wait3A_402 = arith.constant 11 : i32
      %dma_wait3A_403 = arith.constant 0 : i32
      %dma_wait3A_404 = arith.constant 0 : i32
      %dma_wait3A_405 = tpu.memref_slice %arg9[%dma_wait3A_401, %dma_wait3A_402, %dma_wait3A_403, %dma_wait3A_404] : memref<2x16x128x8xf32, #tpu.memory_space<vmem>> -> memref<1x1x128x8xf32, #tpu.memory_space<vmem>>
      %dma_wait3A_406 = tpu.memref_squeeze %dma_wait3A_405 : memref<1x1x128x8xf32, #tpu.memory_space<vmem>> -> memref<128x8xf32, #tpu.memory_space<vmem>>
      %dma_wait3A_407 = arith.constant 0 : i32
      %dma_wait3A_408 = tpu.memref_slice %arg7[%dma_wait3A_399, %dma_wait3A_400, %dma_wait3A_407] : memref<2x16x128xi32, #tpu.memory_space<vmem>> -> memref<1x1x128xi32, #tpu.memory_space<vmem>>
      %dma_wait3A_409 = tpu.memref_squeeze %dma_wait3A_408 : memref<1x1x128xi32, #tpu.memory_space<vmem>> -> memref<128xi32, #tpu.memory_space<vmem>>
      %dma_wait3A_410 = arith.constant 0 : i32
      %dma_wait3A_411 = arith.constant 0 : i32
      %dma_wait3A_412 = tpu.memref_slice %arg10[%dma_wait3A_410, %dma_wait3A_411] : memref<10240x8xf32, #tpu.memory_space<vmem_shared>> -> memref<10240x8xf32, #tpu.memory_space<vmem_shared>>
      tpu.wait_indirect_dma semaphore(%arg12 : memref<!tpu.dma_semaphore, #tpu.memory_space<semaphore_mem>>) src(%dma_wait3A_412 : memref<10240x8xf32, #tpu.memory_space<vmem_shared>>) dst(%dma_wait3A_406 : memref<128x8xf32, #tpu.memory_space<vmem>>)
      %dma_wait3A_413 = arith.constant 0 : i32
      %dma_wait3A_414 = arith.constant 12 : i32
      %dma_wait3A_415 = arith.constant 0 : i32
      %dma_wait3A_416 = arith.constant 12 : i32
      %dma_wait3A_417 = arith.constant 0 : i32
      %dma_wait3A_418 = arith.constant 0 : i32
      %dma_wait3A_419 = tpu.memref_slice %arg9[%dma_wait3A_415, %dma_wait3A_416, %dma_wait3A_417, %dma_wait3A_418] : memref<2x16x128x8xf32, #tpu.memory_space<vmem>> -> memref<1x1x128x8xf32, #tpu.memory_space<vmem>>
      %dma_wait3A_420 = tpu.memref_squeeze %dma_wait3A_419 : memref<1x1x128x8xf32, #tpu.memory_space<vmem>> -> memref<128x8xf32, #tpu.memory_space<vmem>>
      %dma_wait3A_421 = arith.constant 0 : i32
      %dma_wait3A_422 = tpu.memref_slice %arg7[%dma_wait3A_413, %dma_wait3A_414, %dma_wait3A_421] : memref<2x16x128xi32, #tpu.memory_space<vmem>> -> memref<1x1x128xi32, #tpu.memory_space<vmem>>
      %dma_wait3A_423 = tpu.memref_squeeze %dma_wait3A_422 : memref<1x1x128xi32, #tpu.memory_space<vmem>> -> memref<128xi32, #tpu.memory_space<vmem>>
      %dma_wait3A_424 = arith.constant 0 : i32
      %dma_wait3A_425 = arith.constant 0 : i32
      %dma_wait3A_426 = tpu.memref_slice %arg10[%dma_wait3A_424, %dma_wait3A_425] : memref<10240x8xf32, #tpu.memory_space<vmem_shared>> -> memref<10240x8xf32, #tpu.memory_space<vmem_shared>>
      tpu.wait_indirect_dma semaphore(%arg12 : memref<!tpu.dma_semaphore, #tpu.memory_space<semaphore_mem>>) src(%dma_wait3A_426 : memref<10240x8xf32, #tpu.memory_space<vmem_shared>>) dst(%dma_wait3A_420 : memref<128x8xf32, #tpu.memory_space<vmem>>)
      %dma_wait3A_427 = arith.constant 0 : i32
      %dma_wait3A_428 = arith.constant 13 : i32
      %dma_wait3A_429 = arith.constant 0 : i32
      %dma_wait3A_430 = arith.constant 13 : i32
      %dma_wait3A_431 = arith.constant 0 : i32
      %dma_wait3A_432 = arith.constant 0 : i32
      %dma_wait3A_433 = tpu.memref_slice %arg9[%dma_wait3A_429, %dma_wait3A_430, %dma_wait3A_431, %dma_wait3A_432] : memref<2x16x128x8xf32, #tpu.memory_space<vmem>> -> memref<1x1x128x8xf32, #tpu.memory_space<vmem>>
      %dma_wait3A_434 = tpu.memref_squeeze %dma_wait3A_433 : memref<1x1x128x8xf32, #tpu.memory_space<vmem>> -> memref<128x8xf32, #tpu.memory_space<vmem>>
      %dma_wait3A_435 = arith.constant 0 : i32
      %dma_wait3A_436 = tpu.memref_slice %arg7[%dma_wait3A_427, %dma_wait3A_428, %dma_wait3A_435] : memref<2x16x128xi32, #tpu.memory_space<vmem>> -> memref<1x1x128xi32, #tpu.memory_space<vmem>>
      %dma_wait3A_437 = tpu.memref_squeeze %dma_wait3A_436 : memref<1x1x128xi32, #tpu.memory_space<vmem>> -> memref<128xi32, #tpu.memory_space<vmem>>
      %dma_wait3A_438 = arith.constant 0 : i32
      %dma_wait3A_439 = arith.constant 0 : i32
      %dma_wait3A_440 = tpu.memref_slice %arg10[%dma_wait3A_438, %dma_wait3A_439] : memref<10240x8xf32, #tpu.memory_space<vmem_shared>> -> memref<10240x8xf32, #tpu.memory_space<vmem_shared>>
      tpu.wait_indirect_dma semaphore(%arg12 : memref<!tpu.dma_semaphore, #tpu.memory_space<semaphore_mem>>) src(%dma_wait3A_440 : memref<10240x8xf32, #tpu.memory_space<vmem_shared>>) dst(%dma_wait3A_434 : memref<128x8xf32, #tpu.memory_space<vmem>>)
      %dma_wait3A_441 = arith.constant 0 : i32
      %dma_wait3A_442 = arith.constant 14 : i32
      %dma_wait3A_443 = arith.constant 0 : i32
      %dma_wait3A_444 = arith.constant 14 : i32
      %dma_wait3A_445 = arith.constant 0 : i32
      %dma_wait3A_446 = arith.constant 0 : i32
      %dma_wait3A_447 = tpu.memref_slice %arg9[%dma_wait3A_443, %dma_wait3A_444, %dma_wait3A_445, %dma_wait3A_446] : memref<2x16x128x8xf32, #tpu.memory_space<vmem>> -> memref<1x1x128x8xf32, #tpu.memory_space<vmem>>
      %dma_wait3A_448 = tpu.memref_squeeze %dma_wait3A_447 : memref<1x1x128x8xf32, #tpu.memory_space<vmem>> -> memref<128x8xf32, #tpu.memory_space<vmem>>
      %dma_wait3A_449 = arith.constant 0 : i32
      %dma_wait3A_450 = tpu.memref_slice %arg7[%dma_wait3A_441, %dma_wait3A_442, %dma_wait3A_449] : memref<2x16x128xi32, #tpu.memory_space<vmem>> -> memref<1x1x128xi32, #tpu.memory_space<vmem>>
      %dma_wait3A_451 = tpu.memref_squeeze %dma_wait3A_450 : memref<1x1x128xi32, #tpu.memory_space<vmem>> -> memref<128xi32, #tpu.memory_space<vmem>>
      %dma_wait3A_452 = arith.constant 0 : i32
      %dma_wait3A_453 = arith.constant 0 : i32
      %dma_wait3A_454 = tpu.memref_slice %arg10[%dma_wait3A_452, %dma_wait3A_453] : memref<10240x8xf32, #tpu.memory_space<vmem_shared>> -> memref<10240x8xf32, #tpu.memory_space<vmem_shared>>
      tpu.wait_indirect_dma semaphore(%arg12 : memref<!tpu.dma_semaphore, #tpu.memory_space<semaphore_mem>>) src(%dma_wait3A_454 : memref<10240x8xf32, #tpu.memory_space<vmem_shared>>) dst(%dma_wait3A_448 : memref<128x8xf32, #tpu.memory_space<vmem>>)
      %dma_wait3A_455 = arith.constant 0 : i32
      %dma_wait3A_456 = arith.constant 15 : i32
      %dma_wait3A_457 = arith.constant 0 : i32
      %dma_wait3A_458 = arith.constant 15 : i32
      %dma_wait3A_459 = arith.constant 0 : i32
      %dma_wait3A_460 = arith.constant 0 : i32
      %dma_wait3A_461 = tpu.memref_slice %arg9[%dma_wait3A_457, %dma_wait3A_458, %dma_wait3A_459, %dma_wait3A_460] : memref<2x16x128x8xf32, #tpu.memory_space<vmem>> -> memref<1x1x128x8xf32, #tpu.memory_space<vmem>>
      %dma_wait3A_462 = tpu.memref_squeeze %dma_wait3A_461 : memref<1x1x128x8xf32, #tpu.memory_space<vmem>> -> memref<128x8xf32, #tpu.memory_space<vmem>>
      %dma_wait3A_463 = arith.constant 0 : i32
      %dma_wait3A_464 = tpu.memref_slice %arg7[%dma_wait3A_455, %dma_wait3A_456, %dma_wait3A_463] : memref<2x16x128xi32, #tpu.memory_space<vmem>> -> memref<1x1x128xi32, #tpu.memory_space<vmem>>
      %dma_wait3A_465 = tpu.memref_squeeze %dma_wait3A_464 : memref<1x1x128xi32, #tpu.memory_space<vmem>> -> memref<128xi32, #tpu.memory_space<vmem>>
      %dma_wait3A_466 = arith.constant 0 : i32
      %dma_wait3A_467 = arith.constant 0 : i32
      %dma_wait3A_468 = tpu.memref_slice %arg10[%dma_wait3A_466, %dma_wait3A_467] : memref<10240x8xf32, #tpu.memory_space<vmem_shared>> -> memref<10240x8xf32, #tpu.memory_space<vmem_shared>>
      tpu.wait_indirect_dma semaphore(%arg12 : memref<!tpu.dma_semaphore, #tpu.memory_space<semaphore_mem>>) src(%dma_wait3A_468 : memref<10240x8xf32, #tpu.memory_space<vmem_shared>>) dst(%dma_wait3A_462 : memref<128x8xf32, #tpu.memory_space<vmem>>)
      %dma_start3A_469 = arith.constant 0 : i32
      %dma_start3A_470 = arith.constant 0 : i32
      %dma_start3A_471 = arith.constant 0 : i32
      %dma_start3A_472 = arith.constant 0 : i32
      %dma_start3A_473 = arith.constant 0 : i32
      %dma_start3A_474 = arith.constant 0 : i32
      %dma_start3A_475 = tpu.memref_slice %arg9[%dma_start3A_469, %dma_start3A_470, %dma_start3A_473, %dma_start3A_474] : memref<2x16x128x8xf32, #tpu.memory_space<vmem>> -> memref<1x1x128x8xf32, #tpu.memory_space<vmem>>
      %dma_start3A_476 = tpu.memref_squeeze %dma_start3A_475 : memref<1x1x128x8xf32, #tpu.memory_space<vmem>> -> memref<128x8xf32, #tpu.memory_space<vmem>>
      %dma_start3A_477 = arith.constant 0 : i32
      %dma_start3A_478 = tpu.memref_slice %arg8[%dma_start3A_471, %dma_start3A_472, %dma_start3A_477] : memref<2x16x128xi32, #tpu.memory_space<vmem>> -> memref<1x1x128xi32, #tpu.memory_space<vmem>>
      %dma_start3A_479 = tpu.memref_squeeze %dma_start3A_478 : memref<1x1x128xi32, #tpu.memory_space<vmem>> -> memref<128xi32, #tpu.memory_space<vmem>>
      %dma_start3A_480 = arith.constant 0 : i32
      %dma_start3A_481 = arith.constant 0 : i32
      %dma_start3A_482 = tpu.memref_slice %arg11[%dma_start3A_480, %dma_start3A_481] : memref<10240x8xf32, #tpu.memory_space<vmem_shared>> -> memref<10240x8xf32, #tpu.memory_space<vmem_shared>>
      tpu.enqueue_indirect_dma source(%dma_start3A_476 : memref<128x8xf32, #tpu.memory_space<vmem>>) target(%dma_start3A_482 : memref<10240x8xf32, #tpu.memory_space<vmem_shared>>) offsets(%dma_start3A_479 : memref<128xi32, #tpu.memory_space<vmem>>) semaphore(%arg14 : memref<!tpu.dma_semaphore, #tpu.memory_space<semaphore_mem>>) {add = true}
      %dma_start3A_483 = arith.constant 0 : i32
      %dma_start3A_484 = arith.constant 1 : i32
      %dma_start3A_485 = arith.constant 0 : i32
      %dma_start3A_486 = arith.constant 1 : i32
      %dma_start3A_487 = arith.constant 0 : i32
      %dma_start3A_488 = arith.constant 0 : i32
      %dma_start3A_489 = tpu.memref_slice %arg9[%dma_start3A_483, %dma_start3A_484, %dma_start3A_487, %dma_start3A_488] : memref<2x16x128x8xf32, #tpu.memory_space<vmem>> -> memref<1x1x128x8xf32, #tpu.memory_space<vmem>>
      %dma_start3A_490 = tpu.memref_squeeze %dma_start3A_489 : memref<1x1x128x8xf32, #tpu.memory_space<vmem>> -> memref<128x8xf32, #tpu.memory_space<vmem>>
      %dma_start3A_491 = arith.constant 0 : i32
      %dma_start3A_492 = tpu.memref_slice %arg8[%dma_start3A_485, %dma_start3A_486, %dma_start3A_491] : memref<2x16x128xi32, #tpu.memory_space<vmem>> -> memref<1x1x128xi32, #tpu.memory_space<vmem>>
      %dma_start3A_493 = tpu.memref_squeeze %dma_start3A_492 : memref<1x1x128xi32, #tpu.memory_space<vmem>> -> memref<128xi32, #tpu.memory_space<vmem>>
      %dma_start3A_494 = arith.constant 0 : i32
      %dma_start3A_495 = arith.constant 0 : i32
      %dma_start3A_496 = tpu.memref_slice %arg11[%dma_start3A_494, %dma_start3A_495] : memref<10240x8xf32, #tpu.memory_space<vmem_shared>> -> memref<10240x8xf32, #tpu.memory_space<vmem_shared>>
      tpu.enqueue_indirect_dma source(%dma_start3A_490 : memref<128x8xf32, #tpu.memory_space<vmem>>) target(%dma_start3A_496 : memref<10240x8xf32, #tpu.memory_space<vmem_shared>>) offsets(%dma_start3A_493 : memref<128xi32, #tpu.memory_space<vmem>>) semaphore(%arg14 : memref<!tpu.dma_semaphore, #tpu.memory_space<semaphore_mem>>) {add = true}
      %dma_start3A_497 = arith.constant 0 : i32
      %dma_start3A_498 = arith.constant 2 : i32
      %dma_start3A_499 = arith.constant 0 : i32
      %dma_start3A_500 = arith.constant 2 : i32
      %dma_start3A_501 = arith.constant 0 : i32
      %dma_start3A_502 = arith.constant 0 : i32
      %dma_start3A_503 = tpu.memref_slice %arg9[%dma_start3A_497, %dma_start3A_498, %dma_start3A_501, %dma_start3A_502] : memref<2x16x128x8xf32, #tpu.memory_space<vmem>> -> memref<1x1x128x8xf32, #tpu.memory_space<vmem>>
      %dma_start3A_504 = tpu.memref_squeeze %dma_start3A_503 : memref<1x1x128x8xf32, #tpu.memory_space<vmem>> -> memref<128x8xf32, #tpu.memory_space<vmem>>
      %dma_start3A_505 = arith.constant 0 : i32
      %dma_start3A_506 = tpu.memref_slice %arg8[%dma_start3A_499, %dma_start3A_500, %dma_start3A_505] : memref<2x16x128xi32, #tpu.memory_space<vmem>> -> memref<1x1x128xi32, #tpu.memory_space<vmem>>
      %dma_start3A_507 = tpu.memref_squeeze %dma_start3A_506 : memref<1x1x128xi32, #tpu.memory_space<vmem>> -> memref<128xi32, #tpu.memory_space<vmem>>
      %dma_start3A_508 = arith.constant 0 : i32
      %dma_start3A_509 = arith.constant 0 : i32
      %dma_start3A_510 = tpu.memref_slice %arg11[%dma_start3A_508, %dma_start3A_509] : memref<10240x8xf32, #tpu.memory_space<vmem_shared>> -> memref<10240x8xf32, #tpu.memory_space<vmem_shared>>
      tpu.enqueue_indirect_dma source(%dma_start3A_504 : memref<128x8xf32, #tpu.memory_space<vmem>>) target(%dma_start3A_510 : memref<10240x8xf32, #tpu.memory_space<vmem_shared>>) offsets(%dma_start3A_507 : memref<128xi32, #tpu.memory_space<vmem>>) semaphore(%arg14 : memref<!tpu.dma_semaphore, #tpu.memory_space<semaphore_mem>>) {add = true}
      %dma_start3A_511 = arith.constant 0 : i32
      %dma_start3A_512 = arith.constant 3 : i32
      %dma_start3A_513 = arith.constant 0 : i32
      %dma_start3A_514 = arith.constant 3 : i32
      %dma_start3A_515 = arith.constant 0 : i32
      %dma_start3A_516 = arith.constant 0 : i32
      %dma_start3A_517 = tpu.memref_slice %arg9[%dma_start3A_511, %dma_start3A_512, %dma_start3A_515, %dma_start3A_516] : memref<2x16x128x8xf32, #tpu.memory_space<vmem>> -> memref<1x1x128x8xf32, #tpu.memory_space<vmem>>
      %dma_start3A_518 = tpu.memref_squeeze %dma_start3A_517 : memref<1x1x128x8xf32, #tpu.memory_space<vmem>> -> memref<128x8xf32, #tpu.memory_space<vmem>>
      %dma_start3A_519 = arith.constant 0 : i32
      %dma_start3A_520 = tpu.memref_slice %arg8[%dma_start3A_513, %dma_start3A_514, %dma_start3A_519] : memref<2x16x128xi32, #tpu.memory_space<vmem>> -> memref<1x1x128xi32, #tpu.memory_space<vmem>>
      %dma_start3A_521 = tpu.memref_squeeze %dma_start3A_520 : memref<1x1x128xi32, #tpu.memory_space<vmem>> -> memref<128xi32, #tpu.memory_space<vmem>>
      %dma_start3A_522 = arith.constant 0 : i32
      %dma_start3A_523 = arith.constant 0 : i32
      %dma_start3A_524 = tpu.memref_slice %arg11[%dma_start3A_522, %dma_start3A_523] : memref<10240x8xf32, #tpu.memory_space<vmem_shared>> -> memref<10240x8xf32, #tpu.memory_space<vmem_shared>>
      tpu.enqueue_indirect_dma source(%dma_start3A_518 : memref<128x8xf32, #tpu.memory_space<vmem>>) target(%dma_start3A_524 : memref<10240x8xf32, #tpu.memory_space<vmem_shared>>) offsets(%dma_start3A_521 : memref<128xi32, #tpu.memory_space<vmem>>) semaphore(%arg14 : memref<!tpu.dma_semaphore, #tpu.memory_space<semaphore_mem>>) {add = true}
      %dma_start3A_525 = arith.constant 0 : i32
      %dma_start3A_526 = arith.constant 4 : i32
      %dma_start3A_527 = arith.constant 0 : i32
      %dma_start3A_528 = arith.constant 4 : i32
      %dma_start3A_529 = arith.constant 0 : i32
      %dma_start3A_530 = arith.constant 0 : i32
      %dma_start3A_531 = tpu.memref_slice %arg9[%dma_start3A_525, %dma_start3A_526, %dma_start3A_529, %dma_start3A_530] : memref<2x16x128x8xf32, #tpu.memory_space<vmem>> -> memref<1x1x128x8xf32, #tpu.memory_space<vmem>>
      %dma_start3A_532 = tpu.memref_squeeze %dma_start3A_531 : memref<1x1x128x8xf32, #tpu.memory_space<vmem>> -> memref<128x8xf32, #tpu.memory_space<vmem>>
      %dma_start3A_533 = arith.constant 0 : i32
      %dma_start3A_534 = tpu.memref_slice %arg8[%dma_start3A_527, %dma_start3A_528, %dma_start3A_533] : memref<2x16x128xi32, #tpu.memory_space<vmem>> -> memref<1x1x128xi32, #tpu.memory_space<vmem>>
      %dma_start3A_535 = tpu.memref_squeeze %dma_start3A_534 : memref<1x1x128xi32, #tpu.memory_space<vmem>> -> memref<128xi32, #tpu.memory_space<vmem>>
      %dma_start3A_536 = arith.constant 0 : i32
      %dma_start3A_537 = arith.constant 0 : i32
      %dma_start3A_538 = tpu.memref_slice %arg11[%dma_start3A_536, %dma_start3A_537] : memref<10240x8xf32, #tpu.memory_space<vmem_shared>> -> memref<10240x8xf32, #tpu.memory_space<vmem_shared>>
      tpu.enqueue_indirect_dma source(%dma_start3A_532 : memref<128x8xf32, #tpu.memory_space<vmem>>) target(%dma_start3A_538 : memref<10240x8xf32, #tpu.memory_space<vmem_shared>>) offsets(%dma_start3A_535 : memref<128xi32, #tpu.memory_space<vmem>>) semaphore(%arg14 : memref<!tpu.dma_semaphore, #tpu.memory_space<semaphore_mem>>) {add = true}
      %dma_start3A_539 = arith.constant 0 : i32
      %dma_start3A_540 = arith.constant 5 : i32
      %dma_start3A_541 = arith.constant 0 : i32
      %dma_start3A_542 = arith.constant 5 : i32
      %dma_start3A_543 = arith.constant 0 : i32
      %dma_start3A_544 = arith.constant 0 : i32
      %dma_start3A_545 = tpu.memref_slice %arg9[%dma_start3A_539, %dma_start3A_540, %dma_start3A_543, %dma_start3A_544] : memref<2x16x128x8xf32, #tpu.memory_space<vmem>> -> memref<1x1x128x8xf32, #tpu.memory_space<vmem>>
      %dma_start3A_546 = tpu.memref_squeeze %dma_start3A_545 : memref<1x1x128x8xf32, #tpu.memory_space<vmem>> -> memref<128x8xf32, #tpu.memory_space<vmem>>
      %dma_start3A_547 = arith.constant 0 : i32
      %dma_start3A_548 = tpu.memref_slice %arg8[%dma_start3A_541, %dma_start3A_542, %dma_start3A_547] : memref<2x16x128xi32, #tpu.memory_space<vmem>> -> memref<1x1x128xi32, #tpu.memory_space<vmem>>
      %dma_start3A_549 = tpu.memref_squeeze %dma_start3A_548 : memref<1x1x128xi32, #tpu.memory_space<vmem>> -> memref<128xi32, #tpu.memory_space<vmem>>
      %dma_start3A_550 = arith.constant 0 : i32
      %dma_start3A_551 = arith.constant 0 : i32
      %dma_start3A_552 = tpu.memref_slice %arg11[%dma_start3A_550, %dma_start3A_551] : memref<10240x8xf32, #tpu.memory_space<vmem_shared>> -> memref<10240x8xf32, #tpu.memory_space<vmem_shared>>
      tpu.enqueue_indirect_dma source(%dma_start3A_546 : memref<128x8xf32, #tpu.memory_space<vmem>>) target(%dma_start3A_552 : memref<10240x8xf32, #tpu.memory_space<vmem_shared>>) offsets(%dma_start3A_549 : memref<128xi32, #tpu.memory_space<vmem>>) semaphore(%arg14 : memref<!tpu.dma_semaphore, #tpu.memory_space<semaphore_mem>>) {add = true}
      %dma_start3A_553 = arith.constant 0 : i32
      %dma_start3A_554 = arith.constant 6 : i32
      %dma_start3A_555 = arith.constant 0 : i32
      %dma_start3A_556 = arith.constant 6 : i32
      %dma_start3A_557 = arith.constant 0 : i32
      %dma_start3A_558 = arith.constant 0 : i32
      %dma_start3A_559 = tpu.memref_slice %arg9[%dma_start3A_553, %dma_start3A_554, %dma_start3A_557, %dma_start3A_558] : memref<2x16x128x8xf32, #tpu.memory_space<vmem>> -> memref<1x1x128x8xf32, #tpu.memory_space<vmem>>
      %dma_start3A_560 = tpu.memref_squeeze %dma_start3A_559 : memref<1x1x128x8xf32, #tpu.memory_space<vmem>> -> memref<128x8xf32, #tpu.memory_space<vmem>>
      %dma_start3A_561 = arith.constant 0 : i32
      %dma_start3A_562 = tpu.memref_slice %arg8[%dma_start3A_555, %dma_start3A_556, %dma_start3A_561] : memref<2x16x128xi32, #tpu.memory_space<vmem>> -> memref<1x1x128xi32, #tpu.memory_space<vmem>>
      %dma_start3A_563 = tpu.memref_squeeze %dma_start3A_562 : memref<1x1x128xi32, #tpu.memory_space<vmem>> -> memref<128xi32, #tpu.memory_space<vmem>>
      %dma_start3A_564 = arith.constant 0 : i32
      %dma_start3A_565 = arith.constant 0 : i32
      %dma_start3A_566 = tpu.memref_slice %arg11[%dma_start3A_564, %dma_start3A_565] : memref<10240x8xf32, #tpu.memory_space<vmem_shared>> -> memref<10240x8xf32, #tpu.memory_space<vmem_shared>>
      tpu.enqueue_indirect_dma source(%dma_start3A_560 : memref<128x8xf32, #tpu.memory_space<vmem>>) target(%dma_start3A_566 : memref<10240x8xf32, #tpu.memory_space<vmem_shared>>) offsets(%dma_start3A_563 : memref<128xi32, #tpu.memory_space<vmem>>) semaphore(%arg14 : memref<!tpu.dma_semaphore, #tpu.memory_space<semaphore_mem>>) {add = true}
      %dma_start3A_567 = arith.constant 0 : i32
      %dma_start3A_568 = arith.constant 7 : i32
      %dma_start3A_569 = arith.constant 0 : i32
      %dma_start3A_570 = arith.constant 7 : i32
      %dma_start3A_571 = arith.constant 0 : i32
      %dma_start3A_572 = arith.constant 0 : i32
      %dma_start3A_573 = tpu.memref_slice %arg9[%dma_start3A_567, %dma_start3A_568, %dma_start3A_571, %dma_start3A_572] : memref<2x16x128x8xf32, #tpu.memory_space<vmem>> -> memref<1x1x128x8xf32, #tpu.memory_space<vmem>>
      %dma_start3A_574 = tpu.memref_squeeze %dma_start3A_573 : memref<1x1x128x8xf32, #tpu.memory_space<vmem>> -> memref<128x8xf32, #tpu.memory_space<vmem>>
      %dma_start3A_575 = arith.constant 0 : i32
      %dma_start3A_576 = tpu.memref_slice %arg8[%dma_start3A_569, %dma_start3A_570, %dma_start3A_575] : memref<2x16x128xi32, #tpu.memory_space<vmem>> -> memref<1x1x128xi32, #tpu.memory_space<vmem>>
      %dma_start3A_577 = tpu.memref_squeeze %dma_start3A_576 : memref<1x1x128xi32, #tpu.memory_space<vmem>> -> memref<128xi32, #tpu.memory_space<vmem>>
      %dma_start3A_578 = arith.constant 0 : i32
      %dma_start3A_579 = arith.constant 0 : i32
      %dma_start3A_580 = tpu.memref_slice %arg11[%dma_start3A_578, %dma_start3A_579] : memref<10240x8xf32, #tpu.memory_space<vmem_shared>> -> memref<10240x8xf32, #tpu.memory_space<vmem_shared>>
      tpu.enqueue_indirect_dma source(%dma_start3A_574 : memref<128x8xf32, #tpu.memory_space<vmem>>) target(%dma_start3A_580 : memref<10240x8xf32, #tpu.memory_space<vmem_shared>>) offsets(%dma_start3A_577 : memref<128xi32, #tpu.memory_space<vmem>>) semaphore(%arg14 : memref<!tpu.dma_semaphore, #tpu.memory_space<semaphore_mem>>) {add = true}
      %dma_start3A_581 = arith.constant 0 : i32
      %dma_start3A_582 = arith.constant 8 : i32
      %dma_start3A_583 = arith.constant 0 : i32
      %dma_start3A_584 = arith.constant 8 : i32
      %dma_start3A_585 = arith.constant 0 : i32
      %dma_start3A_586 = arith.constant 0 : i32
      %dma_start3A_587 = tpu.memref_slice %arg9[%dma_start3A_581, %dma_start3A_582, %dma_start3A_585, %dma_start3A_586] : memref<2x16x128x8xf32, #tpu.memory_space<vmem>> -> memref<1x1x128x8xf32, #tpu.memory_space<vmem>>
      %dma_start3A_588 = tpu.memref_squeeze %dma_start3A_587 : memref<1x1x128x8xf32, #tpu.memory_space<vmem>> -> memref<128x8xf32, #tpu.memory_space<vmem>>
      %dma_start3A_589 = arith.constant 0 : i32
      %dma_start3A_590 = tpu.memref_slice %arg8[%dma_start3A_583, %dma_start3A_584, %dma_start3A_589] : memref<2x16x128xi32, #tpu.memory_space<vmem>> -> memref<1x1x128xi32, #tpu.memory_space<vmem>>
      %dma_start3A_591 = tpu.memref_squeeze %dma_start3A_590 : memref<1x1x128xi32, #tpu.memory_space<vmem>> -> memref<128xi32, #tpu.memory_space<vmem>>
      %dma_start3A_592 = arith.constant 0 : i32
      %dma_start3A_593 = arith.constant 0 : i32
      %dma_start3A_594 = tpu.memref_slice %arg11[%dma_start3A_592, %dma_start3A_593] : memref<10240x8xf32, #tpu.memory_space<vmem_shared>> -> memref<10240x8xf32, #tpu.memory_space<vmem_shared>>
      tpu.enqueue_indirect_dma source(%dma_start3A_588 : memref<128x8xf32, #tpu.memory_space<vmem>>) target(%dma_start3A_594 : memref<10240x8xf32, #tpu.memory_space<vmem_shared>>) offsets(%dma_start3A_591 : memref<128xi32, #tpu.memory_space<vmem>>) semaphore(%arg14 : memref<!tpu.dma_semaphore, #tpu.memory_space<semaphore_mem>>) {add = true}
      %dma_start3A_595 = arith.constant 0 : i32
      %dma_start3A_596 = arith.constant 9 : i32
      %dma_start3A_597 = arith.constant 0 : i32
      %dma_start3A_598 = arith.constant 9 : i32
      %dma_start3A_599 = arith.constant 0 : i32
      %dma_start3A_600 = arith.constant 0 : i32
      %dma_start3A_601 = tpu.memref_slice %arg9[%dma_start3A_595, %dma_start3A_596, %dma_start3A_599, %dma_start3A_600] : memref<2x16x128x8xf32, #tpu.memory_space<vmem>> -> memref<1x1x128x8xf32, #tpu.memory_space<vmem>>
      %dma_start3A_602 = tpu.memref_squeeze %dma_start3A_601 : memref<1x1x128x8xf32, #tpu.memory_space<vmem>> -> memref<128x8xf32, #tpu.memory_space<vmem>>
      %dma_start3A_603 = arith.constant 0 : i32
      %dma_start3A_604 = tpu.memref_slice %arg8[%dma_start3A_597, %dma_start3A_598, %dma_start3A_603] : memref<2x16x128xi32, #tpu.memory_space<vmem>> -> memref<1x1x128xi32, #tpu.memory_space<vmem>>
      %dma_start3A_605 = tpu.memref_squeeze %dma_start3A_604 : memref<1x1x128xi32, #tpu.memory_space<vmem>> -> memref<128xi32, #tpu.memory_space<vmem>>
      %dma_start3A_606 = arith.constant 0 : i32
      %dma_start3A_607 = arith.constant 0 : i32
      %dma_start3A_608 = tpu.memref_slice %arg11[%dma_start3A_606, %dma_start3A_607] : memref<10240x8xf32, #tpu.memory_space<vmem_shared>> -> memref<10240x8xf32, #tpu.memory_space<vmem_shared>>
      tpu.enqueue_indirect_dma source(%dma_start3A_602 : memref<128x8xf32, #tpu.memory_space<vmem>>) target(%dma_start3A_608 : memref<10240x8xf32, #tpu.memory_space<vmem_shared>>) offsets(%dma_start3A_605 : memref<128xi32, #tpu.memory_space<vmem>>) semaphore(%arg14 : memref<!tpu.dma_semaphore, #tpu.memory_space<semaphore_mem>>) {add = true}
      %dma_start3A_609 = arith.constant 0 : i32
      %dma_start3A_610 = arith.constant 10 : i32
      %dma_start3A_611 = arith.constant 0 : i32
      %dma_start3A_612 = arith.constant 10 : i32
      %dma_start3A_613 = arith.constant 0 : i32
      %dma_start3A_614 = arith.constant 0 : i32
      %dma_start3A_615 = tpu.memref_slice %arg9[%dma_start3A_609, %dma_start3A_610, %dma_start3A_613, %dma_start3A_614] : memref<2x16x128x8xf32, #tpu.memory_space<vmem>> -> memref<1x1x128x8xf32, #tpu.memory_space<vmem>>
      %dma_start3A_616 = tpu.memref_squeeze %dma_start3A_615 : memref<1x1x128x8xf32, #tpu.memory_space<vmem>> -> memref<128x8xf32, #tpu.memory_space<vmem>>
      %dma_start3A_617 = arith.constant 0 : i32
      %dma_start3A_618 = tpu.memref_slice %arg8[%dma_start3A_611, %dma_start3A_612, %dma_start3A_617] : memref<2x16x128xi32, #tpu.memory_space<vmem>> -> memref<1x1x128xi32, #tpu.memory_space<vmem>>
      %dma_start3A_619 = tpu.memref_squeeze %dma_start3A_618 : memref<1x1x128xi32, #tpu.memory_space<vmem>> -> memref<128xi32, #tpu.memory_space<vmem>>
      %dma_start3A_620 = arith.constant 0 : i32
      %dma_start3A_621 = arith.constant 0 : i32
      %dma_start3A_622 = tpu.memref_slice %arg11[%dma_start3A_620, %dma_start3A_621] : memref<10240x8xf32, #tpu.memory_space<vmem_shared>> -> memref<10240x8xf32, #tpu.memory_space<vmem_shared>>
      tpu.enqueue_indirect_dma source(%dma_start3A_616 : memref<128x8xf32, #tpu.memory_space<vmem>>) target(%dma_start3A_622 : memref<10240x8xf32, #tpu.memory_space<vmem_shared>>) offsets(%dma_start3A_619 : memref<128xi32, #tpu.memory_space<vmem>>) semaphore(%arg14 : memref<!tpu.dma_semaphore, #tpu.memory_space<semaphore_mem>>) {add = true}
      %dma_start3A_623 = arith.constant 0 : i32
      %dma_start3A_624 = arith.constant 11 : i32
      %dma_start3A_625 = arith.constant 0 : i32
      %dma_start3A_626 = arith.constant 11 : i32
      %dma_start3A_627 = arith.constant 0 : i32
      %dma_start3A_628 = arith.constant 0 : i32
      %dma_start3A_629 = tpu.memref_slice %arg9[%dma_start3A_623, %dma_start3A_624, %dma_start3A_627, %dma_start3A_628] : memref<2x16x128x8xf32, #tpu.memory_space<vmem>> -> memref<1x1x128x8xf32, #tpu.memory_space<vmem>>
      %dma_start3A_630 = tpu.memref_squeeze %dma_start3A_629 : memref<1x1x128x8xf32, #tpu.memory_space<vmem>> -> memref<128x8xf32, #tpu.memory_space<vmem>>
      %dma_start3A_631 = arith.constant 0 : i32
      %dma_start3A_632 = tpu.memref_slice %arg8[%dma_start3A_625, %dma_start3A_626, %dma_start3A_631] : memref<2x16x128xi32, #tpu.memory_space<vmem>> -> memref<1x1x128xi32, #tpu.memory_space<vmem>>
      %dma_start3A_633 = tpu.memref_squeeze %dma_start3A_632 : memref<1x1x128xi32, #tpu.memory_space<vmem>> -> memref<128xi32, #tpu.memory_space<vmem>>
      %dma_start3A_634 = arith.constant 0 : i32
      %dma_start3A_635 = arith.constant 0 : i32
      %dma_start3A_636 = tpu.memref_slice %arg11[%dma_start3A_634, %dma_start3A_635] : memref<10240x8xf32, #tpu.memory_space<vmem_shared>> -> memref<10240x8xf32, #tpu.memory_space<vmem_shared>>
      tpu.enqueue_indirect_dma source(%dma_start3A_630 : memref<128x8xf32, #tpu.memory_space<vmem>>) target(%dma_start3A_636 : memref<10240x8xf32, #tpu.memory_space<vmem_shared>>) offsets(%dma_start3A_633 : memref<128xi32, #tpu.memory_space<vmem>>) semaphore(%arg14 : memref<!tpu.dma_semaphore, #tpu.memory_space<semaphore_mem>>) {add = true}
      %dma_start3A_637 = arith.constant 0 : i32
      %dma_start3A_638 = arith.constant 12 : i32
      %dma_start3A_639 = arith.constant 0 : i32
      %dma_start3A_640 = arith.constant 12 : i32
      %dma_start3A_641 = arith.constant 0 : i32
      %dma_start3A_642 = arith.constant 0 : i32
      %dma_start3A_643 = tpu.memref_slice %arg9[%dma_start3A_637, %dma_start3A_638, %dma_start3A_641, %dma_start3A_642] : memref<2x16x128x8xf32, #tpu.memory_space<vmem>> -> memref<1x1x128x8xf32, #tpu.memory_space<vmem>>
      %dma_start3A_644 = tpu.memref_squeeze %dma_start3A_643 : memref<1x1x128x8xf32, #tpu.memory_space<vmem>> -> memref<128x8xf32, #tpu.memory_space<vmem>>
      %dma_start3A_645 = arith.constant 0 : i32
      %dma_start3A_646 = tpu.memref_slice %arg8[%dma_start3A_639, %dma_start3A_640, %dma_start3A_645] : memref<2x16x128xi32, #tpu.memory_space<vmem>> -> memref<1x1x128xi32, #tpu.memory_space<vmem>>
      %dma_start3A_647 = tpu.memref_squeeze %dma_start3A_646 : memref<1x1x128xi32, #tpu.memory_space<vmem>> -> memref<128xi32, #tpu.memory_space<vmem>>
      %dma_start3A_648 = arith.constant 0 : i32
      %dma_start3A_649 = arith.constant 0 : i32
      %dma_start3A_650 = tpu.memref_slice %arg11[%dma_start3A_648, %dma_start3A_649] : memref<10240x8xf32, #tpu.memory_space<vmem_shared>> -> memref<10240x8xf32, #tpu.memory_space<vmem_shared>>
      tpu.enqueue_indirect_dma source(%dma_start3A_644 : memref<128x8xf32, #tpu.memory_space<vmem>>) target(%dma_start3A_650 : memref<10240x8xf32, #tpu.memory_space<vmem_shared>>) offsets(%dma_start3A_647 : memref<128xi32, #tpu.memory_space<vmem>>) semaphore(%arg14 : memref<!tpu.dma_semaphore, #tpu.memory_space<semaphore_mem>>) {add = true}
      %dma_start3A_651 = arith.constant 0 : i32
      %dma_start3A_652 = arith.constant 13 : i32
      %dma_start3A_653 = arith.constant 0 : i32
      %dma_start3A_654 = arith.constant 13 : i32
      %dma_start3A_655 = arith.constant 0 : i32
      %dma_start3A_656 = arith.constant 0 : i32
      %dma_start3A_657 = tpu.memref_slice %arg9[%dma_start3A_651, %dma_start3A_652, %dma_start3A_655, %dma_start3A_656] : memref<2x16x128x8xf32, #tpu.memory_space<vmem>> -> memref<1x1x128x8xf32, #tpu.memory_space<vmem>>
      %dma_start3A_658 = tpu.memref_squeeze %dma_start3A_657 : memref<1x1x128x8xf32, #tpu.memory_space<vmem>> -> memref<128x8xf32, #tpu.memory_space<vmem>>
      %dma_start3A_659 = arith.constant 0 : i32
      %dma_start3A_660 = tpu.memref_slice %arg8[%dma_start3A_653, %dma_start3A_654, %dma_start3A_659] : memref<2x16x128xi32, #tpu.memory_space<vmem>> -> memref<1x1x128xi32, #tpu.memory_space<vmem>>
      %dma_start3A_661 = tpu.memref_squeeze %dma_start3A_660 : memref<1x1x128xi32, #tpu.memory_space<vmem>> -> memref<128xi32, #tpu.memory_space<vmem>>
      %dma_start3A_662 = arith.constant 0 : i32
      %dma_start3A_663 = arith.constant 0 : i32
      %dma_start3A_664 = tpu.memref_slice %arg11[%dma_start3A_662, %dma_start3A_663] : memref<10240x8xf32, #tpu.memory_space<vmem_shared>> -> memref<10240x8xf32, #tpu.memory_space<vmem_shared>>
      tpu.enqueue_indirect_dma source(%dma_start3A_658 : memref<128x8xf32, #tpu.memory_space<vmem>>) target(%dma_start3A_664 : memref<10240x8xf32, #tpu.memory_space<vmem_shared>>) offsets(%dma_start3A_661 : memref<128xi32, #tpu.memory_space<vmem>>) semaphore(%arg14 : memref<!tpu.dma_semaphore, #tpu.memory_space<semaphore_mem>>) {add = true}
      %dma_start3A_665 = arith.constant 0 : i32
      %dma_start3A_666 = arith.constant 14 : i32
      %dma_start3A_667 = arith.constant 0 : i32
      %dma_start3A_668 = arith.constant 14 : i32
      %dma_start3A_669 = arith.constant 0 : i32
      %dma_start3A_670 = arith.constant 0 : i32
      %dma_start3A_671 = tpu.memref_slice %arg9[%dma_start3A_665, %dma_start3A_666, %dma_start3A_669, %dma_start3A_670] : memref<2x16x128x8xf32, #tpu.memory_space<vmem>> -> memref<1x1x128x8xf32, #tpu.memory_space<vmem>>
      %dma_start3A_672 = tpu.memref_squeeze %dma_start3A_671 : memref<1x1x128x8xf32, #tpu.memory_space<vmem>> -> memref<128x8xf32, #tpu.memory_space<vmem>>
      %dma_start3A_673 = arith.constant 0 : i32
      %dma_start3A_674 = tpu.memref_slice %arg8[%dma_start3A_667, %dma_start3A_668, %dma_start3A_673] : memref<2x16x128xi32, #tpu.memory_space<vmem>> -> memref<1x1x128xi32, #tpu.memory_space<vmem>>
      %dma_start3A_675 = tpu.memref_squeeze %dma_start3A_674 : memref<1x1x128xi32, #tpu.memory_space<vmem>> -> memref<128xi32, #tpu.memory_space<vmem>>
      %dma_start3A_676 = arith.constant 0 : i32
      %dma_start3A_677 = arith.constant 0 : i32
      %dma_start3A_678 = tpu.memref_slice %arg11[%dma_start3A_676, %dma_start3A_677] : memref<10240x8xf32, #tpu.memory_space<vmem_shared>> -> memref<10240x8xf32, #tpu.memory_space<vmem_shared>>
      tpu.enqueue_indirect_dma source(%dma_start3A_672 : memref<128x8xf32, #tpu.memory_space<vmem>>) target(%dma_start3A_678 : memref<10240x8xf32, #tpu.memory_space<vmem_shared>>) offsets(%dma_start3A_675 : memref<128xi32, #tpu.memory_space<vmem>>) semaphore(%arg14 : memref<!tpu.dma_semaphore, #tpu.memory_space<semaphore_mem>>) {add = true}
      %dma_start3A_679 = arith.constant 0 : i32
      %dma_start3A_680 = arith.constant 15 : i32
      %dma_start3A_681 = arith.constant 0 : i32
      %dma_start3A_682 = arith.constant 15 : i32
      %dma_start3A_683 = arith.constant 0 : i32
      %dma_start3A_684 = arith.constant 0 : i32
      %dma_start3A_685 = tpu.memref_slice %arg9[%dma_start3A_679, %dma_start3A_680, %dma_start3A_683, %dma_start3A_684] : memref<2x16x128x8xf32, #tpu.memory_space<vmem>> -> memref<1x1x128x8xf32, #tpu.memory_space<vmem>>
      %dma_start3A_686 = tpu.memref_squeeze %dma_start3A_685 : memref<1x1x128x8xf32, #tpu.memory_space<vmem>> -> memref<128x8xf32, #tpu.memory_space<vmem>>
      %dma_start3A_687 = arith.constant 0 : i32
      %dma_start3A_688 = tpu.memref_slice %arg8[%dma_start3A_681, %dma_start3A_682, %dma_start3A_687] : memref<2x16x128xi32, #tpu.memory_space<vmem>> -> memref<1x1x128xi32, #tpu.memory_space<vmem>>
      %dma_start3A_689 = tpu.memref_squeeze %dma_start3A_688 : memref<1x1x128xi32, #tpu.memory_space<vmem>> -> memref<128xi32, #tpu.memory_space<vmem>>
      %dma_start3A_690 = arith.constant 0 : i32
      %dma_start3A_691 = arith.constant 0 : i32
      %dma_start3A_692 = tpu.memref_slice %arg11[%dma_start3A_690, %dma_start3A_691] : memref<10240x8xf32, #tpu.memory_space<vmem_shared>> -> memref<10240x8xf32, #tpu.memory_space<vmem_shared>>
      tpu.enqueue_indirect_dma source(%dma_start3A_686 : memref<128x8xf32, #tpu.memory_space<vmem>>) target(%dma_start3A_692 : memref<10240x8xf32, #tpu.memory_space<vmem_shared>>) offsets(%dma_start3A_689 : memref<128xi32, #tpu.memory_space<vmem>>) semaphore(%arg14 : memref<!tpu.dma_semaphore, #tpu.memory_space<semaphore_mem>>) {add = true}
      %dma_wait3A_693 = arith.constant 0 : i32
      %dma_wait3A_694 = arith.constant 0 : i32
      %dma_wait3A_695 = arith.constant 0 : i32
      %dma_wait3A_696 = arith.constant 0 : i32
      %dma_wait3A_697 = arith.constant 0 : i32
      %dma_wait3A_698 = arith.constant 0 : i32
      %dma_wait3A_699 = tpu.memref_slice %arg9[%dma_wait3A_693, %dma_wait3A_694, %dma_wait3A_697, %dma_wait3A_698] : memref<2x16x128x8xf32, #tpu.memory_space<vmem>> -> memref<1x1x128x8xf32, #tpu.memory_space<vmem>>
      %dma_wait3A_700 = tpu.memref_squeeze %dma_wait3A_699 : memref<1x1x128x8xf32, #tpu.memory_space<vmem>> -> memref<128x8xf32, #tpu.memory_space<vmem>>
      %dma_wait3A_701 = arith.constant 0 : i32
      %dma_wait3A_702 = tpu.memref_slice %arg8[%dma_wait3A_695, %dma_wait3A_696, %dma_wait3A_701] : memref<2x16x128xi32, #tpu.memory_space<vmem>> -> memref<1x1x128xi32, #tpu.memory_space<vmem>>
      %dma_wait3A_703 = tpu.memref_squeeze %dma_wait3A_702 : memref<1x1x128xi32, #tpu.memory_space<vmem>> -> memref<128xi32, #tpu.memory_space<vmem>>
      %dma_wait3A_704 = arith.constant 0 : i32
      %dma_wait3A_705 = arith.constant 0 : i32
      %dma_wait3A_706 = tpu.memref_slice %arg11[%dma_wait3A_704, %dma_wait3A_705] : memref<10240x8xf32, #tpu.memory_space<vmem_shared>> -> memref<10240x8xf32, #tpu.memory_space<vmem_shared>>
      tpu.wait_indirect_dma semaphore(%arg14 : memref<!tpu.dma_semaphore, #tpu.memory_space<semaphore_mem>>) src(%dma_wait3A_700 : memref<128x8xf32, #tpu.memory_space<vmem>>) dst(%dma_wait3A_706 : memref<10240x8xf32, #tpu.memory_space<vmem_shared>>)
      %dma_wait3A_707 = arith.constant 0 : i32
      %dma_wait3A_708 = arith.constant 1 : i32
      %dma_wait3A_709 = arith.constant 0 : i32
      %dma_wait3A_710 = arith.constant 1 : i32
      %dma_wait3A_711 = arith.constant 0 : i32
      %dma_wait3A_712 = arith.constant 0 : i32
      %dma_wait3A_713 = tpu.memref_slice %arg9[%dma_wait3A_707, %dma_wait3A_708, %dma_wait3A_711, %dma_wait3A_712] : memref<2x16x128x8xf32, #tpu.memory_space<vmem>> -> memref<1x1x128x8xf32, #tpu.memory_space<vmem>>
      %dma_wait3A_714 = tpu.memref_squeeze %dma_wait3A_713 : memref<1x1x128x8xf32, #tpu.memory_space<vmem>> -> memref<128x8xf32, #tpu.memory_space<vmem>>
      %dma_wait3A_715 = arith.constant 0 : i32
      %dma_wait3A_716 = tpu.memref_slice %arg8[%dma_wait3A_709, %dma_wait3A_710, %dma_wait3A_715] : memref<2x16x128xi32, #tpu.memory_space<vmem>> -> memref<1x1x128xi32, #tpu.memory_space<vmem>>
      %dma_wait3A_717 = tpu.memref_squeeze %dma_wait3A_716 : memref<1x1x128xi32, #tpu.memory_space<vmem>> -> memref<128xi32, #tpu.memory_space<vmem>>
      %dma_wait3A_718 = arith.constant 0 : i32
      %dma_wait3A_719 = arith.constant 0 : i32
      %dma_wait3A_720 = tpu.memref_slice %arg11[%dma_wait3A_718, %dma_wait3A_719] : memref<10240x8xf32, #tpu.memory_space<vmem_shared>> -> memref<10240x8xf32, #tpu.memory_space<vmem_shared>>
      tpu.wait_indirect_dma semaphore(%arg14 : memref<!tpu.dma_semaphore, #tpu.memory_space<semaphore_mem>>) src(%dma_wait3A_714 : memref<128x8xf32, #tpu.memory_space<vmem>>) dst(%dma_wait3A_720 : memref<10240x8xf32, #tpu.memory_space<vmem_shared>>)
      %dma_wait3A_721 = arith.constant 0 : i32
      %dma_wait3A_722 = arith.constant 2 : i32
      %dma_wait3A_723 = arith.constant 0 : i32
      %dma_wait3A_724 = arith.constant 2 : i32
      %dma_wait3A_725 = arith.constant 0 : i32
      %dma_wait3A_726 = arith.constant 0 : i32
      %dma_wait3A_727 = tpu.memref_slice %arg9[%dma_wait3A_721, %dma_wait3A_722, %dma_wait3A_725, %dma_wait3A_726] : memref<2x16x128x8xf32, #tpu.memory_space<vmem>> -> memref<1x1x128x8xf32, #tpu.memory_space<vmem>>
      %dma_wait3A_728 = tpu.memref_squeeze %dma_wait3A_727 : memref<1x1x128x8xf32, #tpu.memory_space<vmem>> -> memref<128x8xf32, #tpu.memory_space<vmem>>
      %dma_wait3A_729 = arith.constant 0 : i32
      %dma_wait3A_730 = tpu.memref_slice %arg8[%dma_wait3A_723, %dma_wait3A_724, %dma_wait3A_729] : memref<2x16x128xi32, #tpu.memory_space<vmem>> -> memref<1x1x128xi32, #tpu.memory_space<vmem>>
      %dma_wait3A_731 = tpu.memref_squeeze %dma_wait3A_730 : memref<1x1x128xi32, #tpu.memory_space<vmem>> -> memref<128xi32, #tpu.memory_space<vmem>>
      %dma_wait3A_732 = arith.constant 0 : i32
      %dma_wait3A_733 = arith.constant 0 : i32
      %dma_wait3A_734 = tpu.memref_slice %arg11[%dma_wait3A_732, %dma_wait3A_733] : memref<10240x8xf32, #tpu.memory_space<vmem_shared>> -> memref<10240x8xf32, #tpu.memory_space<vmem_shared>>
      tpu.wait_indirect_dma semaphore(%arg14 : memref<!tpu.dma_semaphore, #tpu.memory_space<semaphore_mem>>) src(%dma_wait3A_728 : memref<128x8xf32, #tpu.memory_space<vmem>>) dst(%dma_wait3A_734 : memref<10240x8xf32, #tpu.memory_space<vmem_shared>>)
      %dma_wait3A_735 = arith.constant 0 : i32
      %dma_wait3A_736 = arith.constant 3 : i32
      %dma_wait3A_737 = arith.constant 0 : i32
      %dma_wait3A_738 = arith.constant 3 : i32
      %dma_wait3A_739 = arith.constant 0 : i32
      %dma_wait3A_740 = arith.constant 0 : i32
      %dma_wait3A_741 = tpu.memref_slice %arg9[%dma_wait3A_735, %dma_wait3A_736, %dma_wait3A_739, %dma_wait3A_740] : memref<2x16x128x8xf32, #tpu.memory_space<vmem>> -> memref<1x1x128x8xf32, #tpu.memory_space<vmem>>
      %dma_wait3A_742 = tpu.memref_squeeze %dma_wait3A_741 : memref<1x1x128x8xf32, #tpu.memory_space<vmem>> -> memref<128x8xf32, #tpu.memory_space<vmem>>
      %dma_wait3A_743 = arith.constant 0 : i32
      %dma_wait3A_744 = tpu.memref_slice %arg8[%dma_wait3A_737, %dma_wait3A_738, %dma_wait3A_743] : memref<2x16x128xi32, #tpu.memory_space<vmem>> -> memref<1x1x128xi32, #tpu.memory_space<vmem>>
      %dma_wait3A_745 = tpu.memref_squeeze %dma_wait3A_744 : memref<1x1x128xi32, #tpu.memory_space<vmem>> -> memref<128xi32, #tpu.memory_space<vmem>>
      %dma_wait3A_746 = arith.constant 0 : i32
      %dma_wait3A_747 = arith.constant 0 : i32
      %dma_wait3A_748 = tpu.memref_slice %arg11[%dma_wait3A_746, %dma_wait3A_747] : memref<10240x8xf32, #tpu.memory_space<vmem_shared>> -> memref<10240x8xf32, #tpu.memory_space<vmem_shared>>
      tpu.wait_indirect_dma semaphore(%arg14 : memref<!tpu.dma_semaphore, #tpu.memory_space<semaphore_mem>>) src(%dma_wait3A_742 : memref<128x8xf32, #tpu.memory_space<vmem>>) dst(%dma_wait3A_748 : memref<10240x8xf32, #tpu.memory_space<vmem_shared>>)
      %dma_wait3A_749 = arith.constant 0 : i32
      %dma_wait3A_750 = arith.constant 4 : i32
      %dma_wait3A_751 = arith.constant 0 : i32
      %dma_wait3A_752 = arith.constant 4 : i32
      %dma_wait3A_753 = arith.constant 0 : i32
      %dma_wait3A_754 = arith.constant 0 : i32
      %dma_wait3A_755 = tpu.memref_slice %arg9[%dma_wait3A_749, %dma_wait3A_750, %dma_wait3A_753, %dma_wait3A_754] : memref<2x16x128x8xf32, #tpu.memory_space<vmem>> -> memref<1x1x128x8xf32, #tpu.memory_space<vmem>>
      %dma_wait3A_756 = tpu.memref_squeeze %dma_wait3A_755 : memref<1x1x128x8xf32, #tpu.memory_space<vmem>> -> memref<128x8xf32, #tpu.memory_space<vmem>>
      %dma_wait3A_757 = arith.constant 0 : i32
      %dma_wait3A_758 = tpu.memref_slice %arg8[%dma_wait3A_751, %dma_wait3A_752, %dma_wait3A_757] : memref<2x16x128xi32, #tpu.memory_space<vmem>> -> memref<1x1x128xi32, #tpu.memory_space<vmem>>
      %dma_wait3A_759 = tpu.memref_squeeze %dma_wait3A_758 : memref<1x1x128xi32, #tpu.memory_space<vmem>> -> memref<128xi32, #tpu.memory_space<vmem>>
      %dma_wait3A_760 = arith.constant 0 : i32
      %dma_wait3A_761 = arith.constant 0 : i32
      %dma_wait3A_762 = tpu.memref_slice %arg11[%dma_wait3A_760, %dma_wait3A_761] : memref<10240x8xf32, #tpu.memory_space<vmem_shared>> -> memref<10240x8xf32, #tpu.memory_space<vmem_shared>>
      tpu.wait_indirect_dma semaphore(%arg14 : memref<!tpu.dma_semaphore, #tpu.memory_space<semaphore_mem>>) src(%dma_wait3A_756 : memref<128x8xf32, #tpu.memory_space<vmem>>) dst(%dma_wait3A_762 : memref<10240x8xf32, #tpu.memory_space<vmem_shared>>)
      %dma_wait3A_763 = arith.constant 0 : i32
      %dma_wait3A_764 = arith.constant 5 : i32
      %dma_wait3A_765 = arith.constant 0 : i32
      %dma_wait3A_766 = arith.constant 5 : i32
      %dma_wait3A_767 = arith.constant 0 : i32
      %dma_wait3A_768 = arith.constant 0 : i32
      %dma_wait3A_769 = tpu.memref_slice %arg9[%dma_wait3A_763, %dma_wait3A_764, %dma_wait3A_767, %dma_wait3A_768] : memref<2x16x128x8xf32, #tpu.memory_space<vmem>> -> memref<1x1x128x8xf32, #tpu.memory_space<vmem>>
      %dma_wait3A_770 = tpu.memref_squeeze %dma_wait3A_769 : memref<1x1x128x8xf32, #tpu.memory_space<vmem>> -> memref<128x8xf32, #tpu.memory_space<vmem>>
      %dma_wait3A_771 = arith.constant 0 : i32
      %dma_wait3A_772 = tpu.memref_slice %arg8[%dma_wait3A_765, %dma_wait3A_766, %dma_wait3A_771] : memref<2x16x128xi32, #tpu.memory_space<vmem>> -> memref<1x1x128xi32, #tpu.memory_space<vmem>>
      %dma_wait3A_773 = tpu.memref_squeeze %dma_wait3A_772 : memref<1x1x128xi32, #tpu.memory_space<vmem>> -> memref<128xi32, #tpu.memory_space<vmem>>
      %dma_wait3A_774 = arith.constant 0 : i32
      %dma_wait3A_775 = arith.constant 0 : i32
      %dma_wait3A_776 = tpu.memref_slice %arg11[%dma_wait3A_774, %dma_wait3A_775] : memref<10240x8xf32, #tpu.memory_space<vmem_shared>> -> memref<10240x8xf32, #tpu.memory_space<vmem_shared>>
      tpu.wait_indirect_dma semaphore(%arg14 : memref<!tpu.dma_semaphore, #tpu.memory_space<semaphore_mem>>) src(%dma_wait3A_770 : memref<128x8xf32, #tpu.memory_space<vmem>>) dst(%dma_wait3A_776 : memref<10240x8xf32, #tpu.memory_space<vmem_shared>>)
      %dma_wait3A_777 = arith.constant 0 : i32
      %dma_wait3A_778 = arith.constant 6 : i32
      %dma_wait3A_779 = arith.constant 0 : i32
      %dma_wait3A_780 = arith.constant 6 : i32
      %dma_wait3A_781 = arith.constant 0 : i32
      %dma_wait3A_782 = arith.constant 0 : i32
      %dma_wait3A_783 = tpu.memref_slice %arg9[%dma_wait3A_777, %dma_wait3A_778, %dma_wait3A_781, %dma_wait3A_782] : memref<2x16x128x8xf32, #tpu.memory_space<vmem>> -> memref<1x1x128x8xf32, #tpu.memory_space<vmem>>
      %dma_wait3A_784 = tpu.memref_squeeze %dma_wait3A_783 : memref<1x1x128x8xf32, #tpu.memory_space<vmem>> -> memref<128x8xf32, #tpu.memory_space<vmem>>
      %dma_wait3A_785 = arith.constant 0 : i32
      %dma_wait3A_786 = tpu.memref_slice %arg8[%dma_wait3A_779, %dma_wait3A_780, %dma_wait3A_785] : memref<2x16x128xi32, #tpu.memory_space<vmem>> -> memref<1x1x128xi32, #tpu.memory_space<vmem>>
      %dma_wait3A_787 = tpu.memref_squeeze %dma_wait3A_786 : memref<1x1x128xi32, #tpu.memory_space<vmem>> -> memref<128xi32, #tpu.memory_space<vmem>>
      %dma_wait3A_788 = arith.constant 0 : i32
      %dma_wait3A_789 = arith.constant 0 : i32
      %dma_wait3A_790 = tpu.memref_slice %arg11[%dma_wait3A_788, %dma_wait3A_789] : memref<10240x8xf32, #tpu.memory_space<vmem_shared>> -> memref<10240x8xf32, #tpu.memory_space<vmem_shared>>
      tpu.wait_indirect_dma semaphore(%arg14 : memref<!tpu.dma_semaphore, #tpu.memory_space<semaphore_mem>>) src(%dma_wait3A_784 : memref<128x8xf32, #tpu.memory_space<vmem>>) dst(%dma_wait3A_790 : memref<10240x8xf32, #tpu.memory_space<vmem_shared>>)
      %dma_wait3A_791 = arith.constant 0 : i32
      %dma_wait3A_792 = arith.constant 7 : i32
      %dma_wait3A_793 = arith.constant 0 : i32
      %dma_wait3A_794 = arith.constant 7 : i32
      %dma_wait3A_795 = arith.constant 0 : i32
      %dma_wait3A_796 = arith.constant 0 : i32
      %dma_wait3A_797 = tpu.memref_slice %arg9[%dma_wait3A_791, %dma_wait3A_792, %dma_wait3A_795, %dma_wait3A_796] : memref<2x16x128x8xf32, #tpu.memory_space<vmem>> -> memref<1x1x128x8xf32, #tpu.memory_space<vmem>>
      %dma_wait3A_798 = tpu.memref_squeeze %dma_wait3A_797 : memref<1x1x128x8xf32, #tpu.memory_space<vmem>> -> memref<128x8xf32, #tpu.memory_space<vmem>>
      %dma_wait3A_799 = arith.constant 0 : i32
      %dma_wait3A_800 = tpu.memref_slice %arg8[%dma_wait3A_793, %dma_wait3A_794, %dma_wait3A_799] : memref<2x16x128xi32, #tpu.memory_space<vmem>> -> memref<1x1x128xi32, #tpu.memory_space<vmem>>
      %dma_wait3A_801 = tpu.memref_squeeze %dma_wait3A_800 : memref<1x1x128xi32, #tpu.memory_space<vmem>> -> memref<128xi32, #tpu.memory_space<vmem>>
      %dma_wait3A_802 = arith.constant 0 : i32
      %dma_wait3A_803 = arith.constant 0 : i32
      %dma_wait3A_804 = tpu.memref_slice %arg11[%dma_wait3A_802, %dma_wait3A_803] : memref<10240x8xf32, #tpu.memory_space<vmem_shared>> -> memref<10240x8xf32, #tpu.memory_space<vmem_shared>>
      tpu.wait_indirect_dma semaphore(%arg14 : memref<!tpu.dma_semaphore, #tpu.memory_space<semaphore_mem>>) src(%dma_wait3A_798 : memref<128x8xf32, #tpu.memory_space<vmem>>) dst(%dma_wait3A_804 : memref<10240x8xf32, #tpu.memory_space<vmem_shared>>)
      %dma_wait3A_805 = arith.constant 0 : i32
      %dma_wait3A_806 = arith.constant 8 : i32
      %dma_wait3A_807 = arith.constant 0 : i32
      %dma_wait3A_808 = arith.constant 8 : i32
      %dma_wait3A_809 = arith.constant 0 : i32
      %dma_wait3A_810 = arith.constant 0 : i32
      %dma_wait3A_811 = tpu.memref_slice %arg9[%dma_wait3A_805, %dma_wait3A_806, %dma_wait3A_809, %dma_wait3A_810] : memref<2x16x128x8xf32, #tpu.memory_space<vmem>> -> memref<1x1x128x8xf32, #tpu.memory_space<vmem>>
      %dma_wait3A_812 = tpu.memref_squeeze %dma_wait3A_811 : memref<1x1x128x8xf32, #tpu.memory_space<vmem>> -> memref<128x8xf32, #tpu.memory_space<vmem>>
      %dma_wait3A_813 = arith.constant 0 : i32
      %dma_wait3A_814 = tpu.memref_slice %arg8[%dma_wait3A_807, %dma_wait3A_808, %dma_wait3A_813] : memref<2x16x128xi32, #tpu.memory_space<vmem>> -> memref<1x1x128xi32, #tpu.memory_space<vmem>>
      %dma_wait3A_815 = tpu.memref_squeeze %dma_wait3A_814 : memref<1x1x128xi32, #tpu.memory_space<vmem>> -> memref<128xi32, #tpu.memory_space<vmem>>
      %dma_wait3A_816 = arith.constant 0 : i32
      %dma_wait3A_817 = arith.constant 0 : i32
      %dma_wait3A_818 = tpu.memref_slice %arg11[%dma_wait3A_816, %dma_wait3A_817] : memref<10240x8xf32, #tpu.memory_space<vmem_shared>> -> memref<10240x8xf32, #tpu.memory_space<vmem_shared>>
      tpu.wait_indirect_dma semaphore(%arg14 : memref<!tpu.dma_semaphore, #tpu.memory_space<semaphore_mem>>) src(%dma_wait3A_812 : memref<128x8xf32, #tpu.memory_space<vmem>>) dst(%dma_wait3A_818 : memref<10240x8xf32, #tpu.memory_space<vmem_shared>>)
      %dma_wait3A_819 = arith.constant 0 : i32
      %dma_wait3A_820 = arith.constant 9 : i32
      %dma_wait3A_821 = arith.constant 0 : i32
      %dma_wait3A_822 = arith.constant 9 : i32
      %dma_wait3A_823 = arith.constant 0 : i32
      %dma_wait3A_824 = arith.constant 0 : i32
      %dma_wait3A_825 = tpu.memref_slice %arg9[%dma_wait3A_819, %dma_wait3A_820, %dma_wait3A_823, %dma_wait3A_824] : memref<2x16x128x8xf32, #tpu.memory_space<vmem>> -> memref<1x1x128x8xf32, #tpu.memory_space<vmem>>
      %dma_wait3A_826 = tpu.memref_squeeze %dma_wait3A_825 : memref<1x1x128x8xf32, #tpu.memory_space<vmem>> -> memref<128x8xf32, #tpu.memory_space<vmem>>
      %dma_wait3A_827 = arith.constant 0 : i32
      %dma_wait3A_828 = tpu.memref_slice %arg8[%dma_wait3A_821, %dma_wait3A_822, %dma_wait3A_827] : memref<2x16x128xi32, #tpu.memory_space<vmem>> -> memref<1x1x128xi32, #tpu.memory_space<vmem>>
      %dma_wait3A_829 = tpu.memref_squeeze %dma_wait3A_828 : memref<1x1x128xi32, #tpu.memory_space<vmem>> -> memref<128xi32, #tpu.memory_space<vmem>>
      %dma_wait3A_830 = arith.constant 0 : i32
      %dma_wait3A_831 = arith.constant 0 : i32
      %dma_wait3A_832 = tpu.memref_slice %arg11[%dma_wait3A_830, %dma_wait3A_831] : memref<10240x8xf32, #tpu.memory_space<vmem_shared>> -> memref<10240x8xf32, #tpu.memory_space<vmem_shared>>
      tpu.wait_indirect_dma semaphore(%arg14 : memref<!tpu.dma_semaphore, #tpu.memory_space<semaphore_mem>>) src(%dma_wait3A_826 : memref<128x8xf32, #tpu.memory_space<vmem>>) dst(%dma_wait3A_832 : memref<10240x8xf32, #tpu.memory_space<vmem_shared>>)
      %dma_wait3A_833 = arith.constant 0 : i32
      %dma_wait3A_834 = arith.constant 10 : i32
      %dma_wait3A_835 = arith.constant 0 : i32
      %dma_wait3A_836 = arith.constant 10 : i32
      %dma_wait3A_837 = arith.constant 0 : i32
      %dma_wait3A_838 = arith.constant 0 : i32
      %dma_wait3A_839 = tpu.memref_slice %arg9[%dma_wait3A_833, %dma_wait3A_834, %dma_wait3A_837, %dma_wait3A_838] : memref<2x16x128x8xf32, #tpu.memory_space<vmem>> -> memref<1x1x128x8xf32, #tpu.memory_space<vmem>>
      %dma_wait3A_840 = tpu.memref_squeeze %dma_wait3A_839 : memref<1x1x128x8xf32, #tpu.memory_space<vmem>> -> memref<128x8xf32, #tpu.memory_space<vmem>>
      %dma_wait3A_841 = arith.constant 0 : i32
      %dma_wait3A_842 = tpu.memref_slice %arg8[%dma_wait3A_835, %dma_wait3A_836, %dma_wait3A_841] : memref<2x16x128xi32, #tpu.memory_space<vmem>> -> memref<1x1x128xi32, #tpu.memory_space<vmem>>
      %dma_wait3A_843 = tpu.memref_squeeze %dma_wait3A_842 : memref<1x1x128xi32, #tpu.memory_space<vmem>> -> memref<128xi32, #tpu.memory_space<vmem>>
      %dma_wait3A_844 = arith.constant 0 : i32
      %dma_wait3A_845 = arith.constant 0 : i32
      %dma_wait3A_846 = tpu.memref_slice %arg11[%dma_wait3A_844, %dma_wait3A_845] : memref<10240x8xf32, #tpu.memory_space<vmem_shared>> -> memref<10240x8xf32, #tpu.memory_space<vmem_shared>>
      tpu.wait_indirect_dma semaphore(%arg14 : memref<!tpu.dma_semaphore, #tpu.memory_space<semaphore_mem>>) src(%dma_wait3A_840 : memref<128x8xf32, #tpu.memory_space<vmem>>) dst(%dma_wait3A_846 : memref<10240x8xf32, #tpu.memory_space<vmem_shared>>)
      %dma_wait3A_847 = arith.constant 0 : i32
      %dma_wait3A_848 = arith.constant 11 : i32
      %dma_wait3A_849 = arith.constant 0 : i32
      %dma_wait3A_850 = arith.constant 11 : i32
      %dma_wait3A_851 = arith.constant 0 : i32
      %dma_wait3A_852 = arith.constant 0 : i32
      %dma_wait3A_853 = tpu.memref_slice %arg9[%dma_wait3A_847, %dma_wait3A_848, %dma_wait3A_851, %dma_wait3A_852] : memref<2x16x128x8xf32, #tpu.memory_space<vmem>> -> memref<1x1x128x8xf32, #tpu.memory_space<vmem>>
      %dma_wait3A_854 = tpu.memref_squeeze %dma_wait3A_853 : memref<1x1x128x8xf32, #tpu.memory_space<vmem>> -> memref<128x8xf32, #tpu.memory_space<vmem>>
      %dma_wait3A_855 = arith.constant 0 : i32
      %dma_wait3A_856 = tpu.memref_slice %arg8[%dma_wait3A_849, %dma_wait3A_850, %dma_wait3A_855] : memref<2x16x128xi32, #tpu.memory_space<vmem>> -> memref<1x1x128xi32, #tpu.memory_space<vmem>>
      %dma_wait3A_857 = tpu.memref_squeeze %dma_wait3A_856 : memref<1x1x128xi32, #tpu.memory_space<vmem>> -> memref<128xi32, #tpu.memory_space<vmem>>
      %dma_wait3A_858 = arith.constant 0 : i32
      %dma_wait3A_859 = arith.constant 0 : i32
      %dma_wait3A_860 = tpu.memref_slice %arg11[%dma_wait3A_858, %dma_wait3A_859] : memref<10240x8xf32, #tpu.memory_space<vmem_shared>> -> memref<10240x8xf32, #tpu.memory_space<vmem_shared>>
      tpu.wait_indirect_dma semaphore(%arg14 : memref<!tpu.dma_semaphore, #tpu.memory_space<semaphore_mem>>) src(%dma_wait3A_854 : memref<128x8xf32, #tpu.memory_space<vmem>>) dst(%dma_wait3A_860 : memref<10240x8xf32, #tpu.memory_space<vmem_shared>>)
      %dma_wait3A_861 = arith.constant 0 : i32
      %dma_wait3A_862 = arith.constant 12 : i32
      %dma_wait3A_863 = arith.constant 0 : i32
      %dma_wait3A_864 = arith.constant 12 : i32
      %dma_wait3A_865 = arith.constant 0 : i32
      %dma_wait3A_866 = arith.constant 0 : i32
      %dma_wait3A_867 = tpu.memref_slice %arg9[%dma_wait3A_861, %dma_wait3A_862, %dma_wait3A_865, %dma_wait3A_866] : memref<2x16x128x8xf32, #tpu.memory_space<vmem>> -> memref<1x1x128x8xf32, #tpu.memory_space<vmem>>
      %dma_wait3A_868 = tpu.memref_squeeze %dma_wait3A_867 : memref<1x1x128x8xf32, #tpu.memory_space<vmem>> -> memref<128x8xf32, #tpu.memory_space<vmem>>
      %dma_wait3A_869 = arith.constant 0 : i32
      %dma_wait3A_870 = tpu.memref_slice %arg8[%dma_wait3A_863, %dma_wait3A_864, %dma_wait3A_869] : memref<2x16x128xi32, #tpu.memory_space<vmem>> -> memref<1x1x128xi32, #tpu.memory_space<vmem>>
      %dma_wait3A_871 = tpu.memref_squeeze %dma_wait3A_870 : memref<1x1x128xi32, #tpu.memory_space<vmem>> -> memref<128xi32, #tpu.memory_space<vmem>>
      %dma_wait3A_872 = arith.constant 0 : i32
      %dma_wait3A_873 = arith.constant 0 : i32
      %dma_wait3A_874 = tpu.memref_slice %arg11[%dma_wait3A_872, %dma_wait3A_873] : memref<10240x8xf32, #tpu.memory_space<vmem_shared>> -> memref<10240x8xf32, #tpu.memory_space<vmem_shared>>
      tpu.wait_indirect_dma semaphore(%arg14 : memref<!tpu.dma_semaphore, #tpu.memory_space<semaphore_mem>>) src(%dma_wait3A_868 : memref<128x8xf32, #tpu.memory_space<vmem>>) dst(%dma_wait3A_874 : memref<10240x8xf32, #tpu.memory_space<vmem_shared>>)
      %dma_wait3A_875 = arith.constant 0 : i32
      %dma_wait3A_876 = arith.constant 13 : i32
      %dma_wait3A_877 = arith.constant 0 : i32
      %dma_wait3A_878 = arith.constant 13 : i32
      %dma_wait3A_879 = arith.constant 0 : i32
      %dma_wait3A_880 = arith.constant 0 : i32
      %dma_wait3A_881 = tpu.memref_slice %arg9[%dma_wait3A_875, %dma_wait3A_876, %dma_wait3A_879, %dma_wait3A_880] : memref<2x16x128x8xf32, #tpu.memory_space<vmem>> -> memref<1x1x128x8xf32, #tpu.memory_space<vmem>>
      %dma_wait3A_882 = tpu.memref_squeeze %dma_wait3A_881 : memref<1x1x128x8xf32, #tpu.memory_space<vmem>> -> memref<128x8xf32, #tpu.memory_space<vmem>>
      %dma_wait3A_883 = arith.constant 0 : i32
      %dma_wait3A_884 = tpu.memref_slice %arg8[%dma_wait3A_877, %dma_wait3A_878, %dma_wait3A_883] : memref<2x16x128xi32, #tpu.memory_space<vmem>> -> memref<1x1x128xi32, #tpu.memory_space<vmem>>
      %dma_wait3A_885 = tpu.memref_squeeze %dma_wait3A_884 : memref<1x1x128xi32, #tpu.memory_space<vmem>> -> memref<128xi32, #tpu.memory_space<vmem>>
      %dma_wait3A_886 = arith.constant 0 : i32
      %dma_wait3A_887 = arith.constant 0 : i32
      %dma_wait3A_888 = tpu.memref_slice %arg11[%dma_wait3A_886, %dma_wait3A_887] : memref<10240x8xf32, #tpu.memory_space<vmem_shared>> -> memref<10240x8xf32, #tpu.memory_space<vmem_shared>>
      tpu.wait_indirect_dma semaphore(%arg14 : memref<!tpu.dma_semaphore, #tpu.memory_space<semaphore_mem>>) src(%dma_wait3A_882 : memref<128x8xf32, #tpu.memory_space<vmem>>) dst(%dma_wait3A_888 : memref<10240x8xf32, #tpu.memory_space<vmem_shared>>)
      %dma_wait3A_889 = arith.constant 0 : i32
      %dma_wait3A_890 = arith.constant 14 : i32
      %dma_wait3A_891 = arith.constant 0 : i32
      %dma_wait3A_892 = arith.constant 14 : i32
      %dma_wait3A_893 = arith.constant 0 : i32
      %dma_wait3A_894 = arith.constant 0 : i32
      %dma_wait3A_895 = tpu.memref_slice %arg9[%dma_wait3A_889, %dma_wait3A_890, %dma_wait3A_893, %dma_wait3A_894] : memref<2x16x128x8xf32, #tpu.memory_space<vmem>> -> memref<1x1x128x8xf32, #tpu.memory_space<vmem>>
      %dma_wait3A_896 = tpu.memref_squeeze %dma_wait3A_895 : memref<1x1x128x8xf32, #tpu.memory_space<vmem>> -> memref<128x8xf32, #tpu.memory_space<vmem>>
      %dma_wait3A_897 = arith.constant 0 : i32
      %dma_wait3A_898 = tpu.memref_slice %arg8[%dma_wait3A_891, %dma_wait3A_892, %dma_wait3A_897] : memref<2x16x128xi32, #tpu.memory_space<vmem>> -> memref<1x1x128xi32, #tpu.memory_space<vmem>>
      %dma_wait3A_899 = tpu.memref_squeeze %dma_wait3A_898 : memref<1x1x128xi32, #tpu.memory_space<vmem>> -> memref<128xi32, #tpu.memory_space<vmem>>
      %dma_wait3A_900 = arith.constant 0 : i32
      %dma_wait3A_901 = arith.constant 0 : i32
      %dma_wait3A_902 = tpu.memref_slice %arg11[%dma_wait3A_900, %dma_wait3A_901] : memref<10240x8xf32, #tpu.memory_space<vmem_shared>> -> memref<10240x8xf32, #tpu.memory_space<vmem_shared>>
      tpu.wait_indirect_dma semaphore(%arg14 : memref<!tpu.dma_semaphore, #tpu.memory_space<semaphore_mem>>) src(%dma_wait3A_896 : memref<128x8xf32, #tpu.memory_space<vmem>>) dst(%dma_wait3A_902 : memref<10240x8xf32, #tpu.memory_space<vmem_shared>>)
      %dma_wait3A_903 = arith.constant 0 : i32
      %dma_wait3A_904 = arith.constant 15 : i32
      %dma_wait3A_905 = arith.constant 0 : i32
      %dma_wait3A_906 = arith.constant 15 : i32
      %dma_wait3A_907 = arith.constant 0 : i32
      %dma_wait3A_908 = arith.constant 0 : i32
      %dma_wait3A_909 = tpu.memref_slice %arg9[%dma_wait3A_903, %dma_wait3A_904, %dma_wait3A_907, %dma_wait3A_908] : memref<2x16x128x8xf32, #tpu.memory_space<vmem>> -> memref<1x1x128x8xf32, #tpu.memory_space<vmem>>
      %dma_wait3A_910 = tpu.memref_squeeze %dma_wait3A_909 : memref<1x1x128x8xf32, #tpu.memory_space<vmem>> -> memref<128x8xf32, #tpu.memory_space<vmem>>
      %dma_wait3A_911 = arith.constant 0 : i32
      %dma_wait3A_912 = tpu.memref_slice %arg8[%dma_wait3A_905, %dma_wait3A_906, %dma_wait3A_911] : memref<2x16x128xi32, #tpu.memory_space<vmem>> -> memref<1x1x128xi32, #tpu.memory_space<vmem>>
      %dma_wait3A_913 = tpu.memref_squeeze %dma_wait3A_912 : memref<1x1x128xi32, #tpu.memory_space<vmem>> -> memref<128xi32, #tpu.memory_space<vmem>>
      %dma_wait3A_914 = arith.constant 0 : i32
      %dma_wait3A_915 = arith.constant 0 : i32
      %dma_wait3A_916 = tpu.memref_slice %arg11[%dma_wait3A_914, %dma_wait3A_915] : memref<10240x8xf32, #tpu.memory_space<vmem_shared>> -> memref<10240x8xf32, #tpu.memory_space<vmem_shared>>
      tpu.wait_indirect_dma semaphore(%arg14 : memref<!tpu.dma_semaphore, #tpu.memory_space<semaphore_mem>>) src(%dma_wait3A_910 : memref<128x8xf32, #tpu.memory_space<vmem>>) dst(%dma_wait3A_916 : memref<10240x8xf32, #tpu.memory_space<vmem_shared>>)
    }
    %scan3A_9 = arith.constant 5 : i32
    %barrier3A_10 = arith.constant 0 : index
    tpu.barrier barrier_id(%barrier3A_10)
    %eq3A_11 = arith.constant 0 : i32
    %eq3A_12 = arith.cmpi eq, %arg1, %eq3A_11 : i32
    %convert_element_type3A_13 = arith.extui %eq3A_12 : i1 to i32
    %cond3A_14 = arith.constant 0 : i32
    %cond3A_15 = arith.cmpi ne, %convert_element_type3A_13, %cond3A_14 : i32
    scf.if %cond3A_15 {
      "tpu.region"() ({
        %run_scoped3A = tpu.sem_alloc : memref<!tpu.dma_semaphore, #tpu.memory_space<semaphore_mem>>
        %dma_start3A = arith.constant 0 : i32
        %dma_start3A_16 = arith.constant 0 : i32
        %dma_start3A_17 = tpu.memref_slice %arg6[%arg0, %dma_start3A, %dma_start3A_16] : memref<2x10240x8xf32, #tpu.memory_space<hbm>> -> memref<1x10240x8xf32, #tpu.memory_space<hbm>>
        %dma_start3A_18 = tpu.memref_squeeze %dma_start3A_17 : memref<1x10240x8xf32, #tpu.memory_space<hbm>> -> memref<10240x8xf32, #tpu.memory_space<hbm>>
        tpu.enqueue_dma source(%arg11 : memref<10240x8xf32, #tpu.memory_space<vmem_shared>>) target(%dma_start3A_18 : memref<10240x8xf32, #tpu.memory_space<hbm>>) target_semaphore(%run_scoped3A : memref<!tpu.dma_semaphore, #tpu.memory_space<semaphore_mem>>)
        %dma_wait3A = arith.constant 0 : i32
        %dma_wait3A_19 = arith.constant 0 : i32
        %dma_wait3A_20 = tpu.memref_slice %arg6[%arg0, %dma_wait3A, %dma_wait3A_19] : memref<2x10240x8xf32, #tpu.memory_space<hbm>> -> memref<1x10240x8xf32, #tpu.memory_space<hbm>>
        %dma_wait3A_21 = tpu.memref_squeeze %dma_wait3A_20 : memref<1x10240x8xf32, #tpu.memory_space<hbm>> -> memref<10240x8xf32, #tpu.memory_space<hbm>>
        tpu.wait_dma2 semaphore(%run_scoped3A : memref<!tpu.dma_semaphore, #tpu.memory_space<semaphore_mem>>) src(%arg11 : memref<10240x8xf32, #tpu.memory_space<vmem_shared>>) dst(%dma_wait3A_21 : memref<10240x8xf32, #tpu.memory_space<hbm>>)
        tpu.yield
      }) : () -> ()
    } else {
    }
    return
  }
}

#map = affine_map<(d0, d1) -> (0, 0)>
#map1 = affine_map<(d0, d1) -> (0, 0, 0)>
module attributes {stable_mosaic.version = 14 : i64} {
  func.func @body(%arg0: i32, %arg1: i32, %arg2: memref<2560x128xi32, #tpu.memory_space<hbm>>, %arg3: memref<2560x128xi32, #tpu.memory_space<hbm>>, %arg4: memref<10240x16xf32, #tpu.memory_space<hbm>>, %arg5: memref<10240x16xf32, #tpu.memory_space<hbm>>, %arg6: memref<2x10240x16xf32, #tpu.memory_space<hbm>>, %arg7: memref<2x16x128xi32, #tpu.memory_space<vmem>>, %arg8: memref<2x16x128xi32, #tpu.memory_space<vmem>>, %arg9: memref<2x16x128x16xf32, #tpu.memory_space<vmem>>, %arg10: memref<10240x16xf32, #tpu.memory_space<vmem_shared>>, %arg11: memref<10240x16xf32, #tpu.memory_space<vmem_shared>>, %arg12: memref<!tpu.dma_semaphore, #tpu.memory_space<semaphore_mem>>, %arg13: memref<!tpu.dma_semaphore, #tpu.memory_space<semaphore_mem>>, %arg14: memref<!tpu.dma_semaphore, #tpu.memory_space<semaphore_mem>>, %arg15: memref<!tpu.dma_semaphore, #tpu.memory_space<semaphore_mem>>) attributes {dimension_semantics = [#tpu.dimension_semantics<core_parallel>, #tpu.dimension_semantics<subcore_parallel>], iteration_bounds = array<i64: 2, 16>, scalar_prefetch = 0 : i64, scratch_operands = 9 : i64, tpu.core_type = #tpu.core_type<sc_vector_subcore>, window_params = [{transform_indices = #map}, {transform_indices = #map}, {transform_indices = #map}, {transform_indices = #map}, {transform_indices = #map1}]} {
    %mul3A = arith.constant 2 : i32
    %mul3A_0 = arith.muli %arg1, %mul3A : i32
    %add3A = arith.addi %mul3A_0, %arg0 : i32
    %mul3A_1 = arith.constant 640 : i32
    %mul3A_2 = arith.muli %arg1, %mul3A_1 : i32
    %eq3A = arith.constant 0 : i32
    %eq3A_3 = arith.cmpi eq, %arg1, %eq3A : i32
    %convert_element_type3A = arith.extui %eq3A_3 : i1 to i32
    %cond3A = arith.constant 0 : i32
    %cond3A_4 = arith.cmpi ne, %convert_element_type3A, %cond3A : i32
    scf.if %cond3A_4 {
      "tpu.region"() ({
        %run_scoped3A = tpu.sem_alloc : memref<!tpu.dma_semaphore, #tpu.memory_space<semaphore_mem>>
        tpu.enqueue_dma source(%arg5 : memref<10240x16xf32, #tpu.memory_space<hbm>>) target(%arg11 : memref<10240x16xf32, #tpu.memory_space<vmem_shared>>) target_semaphore(%run_scoped3A : memref<!tpu.dma_semaphore, #tpu.memory_space<semaphore_mem>>)
        tpu.wait_dma2 semaphore(%run_scoped3A : memref<!tpu.dma_semaphore, #tpu.memory_space<semaphore_mem>>) src(%arg5 : memref<10240x16xf32, #tpu.memory_space<hbm>>) dst(%arg11 : memref<10240x16xf32, #tpu.memory_space<vmem_shared>>)
        tpu.yield
      }) : () -> ()
    } else {
    }
    "tpu.region"() ({
      %run_scoped3A = tpu.sem_alloc : memref<!tpu.dma_semaphore, #tpu.memory_space<semaphore_mem>>
      %dma_start3A = arith.constant 0 : i32
      %dma_start3A_16 = tpu.memref_slice %arg10[%mul3A_2, %dma_start3A] : memref<10240x16xf32, #tpu.memory_space<vmem_shared>> -> memref<640x16xf32, #tpu.memory_space<vmem_shared>>
      %dma_start3A_17 = arith.constant 0 : i32
      %dma_start3A_18 = tpu.memref_slice %arg4[%mul3A_2, %dma_start3A_17] : memref<10240x16xf32, #tpu.memory_space<hbm>> -> memref<640x16xf32, #tpu.memory_space<hbm>>
      tpu.enqueue_dma source(%dma_start3A_18 : memref<640x16xf32, #tpu.memory_space<hbm>>) target(%dma_start3A_16 : memref<640x16xf32, #tpu.memory_space<vmem_shared>>) target_semaphore(%run_scoped3A : memref<!tpu.dma_semaphore, #tpu.memory_space<semaphore_mem>>)
      %dma_wait3A = arith.constant 0 : i32
      %dma_wait3A_19 = tpu.memref_slice %arg10[%mul3A_2, %dma_wait3A] : memref<10240x16xf32, #tpu.memory_space<vmem_shared>> -> memref<640x16xf32, #tpu.memory_space<vmem_shared>>
      %dma_wait3A_20 = arith.constant 0 : i32
      %dma_wait3A_21 = tpu.memref_slice %arg4[%mul3A_2, %dma_wait3A_20] : memref<10240x16xf32, #tpu.memory_space<hbm>> -> memref<640x16xf32, #tpu.memory_space<hbm>>
      tpu.wait_dma2 semaphore(%run_scoped3A : memref<!tpu.dma_semaphore, #tpu.memory_space<semaphore_mem>>) src(%dma_wait3A_21 : memref<640x16xf32, #tpu.memory_space<hbm>>) dst(%dma_wait3A_19 : memref<640x16xf32, #tpu.memory_space<vmem_shared>>)
      tpu.yield
    }) : () -> ()
    %barrier3A = arith.constant 0 : index
    tpu.barrier barrier_id(%barrier3A)
    %scan3A = arith.constant 0 : i32
    %scan3A_5 = arith.constant 0 : i32
    %scan3A_6 = arith.constant 5 : i32
    %scan3A_7 = arith.addi %scan3A_5, %scan3A_6 : i32
    %scan3A_8 = arith.constant 1 : i32
    scf.for %scan3A_16 = %scan3A_5 to %scan3A_7 step %scan3A_8  : i32 {
      %mul3A_17 = arith.constant 80 : i32
      %mul3A_18 = arith.muli %add3A, %mul3A_17 : i32
      %mul3A_19 = arith.constant 16 : i32
      %mul3A_20 = arith.muli %scan3A_16, %mul3A_19 : i32
      %add3A_21 = arith.addi %mul3A_18, %mul3A_20 : i32
      %run_scoped3A = arith.constant 0 : i32
      "tpu.region"() ({
        %run_scoped3A_917 = tpu.sem_alloc : memref<!tpu.dma_semaphore, #tpu.memory_space<semaphore_mem>>
        %dma_start3A_918 = arith.constant 0 : i32
        %dma_start3A_919 = arith.constant 0 : i32
        %dma_start3A_920 = tpu.memref_slice %arg7[%run_scoped3A, %dma_start3A_918, %dma_start3A_919] : memref<2x16x128xi32, #tpu.memory_space<vmem>> -> memref<1x16x128xi32, #tpu.memory_space<vmem>>
        %dma_start3A_921 = tpu.memref_squeeze %dma_start3A_920 : memref<1x16x128xi32, #tpu.memory_space<vmem>> -> memref<16x128xi32, #tpu.memory_space<vmem>>
        %dma_start3A_922 = arith.constant 0 : i32
        %dma_start3A_923 = tpu.memref_slice %arg2[%add3A_21, %dma_start3A_922] : memref<2560x128xi32, #tpu.memory_space<hbm>> -> memref<16x128xi32, #tpu.memory_space<hbm>>
        %dma_start3A_924 = arith.constant 0 : i32
        %dma_start3A_925 = arith.constant 0 : i32
        %dma_start3A_926 = tpu.memref_slice %arg7[%run_scoped3A, %dma_start3A_924, %dma_start3A_925] : memref<2x16x128xi32, #tpu.memory_space<vmem>> -> memref<1x16x128xi32, #tpu.memory_space<vmem>>
        %dma_start3A_927 = tpu.memref_squeeze %dma_start3A_926 : memref<1x16x128xi32, #tpu.memory_space<vmem>> -> memref<16x128xi32, #tpu.memory_space<vmem>>
        %dma_start3A_928 = arith.constant 0 : i32
        %dma_start3A_929 = tpu.memref_slice %arg2[%add3A_21, %dma_start3A_928] : memref<2560x128xi32, #tpu.memory_space<hbm>> -> memref<16x128xi32, #tpu.memory_space<hbm>>
        tpu.enqueue_dma source(%dma_start3A_929 : memref<16x128xi32, #tpu.memory_space<hbm>>) target(%dma_start3A_927 : memref<16x128xi32, #tpu.memory_space<vmem>>) target_semaphore(%run_scoped3A_917 : memref<!tpu.dma_semaphore, #tpu.memory_space<semaphore_mem>>)
        %dma_wait3A_930 = arith.constant 0 : i32
        %dma_wait3A_931 = arith.constant 0 : i32
        %dma_wait3A_932 = tpu.memref_slice %arg7[%run_scoped3A, %dma_wait3A_930, %dma_wait3A_931] : memref<2x16x128xi32, #tpu.memory_space<vmem>> -> memref<1x16x128xi32, #tpu.memory_space<vmem>>
        %dma_wait3A_933 = tpu.memref_squeeze %dma_wait3A_932 : memref<1x16x128xi32, #tpu.memory_space<vmem>> -> memref<16x128xi32, #tpu.memory_space<vmem>>
        %dma_wait3A_934 = arith.constant 0 : i32
        %dma_wait3A_935 = tpu.memref_slice %arg2[%add3A_21, %dma_wait3A_934] : memref<2560x128xi32, #tpu.memory_space<hbm>> -> memref<16x128xi32, #tpu.memory_space<hbm>>
        %dma_wait3A_936 = arith.constant 0 : i32
        %dma_wait3A_937 = arith.constant 0 : i32
        %dma_wait3A_938 = tpu.memref_slice %arg7[%run_scoped3A, %dma_wait3A_936, %dma_wait3A_937] : memref<2x16x128xi32, #tpu.memory_space<vmem>> -> memref<1x16x128xi32, #tpu.memory_space<vmem>>
        %dma_wait3A_939 = tpu.memref_squeeze %dma_wait3A_938 : memref<1x16x128xi32, #tpu.memory_space<vmem>> -> memref<16x128xi32, #tpu.memory_space<vmem>>
        %dma_wait3A_940 = arith.constant 0 : i32
        %dma_wait3A_941 = tpu.memref_slice %arg2[%add3A_21, %dma_wait3A_940] : memref<2560x128xi32, #tpu.memory_space<hbm>> -> memref<16x128xi32, #tpu.memory_space<hbm>>
        tpu.wait_dma2 semaphore(%run_scoped3A_917 : memref<!tpu.dma_semaphore, #tpu.memory_space<semaphore_mem>>) src(%dma_wait3A_941 : memref<16x128xi32, #tpu.memory_space<hbm>>) dst(%dma_wait3A_939 : memref<16x128xi32, #tpu.memory_space<vmem>>)
        tpu.yield
      }) : () -> ()
      %run_scoped3A_22 = arith.constant 0 : i32
      "tpu.region"() ({
        %run_scoped3A_917 = tpu.sem_alloc : memref<!tpu.dma_semaphore, #tpu.memory_space<semaphore_mem>>
        %dma_start3A_918 = arith.constant 0 : i32
        %dma_start3A_919 = arith.constant 0 : i32
        %dma_start3A_920 = tpu.memref_slice %arg8[%run_scoped3A_22, %dma_start3A_918, %dma_start3A_919] : memref<2x16x128xi32, #tpu.memory_space<vmem>> -> memref<1x16x128xi32, #tpu.memory_space<vmem>>
        %dma_start3A_921 = tpu.memref_squeeze %dma_start3A_920 : memref<1x16x128xi32, #tpu.memory_space<vmem>> -> memref<16x128xi32, #tpu.memory_space<vmem>>
        %dma_start3A_922 = arith.constant 0 : i32
        %dma_start3A_923 = tpu.memref_slice %arg3[%add3A_21, %dma_start3A_922] : memref<2560x128xi32, #tpu.memory_space<hbm>> -> memref<16x128xi32, #tpu.memory_space<hbm>>
        %dma_start3A_924 = arith.constant 0 : i32
        %dma_start3A_925 = arith.constant 0 : i32
        %dma_start3A_926 = tpu.memref_slice %arg8[%run_scoped3A_22, %dma_start3A_924, %dma_start3A_925] : memref<2x16x128xi32, #tpu.memory_space<vmem>> -> memref<1x16x128xi32, #tpu.memory_space<vmem>>
        %dma_start3A_927 = tpu.memref_squeeze %dma_start3A_926 : memref<1x16x128xi32, #tpu.memory_space<vmem>> -> memref<16x128xi32, #tpu.memory_space<vmem>>
        %dma_start3A_928 = arith.constant 0 : i32
        %dma_start3A_929 = tpu.memref_slice %arg3[%add3A_21, %dma_start3A_928] : memref<2560x128xi32, #tpu.memory_space<hbm>> -> memref<16x128xi32, #tpu.memory_space<hbm>>
        tpu.enqueue_dma source(%dma_start3A_929 : memref<16x128xi32, #tpu.memory_space<hbm>>) target(%dma_start3A_927 : memref<16x128xi32, #tpu.memory_space<vmem>>) target_semaphore(%run_scoped3A_917 : memref<!tpu.dma_semaphore, #tpu.memory_space<semaphore_mem>>)
        %dma_wait3A_930 = arith.constant 0 : i32
        %dma_wait3A_931 = arith.constant 0 : i32
        %dma_wait3A_932 = tpu.memref_slice %arg8[%run_scoped3A_22, %dma_wait3A_930, %dma_wait3A_931] : memref<2x16x128xi32, #tpu.memory_space<vmem>> -> memref<1x16x128xi32, #tpu.memory_space<vmem>>
        %dma_wait3A_933 = tpu.memref_squeeze %dma_wait3A_932 : memref<1x16x128xi32, #tpu.memory_space<vmem>> -> memref<16x128xi32, #tpu.memory_space<vmem>>
        %dma_wait3A_934 = arith.constant 0 : i32
        %dma_wait3A_935 = tpu.memref_slice %arg3[%add3A_21, %dma_wait3A_934] : memref<2560x128xi32, #tpu.memory_space<hbm>> -> memref<16x128xi32, #tpu.memory_space<hbm>>
        %dma_wait3A_936 = arith.constant 0 : i32
        %dma_wait3A_937 = arith.constant 0 : i32
        %dma_wait3A_938 = tpu.memref_slice %arg8[%run_scoped3A_22, %dma_wait3A_936, %dma_wait3A_937] : memref<2x16x128xi32, #tpu.memory_space<vmem>> -> memref<1x16x128xi32, #tpu.memory_space<vmem>>
        %dma_wait3A_939 = tpu.memref_squeeze %dma_wait3A_938 : memref<1x16x128xi32, #tpu.memory_space<vmem>> -> memref<16x128xi32, #tpu.memory_space<vmem>>
        %dma_wait3A_940 = arith.constant 0 : i32
        %dma_wait3A_941 = tpu.memref_slice %arg3[%add3A_21, %dma_wait3A_940] : memref<2560x128xi32, #tpu.memory_space<hbm>> -> memref<16x128xi32, #tpu.memory_space<hbm>>
        tpu.wait_dma2 semaphore(%run_scoped3A_917 : memref<!tpu.dma_semaphore, #tpu.memory_space<semaphore_mem>>) src(%dma_wait3A_941 : memref<16x128xi32, #tpu.memory_space<hbm>>) dst(%dma_wait3A_939 : memref<16x128xi32, #tpu.memory_space<vmem>>)
        tpu.yield
      }) : () -> ()
      %dma_start3A = arith.constant 0 : i32
      %dma_start3A_23 = arith.constant 0 : i32
      %dma_start3A_24 = arith.constant 0 : i32
      %dma_start3A_25 = arith.constant 0 : i32
      %dma_start3A_26 = arith.constant 0 : i32
      %dma_start3A_27 = arith.constant 0 : i32
      %dma_start3A_28 = tpu.memref_slice %arg9[%dma_start3A_24, %dma_start3A_25, %dma_start3A_26, %dma_start3A_27] : memref<2x16x128x16xf32, #tpu.memory_space<vmem>> -> memref<1x1x128x16xf32, #tpu.memory_space<vmem>>
      %dma_start3A_29 = tpu.memref_squeeze %dma_start3A_28 : memref<1x1x128x16xf32, #tpu.memory_space<vmem>> -> memref<128x16xf32, #tpu.memory_space<vmem>>
      %dma_start3A_30 = arith.constant 0 : i32
      %dma_start3A_31 = tpu.memref_slice %arg7[%dma_start3A, %dma_start3A_23, %dma_start3A_30] : memref<2x16x128xi32, #tpu.memory_space<vmem>> -> memref<1x1x128xi32, #tpu.memory_space<vmem>>
      %dma_start3A_32 = tpu.memref_squeeze %dma_start3A_31 : memref<1x1x128xi32, #tpu.memory_space<vmem>> -> memref<128xi32, #tpu.memory_space<vmem>>
      %dma_start3A_33 = arith.constant 0 : i32
      %dma_start3A_34 = arith.constant 0 : i32
      %dma_start3A_35 = tpu.memref_slice %arg10[%dma_start3A_33, %dma_start3A_34] : memref<10240x16xf32, #tpu.memory_space<vmem_shared>> -> memref<10240x16xf32, #tpu.memory_space<vmem_shared>>
      tpu.enqueue_indirect_dma source(%dma_start3A_35 : memref<10240x16xf32, #tpu.memory_space<vmem_shared>>) target(%dma_start3A_29 : memref<128x16xf32, #tpu.memory_space<vmem>>) offsets(%dma_start3A_32 : memref<128xi32, #tpu.memory_space<vmem>>) semaphore(%arg12 : memref<!tpu.dma_semaphore, #tpu.memory_space<semaphore_mem>>)
      %dma_start3A_36 = arith.constant 0 : i32
      %dma_start3A_37 = arith.constant 1 : i32
      %dma_start3A_38 = arith.constant 0 : i32
      %dma_start3A_39 = arith.constant 1 : i32
      %dma_start3A_40 = arith.constant 0 : i32
      %dma_start3A_41 = arith.constant 0 : i32
      %dma_start3A_42 = tpu.memref_slice %arg9[%dma_start3A_38, %dma_start3A_39, %dma_start3A_40, %dma_start3A_41] : memref<2x16x128x16xf32, #tpu.memory_space<vmem>> -> memref<1x1x128x16xf32, #tpu.memory_space<vmem>>
      %dma_start3A_43 = tpu.memref_squeeze %dma_start3A_42 : memref<1x1x128x16xf32, #tpu.memory_space<vmem>> -> memref<128x16xf32, #tpu.memory_space<vmem>>
      %dma_start3A_44 = arith.constant 0 : i32
      %dma_start3A_45 = tpu.memref_slice %arg7[%dma_start3A_36, %dma_start3A_37, %dma_start3A_44] : memref<2x16x128xi32, #tpu.memory_space<vmem>> -> memref<1x1x128xi32, #tpu.memory_space<vmem>>
      %dma_start3A_46 = tpu.memref_squeeze %dma_start3A_45 : memref<1x1x128xi32, #tpu.memory_space<vmem>> -> memref<128xi32, #tpu.memory_space<vmem>>
      %dma_start3A_47 = arith.constant 0 : i32
      %dma_start3A_48 = arith.constant 0 : i32
      %dma_start3A_49 = tpu.memref_slice %arg10[%dma_start3A_47, %dma_start3A_48] : memref<10240x16xf32, #tpu.memory_space<vmem_shared>> -> memref<10240x16xf32, #tpu.memory_space<vmem_shared>>
      tpu.enqueue_indirect_dma source(%dma_start3A_49 : memref<10240x16xf32, #tpu.memory_space<vmem_shared>>) target(%dma_start3A_43 : memref<128x16xf32, #tpu.memory_space<vmem>>) offsets(%dma_start3A_46 : memref<128xi32, #tpu.memory_space<vmem>>) semaphore(%arg12 : memref<!tpu.dma_semaphore, #tpu.memory_space<semaphore_mem>>)
      %dma_start3A_50 = arith.constant 0 : i32
      %dma_start3A_51 = arith.constant 2 : i32
      %dma_start3A_52 = arith.constant 0 : i32
      %dma_start3A_53 = arith.constant 2 : i32
      %dma_start3A_54 = arith.constant 0 : i32
      %dma_start3A_55 = arith.constant 0 : i32
      %dma_start3A_56 = tpu.memref_slice %arg9[%dma_start3A_52, %dma_start3A_53, %dma_start3A_54, %dma_start3A_55] : memref<2x16x128x16xf32, #tpu.memory_space<vmem>> -> memref<1x1x128x16xf32, #tpu.memory_space<vmem>>
      %dma_start3A_57 = tpu.memref_squeeze %dma_start3A_56 : memref<1x1x128x16xf32, #tpu.memory_space<vmem>> -> memref<128x16xf32, #tpu.memory_space<vmem>>
      %dma_start3A_58 = arith.constant 0 : i32
      %dma_start3A_59 = tpu.memref_slice %arg7[%dma_start3A_50, %dma_start3A_51, %dma_start3A_58] : memref<2x16x128xi32, #tpu.memory_space<vmem>> -> memref<1x1x128xi32, #tpu.memory_space<vmem>>
      %dma_start3A_60 = tpu.memref_squeeze %dma_start3A_59 : memref<1x1x128xi32, #tpu.memory_space<vmem>> -> memref<128xi32, #tpu.memory_space<vmem>>
      %dma_start3A_61 = arith.constant 0 : i32
      %dma_start3A_62 = arith.constant 0 : i32
      %dma_start3A_63 = tpu.memref_slice %arg10[%dma_start3A_61, %dma_start3A_62] : memref<10240x16xf32, #tpu.memory_space<vmem_shared>> -> memref<10240x16xf32, #tpu.memory_space<vmem_shared>>
      tpu.enqueue_indirect_dma source(%dma_start3A_63 : memref<10240x16xf32, #tpu.memory_space<vmem_shared>>) target(%dma_start3A_57 : memref<128x16xf32, #tpu.memory_space<vmem>>) offsets(%dma_start3A_60 : memref<128xi32, #tpu.memory_space<vmem>>) semaphore(%arg12 : memref<!tpu.dma_semaphore, #tpu.memory_space<semaphore_mem>>)
      %dma_start3A_64 = arith.constant 0 : i32
      %dma_start3A_65 = arith.constant 3 : i32
      %dma_start3A_66 = arith.constant 0 : i32
      %dma_start3A_67 = arith.constant 3 : i32
      %dma_start3A_68 = arith.constant 0 : i32
      %dma_start3A_69 = arith.constant 0 : i32
      %dma_start3A_70 = tpu.memref_slice %arg9[%dma_start3A_66, %dma_start3A_67, %dma_start3A_68, %dma_start3A_69] : memref<2x16x128x16xf32, #tpu.memory_space<vmem>> -> memref<1x1x128x16xf32, #tpu.memory_space<vmem>>
      %dma_start3A_71 = tpu.memref_squeeze %dma_start3A_70 : memref<1x1x128x16xf32, #tpu.memory_space<vmem>> -> memref<128x16xf32, #tpu.memory_space<vmem>>
      %dma_start3A_72 = arith.constant 0 : i32
      %dma_start3A_73 = tpu.memref_slice %arg7[%dma_start3A_64, %dma_start3A_65, %dma_start3A_72] : memref<2x16x128xi32, #tpu.memory_space<vmem>> -> memref<1x1x128xi32, #tpu.memory_space<vmem>>
      %dma_start3A_74 = tpu.memref_squeeze %dma_start3A_73 : memref<1x1x128xi32, #tpu.memory_space<vmem>> -> memref<128xi32, #tpu.memory_space<vmem>>
      %dma_start3A_75 = arith.constant 0 : i32
      %dma_start3A_76 = arith.constant 0 : i32
      %dma_start3A_77 = tpu.memref_slice %arg10[%dma_start3A_75, %dma_start3A_76] : memref<10240x16xf32, #tpu.memory_space<vmem_shared>> -> memref<10240x16xf32, #tpu.memory_space<vmem_shared>>
      tpu.enqueue_indirect_dma source(%dma_start3A_77 : memref<10240x16xf32, #tpu.memory_space<vmem_shared>>) target(%dma_start3A_71 : memref<128x16xf32, #tpu.memory_space<vmem>>) offsets(%dma_start3A_74 : memref<128xi32, #tpu.memory_space<vmem>>) semaphore(%arg12 : memref<!tpu.dma_semaphore, #tpu.memory_space<semaphore_mem>>)
      %dma_start3A_78 = arith.constant 0 : i32
      %dma_start3A_79 = arith.constant 4 : i32
      %dma_start3A_80 = arith.constant 0 : i32
      %dma_start3A_81 = arith.constant 4 : i32
      %dma_start3A_82 = arith.constant 0 : i32
      %dma_start3A_83 = arith.constant 0 : i32
      %dma_start3A_84 = tpu.memref_slice %arg9[%dma_start3A_80, %dma_start3A_81, %dma_start3A_82, %dma_start3A_83] : memref<2x16x128x16xf32, #tpu.memory_space<vmem>> -> memref<1x1x128x16xf32, #tpu.memory_space<vmem>>
      %dma_start3A_85 = tpu.memref_squeeze %dma_start3A_84 : memref<1x1x128x16xf32, #tpu.memory_space<vmem>> -> memref<128x16xf32, #tpu.memory_space<vmem>>
      %dma_start3A_86 = arith.constant 0 : i32
      %dma_start3A_87 = tpu.memref_slice %arg7[%dma_start3A_78, %dma_start3A_79, %dma_start3A_86] : memref<2x16x128xi32, #tpu.memory_space<vmem>> -> memref<1x1x128xi32, #tpu.memory_space<vmem>>
      %dma_start3A_88 = tpu.memref_squeeze %dma_start3A_87 : memref<1x1x128xi32, #tpu.memory_space<vmem>> -> memref<128xi32, #tpu.memory_space<vmem>>
      %dma_start3A_89 = arith.constant 0 : i32
      %dma_start3A_90 = arith.constant 0 : i32
      %dma_start3A_91 = tpu.memref_slice %arg10[%dma_start3A_89, %dma_start3A_90] : memref<10240x16xf32, #tpu.memory_space<vmem_shared>> -> memref<10240x16xf32, #tpu.memory_space<vmem_shared>>
      tpu.enqueue_indirect_dma source(%dma_start3A_91 : memref<10240x16xf32, #tpu.memory_space<vmem_shared>>) target(%dma_start3A_85 : memref<128x16xf32, #tpu.memory_space<vmem>>) offsets(%dma_start3A_88 : memref<128xi32, #tpu.memory_space<vmem>>) semaphore(%arg12 : memref<!tpu.dma_semaphore, #tpu.memory_space<semaphore_mem>>)
      %dma_start3A_92 = arith.constant 0 : i32
      %dma_start3A_93 = arith.constant 5 : i32
      %dma_start3A_94 = arith.constant 0 : i32
      %dma_start3A_95 = arith.constant 5 : i32
      %dma_start3A_96 = arith.constant 0 : i32
      %dma_start3A_97 = arith.constant 0 : i32
      %dma_start3A_98 = tpu.memref_slice %arg9[%dma_start3A_94, %dma_start3A_95, %dma_start3A_96, %dma_start3A_97] : memref<2x16x128x16xf32, #tpu.memory_space<vmem>> -> memref<1x1x128x16xf32, #tpu.memory_space<vmem>>
      %dma_start3A_99 = tpu.memref_squeeze %dma_start3A_98 : memref<1x1x128x16xf32, #tpu.memory_space<vmem>> -> memref<128x16xf32, #tpu.memory_space<vmem>>
      %dma_start3A_100 = arith.constant 0 : i32
      %dma_start3A_101 = tpu.memref_slice %arg7[%dma_start3A_92, %dma_start3A_93, %dma_start3A_100] : memref<2x16x128xi32, #tpu.memory_space<vmem>> -> memref<1x1x128xi32, #tpu.memory_space<vmem>>
      %dma_start3A_102 = tpu.memref_squeeze %dma_start3A_101 : memref<1x1x128xi32, #tpu.memory_space<vmem>> -> memref<128xi32, #tpu.memory_space<vmem>>
      %dma_start3A_103 = arith.constant 0 : i32
      %dma_start3A_104 = arith.constant 0 : i32
      %dma_start3A_105 = tpu.memref_slice %arg10[%dma_start3A_103, %dma_start3A_104] : memref<10240x16xf32, #tpu.memory_space<vmem_shared>> -> memref<10240x16xf32, #tpu.memory_space<vmem_shared>>
      tpu.enqueue_indirect_dma source(%dma_start3A_105 : memref<10240x16xf32, #tpu.memory_space<vmem_shared>>) target(%dma_start3A_99 : memref<128x16xf32, #tpu.memory_space<vmem>>) offsets(%dma_start3A_102 : memref<128xi32, #tpu.memory_space<vmem>>) semaphore(%arg12 : memref<!tpu.dma_semaphore, #tpu.memory_space<semaphore_mem>>)
      %dma_start3A_106 = arith.constant 0 : i32
      %dma_start3A_107 = arith.constant 6 : i32
      %dma_start3A_108 = arith.constant 0 : i32
      %dma_start3A_109 = arith.constant 6 : i32
      %dma_start3A_110 = arith.constant 0 : i32
      %dma_start3A_111 = arith.constant 0 : i32
      %dma_start3A_112 = tpu.memref_slice %arg9[%dma_start3A_108, %dma_start3A_109, %dma_start3A_110, %dma_start3A_111] : memref<2x16x128x16xf32, #tpu.memory_space<vmem>> -> memref<1x1x128x16xf32, #tpu.memory_space<vmem>>
      %dma_start3A_113 = tpu.memref_squeeze %dma_start3A_112 : memref<1x1x128x16xf32, #tpu.memory_space<vmem>> -> memref<128x16xf32, #tpu.memory_space<vmem>>
      %dma_start3A_114 = arith.constant 0 : i32
      %dma_start3A_115 = tpu.memref_slice %arg7[%dma_start3A_106, %dma_start3A_107, %dma_start3A_114] : memref<2x16x128xi32, #tpu.memory_space<vmem>> -> memref<1x1x128xi32, #tpu.memory_space<vmem>>
      %dma_start3A_116 = tpu.memref_squeeze %dma_start3A_115 : memref<1x1x128xi32, #tpu.memory_space<vmem>> -> memref<128xi32, #tpu.memory_space<vmem>>
      %dma_start3A_117 = arith.constant 0 : i32
      %dma_start3A_118 = arith.constant 0 : i32
      %dma_start3A_119 = tpu.memref_slice %arg10[%dma_start3A_117, %dma_start3A_118] : memref<10240x16xf32, #tpu.memory_space<vmem_shared>> -> memref<10240x16xf32, #tpu.memory_space<vmem_shared>>
      tpu.enqueue_indirect_dma source(%dma_start3A_119 : memref<10240x16xf32, #tpu.memory_space<vmem_shared>>) target(%dma_start3A_113 : memref<128x16xf32, #tpu.memory_space<vmem>>) offsets(%dma_start3A_116 : memref<128xi32, #tpu.memory_space<vmem>>) semaphore(%arg12 : memref<!tpu.dma_semaphore, #tpu.memory_space<semaphore_mem>>)
      %dma_start3A_120 = arith.constant 0 : i32
      %dma_start3A_121 = arith.constant 7 : i32
      %dma_start3A_122 = arith.constant 0 : i32
      %dma_start3A_123 = arith.constant 7 : i32
      %dma_start3A_124 = arith.constant 0 : i32
      %dma_start3A_125 = arith.constant 0 : i32
      %dma_start3A_126 = tpu.memref_slice %arg9[%dma_start3A_122, %dma_start3A_123, %dma_start3A_124, %dma_start3A_125] : memref<2x16x128x16xf32, #tpu.memory_space<vmem>> -> memref<1x1x128x16xf32, #tpu.memory_space<vmem>>
      %dma_start3A_127 = tpu.memref_squeeze %dma_start3A_126 : memref<1x1x128x16xf32, #tpu.memory_space<vmem>> -> memref<128x16xf32, #tpu.memory_space<vmem>>
      %dma_start3A_128 = arith.constant 0 : i32
      %dma_start3A_129 = tpu.memref_slice %arg7[%dma_start3A_120, %dma_start3A_121, %dma_start3A_128] : memref<2x16x128xi32, #tpu.memory_space<vmem>> -> memref<1x1x128xi32, #tpu.memory_space<vmem>>
      %dma_start3A_130 = tpu.memref_squeeze %dma_start3A_129 : memref<1x1x128xi32, #tpu.memory_space<vmem>> -> memref<128xi32, #tpu.memory_space<vmem>>
      %dma_start3A_131 = arith.constant 0 : i32
      %dma_start3A_132 = arith.constant 0 : i32
      %dma_start3A_133 = tpu.memref_slice %arg10[%dma_start3A_131, %dma_start3A_132] : memref<10240x16xf32, #tpu.memory_space<vmem_shared>> -> memref<10240x16xf32, #tpu.memory_space<vmem_shared>>
      tpu.enqueue_indirect_dma source(%dma_start3A_133 : memref<10240x16xf32, #tpu.memory_space<vmem_shared>>) target(%dma_start3A_127 : memref<128x16xf32, #tpu.memory_space<vmem>>) offsets(%dma_start3A_130 : memref<128xi32, #tpu.memory_space<vmem>>) semaphore(%arg12 : memref<!tpu.dma_semaphore, #tpu.memory_space<semaphore_mem>>)
      %dma_start3A_134 = arith.constant 0 : i32
      %dma_start3A_135 = arith.constant 8 : i32
      %dma_start3A_136 = arith.constant 0 : i32
      %dma_start3A_137 = arith.constant 8 : i32
      %dma_start3A_138 = arith.constant 0 : i32
      %dma_start3A_139 = arith.constant 0 : i32
      %dma_start3A_140 = tpu.memref_slice %arg9[%dma_start3A_136, %dma_start3A_137, %dma_start3A_138, %dma_start3A_139] : memref<2x16x128x16xf32, #tpu.memory_space<vmem>> -> memref<1x1x128x16xf32, #tpu.memory_space<vmem>>
      %dma_start3A_141 = tpu.memref_squeeze %dma_start3A_140 : memref<1x1x128x16xf32, #tpu.memory_space<vmem>> -> memref<128x16xf32, #tpu.memory_space<vmem>>
      %dma_start3A_142 = arith.constant 0 : i32
      %dma_start3A_143 = tpu.memref_slice %arg7[%dma_start3A_134, %dma_start3A_135, %dma_start3A_142] : memref<2x16x128xi32, #tpu.memory_space<vmem>> -> memref<1x1x128xi32, #tpu.memory_space<vmem>>
      %dma_start3A_144 = tpu.memref_squeeze %dma_start3A_143 : memref<1x1x128xi32, #tpu.memory_space<vmem>> -> memref<128xi32, #tpu.memory_space<vmem>>
      %dma_start3A_145 = arith.constant 0 : i32
      %dma_start3A_146 = arith.constant 0 : i32
      %dma_start3A_147 = tpu.memref_slice %arg10[%dma_start3A_145, %dma_start3A_146] : memref<10240x16xf32, #tpu.memory_space<vmem_shared>> -> memref<10240x16xf32, #tpu.memory_space<vmem_shared>>
      tpu.enqueue_indirect_dma source(%dma_start3A_147 : memref<10240x16xf32, #tpu.memory_space<vmem_shared>>) target(%dma_start3A_141 : memref<128x16xf32, #tpu.memory_space<vmem>>) offsets(%dma_start3A_144 : memref<128xi32, #tpu.memory_space<vmem>>) semaphore(%arg12 : memref<!tpu.dma_semaphore, #tpu.memory_space<semaphore_mem>>)
      %dma_start3A_148 = arith.constant 0 : i32
      %dma_start3A_149 = arith.constant 9 : i32
      %dma_start3A_150 = arith.constant 0 : i32
      %dma_start3A_151 = arith.constant 9 : i32
      %dma_start3A_152 = arith.constant 0 : i32
      %dma_start3A_153 = arith.constant 0 : i32
      %dma_start3A_154 = tpu.memref_slice %arg9[%dma_start3A_150, %dma_start3A_151, %dma_start3A_152, %dma_start3A_153] : memref<2x16x128x16xf32, #tpu.memory_space<vmem>> -> memref<1x1x128x16xf32, #tpu.memory_space<vmem>>
      %dma_start3A_155 = tpu.memref_squeeze %dma_start3A_154 : memref<1x1x128x16xf32, #tpu.memory_space<vmem>> -> memref<128x16xf32, #tpu.memory_space<vmem>>
      %dma_start3A_156 = arith.constant 0 : i32
      %dma_start3A_157 = tpu.memref_slice %arg7[%dma_start3A_148, %dma_start3A_149, %dma_start3A_156] : memref<2x16x128xi32, #tpu.memory_space<vmem>> -> memref<1x1x128xi32, #tpu.memory_space<vmem>>
      %dma_start3A_158 = tpu.memref_squeeze %dma_start3A_157 : memref<1x1x128xi32, #tpu.memory_space<vmem>> -> memref<128xi32, #tpu.memory_space<vmem>>
      %dma_start3A_159 = arith.constant 0 : i32
      %dma_start3A_160 = arith.constant 0 : i32
      %dma_start3A_161 = tpu.memref_slice %arg10[%dma_start3A_159, %dma_start3A_160] : memref<10240x16xf32, #tpu.memory_space<vmem_shared>> -> memref<10240x16xf32, #tpu.memory_space<vmem_shared>>
      tpu.enqueue_indirect_dma source(%dma_start3A_161 : memref<10240x16xf32, #tpu.memory_space<vmem_shared>>) target(%dma_start3A_155 : memref<128x16xf32, #tpu.memory_space<vmem>>) offsets(%dma_start3A_158 : memref<128xi32, #tpu.memory_space<vmem>>) semaphore(%arg12 : memref<!tpu.dma_semaphore, #tpu.memory_space<semaphore_mem>>)
      %dma_start3A_162 = arith.constant 0 : i32
      %dma_start3A_163 = arith.constant 10 : i32
      %dma_start3A_164 = arith.constant 0 : i32
      %dma_start3A_165 = arith.constant 10 : i32
      %dma_start3A_166 = arith.constant 0 : i32
      %dma_start3A_167 = arith.constant 0 : i32
      %dma_start3A_168 = tpu.memref_slice %arg9[%dma_start3A_164, %dma_start3A_165, %dma_start3A_166, %dma_start3A_167] : memref<2x16x128x16xf32, #tpu.memory_space<vmem>> -> memref<1x1x128x16xf32, #tpu.memory_space<vmem>>
      %dma_start3A_169 = tpu.memref_squeeze %dma_start3A_168 : memref<1x1x128x16xf32, #tpu.memory_space<vmem>> -> memref<128x16xf32, #tpu.memory_space<vmem>>
      %dma_start3A_170 = arith.constant 0 : i32
      %dma_start3A_171 = tpu.memref_slice %arg7[%dma_start3A_162, %dma_start3A_163, %dma_start3A_170] : memref<2x16x128xi32, #tpu.memory_space<vmem>> -> memref<1x1x128xi32, #tpu.memory_space<vmem>>
      %dma_start3A_172 = tpu.memref_squeeze %dma_start3A_171 : memref<1x1x128xi32, #tpu.memory_space<vmem>> -> memref<128xi32, #tpu.memory_space<vmem>>
      %dma_start3A_173 = arith.constant 0 : i32
      %dma_start3A_174 = arith.constant 0 : i32
      %dma_start3A_175 = tpu.memref_slice %arg10[%dma_start3A_173, %dma_start3A_174] : memref<10240x16xf32, #tpu.memory_space<vmem_shared>> -> memref<10240x16xf32, #tpu.memory_space<vmem_shared>>
      tpu.enqueue_indirect_dma source(%dma_start3A_175 : memref<10240x16xf32, #tpu.memory_space<vmem_shared>>) target(%dma_start3A_169 : memref<128x16xf32, #tpu.memory_space<vmem>>) offsets(%dma_start3A_172 : memref<128xi32, #tpu.memory_space<vmem>>) semaphore(%arg12 : memref<!tpu.dma_semaphore, #tpu.memory_space<semaphore_mem>>)
      %dma_start3A_176 = arith.constant 0 : i32
      %dma_start3A_177 = arith.constant 11 : i32
      %dma_start3A_178 = arith.constant 0 : i32
      %dma_start3A_179 = arith.constant 11 : i32
      %dma_start3A_180 = arith.constant 0 : i32
      %dma_start3A_181 = arith.constant 0 : i32
      %dma_start3A_182 = tpu.memref_slice %arg9[%dma_start3A_178, %dma_start3A_179, %dma_start3A_180, %dma_start3A_181] : memref<2x16x128x16xf32, #tpu.memory_space<vmem>> -> memref<1x1x128x16xf32, #tpu.memory_space<vmem>>
      %dma_start3A_183 = tpu.memref_squeeze %dma_start3A_182 : memref<1x1x128x16xf32, #tpu.memory_space<vmem>> -> memref<128x16xf32, #tpu.memory_space<vmem>>
      %dma_start3A_184 = arith.constant 0 : i32
      %dma_start3A_185 = tpu.memref_slice %arg7[%dma_start3A_176, %dma_start3A_177, %dma_start3A_184] : memref<2x16x128xi32, #tpu.memory_space<vmem>> -> memref<1x1x128xi32, #tpu.memory_space<vmem>>
      %dma_start3A_186 = tpu.memref_squeeze %dma_start3A_185 : memref<1x1x128xi32, #tpu.memory_space<vmem>> -> memref<128xi32, #tpu.memory_space<vmem>>
      %dma_start3A_187 = arith.constant 0 : i32
      %dma_start3A_188 = arith.constant 0 : i32
      %dma_start3A_189 = tpu.memref_slice %arg10[%dma_start3A_187, %dma_start3A_188] : memref<10240x16xf32, #tpu.memory_space<vmem_shared>> -> memref<10240x16xf32, #tpu.memory_space<vmem_shared>>
      tpu.enqueue_indirect_dma source(%dma_start3A_189 : memref<10240x16xf32, #tpu.memory_space<vmem_shared>>) target(%dma_start3A_183 : memref<128x16xf32, #tpu.memory_space<vmem>>) offsets(%dma_start3A_186 : memref<128xi32, #tpu.memory_space<vmem>>) semaphore(%arg12 : memref<!tpu.dma_semaphore, #tpu.memory_space<semaphore_mem>>)
      %dma_start3A_190 = arith.constant 0 : i32
      %dma_start3A_191 = arith.constant 12 : i32
      %dma_start3A_192 = arith.constant 0 : i32
      %dma_start3A_193 = arith.constant 12 : i32
      %dma_start3A_194 = arith.constant 0 : i32
      %dma_start3A_195 = arith.constant 0 : i32
      %dma_start3A_196 = tpu.memref_slice %arg9[%dma_start3A_192, %dma_start3A_193, %dma_start3A_194, %dma_start3A_195] : memref<2x16x128x16xf32, #tpu.memory_space<vmem>> -> memref<1x1x128x16xf32, #tpu.memory_space<vmem>>
      %dma_start3A_197 = tpu.memref_squeeze %dma_start3A_196 : memref<1x1x128x16xf32, #tpu.memory_space<vmem>> -> memref<128x16xf32, #tpu.memory_space<vmem>>
      %dma_start3A_198 = arith.constant 0 : i32
      %dma_start3A_199 = tpu.memref_slice %arg7[%dma_start3A_190, %dma_start3A_191, %dma_start3A_198] : memref<2x16x128xi32, #tpu.memory_space<vmem>> -> memref<1x1x128xi32, #tpu.memory_space<vmem>>
      %dma_start3A_200 = tpu.memref_squeeze %dma_start3A_199 : memref<1x1x128xi32, #tpu.memory_space<vmem>> -> memref<128xi32, #tpu.memory_space<vmem>>
      %dma_start3A_201 = arith.constant 0 : i32
      %dma_start3A_202 = arith.constant 0 : i32
      %dma_start3A_203 = tpu.memref_slice %arg10[%dma_start3A_201, %dma_start3A_202] : memref<10240x16xf32, #tpu.memory_space<vmem_shared>> -> memref<10240x16xf32, #tpu.memory_space<vmem_shared>>
      tpu.enqueue_indirect_dma source(%dma_start3A_203 : memref<10240x16xf32, #tpu.memory_space<vmem_shared>>) target(%dma_start3A_197 : memref<128x16xf32, #tpu.memory_space<vmem>>) offsets(%dma_start3A_200 : memref<128xi32, #tpu.memory_space<vmem>>) semaphore(%arg12 : memref<!tpu.dma_semaphore, #tpu.memory_space<semaphore_mem>>)
      %dma_start3A_204 = arith.constant 0 : i32
      %dma_start3A_205 = arith.constant 13 : i32
      %dma_start3A_206 = arith.constant 0 : i32
      %dma_start3A_207 = arith.constant 13 : i32
      %dma_start3A_208 = arith.constant 0 : i32
      %dma_start3A_209 = arith.constant 0 : i32
      %dma_start3A_210 = tpu.memref_slice %arg9[%dma_start3A_206, %dma_start3A_207, %dma_start3A_208, %dma_start3A_209] : memref<2x16x128x16xf32, #tpu.memory_space<vmem>> -> memref<1x1x128x16xf32, #tpu.memory_space<vmem>>
      %dma_start3A_211 = tpu.memref_squeeze %dma_start3A_210 : memref<1x1x128x16xf32, #tpu.memory_space<vmem>> -> memref<128x16xf32, #tpu.memory_space<vmem>>
      %dma_start3A_212 = arith.constant 0 : i32
      %dma_start3A_213 = tpu.memref_slice %arg7[%dma_start3A_204, %dma_start3A_205, %dma_start3A_212] : memref<2x16x128xi32, #tpu.memory_space<vmem>> -> memref<1x1x128xi32, #tpu.memory_space<vmem>>
      %dma_start3A_214 = tpu.memref_squeeze %dma_start3A_213 : memref<1x1x128xi32, #tpu.memory_space<vmem>> -> memref<128xi32, #tpu.memory_space<vmem>>
      %dma_start3A_215 = arith.constant 0 : i32
      %dma_start3A_216 = arith.constant 0 : i32
      %dma_start3A_217 = tpu.memref_slice %arg10[%dma_start3A_215, %dma_start3A_216] : memref<10240x16xf32, #tpu.memory_space<vmem_shared>> -> memref<10240x16xf32, #tpu.memory_space<vmem_shared>>
      tpu.enqueue_indirect_dma source(%dma_start3A_217 : memref<10240x16xf32, #tpu.memory_space<vmem_shared>>) target(%dma_start3A_211 : memref<128x16xf32, #tpu.memory_space<vmem>>) offsets(%dma_start3A_214 : memref<128xi32, #tpu.memory_space<vmem>>) semaphore(%arg12 : memref<!tpu.dma_semaphore, #tpu.memory_space<semaphore_mem>>)
      %dma_start3A_218 = arith.constant 0 : i32
      %dma_start3A_219 = arith.constant 14 : i32
      %dma_start3A_220 = arith.constant 0 : i32
      %dma_start3A_221 = arith.constant 14 : i32
      %dma_start3A_222 = arith.constant 0 : i32
      %dma_start3A_223 = arith.constant 0 : i32
      %dma_start3A_224 = tpu.memref_slice %arg9[%dma_start3A_220, %dma_start3A_221, %dma_start3A_222, %dma_start3A_223] : memref<2x16x128x16xf32, #tpu.memory_space<vmem>> -> memref<1x1x128x16xf32, #tpu.memory_space<vmem>>
      %dma_start3A_225 = tpu.memref_squeeze %dma_start3A_224 : memref<1x1x128x16xf32, #tpu.memory_space<vmem>> -> memref<128x16xf32, #tpu.memory_space<vmem>>
      %dma_start3A_226 = arith.constant 0 : i32
      %dma_start3A_227 = tpu.memref_slice %arg7[%dma_start3A_218, %dma_start3A_219, %dma_start3A_226] : memref<2x16x128xi32, #tpu.memory_space<vmem>> -> memref<1x1x128xi32, #tpu.memory_space<vmem>>
      %dma_start3A_228 = tpu.memref_squeeze %dma_start3A_227 : memref<1x1x128xi32, #tpu.memory_space<vmem>> -> memref<128xi32, #tpu.memory_space<vmem>>
      %dma_start3A_229 = arith.constant 0 : i32
      %dma_start3A_230 = arith.constant 0 : i32
      %dma_start3A_231 = tpu.memref_slice %arg10[%dma_start3A_229, %dma_start3A_230] : memref<10240x16xf32, #tpu.memory_space<vmem_shared>> -> memref<10240x16xf32, #tpu.memory_space<vmem_shared>>
      tpu.enqueue_indirect_dma source(%dma_start3A_231 : memref<10240x16xf32, #tpu.memory_space<vmem_shared>>) target(%dma_start3A_225 : memref<128x16xf32, #tpu.memory_space<vmem>>) offsets(%dma_start3A_228 : memref<128xi32, #tpu.memory_space<vmem>>) semaphore(%arg12 : memref<!tpu.dma_semaphore, #tpu.memory_space<semaphore_mem>>)
      %dma_start3A_232 = arith.constant 0 : i32
      %dma_start3A_233 = arith.constant 15 : i32
      %dma_start3A_234 = arith.constant 0 : i32
      %dma_start3A_235 = arith.constant 15 : i32
      %dma_start3A_236 = arith.constant 0 : i32
      %dma_start3A_237 = arith.constant 0 : i32
      %dma_start3A_238 = tpu.memref_slice %arg9[%dma_start3A_234, %dma_start3A_235, %dma_start3A_236, %dma_start3A_237] : memref<2x16x128x16xf32, #tpu.memory_space<vmem>> -> memref<1x1x128x16xf32, #tpu.memory_space<vmem>>
      %dma_start3A_239 = tpu.memref_squeeze %dma_start3A_238 : memref<1x1x128x16xf32, #tpu.memory_space<vmem>> -> memref<128x16xf32, #tpu.memory_space<vmem>>
      %dma_start3A_240 = arith.constant 0 : i32
      %dma_start3A_241 = tpu.memref_slice %arg7[%dma_start3A_232, %dma_start3A_233, %dma_start3A_240] : memref<2x16x128xi32, #tpu.memory_space<vmem>> -> memref<1x1x128xi32, #tpu.memory_space<vmem>>
      %dma_start3A_242 = tpu.memref_squeeze %dma_start3A_241 : memref<1x1x128xi32, #tpu.memory_space<vmem>> -> memref<128xi32, #tpu.memory_space<vmem>>
      %dma_start3A_243 = arith.constant 0 : i32
      %dma_start3A_244 = arith.constant 0 : i32
      %dma_start3A_245 = tpu.memref_slice %arg10[%dma_start3A_243, %dma_start3A_244] : memref<10240x16xf32, #tpu.memory_space<vmem_shared>> -> memref<10240x16xf32, #tpu.memory_space<vmem_shared>>
      tpu.enqueue_indirect_dma source(%dma_start3A_245 : memref<10240x16xf32, #tpu.memory_space<vmem_shared>>) target(%dma_start3A_239 : memref<128x16xf32, #tpu.memory_space<vmem>>) offsets(%dma_start3A_242 : memref<128xi32, #tpu.memory_space<vmem>>) semaphore(%arg12 : memref<!tpu.dma_semaphore, #tpu.memory_space<semaphore_mem>>)
      %dma_wait3A = arith.constant 0 : i32
      %dma_wait3A_246 = arith.constant 0 : i32
      %dma_wait3A_247 = arith.constant 0 : i32
      %dma_wait3A_248 = arith.constant 0 : i32
      %dma_wait3A_249 = arith.constant 0 : i32
      %dma_wait3A_250 = arith.constant 0 : i32
      %dma_wait3A_251 = tpu.memref_slice %arg9[%dma_wait3A_247, %dma_wait3A_248, %dma_wait3A_249, %dma_wait3A_250] : memref<2x16x128x16xf32, #tpu.memory_space<vmem>> -> memref<1x1x128x16xf32, #tpu.memory_space<vmem>>
      %dma_wait3A_252 = tpu.memref_squeeze %dma_wait3A_251 : memref<1x1x128x16xf32, #tpu.memory_space<vmem>> -> memref<128x16xf32, #tpu.memory_space<vmem>>
      %dma_wait3A_253 = arith.constant 0 : i32
      %dma_wait3A_254 = tpu.memref_slice %arg7[%dma_wait3A, %dma_wait3A_246, %dma_wait3A_253] : memref<2x16x128xi32, #tpu.memory_space<vmem>> -> memref<1x1x128xi32, #tpu.memory_space<vmem>>
      %dma_wait3A_255 = tpu.memref_squeeze %dma_wait3A_254 : memref<1x1x128xi32, #tpu.memory_space<vmem>> -> memref<128xi32, #tpu.memory_space<vmem>>
      %dma_wait3A_256 = arith.constant 0 : i32
      %dma_wait3A_257 = arith.constant 0 : i32
      %dma_wait3A_258 = tpu.memref_slice %arg10[%dma_wait3A_256, %dma_wait3A_257] : memref<10240x16xf32, #tpu.memory_space<vmem_shared>> -> memref<10240x16xf32, #tpu.memory_space<vmem_shared>>
      tpu.wait_indirect_dma semaphore(%arg12 : memref<!tpu.dma_semaphore, #tpu.memory_space<semaphore_mem>>) src(%dma_wait3A_258 : memref<10240x16xf32, #tpu.memory_space<vmem_shared>>) dst(%dma_wait3A_252 : memref<128x16xf32, #tpu.memory_space<vmem>>)
      %dma_wait3A_259 = arith.constant 0 : i32
      %dma_wait3A_260 = arith.constant 1 : i32
      %dma_wait3A_261 = arith.constant 0 : i32
      %dma_wait3A_262 = arith.constant 1 : i32
      %dma_wait3A_263 = arith.constant 0 : i32
      %dma_wait3A_264 = arith.constant 0 : i32
      %dma_wait3A_265 = tpu.memref_slice %arg9[%dma_wait3A_261, %dma_wait3A_262, %dma_wait3A_263, %dma_wait3A_264] : memref<2x16x128x16xf32, #tpu.memory_space<vmem>> -> memref<1x1x128x16xf32, #tpu.memory_space<vmem>>
      %dma_wait3A_266 = tpu.memref_squeeze %dma_wait3A_265 : memref<1x1x128x16xf32, #tpu.memory_space<vmem>> -> memref<128x16xf32, #tpu.memory_space<vmem>>
      %dma_wait3A_267 = arith.constant 0 : i32
      %dma_wait3A_268 = tpu.memref_slice %arg7[%dma_wait3A_259, %dma_wait3A_260, %dma_wait3A_267] : memref<2x16x128xi32, #tpu.memory_space<vmem>> -> memref<1x1x128xi32, #tpu.memory_space<vmem>>
      %dma_wait3A_269 = tpu.memref_squeeze %dma_wait3A_268 : memref<1x1x128xi32, #tpu.memory_space<vmem>> -> memref<128xi32, #tpu.memory_space<vmem>>
      %dma_wait3A_270 = arith.constant 0 : i32
      %dma_wait3A_271 = arith.constant 0 : i32
      %dma_wait3A_272 = tpu.memref_slice %arg10[%dma_wait3A_270, %dma_wait3A_271] : memref<10240x16xf32, #tpu.memory_space<vmem_shared>> -> memref<10240x16xf32, #tpu.memory_space<vmem_shared>>
      tpu.wait_indirect_dma semaphore(%arg12 : memref<!tpu.dma_semaphore, #tpu.memory_space<semaphore_mem>>) src(%dma_wait3A_272 : memref<10240x16xf32, #tpu.memory_space<vmem_shared>>) dst(%dma_wait3A_266 : memref<128x16xf32, #tpu.memory_space<vmem>>)
      %dma_wait3A_273 = arith.constant 0 : i32
      %dma_wait3A_274 = arith.constant 2 : i32
      %dma_wait3A_275 = arith.constant 0 : i32
      %dma_wait3A_276 = arith.constant 2 : i32
      %dma_wait3A_277 = arith.constant 0 : i32
      %dma_wait3A_278 = arith.constant 0 : i32
      %dma_wait3A_279 = tpu.memref_slice %arg9[%dma_wait3A_275, %dma_wait3A_276, %dma_wait3A_277, %dma_wait3A_278] : memref<2x16x128x16xf32, #tpu.memory_space<vmem>> -> memref<1x1x128x16xf32, #tpu.memory_space<vmem>>
      %dma_wait3A_280 = tpu.memref_squeeze %dma_wait3A_279 : memref<1x1x128x16xf32, #tpu.memory_space<vmem>> -> memref<128x16xf32, #tpu.memory_space<vmem>>
      %dma_wait3A_281 = arith.constant 0 : i32
      %dma_wait3A_282 = tpu.memref_slice %arg7[%dma_wait3A_273, %dma_wait3A_274, %dma_wait3A_281] : memref<2x16x128xi32, #tpu.memory_space<vmem>> -> memref<1x1x128xi32, #tpu.memory_space<vmem>>
      %dma_wait3A_283 = tpu.memref_squeeze %dma_wait3A_282 : memref<1x1x128xi32, #tpu.memory_space<vmem>> -> memref<128xi32, #tpu.memory_space<vmem>>
      %dma_wait3A_284 = arith.constant 0 : i32
      %dma_wait3A_285 = arith.constant 0 : i32
      %dma_wait3A_286 = tpu.memref_slice %arg10[%dma_wait3A_284, %dma_wait3A_285] : memref<10240x16xf32, #tpu.memory_space<vmem_shared>> -> memref<10240x16xf32, #tpu.memory_space<vmem_shared>>
      tpu.wait_indirect_dma semaphore(%arg12 : memref<!tpu.dma_semaphore, #tpu.memory_space<semaphore_mem>>) src(%dma_wait3A_286 : memref<10240x16xf32, #tpu.memory_space<vmem_shared>>) dst(%dma_wait3A_280 : memref<128x16xf32, #tpu.memory_space<vmem>>)
      %dma_wait3A_287 = arith.constant 0 : i32
      %dma_wait3A_288 = arith.constant 3 : i32
      %dma_wait3A_289 = arith.constant 0 : i32
      %dma_wait3A_290 = arith.constant 3 : i32
      %dma_wait3A_291 = arith.constant 0 : i32
      %dma_wait3A_292 = arith.constant 0 : i32
      %dma_wait3A_293 = tpu.memref_slice %arg9[%dma_wait3A_289, %dma_wait3A_290, %dma_wait3A_291, %dma_wait3A_292] : memref<2x16x128x16xf32, #tpu.memory_space<vmem>> -> memref<1x1x128x16xf32, #tpu.memory_space<vmem>>
      %dma_wait3A_294 = tpu.memref_squeeze %dma_wait3A_293 : memref<1x1x128x16xf32, #tpu.memory_space<vmem>> -> memref<128x16xf32, #tpu.memory_space<vmem>>
      %dma_wait3A_295 = arith.constant 0 : i32
      %dma_wait3A_296 = tpu.memref_slice %arg7[%dma_wait3A_287, %dma_wait3A_288, %dma_wait3A_295] : memref<2x16x128xi32, #tpu.memory_space<vmem>> -> memref<1x1x128xi32, #tpu.memory_space<vmem>>
      %dma_wait3A_297 = tpu.memref_squeeze %dma_wait3A_296 : memref<1x1x128xi32, #tpu.memory_space<vmem>> -> memref<128xi32, #tpu.memory_space<vmem>>
      %dma_wait3A_298 = arith.constant 0 : i32
      %dma_wait3A_299 = arith.constant 0 : i32
      %dma_wait3A_300 = tpu.memref_slice %arg10[%dma_wait3A_298, %dma_wait3A_299] : memref<10240x16xf32, #tpu.memory_space<vmem_shared>> -> memref<10240x16xf32, #tpu.memory_space<vmem_shared>>
      tpu.wait_indirect_dma semaphore(%arg12 : memref<!tpu.dma_semaphore, #tpu.memory_space<semaphore_mem>>) src(%dma_wait3A_300 : memref<10240x16xf32, #tpu.memory_space<vmem_shared>>) dst(%dma_wait3A_294 : memref<128x16xf32, #tpu.memory_space<vmem>>)
      %dma_wait3A_301 = arith.constant 0 : i32
      %dma_wait3A_302 = arith.constant 4 : i32
      %dma_wait3A_303 = arith.constant 0 : i32
      %dma_wait3A_304 = arith.constant 4 : i32
      %dma_wait3A_305 = arith.constant 0 : i32
      %dma_wait3A_306 = arith.constant 0 : i32
      %dma_wait3A_307 = tpu.memref_slice %arg9[%dma_wait3A_303, %dma_wait3A_304, %dma_wait3A_305, %dma_wait3A_306] : memref<2x16x128x16xf32, #tpu.memory_space<vmem>> -> memref<1x1x128x16xf32, #tpu.memory_space<vmem>>
      %dma_wait3A_308 = tpu.memref_squeeze %dma_wait3A_307 : memref<1x1x128x16xf32, #tpu.memory_space<vmem>> -> memref<128x16xf32, #tpu.memory_space<vmem>>
      %dma_wait3A_309 = arith.constant 0 : i32
      %dma_wait3A_310 = tpu.memref_slice %arg7[%dma_wait3A_301, %dma_wait3A_302, %dma_wait3A_309] : memref<2x16x128xi32, #tpu.memory_space<vmem>> -> memref<1x1x128xi32, #tpu.memory_space<vmem>>
      %dma_wait3A_311 = tpu.memref_squeeze %dma_wait3A_310 : memref<1x1x128xi32, #tpu.memory_space<vmem>> -> memref<128xi32, #tpu.memory_space<vmem>>
      %dma_wait3A_312 = arith.constant 0 : i32
      %dma_wait3A_313 = arith.constant 0 : i32
      %dma_wait3A_314 = tpu.memref_slice %arg10[%dma_wait3A_312, %dma_wait3A_313] : memref<10240x16xf32, #tpu.memory_space<vmem_shared>> -> memref<10240x16xf32, #tpu.memory_space<vmem_shared>>
      tpu.wait_indirect_dma semaphore(%arg12 : memref<!tpu.dma_semaphore, #tpu.memory_space<semaphore_mem>>) src(%dma_wait3A_314 : memref<10240x16xf32, #tpu.memory_space<vmem_shared>>) dst(%dma_wait3A_308 : memref<128x16xf32, #tpu.memory_space<vmem>>)
      %dma_wait3A_315 = arith.constant 0 : i32
      %dma_wait3A_316 = arith.constant 5 : i32
      %dma_wait3A_317 = arith.constant 0 : i32
      %dma_wait3A_318 = arith.constant 5 : i32
      %dma_wait3A_319 = arith.constant 0 : i32
      %dma_wait3A_320 = arith.constant 0 : i32
      %dma_wait3A_321 = tpu.memref_slice %arg9[%dma_wait3A_317, %dma_wait3A_318, %dma_wait3A_319, %dma_wait3A_320] : memref<2x16x128x16xf32, #tpu.memory_space<vmem>> -> memref<1x1x128x16xf32, #tpu.memory_space<vmem>>
      %dma_wait3A_322 = tpu.memref_squeeze %dma_wait3A_321 : memref<1x1x128x16xf32, #tpu.memory_space<vmem>> -> memref<128x16xf32, #tpu.memory_space<vmem>>
      %dma_wait3A_323 = arith.constant 0 : i32
      %dma_wait3A_324 = tpu.memref_slice %arg7[%dma_wait3A_315, %dma_wait3A_316, %dma_wait3A_323] : memref<2x16x128xi32, #tpu.memory_space<vmem>> -> memref<1x1x128xi32, #tpu.memory_space<vmem>>
      %dma_wait3A_325 = tpu.memref_squeeze %dma_wait3A_324 : memref<1x1x128xi32, #tpu.memory_space<vmem>> -> memref<128xi32, #tpu.memory_space<vmem>>
      %dma_wait3A_326 = arith.constant 0 : i32
      %dma_wait3A_327 = arith.constant 0 : i32
      %dma_wait3A_328 = tpu.memref_slice %arg10[%dma_wait3A_326, %dma_wait3A_327] : memref<10240x16xf32, #tpu.memory_space<vmem_shared>> -> memref<10240x16xf32, #tpu.memory_space<vmem_shared>>
      tpu.wait_indirect_dma semaphore(%arg12 : memref<!tpu.dma_semaphore, #tpu.memory_space<semaphore_mem>>) src(%dma_wait3A_328 : memref<10240x16xf32, #tpu.memory_space<vmem_shared>>) dst(%dma_wait3A_322 : memref<128x16xf32, #tpu.memory_space<vmem>>)
      %dma_wait3A_329 = arith.constant 0 : i32
      %dma_wait3A_330 = arith.constant 6 : i32
      %dma_wait3A_331 = arith.constant 0 : i32
      %dma_wait3A_332 = arith.constant 6 : i32
      %dma_wait3A_333 = arith.constant 0 : i32
      %dma_wait3A_334 = arith.constant 0 : i32
      %dma_wait3A_335 = tpu.memref_slice %arg9[%dma_wait3A_331, %dma_wait3A_332, %dma_wait3A_333, %dma_wait3A_334] : memref<2x16x128x16xf32, #tpu.memory_space<vmem>> -> memref<1x1x128x16xf32, #tpu.memory_space<vmem>>
      %dma_wait3A_336 = tpu.memref_squeeze %dma_wait3A_335 : memref<1x1x128x16xf32, #tpu.memory_space<vmem>> -> memref<128x16xf32, #tpu.memory_space<vmem>>
      %dma_wait3A_337 = arith.constant 0 : i32
      %dma_wait3A_338 = tpu.memref_slice %arg7[%dma_wait3A_329, %dma_wait3A_330, %dma_wait3A_337] : memref<2x16x128xi32, #tpu.memory_space<vmem>> -> memref<1x1x128xi32, #tpu.memory_space<vmem>>
      %dma_wait3A_339 = tpu.memref_squeeze %dma_wait3A_338 : memref<1x1x128xi32, #tpu.memory_space<vmem>> -> memref<128xi32, #tpu.memory_space<vmem>>
      %dma_wait3A_340 = arith.constant 0 : i32
      %dma_wait3A_341 = arith.constant 0 : i32
      %dma_wait3A_342 = tpu.memref_slice %arg10[%dma_wait3A_340, %dma_wait3A_341] : memref<10240x16xf32, #tpu.memory_space<vmem_shared>> -> memref<10240x16xf32, #tpu.memory_space<vmem_shared>>
      tpu.wait_indirect_dma semaphore(%arg12 : memref<!tpu.dma_semaphore, #tpu.memory_space<semaphore_mem>>) src(%dma_wait3A_342 : memref<10240x16xf32, #tpu.memory_space<vmem_shared>>) dst(%dma_wait3A_336 : memref<128x16xf32, #tpu.memory_space<vmem>>)
      %dma_wait3A_343 = arith.constant 0 : i32
      %dma_wait3A_344 = arith.constant 7 : i32
      %dma_wait3A_345 = arith.constant 0 : i32
      %dma_wait3A_346 = arith.constant 7 : i32
      %dma_wait3A_347 = arith.constant 0 : i32
      %dma_wait3A_348 = arith.constant 0 : i32
      %dma_wait3A_349 = tpu.memref_slice %arg9[%dma_wait3A_345, %dma_wait3A_346, %dma_wait3A_347, %dma_wait3A_348] : memref<2x16x128x16xf32, #tpu.memory_space<vmem>> -> memref<1x1x128x16xf32, #tpu.memory_space<vmem>>
      %dma_wait3A_350 = tpu.memref_squeeze %dma_wait3A_349 : memref<1x1x128x16xf32, #tpu.memory_space<vmem>> -> memref<128x16xf32, #tpu.memory_space<vmem>>
      %dma_wait3A_351 = arith.constant 0 : i32
      %dma_wait3A_352 = tpu.memref_slice %arg7[%dma_wait3A_343, %dma_wait3A_344, %dma_wait3A_351] : memref<2x16x128xi32, #tpu.memory_space<vmem>> -> memref<1x1x128xi32, #tpu.memory_space<vmem>>
      %dma_wait3A_353 = tpu.memref_squeeze %dma_wait3A_352 : memref<1x1x128xi32, #tpu.memory_space<vmem>> -> memref<128xi32, #tpu.memory_space<vmem>>
      %dma_wait3A_354 = arith.constant 0 : i32
      %dma_wait3A_355 = arith.constant 0 : i32
      %dma_wait3A_356 = tpu.memref_slice %arg10[%dma_wait3A_354, %dma_wait3A_355] : memref<10240x16xf32, #tpu.memory_space<vmem_shared>> -> memref<10240x16xf32, #tpu.memory_space<vmem_shared>>
      tpu.wait_indirect_dma semaphore(%arg12 : memref<!tpu.dma_semaphore, #tpu.memory_space<semaphore_mem>>) src(%dma_wait3A_356 : memref<10240x16xf32, #tpu.memory_space<vmem_shared>>) dst(%dma_wait3A_350 : memref<128x16xf32, #tpu.memory_space<vmem>>)
      %dma_wait3A_357 = arith.constant 0 : i32
      %dma_wait3A_358 = arith.constant 8 : i32
      %dma_wait3A_359 = arith.constant 0 : i32
      %dma_wait3A_360 = arith.constant 8 : i32
      %dma_wait3A_361 = arith.constant 0 : i32
      %dma_wait3A_362 = arith.constant 0 : i32
      %dma_wait3A_363 = tpu.memref_slice %arg9[%dma_wait3A_359, %dma_wait3A_360, %dma_wait3A_361, %dma_wait3A_362] : memref<2x16x128x16xf32, #tpu.memory_space<vmem>> -> memref<1x1x128x16xf32, #tpu.memory_space<vmem>>
      %dma_wait3A_364 = tpu.memref_squeeze %dma_wait3A_363 : memref<1x1x128x16xf32, #tpu.memory_space<vmem>> -> memref<128x16xf32, #tpu.memory_space<vmem>>
      %dma_wait3A_365 = arith.constant 0 : i32
      %dma_wait3A_366 = tpu.memref_slice %arg7[%dma_wait3A_357, %dma_wait3A_358, %dma_wait3A_365] : memref<2x16x128xi32, #tpu.memory_space<vmem>> -> memref<1x1x128xi32, #tpu.memory_space<vmem>>
      %dma_wait3A_367 = tpu.memref_squeeze %dma_wait3A_366 : memref<1x1x128xi32, #tpu.memory_space<vmem>> -> memref<128xi32, #tpu.memory_space<vmem>>
      %dma_wait3A_368 = arith.constant 0 : i32
      %dma_wait3A_369 = arith.constant 0 : i32
      %dma_wait3A_370 = tpu.memref_slice %arg10[%dma_wait3A_368, %dma_wait3A_369] : memref<10240x16xf32, #tpu.memory_space<vmem_shared>> -> memref<10240x16xf32, #tpu.memory_space<vmem_shared>>
      tpu.wait_indirect_dma semaphore(%arg12 : memref<!tpu.dma_semaphore, #tpu.memory_space<semaphore_mem>>) src(%dma_wait3A_370 : memref<10240x16xf32, #tpu.memory_space<vmem_shared>>) dst(%dma_wait3A_364 : memref<128x16xf32, #tpu.memory_space<vmem>>)
      %dma_wait3A_371 = arith.constant 0 : i32
      %dma_wait3A_372 = arith.constant 9 : i32
      %dma_wait3A_373 = arith.constant 0 : i32
      %dma_wait3A_374 = arith.constant 9 : i32
      %dma_wait3A_375 = arith.constant 0 : i32
      %dma_wait3A_376 = arith.constant 0 : i32
      %dma_wait3A_377 = tpu.memref_slice %arg9[%dma_wait3A_373, %dma_wait3A_374, %dma_wait3A_375, %dma_wait3A_376] : memref<2x16x128x16xf32, #tpu.memory_space<vmem>> -> memref<1x1x128x16xf32, #tpu.memory_space<vmem>>
      %dma_wait3A_378 = tpu.memref_squeeze %dma_wait3A_377 : memref<1x1x128x16xf32, #tpu.memory_space<vmem>> -> memref<128x16xf32, #tpu.memory_space<vmem>>
      %dma_wait3A_379 = arith.constant 0 : i32
      %dma_wait3A_380 = tpu.memref_slice %arg7[%dma_wait3A_371, %dma_wait3A_372, %dma_wait3A_379] : memref<2x16x128xi32, #tpu.memory_space<vmem>> -> memref<1x1x128xi32, #tpu.memory_space<vmem>>
      %dma_wait3A_381 = tpu.memref_squeeze %dma_wait3A_380 : memref<1x1x128xi32, #tpu.memory_space<vmem>> -> memref<128xi32, #tpu.memory_space<vmem>>
      %dma_wait3A_382 = arith.constant 0 : i32
      %dma_wait3A_383 = arith.constant 0 : i32
      %dma_wait3A_384 = tpu.memref_slice %arg10[%dma_wait3A_382, %dma_wait3A_383] : memref<10240x16xf32, #tpu.memory_space<vmem_shared>> -> memref<10240x16xf32, #tpu.memory_space<vmem_shared>>
      tpu.wait_indirect_dma semaphore(%arg12 : memref<!tpu.dma_semaphore, #tpu.memory_space<semaphore_mem>>) src(%dma_wait3A_384 : memref<10240x16xf32, #tpu.memory_space<vmem_shared>>) dst(%dma_wait3A_378 : memref<128x16xf32, #tpu.memory_space<vmem>>)
      %dma_wait3A_385 = arith.constant 0 : i32
      %dma_wait3A_386 = arith.constant 10 : i32
      %dma_wait3A_387 = arith.constant 0 : i32
      %dma_wait3A_388 = arith.constant 10 : i32
      %dma_wait3A_389 = arith.constant 0 : i32
      %dma_wait3A_390 = arith.constant 0 : i32
      %dma_wait3A_391 = tpu.memref_slice %arg9[%dma_wait3A_387, %dma_wait3A_388, %dma_wait3A_389, %dma_wait3A_390] : memref<2x16x128x16xf32, #tpu.memory_space<vmem>> -> memref<1x1x128x16xf32, #tpu.memory_space<vmem>>
      %dma_wait3A_392 = tpu.memref_squeeze %dma_wait3A_391 : memref<1x1x128x16xf32, #tpu.memory_space<vmem>> -> memref<128x16xf32, #tpu.memory_space<vmem>>
      %dma_wait3A_393 = arith.constant 0 : i32
      %dma_wait3A_394 = tpu.memref_slice %arg7[%dma_wait3A_385, %dma_wait3A_386, %dma_wait3A_393] : memref<2x16x128xi32, #tpu.memory_space<vmem>> -> memref<1x1x128xi32, #tpu.memory_space<vmem>>
      %dma_wait3A_395 = tpu.memref_squeeze %dma_wait3A_394 : memref<1x1x128xi32, #tpu.memory_space<vmem>> -> memref<128xi32, #tpu.memory_space<vmem>>
      %dma_wait3A_396 = arith.constant 0 : i32
      %dma_wait3A_397 = arith.constant 0 : i32
      %dma_wait3A_398 = tpu.memref_slice %arg10[%dma_wait3A_396, %dma_wait3A_397] : memref<10240x16xf32, #tpu.memory_space<vmem_shared>> -> memref<10240x16xf32, #tpu.memory_space<vmem_shared>>
      tpu.wait_indirect_dma semaphore(%arg12 : memref<!tpu.dma_semaphore, #tpu.memory_space<semaphore_mem>>) src(%dma_wait3A_398 : memref<10240x16xf32, #tpu.memory_space<vmem_shared>>) dst(%dma_wait3A_392 : memref<128x16xf32, #tpu.memory_space<vmem>>)
      %dma_wait3A_399 = arith.constant 0 : i32
      %dma_wait3A_400 = arith.constant 11 : i32
      %dma_wait3A_401 = arith.constant 0 : i32
      %dma_wait3A_402 = arith.constant 11 : i32
      %dma_wait3A_403 = arith.constant 0 : i32
      %dma_wait3A_404 = arith.constant 0 : i32
      %dma_wait3A_405 = tpu.memref_slice %arg9[%dma_wait3A_401, %dma_wait3A_402, %dma_wait3A_403, %dma_wait3A_404] : memref<2x16x128x16xf32, #tpu.memory_space<vmem>> -> memref<1x1x128x16xf32, #tpu.memory_space<vmem>>
      %dma_wait3A_406 = tpu.memref_squeeze %dma_wait3A_405 : memref<1x1x128x16xf32, #tpu.memory_space<vmem>> -> memref<128x16xf32, #tpu.memory_space<vmem>>
      %dma_wait3A_407 = arith.constant 0 : i32
      %dma_wait3A_408 = tpu.memref_slice %arg7[%dma_wait3A_399, %dma_wait3A_400, %dma_wait3A_407] : memref<2x16x128xi32, #tpu.memory_space<vmem>> -> memref<1x1x128xi32, #tpu.memory_space<vmem>>
      %dma_wait3A_409 = tpu.memref_squeeze %dma_wait3A_408 : memref<1x1x128xi32, #tpu.memory_space<vmem>> -> memref<128xi32, #tpu.memory_space<vmem>>
      %dma_wait3A_410 = arith.constant 0 : i32
      %dma_wait3A_411 = arith.constant 0 : i32
      %dma_wait3A_412 = tpu.memref_slice %arg10[%dma_wait3A_410, %dma_wait3A_411] : memref<10240x16xf32, #tpu.memory_space<vmem_shared>> -> memref<10240x16xf32, #tpu.memory_space<vmem_shared>>
      tpu.wait_indirect_dma semaphore(%arg12 : memref<!tpu.dma_semaphore, #tpu.memory_space<semaphore_mem>>) src(%dma_wait3A_412 : memref<10240x16xf32, #tpu.memory_space<vmem_shared>>) dst(%dma_wait3A_406 : memref<128x16xf32, #tpu.memory_space<vmem>>)
      %dma_wait3A_413 = arith.constant 0 : i32
      %dma_wait3A_414 = arith.constant 12 : i32
      %dma_wait3A_415 = arith.constant 0 : i32
      %dma_wait3A_416 = arith.constant 12 : i32
      %dma_wait3A_417 = arith.constant 0 : i32
      %dma_wait3A_418 = arith.constant 0 : i32
      %dma_wait3A_419 = tpu.memref_slice %arg9[%dma_wait3A_415, %dma_wait3A_416, %dma_wait3A_417, %dma_wait3A_418] : memref<2x16x128x16xf32, #tpu.memory_space<vmem>> -> memref<1x1x128x16xf32, #tpu.memory_space<vmem>>
      %dma_wait3A_420 = tpu.memref_squeeze %dma_wait3A_419 : memref<1x1x128x16xf32, #tpu.memory_space<vmem>> -> memref<128x16xf32, #tpu.memory_space<vmem>>
      %dma_wait3A_421 = arith.constant 0 : i32
      %dma_wait3A_422 = tpu.memref_slice %arg7[%dma_wait3A_413, %dma_wait3A_414, %dma_wait3A_421] : memref<2x16x128xi32, #tpu.memory_space<vmem>> -> memref<1x1x128xi32, #tpu.memory_space<vmem>>
      %dma_wait3A_423 = tpu.memref_squeeze %dma_wait3A_422 : memref<1x1x128xi32, #tpu.memory_space<vmem>> -> memref<128xi32, #tpu.memory_space<vmem>>
      %dma_wait3A_424 = arith.constant 0 : i32
      %dma_wait3A_425 = arith.constant 0 : i32
      %dma_wait3A_426 = tpu.memref_slice %arg10[%dma_wait3A_424, %dma_wait3A_425] : memref<10240x16xf32, #tpu.memory_space<vmem_shared>> -> memref<10240x16xf32, #tpu.memory_space<vmem_shared>>
      tpu.wait_indirect_dma semaphore(%arg12 : memref<!tpu.dma_semaphore, #tpu.memory_space<semaphore_mem>>) src(%dma_wait3A_426 : memref<10240x16xf32, #tpu.memory_space<vmem_shared>>) dst(%dma_wait3A_420 : memref<128x16xf32, #tpu.memory_space<vmem>>)
      %dma_wait3A_427 = arith.constant 0 : i32
      %dma_wait3A_428 = arith.constant 13 : i32
      %dma_wait3A_429 = arith.constant 0 : i32
      %dma_wait3A_430 = arith.constant 13 : i32
      %dma_wait3A_431 = arith.constant 0 : i32
      %dma_wait3A_432 = arith.constant 0 : i32
      %dma_wait3A_433 = tpu.memref_slice %arg9[%dma_wait3A_429, %dma_wait3A_430, %dma_wait3A_431, %dma_wait3A_432] : memref<2x16x128x16xf32, #tpu.memory_space<vmem>> -> memref<1x1x128x16xf32, #tpu.memory_space<vmem>>
      %dma_wait3A_434 = tpu.memref_squeeze %dma_wait3A_433 : memref<1x1x128x16xf32, #tpu.memory_space<vmem>> -> memref<128x16xf32, #tpu.memory_space<vmem>>
      %dma_wait3A_435 = arith.constant 0 : i32
      %dma_wait3A_436 = tpu.memref_slice %arg7[%dma_wait3A_427, %dma_wait3A_428, %dma_wait3A_435] : memref<2x16x128xi32, #tpu.memory_space<vmem>> -> memref<1x1x128xi32, #tpu.memory_space<vmem>>
      %dma_wait3A_437 = tpu.memref_squeeze %dma_wait3A_436 : memref<1x1x128xi32, #tpu.memory_space<vmem>> -> memref<128xi32, #tpu.memory_space<vmem>>
      %dma_wait3A_438 = arith.constant 0 : i32
      %dma_wait3A_439 = arith.constant 0 : i32
      %dma_wait3A_440 = tpu.memref_slice %arg10[%dma_wait3A_438, %dma_wait3A_439] : memref<10240x16xf32, #tpu.memory_space<vmem_shared>> -> memref<10240x16xf32, #tpu.memory_space<vmem_shared>>
      tpu.wait_indirect_dma semaphore(%arg12 : memref<!tpu.dma_semaphore, #tpu.memory_space<semaphore_mem>>) src(%dma_wait3A_440 : memref<10240x16xf32, #tpu.memory_space<vmem_shared>>) dst(%dma_wait3A_434 : memref<128x16xf32, #tpu.memory_space<vmem>>)
      %dma_wait3A_441 = arith.constant 0 : i32
      %dma_wait3A_442 = arith.constant 14 : i32
      %dma_wait3A_443 = arith.constant 0 : i32
      %dma_wait3A_444 = arith.constant 14 : i32
      %dma_wait3A_445 = arith.constant 0 : i32
      %dma_wait3A_446 = arith.constant 0 : i32
      %dma_wait3A_447 = tpu.memref_slice %arg9[%dma_wait3A_443, %dma_wait3A_444, %dma_wait3A_445, %dma_wait3A_446] : memref<2x16x128x16xf32, #tpu.memory_space<vmem>> -> memref<1x1x128x16xf32, #tpu.memory_space<vmem>>
      %dma_wait3A_448 = tpu.memref_squeeze %dma_wait3A_447 : memref<1x1x128x16xf32, #tpu.memory_space<vmem>> -> memref<128x16xf32, #tpu.memory_space<vmem>>
      %dma_wait3A_449 = arith.constant 0 : i32
      %dma_wait3A_450 = tpu.memref_slice %arg7[%dma_wait3A_441, %dma_wait3A_442, %dma_wait3A_449] : memref<2x16x128xi32, #tpu.memory_space<vmem>> -> memref<1x1x128xi32, #tpu.memory_space<vmem>>
      %dma_wait3A_451 = tpu.memref_squeeze %dma_wait3A_450 : memref<1x1x128xi32, #tpu.memory_space<vmem>> -> memref<128xi32, #tpu.memory_space<vmem>>
      %dma_wait3A_452 = arith.constant 0 : i32
      %dma_wait3A_453 = arith.constant 0 : i32
      %dma_wait3A_454 = tpu.memref_slice %arg10[%dma_wait3A_452, %dma_wait3A_453] : memref<10240x16xf32, #tpu.memory_space<vmem_shared>> -> memref<10240x16xf32, #tpu.memory_space<vmem_shared>>
      tpu.wait_indirect_dma semaphore(%arg12 : memref<!tpu.dma_semaphore, #tpu.memory_space<semaphore_mem>>) src(%dma_wait3A_454 : memref<10240x16xf32, #tpu.memory_space<vmem_shared>>) dst(%dma_wait3A_448 : memref<128x16xf32, #tpu.memory_space<vmem>>)
      %dma_wait3A_455 = arith.constant 0 : i32
      %dma_wait3A_456 = arith.constant 15 : i32
      %dma_wait3A_457 = arith.constant 0 : i32
      %dma_wait3A_458 = arith.constant 15 : i32
      %dma_wait3A_459 = arith.constant 0 : i32
      %dma_wait3A_460 = arith.constant 0 : i32
      %dma_wait3A_461 = tpu.memref_slice %arg9[%dma_wait3A_457, %dma_wait3A_458, %dma_wait3A_459, %dma_wait3A_460] : memref<2x16x128x16xf32, #tpu.memory_space<vmem>> -> memref<1x1x128x16xf32, #tpu.memory_space<vmem>>
      %dma_wait3A_462 = tpu.memref_squeeze %dma_wait3A_461 : memref<1x1x128x16xf32, #tpu.memory_space<vmem>> -> memref<128x16xf32, #tpu.memory_space<vmem>>
      %dma_wait3A_463 = arith.constant 0 : i32
      %dma_wait3A_464 = tpu.memref_slice %arg7[%dma_wait3A_455, %dma_wait3A_456, %dma_wait3A_463] : memref<2x16x128xi32, #tpu.memory_space<vmem>> -> memref<1x1x128xi32, #tpu.memory_space<vmem>>
      %dma_wait3A_465 = tpu.memref_squeeze %dma_wait3A_464 : memref<1x1x128xi32, #tpu.memory_space<vmem>> -> memref<128xi32, #tpu.memory_space<vmem>>
      %dma_wait3A_466 = arith.constant 0 : i32
      %dma_wait3A_467 = arith.constant 0 : i32
      %dma_wait3A_468 = tpu.memref_slice %arg10[%dma_wait3A_466, %dma_wait3A_467] : memref<10240x16xf32, #tpu.memory_space<vmem_shared>> -> memref<10240x16xf32, #tpu.memory_space<vmem_shared>>
      tpu.wait_indirect_dma semaphore(%arg12 : memref<!tpu.dma_semaphore, #tpu.memory_space<semaphore_mem>>) src(%dma_wait3A_468 : memref<10240x16xf32, #tpu.memory_space<vmem_shared>>) dst(%dma_wait3A_462 : memref<128x16xf32, #tpu.memory_space<vmem>>)
      %dma_start3A_469 = arith.constant 0 : i32
      %dma_start3A_470 = arith.constant 0 : i32
      %dma_start3A_471 = arith.constant 0 : i32
      %dma_start3A_472 = arith.constant 0 : i32
      %dma_start3A_473 = arith.constant 0 : i32
      %dma_start3A_474 = arith.constant 0 : i32
      %dma_start3A_475 = tpu.memref_slice %arg9[%dma_start3A_469, %dma_start3A_470, %dma_start3A_473, %dma_start3A_474] : memref<2x16x128x16xf32, #tpu.memory_space<vmem>> -> memref<1x1x128x16xf32, #tpu.memory_space<vmem>>
      %dma_start3A_476 = tpu.memref_squeeze %dma_start3A_475 : memref<1x1x128x16xf32, #tpu.memory_space<vmem>> -> memref<128x16xf32, #tpu.memory_space<vmem>>
      %dma_start3A_477 = arith.constant 0 : i32
      %dma_start3A_478 = tpu.memref_slice %arg8[%dma_start3A_471, %dma_start3A_472, %dma_start3A_477] : memref<2x16x128xi32, #tpu.memory_space<vmem>> -> memref<1x1x128xi32, #tpu.memory_space<vmem>>
      %dma_start3A_479 = tpu.memref_squeeze %dma_start3A_478 : memref<1x1x128xi32, #tpu.memory_space<vmem>> -> memref<128xi32, #tpu.memory_space<vmem>>
      %dma_start3A_480 = arith.constant 0 : i32
      %dma_start3A_481 = arith.constant 0 : i32
      %dma_start3A_482 = tpu.memref_slice %arg11[%dma_start3A_480, %dma_start3A_481] : memref<10240x16xf32, #tpu.memory_space<vmem_shared>> -> memref<10240x16xf32, #tpu.memory_space<vmem_shared>>
      tpu.enqueue_indirect_dma source(%dma_start3A_476 : memref<128x16xf32, #tpu.memory_space<vmem>>) target(%dma_start3A_482 : memref<10240x16xf32, #tpu.memory_space<vmem_shared>>) offsets(%dma_start3A_479 : memref<128xi32, #tpu.memory_space<vmem>>) semaphore(%arg14 : memref<!tpu.dma_semaphore, #tpu.memory_space<semaphore_mem>>) {add = true}
      %dma_start3A_483 = arith.constant 0 : i32
      %dma_start3A_484 = arith.constant 1 : i32
      %dma_start3A_485 = arith.constant 0 : i32
      %dma_start3A_486 = arith.constant 1 : i32
      %dma_start3A_487 = arith.constant 0 : i32
      %dma_start3A_488 = arith.constant 0 : i32
      %dma_start3A_489 = tpu.memref_slice %arg9[%dma_start3A_483, %dma_start3A_484, %dma_start3A_487, %dma_start3A_488] : memref<2x16x128x16xf32, #tpu.memory_space<vmem>> -> memref<1x1x128x16xf32, #tpu.memory_space<vmem>>
      %dma_start3A_490 = tpu.memref_squeeze %dma_start3A_489 : memref<1x1x128x16xf32, #tpu.memory_space<vmem>> -> memref<128x16xf32, #tpu.memory_space<vmem>>
      %dma_start3A_491 = arith.constant 0 : i32
      %dma_start3A_492 = tpu.memref_slice %arg8[%dma_start3A_485, %dma_start3A_486, %dma_start3A_491] : memref<2x16x128xi32, #tpu.memory_space<vmem>> -> memref<1x1x128xi32, #tpu.memory_space<vmem>>
      %dma_start3A_493 = tpu.memref_squeeze %dma_start3A_492 : memref<1x1x128xi32, #tpu.memory_space<vmem>> -> memref<128xi32, #tpu.memory_space<vmem>>
      %dma_start3A_494 = arith.constant 0 : i32
      %dma_start3A_495 = arith.constant 0 : i32
      %dma_start3A_496 = tpu.memref_slice %arg11[%dma_start3A_494, %dma_start3A_495] : memref<10240x16xf32, #tpu.memory_space<vmem_shared>> -> memref<10240x16xf32, #tpu.memory_space<vmem_shared>>
      tpu.enqueue_indirect_dma source(%dma_start3A_490 : memref<128x16xf32, #tpu.memory_space<vmem>>) target(%dma_start3A_496 : memref<10240x16xf32, #tpu.memory_space<vmem_shared>>) offsets(%dma_start3A_493 : memref<128xi32, #tpu.memory_space<vmem>>) semaphore(%arg14 : memref<!tpu.dma_semaphore, #tpu.memory_space<semaphore_mem>>) {add = true}
      %dma_start3A_497 = arith.constant 0 : i32
      %dma_start3A_498 = arith.constant 2 : i32
      %dma_start3A_499 = arith.constant 0 : i32
      %dma_start3A_500 = arith.constant 2 : i32
      %dma_start3A_501 = arith.constant 0 : i32
      %dma_start3A_502 = arith.constant 0 : i32
      %dma_start3A_503 = tpu.memref_slice %arg9[%dma_start3A_497, %dma_start3A_498, %dma_start3A_501, %dma_start3A_502] : memref<2x16x128x16xf32, #tpu.memory_space<vmem>> -> memref<1x1x128x16xf32, #tpu.memory_space<vmem>>
      %dma_start3A_504 = tpu.memref_squeeze %dma_start3A_503 : memref<1x1x128x16xf32, #tpu.memory_space<vmem>> -> memref<128x16xf32, #tpu.memory_space<vmem>>
      %dma_start3A_505 = arith.constant 0 : i32
      %dma_start3A_506 = tpu.memref_slice %arg8[%dma_start3A_499, %dma_start3A_500, %dma_start3A_505] : memref<2x16x128xi32, #tpu.memory_space<vmem>> -> memref<1x1x128xi32, #tpu.memory_space<vmem>>
      %dma_start3A_507 = tpu.memref_squeeze %dma_start3A_506 : memref<1x1x128xi32, #tpu.memory_space<vmem>> -> memref<128xi32, #tpu.memory_space<vmem>>
      %dma_start3A_508 = arith.constant 0 : i32
      %dma_start3A_509 = arith.constant 0 : i32
      %dma_start3A_510 = tpu.memref_slice %arg11[%dma_start3A_508, %dma_start3A_509] : memref<10240x16xf32, #tpu.memory_space<vmem_shared>> -> memref<10240x16xf32, #tpu.memory_space<vmem_shared>>
      tpu.enqueue_indirect_dma source(%dma_start3A_504 : memref<128x16xf32, #tpu.memory_space<vmem>>) target(%dma_start3A_510 : memref<10240x16xf32, #tpu.memory_space<vmem_shared>>) offsets(%dma_start3A_507 : memref<128xi32, #tpu.memory_space<vmem>>) semaphore(%arg14 : memref<!tpu.dma_semaphore, #tpu.memory_space<semaphore_mem>>) {add = true}
      %dma_start3A_511 = arith.constant 0 : i32
      %dma_start3A_512 = arith.constant 3 : i32
      %dma_start3A_513 = arith.constant 0 : i32
      %dma_start3A_514 = arith.constant 3 : i32
      %dma_start3A_515 = arith.constant 0 : i32
      %dma_start3A_516 = arith.constant 0 : i32
      %dma_start3A_517 = tpu.memref_slice %arg9[%dma_start3A_511, %dma_start3A_512, %dma_start3A_515, %dma_start3A_516] : memref<2x16x128x16xf32, #tpu.memory_space<vmem>> -> memref<1x1x128x16xf32, #tpu.memory_space<vmem>>
      %dma_start3A_518 = tpu.memref_squeeze %dma_start3A_517 : memref<1x1x128x16xf32, #tpu.memory_space<vmem>> -> memref<128x16xf32, #tpu.memory_space<vmem>>
      %dma_start3A_519 = arith.constant 0 : i32
      %dma_start3A_520 = tpu.memref_slice %arg8[%dma_start3A_513, %dma_start3A_514, %dma_start3A_519] : memref<2x16x128xi32, #tpu.memory_space<vmem>> -> memref<1x1x128xi32, #tpu.memory_space<vmem>>
      %dma_start3A_521 = tpu.memref_squeeze %dma_start3A_520 : memref<1x1x128xi32, #tpu.memory_space<vmem>> -> memref<128xi32, #tpu.memory_space<vmem>>
      %dma_start3A_522 = arith.constant 0 : i32
      %dma_start3A_523 = arith.constant 0 : i32
      %dma_start3A_524 = tpu.memref_slice %arg11[%dma_start3A_522, %dma_start3A_523] : memref<10240x16xf32, #tpu.memory_space<vmem_shared>> -> memref<10240x16xf32, #tpu.memory_space<vmem_shared>>
      tpu.enqueue_indirect_dma source(%dma_start3A_518 : memref<128x16xf32, #tpu.memory_space<vmem>>) target(%dma_start3A_524 : memref<10240x16xf32, #tpu.memory_space<vmem_shared>>) offsets(%dma_start3A_521 : memref<128xi32, #tpu.memory_space<vmem>>) semaphore(%arg14 : memref<!tpu.dma_semaphore, #tpu.memory_space<semaphore_mem>>) {add = true}
      %dma_start3A_525 = arith.constant 0 : i32
      %dma_start3A_526 = arith.constant 4 : i32
      %dma_start3A_527 = arith.constant 0 : i32
      %dma_start3A_528 = arith.constant 4 : i32
      %dma_start3A_529 = arith.constant 0 : i32
      %dma_start3A_530 = arith.constant 0 : i32
      %dma_start3A_531 = tpu.memref_slice %arg9[%dma_start3A_525, %dma_start3A_526, %dma_start3A_529, %dma_start3A_530] : memref<2x16x128x16xf32, #tpu.memory_space<vmem>> -> memref<1x1x128x16xf32, #tpu.memory_space<vmem>>
      %dma_start3A_532 = tpu.memref_squeeze %dma_start3A_531 : memref<1x1x128x16xf32, #tpu.memory_space<vmem>> -> memref<128x16xf32, #tpu.memory_space<vmem>>
      %dma_start3A_533 = arith.constant 0 : i32
      %dma_start3A_534 = tpu.memref_slice %arg8[%dma_start3A_527, %dma_start3A_528, %dma_start3A_533] : memref<2x16x128xi32, #tpu.memory_space<vmem>> -> memref<1x1x128xi32, #tpu.memory_space<vmem>>
      %dma_start3A_535 = tpu.memref_squeeze %dma_start3A_534 : memref<1x1x128xi32, #tpu.memory_space<vmem>> -> memref<128xi32, #tpu.memory_space<vmem>>
      %dma_start3A_536 = arith.constant 0 : i32
      %dma_start3A_537 = arith.constant 0 : i32
      %dma_start3A_538 = tpu.memref_slice %arg11[%dma_start3A_536, %dma_start3A_537] : memref<10240x16xf32, #tpu.memory_space<vmem_shared>> -> memref<10240x16xf32, #tpu.memory_space<vmem_shared>>
      tpu.enqueue_indirect_dma source(%dma_start3A_532 : memref<128x16xf32, #tpu.memory_space<vmem>>) target(%dma_start3A_538 : memref<10240x16xf32, #tpu.memory_space<vmem_shared>>) offsets(%dma_start3A_535 : memref<128xi32, #tpu.memory_space<vmem>>) semaphore(%arg14 : memref<!tpu.dma_semaphore, #tpu.memory_space<semaphore_mem>>) {add = true}
      %dma_start3A_539 = arith.constant 0 : i32
      %dma_start3A_540 = arith.constant 5 : i32
      %dma_start3A_541 = arith.constant 0 : i32
      %dma_start3A_542 = arith.constant 5 : i32
      %dma_start3A_543 = arith.constant 0 : i32
      %dma_start3A_544 = arith.constant 0 : i32
      %dma_start3A_545 = tpu.memref_slice %arg9[%dma_start3A_539, %dma_start3A_540, %dma_start3A_543, %dma_start3A_544] : memref<2x16x128x16xf32, #tpu.memory_space<vmem>> -> memref<1x1x128x16xf32, #tpu.memory_space<vmem>>
      %dma_start3A_546 = tpu.memref_squeeze %dma_start3A_545 : memref<1x1x128x16xf32, #tpu.memory_space<vmem>> -> memref<128x16xf32, #tpu.memory_space<vmem>>
      %dma_start3A_547 = arith.constant 0 : i32
      %dma_start3A_548 = tpu.memref_slice %arg8[%dma_start3A_541, %dma_start3A_542, %dma_start3A_547] : memref<2x16x128xi32, #tpu.memory_space<vmem>> -> memref<1x1x128xi32, #tpu.memory_space<vmem>>
      %dma_start3A_549 = tpu.memref_squeeze %dma_start3A_548 : memref<1x1x128xi32, #tpu.memory_space<vmem>> -> memref<128xi32, #tpu.memory_space<vmem>>
      %dma_start3A_550 = arith.constant 0 : i32
      %dma_start3A_551 = arith.constant 0 : i32
      %dma_start3A_552 = tpu.memref_slice %arg11[%dma_start3A_550, %dma_start3A_551] : memref<10240x16xf32, #tpu.memory_space<vmem_shared>> -> memref<10240x16xf32, #tpu.memory_space<vmem_shared>>
      tpu.enqueue_indirect_dma source(%dma_start3A_546 : memref<128x16xf32, #tpu.memory_space<vmem>>) target(%dma_start3A_552 : memref<10240x16xf32, #tpu.memory_space<vmem_shared>>) offsets(%dma_start3A_549 : memref<128xi32, #tpu.memory_space<vmem>>) semaphore(%arg14 : memref<!tpu.dma_semaphore, #tpu.memory_space<semaphore_mem>>) {add = true}
      %dma_start3A_553 = arith.constant 0 : i32
      %dma_start3A_554 = arith.constant 6 : i32
      %dma_start3A_555 = arith.constant 0 : i32
      %dma_start3A_556 = arith.constant 6 : i32
      %dma_start3A_557 = arith.constant 0 : i32
      %dma_start3A_558 = arith.constant 0 : i32
      %dma_start3A_559 = tpu.memref_slice %arg9[%dma_start3A_553, %dma_start3A_554, %dma_start3A_557, %dma_start3A_558] : memref<2x16x128x16xf32, #tpu.memory_space<vmem>> -> memref<1x1x128x16xf32, #tpu.memory_space<vmem>>
      %dma_start3A_560 = tpu.memref_squeeze %dma_start3A_559 : memref<1x1x128x16xf32, #tpu.memory_space<vmem>> -> memref<128x16xf32, #tpu.memory_space<vmem>>
      %dma_start3A_561 = arith.constant 0 : i32
      %dma_start3A_562 = tpu.memref_slice %arg8[%dma_start3A_555, %dma_start3A_556, %dma_start3A_561] : memref<2x16x128xi32, #tpu.memory_space<vmem>> -> memref<1x1x128xi32, #tpu.memory_space<vmem>>
      %dma_start3A_563 = tpu.memref_squeeze %dma_start3A_562 : memref<1x1x128xi32, #tpu.memory_space<vmem>> -> memref<128xi32, #tpu.memory_space<vmem>>
      %dma_start3A_564 = arith.constant 0 : i32
      %dma_start3A_565 = arith.constant 0 : i32
      %dma_start3A_566 = tpu.memref_slice %arg11[%dma_start3A_564, %dma_start3A_565] : memref<10240x16xf32, #tpu.memory_space<vmem_shared>> -> memref<10240x16xf32, #tpu.memory_space<vmem_shared>>
      tpu.enqueue_indirect_dma source(%dma_start3A_560 : memref<128x16xf32, #tpu.memory_space<vmem>>) target(%dma_start3A_566 : memref<10240x16xf32, #tpu.memory_space<vmem_shared>>) offsets(%dma_start3A_563 : memref<128xi32, #tpu.memory_space<vmem>>) semaphore(%arg14 : memref<!tpu.dma_semaphore, #tpu.memory_space<semaphore_mem>>) {add = true}
      %dma_start3A_567 = arith.constant 0 : i32
      %dma_start3A_568 = arith.constant 7 : i32
      %dma_start3A_569 = arith.constant 0 : i32
      %dma_start3A_570 = arith.constant 7 : i32
      %dma_start3A_571 = arith.constant 0 : i32
      %dma_start3A_572 = arith.constant 0 : i32
      %dma_start3A_573 = tpu.memref_slice %arg9[%dma_start3A_567, %dma_start3A_568, %dma_start3A_571, %dma_start3A_572] : memref<2x16x128x16xf32, #tpu.memory_space<vmem>> -> memref<1x1x128x16xf32, #tpu.memory_space<vmem>>
      %dma_start3A_574 = tpu.memref_squeeze %dma_start3A_573 : memref<1x1x128x16xf32, #tpu.memory_space<vmem>> -> memref<128x16xf32, #tpu.memory_space<vmem>>
      %dma_start3A_575 = arith.constant 0 : i32
      %dma_start3A_576 = tpu.memref_slice %arg8[%dma_start3A_569, %dma_start3A_570, %dma_start3A_575] : memref<2x16x128xi32, #tpu.memory_space<vmem>> -> memref<1x1x128xi32, #tpu.memory_space<vmem>>
      %dma_start3A_577 = tpu.memref_squeeze %dma_start3A_576 : memref<1x1x128xi32, #tpu.memory_space<vmem>> -> memref<128xi32, #tpu.memory_space<vmem>>
      %dma_start3A_578 = arith.constant 0 : i32
      %dma_start3A_579 = arith.constant 0 : i32
      %dma_start3A_580 = tpu.memref_slice %arg11[%dma_start3A_578, %dma_start3A_579] : memref<10240x16xf32, #tpu.memory_space<vmem_shared>> -> memref<10240x16xf32, #tpu.memory_space<vmem_shared>>
      tpu.enqueue_indirect_dma source(%dma_start3A_574 : memref<128x16xf32, #tpu.memory_space<vmem>>) target(%dma_start3A_580 : memref<10240x16xf32, #tpu.memory_space<vmem_shared>>) offsets(%dma_start3A_577 : memref<128xi32, #tpu.memory_space<vmem>>) semaphore(%arg14 : memref<!tpu.dma_semaphore, #tpu.memory_space<semaphore_mem>>) {add = true}
      %dma_start3A_581 = arith.constant 0 : i32
      %dma_start3A_582 = arith.constant 8 : i32
      %dma_start3A_583 = arith.constant 0 : i32
      %dma_start3A_584 = arith.constant 8 : i32
      %dma_start3A_585 = arith.constant 0 : i32
      %dma_start3A_586 = arith.constant 0 : i32
      %dma_start3A_587 = tpu.memref_slice %arg9[%dma_start3A_581, %dma_start3A_582, %dma_start3A_585, %dma_start3A_586] : memref<2x16x128x16xf32, #tpu.memory_space<vmem>> -> memref<1x1x128x16xf32, #tpu.memory_space<vmem>>
      %dma_start3A_588 = tpu.memref_squeeze %dma_start3A_587 : memref<1x1x128x16xf32, #tpu.memory_space<vmem>> -> memref<128x16xf32, #tpu.memory_space<vmem>>
      %dma_start3A_589 = arith.constant 0 : i32
      %dma_start3A_590 = tpu.memref_slice %arg8[%dma_start3A_583, %dma_start3A_584, %dma_start3A_589] : memref<2x16x128xi32, #tpu.memory_space<vmem>> -> memref<1x1x128xi32, #tpu.memory_space<vmem>>
      %dma_start3A_591 = tpu.memref_squeeze %dma_start3A_590 : memref<1x1x128xi32, #tpu.memory_space<vmem>> -> memref<128xi32, #tpu.memory_space<vmem>>
      %dma_start3A_592 = arith.constant 0 : i32
      %dma_start3A_593 = arith.constant 0 : i32
      %dma_start3A_594 = tpu.memref_slice %arg11[%dma_start3A_592, %dma_start3A_593] : memref<10240x16xf32, #tpu.memory_space<vmem_shared>> -> memref<10240x16xf32, #tpu.memory_space<vmem_shared>>
      tpu.enqueue_indirect_dma source(%dma_start3A_588 : memref<128x16xf32, #tpu.memory_space<vmem>>) target(%dma_start3A_594 : memref<10240x16xf32, #tpu.memory_space<vmem_shared>>) offsets(%dma_start3A_591 : memref<128xi32, #tpu.memory_space<vmem>>) semaphore(%arg14 : memref<!tpu.dma_semaphore, #tpu.memory_space<semaphore_mem>>) {add = true}
      %dma_start3A_595 = arith.constant 0 : i32
      %dma_start3A_596 = arith.constant 9 : i32
      %dma_start3A_597 = arith.constant 0 : i32
      %dma_start3A_598 = arith.constant 9 : i32
      %dma_start3A_599 = arith.constant 0 : i32
      %dma_start3A_600 = arith.constant 0 : i32
      %dma_start3A_601 = tpu.memref_slice %arg9[%dma_start3A_595, %dma_start3A_596, %dma_start3A_599, %dma_start3A_600] : memref<2x16x128x16xf32, #tpu.memory_space<vmem>> -> memref<1x1x128x16xf32, #tpu.memory_space<vmem>>
      %dma_start3A_602 = tpu.memref_squeeze %dma_start3A_601 : memref<1x1x128x16xf32, #tpu.memory_space<vmem>> -> memref<128x16xf32, #tpu.memory_space<vmem>>
      %dma_start3A_603 = arith.constant 0 : i32
      %dma_start3A_604 = tpu.memref_slice %arg8[%dma_start3A_597, %dma_start3A_598, %dma_start3A_603] : memref<2x16x128xi32, #tpu.memory_space<vmem>> -> memref<1x1x128xi32, #tpu.memory_space<vmem>>
      %dma_start3A_605 = tpu.memref_squeeze %dma_start3A_604 : memref<1x1x128xi32, #tpu.memory_space<vmem>> -> memref<128xi32, #tpu.memory_space<vmem>>
      %dma_start3A_606 = arith.constant 0 : i32
      %dma_start3A_607 = arith.constant 0 : i32
      %dma_start3A_608 = tpu.memref_slice %arg11[%dma_start3A_606, %dma_start3A_607] : memref<10240x16xf32, #tpu.memory_space<vmem_shared>> -> memref<10240x16xf32, #tpu.memory_space<vmem_shared>>
      tpu.enqueue_indirect_dma source(%dma_start3A_602 : memref<128x16xf32, #tpu.memory_space<vmem>>) target(%dma_start3A_608 : memref<10240x16xf32, #tpu.memory_space<vmem_shared>>) offsets(%dma_start3A_605 : memref<128xi32, #tpu.memory_space<vmem>>) semaphore(%arg14 : memref<!tpu.dma_semaphore, #tpu.memory_space<semaphore_mem>>) {add = true}
      %dma_start3A_609 = arith.constant 0 : i32
      %dma_start3A_610 = arith.constant 10 : i32
      %dma_start3A_611 = arith.constant 0 : i32
      %dma_start3A_612 = arith.constant 10 : i32
      %dma_start3A_613 = arith.constant 0 : i32
      %dma_start3A_614 = arith.constant 0 : i32
      %dma_start3A_615 = tpu.memref_slice %arg9[%dma_start3A_609, %dma_start3A_610, %dma_start3A_613, %dma_start3A_614] : memref<2x16x128x16xf32, #tpu.memory_space<vmem>> -> memref<1x1x128x16xf32, #tpu.memory_space<vmem>>
      %dma_start3A_616 = tpu.memref_squeeze %dma_start3A_615 : memref<1x1x128x16xf32, #tpu.memory_space<vmem>> -> memref<128x16xf32, #tpu.memory_space<vmem>>
      %dma_start3A_617 = arith.constant 0 : i32
      %dma_start3A_618 = tpu.memref_slice %arg8[%dma_start3A_611, %dma_start3A_612, %dma_start3A_617] : memref<2x16x128xi32, #tpu.memory_space<vmem>> -> memref<1x1x128xi32, #tpu.memory_space<vmem>>
      %dma_start3A_619 = tpu.memref_squeeze %dma_start3A_618 : memref<1x1x128xi32, #tpu.memory_space<vmem>> -> memref<128xi32, #tpu.memory_space<vmem>>
      %dma_start3A_620 = arith.constant 0 : i32
      %dma_start3A_621 = arith.constant 0 : i32
      %dma_start3A_622 = tpu.memref_slice %arg11[%dma_start3A_620, %dma_start3A_621] : memref<10240x16xf32, #tpu.memory_space<vmem_shared>> -> memref<10240x16xf32, #tpu.memory_space<vmem_shared>>
      tpu.enqueue_indirect_dma source(%dma_start3A_616 : memref<128x16xf32, #tpu.memory_space<vmem>>) target(%dma_start3A_622 : memref<10240x16xf32, #tpu.memory_space<vmem_shared>>) offsets(%dma_start3A_619 : memref<128xi32, #tpu.memory_space<vmem>>) semaphore(%arg14 : memref<!tpu.dma_semaphore, #tpu.memory_space<semaphore_mem>>) {add = true}
      %dma_start3A_623 = arith.constant 0 : i32
      %dma_start3A_624 = arith.constant 11 : i32
      %dma_start3A_625 = arith.constant 0 : i32
      %dma_start3A_626 = arith.constant 11 : i32
      %dma_start3A_627 = arith.constant 0 : i32
      %dma_start3A_628 = arith.constant 0 : i32
      %dma_start3A_629 = tpu.memref_slice %arg9[%dma_start3A_623, %dma_start3A_624, %dma_start3A_627, %dma_start3A_628] : memref<2x16x128x16xf32, #tpu.memory_space<vmem>> -> memref<1x1x128x16xf32, #tpu.memory_space<vmem>>
      %dma_start3A_630 = tpu.memref_squeeze %dma_start3A_629 : memref<1x1x128x16xf32, #tpu.memory_space<vmem>> -> memref<128x16xf32, #tpu.memory_space<vmem>>
      %dma_start3A_631 = arith.constant 0 : i32
      %dma_start3A_632 = tpu.memref_slice %arg8[%dma_start3A_625, %dma_start3A_626, %dma_start3A_631] : memref<2x16x128xi32, #tpu.memory_space<vmem>> -> memref<1x1x128xi32, #tpu.memory_space<vmem>>
      %dma_start3A_633 = tpu.memref_squeeze %dma_start3A_632 : memref<1x1x128xi32, #tpu.memory_space<vmem>> -> memref<128xi32, #tpu.memory_space<vmem>>
      %dma_start3A_634 = arith.constant 0 : i32
      %dma_start3A_635 = arith.constant 0 : i32
      %dma_start3A_636 = tpu.memref_slice %arg11[%dma_start3A_634, %dma_start3A_635] : memref<10240x16xf32, #tpu.memory_space<vmem_shared>> -> memref<10240x16xf32, #tpu.memory_space<vmem_shared>>
      tpu.enqueue_indirect_dma source(%dma_start3A_630 : memref<128x16xf32, #tpu.memory_space<vmem>>) target(%dma_start3A_636 : memref<10240x16xf32, #tpu.memory_space<vmem_shared>>) offsets(%dma_start3A_633 : memref<128xi32, #tpu.memory_space<vmem>>) semaphore(%arg14 : memref<!tpu.dma_semaphore, #tpu.memory_space<semaphore_mem>>) {add = true}
      %dma_start3A_637 = arith.constant 0 : i32
      %dma_start3A_638 = arith.constant 12 : i32
      %dma_start3A_639 = arith.constant 0 : i32
      %dma_start3A_640 = arith.constant 12 : i32
      %dma_start3A_641 = arith.constant 0 : i32
      %dma_start3A_642 = arith.constant 0 : i32
      %dma_start3A_643 = tpu.memref_slice %arg9[%dma_start3A_637, %dma_start3A_638, %dma_start3A_641, %dma_start3A_642] : memref<2x16x128x16xf32, #tpu.memory_space<vmem>> -> memref<1x1x128x16xf32, #tpu.memory_space<vmem>>
      %dma_start3A_644 = tpu.memref_squeeze %dma_start3A_643 : memref<1x1x128x16xf32, #tpu.memory_space<vmem>> -> memref<128x16xf32, #tpu.memory_space<vmem>>
      %dma_start3A_645 = arith.constant 0 : i32
      %dma_start3A_646 = tpu.memref_slice %arg8[%dma_start3A_639, %dma_start3A_640, %dma_start3A_645] : memref<2x16x128xi32, #tpu.memory_space<vmem>> -> memref<1x1x128xi32, #tpu.memory_space<vmem>>
      %dma_start3A_647 = tpu.memref_squeeze %dma_start3A_646 : memref<1x1x128xi32, #tpu.memory_space<vmem>> -> memref<128xi32, #tpu.memory_space<vmem>>
      %dma_start3A_648 = arith.constant 0 : i32
      %dma_start3A_649 = arith.constant 0 : i32
      %dma_start3A_650 = tpu.memref_slice %arg11[%dma_start3A_648, %dma_start3A_649] : memref<10240x16xf32, #tpu.memory_space<vmem_shared>> -> memref<10240x16xf32, #tpu.memory_space<vmem_shared>>
      tpu.enqueue_indirect_dma source(%dma_start3A_644 : memref<128x16xf32, #tpu.memory_space<vmem>>) target(%dma_start3A_650 : memref<10240x16xf32, #tpu.memory_space<vmem_shared>>) offsets(%dma_start3A_647 : memref<128xi32, #tpu.memory_space<vmem>>) semaphore(%arg14 : memref<!tpu.dma_semaphore, #tpu.memory_space<semaphore_mem>>) {add = true}
      %dma_start3A_651 = arith.constant 0 : i32
      %dma_start3A_652 = arith.constant 13 : i32
      %dma_start3A_653 = arith.constant 0 : i32
      %dma_start3A_654 = arith.constant 13 : i32
      %dma_start3A_655 = arith.constant 0 : i32
      %dma_start3A_656 = arith.constant 0 : i32
      %dma_start3A_657 = tpu.memref_slice %arg9[%dma_start3A_651, %dma_start3A_652, %dma_start3A_655, %dma_start3A_656] : memref<2x16x128x16xf32, #tpu.memory_space<vmem>> -> memref<1x1x128x16xf32, #tpu.memory_space<vmem>>
      %dma_start3A_658 = tpu.memref_squeeze %dma_start3A_657 : memref<1x1x128x16xf32, #tpu.memory_space<vmem>> -> memref<128x16xf32, #tpu.memory_space<vmem>>
      %dma_start3A_659 = arith.constant 0 : i32
      %dma_start3A_660 = tpu.memref_slice %arg8[%dma_start3A_653, %dma_start3A_654, %dma_start3A_659] : memref<2x16x128xi32, #tpu.memory_space<vmem>> -> memref<1x1x128xi32, #tpu.memory_space<vmem>>
      %dma_start3A_661 = tpu.memref_squeeze %dma_start3A_660 : memref<1x1x128xi32, #tpu.memory_space<vmem>> -> memref<128xi32, #tpu.memory_space<vmem>>
      %dma_start3A_662 = arith.constant 0 : i32
      %dma_start3A_663 = arith.constant 0 : i32
      %dma_start3A_664 = tpu.memref_slice %arg11[%dma_start3A_662, %dma_start3A_663] : memref<10240x16xf32, #tpu.memory_space<vmem_shared>> -> memref<10240x16xf32, #tpu.memory_space<vmem_shared>>
      tpu.enqueue_indirect_dma source(%dma_start3A_658 : memref<128x16xf32, #tpu.memory_space<vmem>>) target(%dma_start3A_664 : memref<10240x16xf32, #tpu.memory_space<vmem_shared>>) offsets(%dma_start3A_661 : memref<128xi32, #tpu.memory_space<vmem>>) semaphore(%arg14 : memref<!tpu.dma_semaphore, #tpu.memory_space<semaphore_mem>>) {add = true}
      %dma_start3A_665 = arith.constant 0 : i32
      %dma_start3A_666 = arith.constant 14 : i32
      %dma_start3A_667 = arith.constant 0 : i32
      %dma_start3A_668 = arith.constant 14 : i32
      %dma_start3A_669 = arith.constant 0 : i32
      %dma_start3A_670 = arith.constant 0 : i32
      %dma_start3A_671 = tpu.memref_slice %arg9[%dma_start3A_665, %dma_start3A_666, %dma_start3A_669, %dma_start3A_670] : memref<2x16x128x16xf32, #tpu.memory_space<vmem>> -> memref<1x1x128x16xf32, #tpu.memory_space<vmem>>
      %dma_start3A_672 = tpu.memref_squeeze %dma_start3A_671 : memref<1x1x128x16xf32, #tpu.memory_space<vmem>> -> memref<128x16xf32, #tpu.memory_space<vmem>>
      %dma_start3A_673 = arith.constant 0 : i32
      %dma_start3A_674 = tpu.memref_slice %arg8[%dma_start3A_667, %dma_start3A_668, %dma_start3A_673] : memref<2x16x128xi32, #tpu.memory_space<vmem>> -> memref<1x1x128xi32, #tpu.memory_space<vmem>>
      %dma_start3A_675 = tpu.memref_squeeze %dma_start3A_674 : memref<1x1x128xi32, #tpu.memory_space<vmem>> -> memref<128xi32, #tpu.memory_space<vmem>>
      %dma_start3A_676 = arith.constant 0 : i32
      %dma_start3A_677 = arith.constant 0 : i32
      %dma_start3A_678 = tpu.memref_slice %arg11[%dma_start3A_676, %dma_start3A_677] : memref<10240x16xf32, #tpu.memory_space<vmem_shared>> -> memref<10240x16xf32, #tpu.memory_space<vmem_shared>>
      tpu.enqueue_indirect_dma source(%dma_start3A_672 : memref<128x16xf32, #tpu.memory_space<vmem>>) target(%dma_start3A_678 : memref<10240x16xf32, #tpu.memory_space<vmem_shared>>) offsets(%dma_start3A_675 : memref<128xi32, #tpu.memory_space<vmem>>) semaphore(%arg14 : memref<!tpu.dma_semaphore, #tpu.memory_space<semaphore_mem>>) {add = true}
      %dma_start3A_679 = arith.constant 0 : i32
      %dma_start3A_680 = arith.constant 15 : i32
      %dma_start3A_681 = arith.constant 0 : i32
      %dma_start3A_682 = arith.constant 15 : i32
      %dma_start3A_683 = arith.constant 0 : i32
      %dma_start3A_684 = arith.constant 0 : i32
      %dma_start3A_685 = tpu.memref_slice %arg9[%dma_start3A_679, %dma_start3A_680, %dma_start3A_683, %dma_start3A_684] : memref<2x16x128x16xf32, #tpu.memory_space<vmem>> -> memref<1x1x128x16xf32, #tpu.memory_space<vmem>>
      %dma_start3A_686 = tpu.memref_squeeze %dma_start3A_685 : memref<1x1x128x16xf32, #tpu.memory_space<vmem>> -> memref<128x16xf32, #tpu.memory_space<vmem>>
      %dma_start3A_687 = arith.constant 0 : i32
      %dma_start3A_688 = tpu.memref_slice %arg8[%dma_start3A_681, %dma_start3A_682, %dma_start3A_687] : memref<2x16x128xi32, #tpu.memory_space<vmem>> -> memref<1x1x128xi32, #tpu.memory_space<vmem>>
      %dma_start3A_689 = tpu.memref_squeeze %dma_start3A_688 : memref<1x1x128xi32, #tpu.memory_space<vmem>> -> memref<128xi32, #tpu.memory_space<vmem>>
      %dma_start3A_690 = arith.constant 0 : i32
      %dma_start3A_691 = arith.constant 0 : i32
      %dma_start3A_692 = tpu.memref_slice %arg11[%dma_start3A_690, %dma_start3A_691] : memref<10240x16xf32, #tpu.memory_space<vmem_shared>> -> memref<10240x16xf32, #tpu.memory_space<vmem_shared>>
      tpu.enqueue_indirect_dma source(%dma_start3A_686 : memref<128x16xf32, #tpu.memory_space<vmem>>) target(%dma_start3A_692 : memref<10240x16xf32, #tpu.memory_space<vmem_shared>>) offsets(%dma_start3A_689 : memref<128xi32, #tpu.memory_space<vmem>>) semaphore(%arg14 : memref<!tpu.dma_semaphore, #tpu.memory_space<semaphore_mem>>) {add = true}
      %dma_wait3A_693 = arith.constant 0 : i32
      %dma_wait3A_694 = arith.constant 0 : i32
      %dma_wait3A_695 = arith.constant 0 : i32
      %dma_wait3A_696 = arith.constant 0 : i32
      %dma_wait3A_697 = arith.constant 0 : i32
      %dma_wait3A_698 = arith.constant 0 : i32
      %dma_wait3A_699 = tpu.memref_slice %arg9[%dma_wait3A_693, %dma_wait3A_694, %dma_wait3A_697, %dma_wait3A_698] : memref<2x16x128x16xf32, #tpu.memory_space<vmem>> -> memref<1x1x128x16xf32, #tpu.memory_space<vmem>>
      %dma_wait3A_700 = tpu.memref_squeeze %dma_wait3A_699 : memref<1x1x128x16xf32, #tpu.memory_space<vmem>> -> memref<128x16xf32, #tpu.memory_space<vmem>>
      %dma_wait3A_701 = arith.constant 0 : i32
      %dma_wait3A_702 = tpu.memref_slice %arg8[%dma_wait3A_695, %dma_wait3A_696, %dma_wait3A_701] : memref<2x16x128xi32, #tpu.memory_space<vmem>> -> memref<1x1x128xi32, #tpu.memory_space<vmem>>
      %dma_wait3A_703 = tpu.memref_squeeze %dma_wait3A_702 : memref<1x1x128xi32, #tpu.memory_space<vmem>> -> memref<128xi32, #tpu.memory_space<vmem>>
      %dma_wait3A_704 = arith.constant 0 : i32
      %dma_wait3A_705 = arith.constant 0 : i32
      %dma_wait3A_706 = tpu.memref_slice %arg11[%dma_wait3A_704, %dma_wait3A_705] : memref<10240x16xf32, #tpu.memory_space<vmem_shared>> -> memref<10240x16xf32, #tpu.memory_space<vmem_shared>>
      tpu.wait_indirect_dma semaphore(%arg14 : memref<!tpu.dma_semaphore, #tpu.memory_space<semaphore_mem>>) src(%dma_wait3A_700 : memref<128x16xf32, #tpu.memory_space<vmem>>) dst(%dma_wait3A_706 : memref<10240x16xf32, #tpu.memory_space<vmem_shared>>)
      %dma_wait3A_707 = arith.constant 0 : i32
      %dma_wait3A_708 = arith.constant 1 : i32
      %dma_wait3A_709 = arith.constant 0 : i32
      %dma_wait3A_710 = arith.constant 1 : i32
      %dma_wait3A_711 = arith.constant 0 : i32
      %dma_wait3A_712 = arith.constant 0 : i32
      %dma_wait3A_713 = tpu.memref_slice %arg9[%dma_wait3A_707, %dma_wait3A_708, %dma_wait3A_711, %dma_wait3A_712] : memref<2x16x128x16xf32, #tpu.memory_space<vmem>> -> memref<1x1x128x16xf32, #tpu.memory_space<vmem>>
      %dma_wait3A_714 = tpu.memref_squeeze %dma_wait3A_713 : memref<1x1x128x16xf32, #tpu.memory_space<vmem>> -> memref<128x16xf32, #tpu.memory_space<vmem>>
      %dma_wait3A_715 = arith.constant 0 : i32
      %dma_wait3A_716 = tpu.memref_slice %arg8[%dma_wait3A_709, %dma_wait3A_710, %dma_wait3A_715] : memref<2x16x128xi32, #tpu.memory_space<vmem>> -> memref<1x1x128xi32, #tpu.memory_space<vmem>>
      %dma_wait3A_717 = tpu.memref_squeeze %dma_wait3A_716 : memref<1x1x128xi32, #tpu.memory_space<vmem>> -> memref<128xi32, #tpu.memory_space<vmem>>
      %dma_wait3A_718 = arith.constant 0 : i32
      %dma_wait3A_719 = arith.constant 0 : i32
      %dma_wait3A_720 = tpu.memref_slice %arg11[%dma_wait3A_718, %dma_wait3A_719] : memref<10240x16xf32, #tpu.memory_space<vmem_shared>> -> memref<10240x16xf32, #tpu.memory_space<vmem_shared>>
      tpu.wait_indirect_dma semaphore(%arg14 : memref<!tpu.dma_semaphore, #tpu.memory_space<semaphore_mem>>) src(%dma_wait3A_714 : memref<128x16xf32, #tpu.memory_space<vmem>>) dst(%dma_wait3A_720 : memref<10240x16xf32, #tpu.memory_space<vmem_shared>>)
      %dma_wait3A_721 = arith.constant 0 : i32
      %dma_wait3A_722 = arith.constant 2 : i32
      %dma_wait3A_723 = arith.constant 0 : i32
      %dma_wait3A_724 = arith.constant 2 : i32
      %dma_wait3A_725 = arith.constant 0 : i32
      %dma_wait3A_726 = arith.constant 0 : i32
      %dma_wait3A_727 = tpu.memref_slice %arg9[%dma_wait3A_721, %dma_wait3A_722, %dma_wait3A_725, %dma_wait3A_726] : memref<2x16x128x16xf32, #tpu.memory_space<vmem>> -> memref<1x1x128x16xf32, #tpu.memory_space<vmem>>
      %dma_wait3A_728 = tpu.memref_squeeze %dma_wait3A_727 : memref<1x1x128x16xf32, #tpu.memory_space<vmem>> -> memref<128x16xf32, #tpu.memory_space<vmem>>
      %dma_wait3A_729 = arith.constant 0 : i32
      %dma_wait3A_730 = tpu.memref_slice %arg8[%dma_wait3A_723, %dma_wait3A_724, %dma_wait3A_729] : memref<2x16x128xi32, #tpu.memory_space<vmem>> -> memref<1x1x128xi32, #tpu.memory_space<vmem>>
      %dma_wait3A_731 = tpu.memref_squeeze %dma_wait3A_730 : memref<1x1x128xi32, #tpu.memory_space<vmem>> -> memref<128xi32, #tpu.memory_space<vmem>>
      %dma_wait3A_732 = arith.constant 0 : i32
      %dma_wait3A_733 = arith.constant 0 : i32
      %dma_wait3A_734 = tpu.memref_slice %arg11[%dma_wait3A_732, %dma_wait3A_733] : memref<10240x16xf32, #tpu.memory_space<vmem_shared>> -> memref<10240x16xf32, #tpu.memory_space<vmem_shared>>
      tpu.wait_indirect_dma semaphore(%arg14 : memref<!tpu.dma_semaphore, #tpu.memory_space<semaphore_mem>>) src(%dma_wait3A_728 : memref<128x16xf32, #tpu.memory_space<vmem>>) dst(%dma_wait3A_734 : memref<10240x16xf32, #tpu.memory_space<vmem_shared>>)
      %dma_wait3A_735 = arith.constant 0 : i32
      %dma_wait3A_736 = arith.constant 3 : i32
      %dma_wait3A_737 = arith.constant 0 : i32
      %dma_wait3A_738 = arith.constant 3 : i32
      %dma_wait3A_739 = arith.constant 0 : i32
      %dma_wait3A_740 = arith.constant 0 : i32
      %dma_wait3A_741 = tpu.memref_slice %arg9[%dma_wait3A_735, %dma_wait3A_736, %dma_wait3A_739, %dma_wait3A_740] : memref<2x16x128x16xf32, #tpu.memory_space<vmem>> -> memref<1x1x128x16xf32, #tpu.memory_space<vmem>>
      %dma_wait3A_742 = tpu.memref_squeeze %dma_wait3A_741 : memref<1x1x128x16xf32, #tpu.memory_space<vmem>> -> memref<128x16xf32, #tpu.memory_space<vmem>>
      %dma_wait3A_743 = arith.constant 0 : i32
      %dma_wait3A_744 = tpu.memref_slice %arg8[%dma_wait3A_737, %dma_wait3A_738, %dma_wait3A_743] : memref<2x16x128xi32, #tpu.memory_space<vmem>> -> memref<1x1x128xi32, #tpu.memory_space<vmem>>
      %dma_wait3A_745 = tpu.memref_squeeze %dma_wait3A_744 : memref<1x1x128xi32, #tpu.memory_space<vmem>> -> memref<128xi32, #tpu.memory_space<vmem>>
      %dma_wait3A_746 = arith.constant 0 : i32
      %dma_wait3A_747 = arith.constant 0 : i32
      %dma_wait3A_748 = tpu.memref_slice %arg11[%dma_wait3A_746, %dma_wait3A_747] : memref<10240x16xf32, #tpu.memory_space<vmem_shared>> -> memref<10240x16xf32, #tpu.memory_space<vmem_shared>>
      tpu.wait_indirect_dma semaphore(%arg14 : memref<!tpu.dma_semaphore, #tpu.memory_space<semaphore_mem>>) src(%dma_wait3A_742 : memref<128x16xf32, #tpu.memory_space<vmem>>) dst(%dma_wait3A_748 : memref<10240x16xf32, #tpu.memory_space<vmem_shared>>)
      %dma_wait3A_749 = arith.constant 0 : i32
      %dma_wait3A_750 = arith.constant 4 : i32
      %dma_wait3A_751 = arith.constant 0 : i32
      %dma_wait3A_752 = arith.constant 4 : i32
      %dma_wait3A_753 = arith.constant 0 : i32
      %dma_wait3A_754 = arith.constant 0 : i32
      %dma_wait3A_755 = tpu.memref_slice %arg9[%dma_wait3A_749, %dma_wait3A_750, %dma_wait3A_753, %dma_wait3A_754] : memref<2x16x128x16xf32, #tpu.memory_space<vmem>> -> memref<1x1x128x16xf32, #tpu.memory_space<vmem>>
      %dma_wait3A_756 = tpu.memref_squeeze %dma_wait3A_755 : memref<1x1x128x16xf32, #tpu.memory_space<vmem>> -> memref<128x16xf32, #tpu.memory_space<vmem>>
      %dma_wait3A_757 = arith.constant 0 : i32
      %dma_wait3A_758 = tpu.memref_slice %arg8[%dma_wait3A_751, %dma_wait3A_752, %dma_wait3A_757] : memref<2x16x128xi32, #tpu.memory_space<vmem>> -> memref<1x1x128xi32, #tpu.memory_space<vmem>>
      %dma_wait3A_759 = tpu.memref_squeeze %dma_wait3A_758 : memref<1x1x128xi32, #tpu.memory_space<vmem>> -> memref<128xi32, #tpu.memory_space<vmem>>
      %dma_wait3A_760 = arith.constant 0 : i32
      %dma_wait3A_761 = arith.constant 0 : i32
      %dma_wait3A_762 = tpu.memref_slice %arg11[%dma_wait3A_760, %dma_wait3A_761] : memref<10240x16xf32, #tpu.memory_space<vmem_shared>> -> memref<10240x16xf32, #tpu.memory_space<vmem_shared>>
      tpu.wait_indirect_dma semaphore(%arg14 : memref<!tpu.dma_semaphore, #tpu.memory_space<semaphore_mem>>) src(%dma_wait3A_756 : memref<128x16xf32, #tpu.memory_space<vmem>>) dst(%dma_wait3A_762 : memref<10240x16xf32, #tpu.memory_space<vmem_shared>>)
      %dma_wait3A_763 = arith.constant 0 : i32
      %dma_wait3A_764 = arith.constant 5 : i32
      %dma_wait3A_765 = arith.constant 0 : i32
      %dma_wait3A_766 = arith.constant 5 : i32
      %dma_wait3A_767 = arith.constant 0 : i32
      %dma_wait3A_768 = arith.constant 0 : i32
      %dma_wait3A_769 = tpu.memref_slice %arg9[%dma_wait3A_763, %dma_wait3A_764, %dma_wait3A_767, %dma_wait3A_768] : memref<2x16x128x16xf32, #tpu.memory_space<vmem>> -> memref<1x1x128x16xf32, #tpu.memory_space<vmem>>
      %dma_wait3A_770 = tpu.memref_squeeze %dma_wait3A_769 : memref<1x1x128x16xf32, #tpu.memory_space<vmem>> -> memref<128x16xf32, #tpu.memory_space<vmem>>
      %dma_wait3A_771 = arith.constant 0 : i32
      %dma_wait3A_772 = tpu.memref_slice %arg8[%dma_wait3A_765, %dma_wait3A_766, %dma_wait3A_771] : memref<2x16x128xi32, #tpu.memory_space<vmem>> -> memref<1x1x128xi32, #tpu.memory_space<vmem>>
      %dma_wait3A_773 = tpu.memref_squeeze %dma_wait3A_772 : memref<1x1x128xi32, #tpu.memory_space<vmem>> -> memref<128xi32, #tpu.memory_space<vmem>>
      %dma_wait3A_774 = arith.constant 0 : i32
      %dma_wait3A_775 = arith.constant 0 : i32
      %dma_wait3A_776 = tpu.memref_slice %arg11[%dma_wait3A_774, %dma_wait3A_775] : memref<10240x16xf32, #tpu.memory_space<vmem_shared>> -> memref<10240x16xf32, #tpu.memory_space<vmem_shared>>
      tpu.wait_indirect_dma semaphore(%arg14 : memref<!tpu.dma_semaphore, #tpu.memory_space<semaphore_mem>>) src(%dma_wait3A_770 : memref<128x16xf32, #tpu.memory_space<vmem>>) dst(%dma_wait3A_776 : memref<10240x16xf32, #tpu.memory_space<vmem_shared>>)
      %dma_wait3A_777 = arith.constant 0 : i32
      %dma_wait3A_778 = arith.constant 6 : i32
      %dma_wait3A_779 = arith.constant 0 : i32
      %dma_wait3A_780 = arith.constant 6 : i32
      %dma_wait3A_781 = arith.constant 0 : i32
      %dma_wait3A_782 = arith.constant 0 : i32
      %dma_wait3A_783 = tpu.memref_slice %arg9[%dma_wait3A_777, %dma_wait3A_778, %dma_wait3A_781, %dma_wait3A_782] : memref<2x16x128x16xf32, #tpu.memory_space<vmem>> -> memref<1x1x128x16xf32, #tpu.memory_space<vmem>>
      %dma_wait3A_784 = tpu.memref_squeeze %dma_wait3A_783 : memref<1x1x128x16xf32, #tpu.memory_space<vmem>> -> memref<128x16xf32, #tpu.memory_space<vmem>>
      %dma_wait3A_785 = arith.constant 0 : i32
      %dma_wait3A_786 = tpu.memref_slice %arg8[%dma_wait3A_779, %dma_wait3A_780, %dma_wait3A_785] : memref<2x16x128xi32, #tpu.memory_space<vmem>> -> memref<1x1x128xi32, #tpu.memory_space<vmem>>
      %dma_wait3A_787 = tpu.memref_squeeze %dma_wait3A_786 : memref<1x1x128xi32, #tpu.memory_space<vmem>> -> memref<128xi32, #tpu.memory_space<vmem>>
      %dma_wait3A_788 = arith.constant 0 : i32
      %dma_wait3A_789 = arith.constant 0 : i32
      %dma_wait3A_790 = tpu.memref_slice %arg11[%dma_wait3A_788, %dma_wait3A_789] : memref<10240x16xf32, #tpu.memory_space<vmem_shared>> -> memref<10240x16xf32, #tpu.memory_space<vmem_shared>>
      tpu.wait_indirect_dma semaphore(%arg14 : memref<!tpu.dma_semaphore, #tpu.memory_space<semaphore_mem>>) src(%dma_wait3A_784 : memref<128x16xf32, #tpu.memory_space<vmem>>) dst(%dma_wait3A_790 : memref<10240x16xf32, #tpu.memory_space<vmem_shared>>)
      %dma_wait3A_791 = arith.constant 0 : i32
      %dma_wait3A_792 = arith.constant 7 : i32
      %dma_wait3A_793 = arith.constant 0 : i32
      %dma_wait3A_794 = arith.constant 7 : i32
      %dma_wait3A_795 = arith.constant 0 : i32
      %dma_wait3A_796 = arith.constant 0 : i32
      %dma_wait3A_797 = tpu.memref_slice %arg9[%dma_wait3A_791, %dma_wait3A_792, %dma_wait3A_795, %dma_wait3A_796] : memref<2x16x128x16xf32, #tpu.memory_space<vmem>> -> memref<1x1x128x16xf32, #tpu.memory_space<vmem>>
      %dma_wait3A_798 = tpu.memref_squeeze %dma_wait3A_797 : memref<1x1x128x16xf32, #tpu.memory_space<vmem>> -> memref<128x16xf32, #tpu.memory_space<vmem>>
      %dma_wait3A_799 = arith.constant 0 : i32
      %dma_wait3A_800 = tpu.memref_slice %arg8[%dma_wait3A_793, %dma_wait3A_794, %dma_wait3A_799] : memref<2x16x128xi32, #tpu.memory_space<vmem>> -> memref<1x1x128xi32, #tpu.memory_space<vmem>>
      %dma_wait3A_801 = tpu.memref_squeeze %dma_wait3A_800 : memref<1x1x128xi32, #tpu.memory_space<vmem>> -> memref<128xi32, #tpu.memory_space<vmem>>
      %dma_wait3A_802 = arith.constant 0 : i32
      %dma_wait3A_803 = arith.constant 0 : i32
      %dma_wait3A_804 = tpu.memref_slice %arg11[%dma_wait3A_802, %dma_wait3A_803] : memref<10240x16xf32, #tpu.memory_space<vmem_shared>> -> memref<10240x16xf32, #tpu.memory_space<vmem_shared>>
      tpu.wait_indirect_dma semaphore(%arg14 : memref<!tpu.dma_semaphore, #tpu.memory_space<semaphore_mem>>) src(%dma_wait3A_798 : memref<128x16xf32, #tpu.memory_space<vmem>>) dst(%dma_wait3A_804 : memref<10240x16xf32, #tpu.memory_space<vmem_shared>>)
      %dma_wait3A_805 = arith.constant 0 : i32
      %dma_wait3A_806 = arith.constant 8 : i32
      %dma_wait3A_807 = arith.constant 0 : i32
      %dma_wait3A_808 = arith.constant 8 : i32
      %dma_wait3A_809 = arith.constant 0 : i32
      %dma_wait3A_810 = arith.constant 0 : i32
      %dma_wait3A_811 = tpu.memref_slice %arg9[%dma_wait3A_805, %dma_wait3A_806, %dma_wait3A_809, %dma_wait3A_810] : memref<2x16x128x16xf32, #tpu.memory_space<vmem>> -> memref<1x1x128x16xf32, #tpu.memory_space<vmem>>
      %dma_wait3A_812 = tpu.memref_squeeze %dma_wait3A_811 : memref<1x1x128x16xf32, #tpu.memory_space<vmem>> -> memref<128x16xf32, #tpu.memory_space<vmem>>
      %dma_wait3A_813 = arith.constant 0 : i32
      %dma_wait3A_814 = tpu.memref_slice %arg8[%dma_wait3A_807, %dma_wait3A_808, %dma_wait3A_813] : memref<2x16x128xi32, #tpu.memory_space<vmem>> -> memref<1x1x128xi32, #tpu.memory_space<vmem>>
      %dma_wait3A_815 = tpu.memref_squeeze %dma_wait3A_814 : memref<1x1x128xi32, #tpu.memory_space<vmem>> -> memref<128xi32, #tpu.memory_space<vmem>>
      %dma_wait3A_816 = arith.constant 0 : i32
      %dma_wait3A_817 = arith.constant 0 : i32
      %dma_wait3A_818 = tpu.memref_slice %arg11[%dma_wait3A_816, %dma_wait3A_817] : memref<10240x16xf32, #tpu.memory_space<vmem_shared>> -> memref<10240x16xf32, #tpu.memory_space<vmem_shared>>
      tpu.wait_indirect_dma semaphore(%arg14 : memref<!tpu.dma_semaphore, #tpu.memory_space<semaphore_mem>>) src(%dma_wait3A_812 : memref<128x16xf32, #tpu.memory_space<vmem>>) dst(%dma_wait3A_818 : memref<10240x16xf32, #tpu.memory_space<vmem_shared>>)
      %dma_wait3A_819 = arith.constant 0 : i32
      %dma_wait3A_820 = arith.constant 9 : i32
      %dma_wait3A_821 = arith.constant 0 : i32
      %dma_wait3A_822 = arith.constant 9 : i32
      %dma_wait3A_823 = arith.constant 0 : i32
      %dma_wait3A_824 = arith.constant 0 : i32
      %dma_wait3A_825 = tpu.memref_slice %arg9[%dma_wait3A_819, %dma_wait3A_820, %dma_wait3A_823, %dma_wait3A_824] : memref<2x16x128x16xf32, #tpu.memory_space<vmem>> -> memref<1x1x128x16xf32, #tpu.memory_space<vmem>>
      %dma_wait3A_826 = tpu.memref_squeeze %dma_wait3A_825 : memref<1x1x128x16xf32, #tpu.memory_space<vmem>> -> memref<128x16xf32, #tpu.memory_space<vmem>>
      %dma_wait3A_827 = arith.constant 0 : i32
      %dma_wait3A_828 = tpu.memref_slice %arg8[%dma_wait3A_821, %dma_wait3A_822, %dma_wait3A_827] : memref<2x16x128xi32, #tpu.memory_space<vmem>> -> memref<1x1x128xi32, #tpu.memory_space<vmem>>
      %dma_wait3A_829 = tpu.memref_squeeze %dma_wait3A_828 : memref<1x1x128xi32, #tpu.memory_space<vmem>> -> memref<128xi32, #tpu.memory_space<vmem>>
      %dma_wait3A_830 = arith.constant 0 : i32
      %dma_wait3A_831 = arith.constant 0 : i32
      %dma_wait3A_832 = tpu.memref_slice %arg11[%dma_wait3A_830, %dma_wait3A_831] : memref<10240x16xf32, #tpu.memory_space<vmem_shared>> -> memref<10240x16xf32, #tpu.memory_space<vmem_shared>>
      tpu.wait_indirect_dma semaphore(%arg14 : memref<!tpu.dma_semaphore, #tpu.memory_space<semaphore_mem>>) src(%dma_wait3A_826 : memref<128x16xf32, #tpu.memory_space<vmem>>) dst(%dma_wait3A_832 : memref<10240x16xf32, #tpu.memory_space<vmem_shared>>)
      %dma_wait3A_833 = arith.constant 0 : i32
      %dma_wait3A_834 = arith.constant 10 : i32
      %dma_wait3A_835 = arith.constant 0 : i32
      %dma_wait3A_836 = arith.constant 10 : i32
      %dma_wait3A_837 = arith.constant 0 : i32
      %dma_wait3A_838 = arith.constant 0 : i32
      %dma_wait3A_839 = tpu.memref_slice %arg9[%dma_wait3A_833, %dma_wait3A_834, %dma_wait3A_837, %dma_wait3A_838] : memref<2x16x128x16xf32, #tpu.memory_space<vmem>> -> memref<1x1x128x16xf32, #tpu.memory_space<vmem>>
      %dma_wait3A_840 = tpu.memref_squeeze %dma_wait3A_839 : memref<1x1x128x16xf32, #tpu.memory_space<vmem>> -> memref<128x16xf32, #tpu.memory_space<vmem>>
      %dma_wait3A_841 = arith.constant 0 : i32
      %dma_wait3A_842 = tpu.memref_slice %arg8[%dma_wait3A_835, %dma_wait3A_836, %dma_wait3A_841] : memref<2x16x128xi32, #tpu.memory_space<vmem>> -> memref<1x1x128xi32, #tpu.memory_space<vmem>>
      %dma_wait3A_843 = tpu.memref_squeeze %dma_wait3A_842 : memref<1x1x128xi32, #tpu.memory_space<vmem>> -> memref<128xi32, #tpu.memory_space<vmem>>
      %dma_wait3A_844 = arith.constant 0 : i32
      %dma_wait3A_845 = arith.constant 0 : i32
      %dma_wait3A_846 = tpu.memref_slice %arg11[%dma_wait3A_844, %dma_wait3A_845] : memref<10240x16xf32, #tpu.memory_space<vmem_shared>> -> memref<10240x16xf32, #tpu.memory_space<vmem_shared>>
      tpu.wait_indirect_dma semaphore(%arg14 : memref<!tpu.dma_semaphore, #tpu.memory_space<semaphore_mem>>) src(%dma_wait3A_840 : memref<128x16xf32, #tpu.memory_space<vmem>>) dst(%dma_wait3A_846 : memref<10240x16xf32, #tpu.memory_space<vmem_shared>>)
      %dma_wait3A_847 = arith.constant 0 : i32
      %dma_wait3A_848 = arith.constant 11 : i32
      %dma_wait3A_849 = arith.constant 0 : i32
      %dma_wait3A_850 = arith.constant 11 : i32
      %dma_wait3A_851 = arith.constant 0 : i32
      %dma_wait3A_852 = arith.constant 0 : i32
      %dma_wait3A_853 = tpu.memref_slice %arg9[%dma_wait3A_847, %dma_wait3A_848, %dma_wait3A_851, %dma_wait3A_852] : memref<2x16x128x16xf32, #tpu.memory_space<vmem>> -> memref<1x1x128x16xf32, #tpu.memory_space<vmem>>
      %dma_wait3A_854 = tpu.memref_squeeze %dma_wait3A_853 : memref<1x1x128x16xf32, #tpu.memory_space<vmem>> -> memref<128x16xf32, #tpu.memory_space<vmem>>
      %dma_wait3A_855 = arith.constant 0 : i32
      %dma_wait3A_856 = tpu.memref_slice %arg8[%dma_wait3A_849, %dma_wait3A_850, %dma_wait3A_855] : memref<2x16x128xi32, #tpu.memory_space<vmem>> -> memref<1x1x128xi32, #tpu.memory_space<vmem>>
      %dma_wait3A_857 = tpu.memref_squeeze %dma_wait3A_856 : memref<1x1x128xi32, #tpu.memory_space<vmem>> -> memref<128xi32, #tpu.memory_space<vmem>>
      %dma_wait3A_858 = arith.constant 0 : i32
      %dma_wait3A_859 = arith.constant 0 : i32
      %dma_wait3A_860 = tpu.memref_slice %arg11[%dma_wait3A_858, %dma_wait3A_859] : memref<10240x16xf32, #tpu.memory_space<vmem_shared>> -> memref<10240x16xf32, #tpu.memory_space<vmem_shared>>
      tpu.wait_indirect_dma semaphore(%arg14 : memref<!tpu.dma_semaphore, #tpu.memory_space<semaphore_mem>>) src(%dma_wait3A_854 : memref<128x16xf32, #tpu.memory_space<vmem>>) dst(%dma_wait3A_860 : memref<10240x16xf32, #tpu.memory_space<vmem_shared>>)
      %dma_wait3A_861 = arith.constant 0 : i32
      %dma_wait3A_862 = arith.constant 12 : i32
      %dma_wait3A_863 = arith.constant 0 : i32
      %dma_wait3A_864 = arith.constant 12 : i32
      %dma_wait3A_865 = arith.constant 0 : i32
      %dma_wait3A_866 = arith.constant 0 : i32
      %dma_wait3A_867 = tpu.memref_slice %arg9[%dma_wait3A_861, %dma_wait3A_862, %dma_wait3A_865, %dma_wait3A_866] : memref<2x16x128x16xf32, #tpu.memory_space<vmem>> -> memref<1x1x128x16xf32, #tpu.memory_space<vmem>>
      %dma_wait3A_868 = tpu.memref_squeeze %dma_wait3A_867 : memref<1x1x128x16xf32, #tpu.memory_space<vmem>> -> memref<128x16xf32, #tpu.memory_space<vmem>>
      %dma_wait3A_869 = arith.constant 0 : i32
      %dma_wait3A_870 = tpu.memref_slice %arg8[%dma_wait3A_863, %dma_wait3A_864, %dma_wait3A_869] : memref<2x16x128xi32, #tpu.memory_space<vmem>> -> memref<1x1x128xi32, #tpu.memory_space<vmem>>
      %dma_wait3A_871 = tpu.memref_squeeze %dma_wait3A_870 : memref<1x1x128xi32, #tpu.memory_space<vmem>> -> memref<128xi32, #tpu.memory_space<vmem>>
      %dma_wait3A_872 = arith.constant 0 : i32
      %dma_wait3A_873 = arith.constant 0 : i32
      %dma_wait3A_874 = tpu.memref_slice %arg11[%dma_wait3A_872, %dma_wait3A_873] : memref<10240x16xf32, #tpu.memory_space<vmem_shared>> -> memref<10240x16xf32, #tpu.memory_space<vmem_shared>>
      tpu.wait_indirect_dma semaphore(%arg14 : memref<!tpu.dma_semaphore, #tpu.memory_space<semaphore_mem>>) src(%dma_wait3A_868 : memref<128x16xf32, #tpu.memory_space<vmem>>) dst(%dma_wait3A_874 : memref<10240x16xf32, #tpu.memory_space<vmem_shared>>)
      %dma_wait3A_875 = arith.constant 0 : i32
      %dma_wait3A_876 = arith.constant 13 : i32
      %dma_wait3A_877 = arith.constant 0 : i32
      %dma_wait3A_878 = arith.constant 13 : i32
      %dma_wait3A_879 = arith.constant 0 : i32
      %dma_wait3A_880 = arith.constant 0 : i32
      %dma_wait3A_881 = tpu.memref_slice %arg9[%dma_wait3A_875, %dma_wait3A_876, %dma_wait3A_879, %dma_wait3A_880] : memref<2x16x128x16xf32, #tpu.memory_space<vmem>> -> memref<1x1x128x16xf32, #tpu.memory_space<vmem>>
      %dma_wait3A_882 = tpu.memref_squeeze %dma_wait3A_881 : memref<1x1x128x16xf32, #tpu.memory_space<vmem>> -> memref<128x16xf32, #tpu.memory_space<vmem>>
      %dma_wait3A_883 = arith.constant 0 : i32
      %dma_wait3A_884 = tpu.memref_slice %arg8[%dma_wait3A_877, %dma_wait3A_878, %dma_wait3A_883] : memref<2x16x128xi32, #tpu.memory_space<vmem>> -> memref<1x1x128xi32, #tpu.memory_space<vmem>>
      %dma_wait3A_885 = tpu.memref_squeeze %dma_wait3A_884 : memref<1x1x128xi32, #tpu.memory_space<vmem>> -> memref<128xi32, #tpu.memory_space<vmem>>
      %dma_wait3A_886 = arith.constant 0 : i32
      %dma_wait3A_887 = arith.constant 0 : i32
      %dma_wait3A_888 = tpu.memref_slice %arg11[%dma_wait3A_886, %dma_wait3A_887] : memref<10240x16xf32, #tpu.memory_space<vmem_shared>> -> memref<10240x16xf32, #tpu.memory_space<vmem_shared>>
      tpu.wait_indirect_dma semaphore(%arg14 : memref<!tpu.dma_semaphore, #tpu.memory_space<semaphore_mem>>) src(%dma_wait3A_882 : memref<128x16xf32, #tpu.memory_space<vmem>>) dst(%dma_wait3A_888 : memref<10240x16xf32, #tpu.memory_space<vmem_shared>>)
      %dma_wait3A_889 = arith.constant 0 : i32
      %dma_wait3A_890 = arith.constant 14 : i32
      %dma_wait3A_891 = arith.constant 0 : i32
      %dma_wait3A_892 = arith.constant 14 : i32
      %dma_wait3A_893 = arith.constant 0 : i32
      %dma_wait3A_894 = arith.constant 0 : i32
      %dma_wait3A_895 = tpu.memref_slice %arg9[%dma_wait3A_889, %dma_wait3A_890, %dma_wait3A_893, %dma_wait3A_894] : memref<2x16x128x16xf32, #tpu.memory_space<vmem>> -> memref<1x1x128x16xf32, #tpu.memory_space<vmem>>
      %dma_wait3A_896 = tpu.memref_squeeze %dma_wait3A_895 : memref<1x1x128x16xf32, #tpu.memory_space<vmem>> -> memref<128x16xf32, #tpu.memory_space<vmem>>
      %dma_wait3A_897 = arith.constant 0 : i32
      %dma_wait3A_898 = tpu.memref_slice %arg8[%dma_wait3A_891, %dma_wait3A_892, %dma_wait3A_897] : memref<2x16x128xi32, #tpu.memory_space<vmem>> -> memref<1x1x128xi32, #tpu.memory_space<vmem>>
      %dma_wait3A_899 = tpu.memref_squeeze %dma_wait3A_898 : memref<1x1x128xi32, #tpu.memory_space<vmem>> -> memref<128xi32, #tpu.memory_space<vmem>>
      %dma_wait3A_900 = arith.constant 0 : i32
      %dma_wait3A_901 = arith.constant 0 : i32
      %dma_wait3A_902 = tpu.memref_slice %arg11[%dma_wait3A_900, %dma_wait3A_901] : memref<10240x16xf32, #tpu.memory_space<vmem_shared>> -> memref<10240x16xf32, #tpu.memory_space<vmem_shared>>
      tpu.wait_indirect_dma semaphore(%arg14 : memref<!tpu.dma_semaphore, #tpu.memory_space<semaphore_mem>>) src(%dma_wait3A_896 : memref<128x16xf32, #tpu.memory_space<vmem>>) dst(%dma_wait3A_902 : memref<10240x16xf32, #tpu.memory_space<vmem_shared>>)
      %dma_wait3A_903 = arith.constant 0 : i32
      %dma_wait3A_904 = arith.constant 15 : i32
      %dma_wait3A_905 = arith.constant 0 : i32
      %dma_wait3A_906 = arith.constant 15 : i32
      %dma_wait3A_907 = arith.constant 0 : i32
      %dma_wait3A_908 = arith.constant 0 : i32
      %dma_wait3A_909 = tpu.memref_slice %arg9[%dma_wait3A_903, %dma_wait3A_904, %dma_wait3A_907, %dma_wait3A_908] : memref<2x16x128x16xf32, #tpu.memory_space<vmem>> -> memref<1x1x128x16xf32, #tpu.memory_space<vmem>>
      %dma_wait3A_910 = tpu.memref_squeeze %dma_wait3A_909 : memref<1x1x128x16xf32, #tpu.memory_space<vmem>> -> memref<128x16xf32, #tpu.memory_space<vmem>>
      %dma_wait3A_911 = arith.constant 0 : i32
      %dma_wait3A_912 = tpu.memref_slice %arg8[%dma_wait3A_905, %dma_wait3A_906, %dma_wait3A_911] : memref<2x16x128xi32, #tpu.memory_space<vmem>> -> memref<1x1x128xi32, #tpu.memory_space<vmem>>
      %dma_wait3A_913 = tpu.memref_squeeze %dma_wait3A_912 : memref<1x1x128xi32, #tpu.memory_space<vmem>> -> memref<128xi32, #tpu.memory_space<vmem>>
      %dma_wait3A_914 = arith.constant 0 : i32
      %dma_wait3A_915 = arith.constant 0 : i32
      %dma_wait3A_916 = tpu.memref_slice %arg11[%dma_wait3A_914, %dma_wait3A_915] : memref<10240x16xf32, #tpu.memory_space<vmem_shared>> -> memref<10240x16xf32, #tpu.memory_space<vmem_shared>>
      tpu.wait_indirect_dma semaphore(%arg14 : memref<!tpu.dma_semaphore, #tpu.memory_space<semaphore_mem>>) src(%dma_wait3A_910 : memref<128x16xf32, #tpu.memory_space<vmem>>) dst(%dma_wait3A_916 : memref<10240x16xf32, #tpu.memory_space<vmem_shared>>)
    }
    %scan3A_9 = arith.constant 5 : i32
    %barrier3A_10 = arith.constant 0 : index
    tpu.barrier barrier_id(%barrier3A_10)
    %eq3A_11 = arith.constant 0 : i32
    %eq3A_12 = arith.cmpi eq, %arg1, %eq3A_11 : i32
    %convert_element_type3A_13 = arith.extui %eq3A_12 : i1 to i32
    %cond3A_14 = arith.constant 0 : i32
    %cond3A_15 = arith.cmpi ne, %convert_element_type3A_13, %cond3A_14 : i32
    scf.if %cond3A_15 {
      "tpu.region"() ({
        %run_scoped3A = tpu.sem_alloc : memref<!tpu.dma_semaphore, #tpu.memory_space<semaphore_mem>>
        %dma_start3A = arith.constant 0 : i32
        %dma_start3A_16 = arith.constant 0 : i32
        %dma_start3A_17 = tpu.memref_slice %arg6[%arg0, %dma_start3A, %dma_start3A_16] : memref<2x10240x16xf32, #tpu.memory_space<hbm>> -> memref<1x10240x16xf32, #tpu.memory_space<hbm>>
        %dma_start3A_18 = tpu.memref_squeeze %dma_start3A_17 : memref<1x10240x16xf32, #tpu.memory_space<hbm>> -> memref<10240x16xf32, #tpu.memory_space<hbm>>
        tpu.enqueue_dma source(%arg11 : memref<10240x16xf32, #tpu.memory_space<vmem_shared>>) target(%dma_start3A_18 : memref<10240x16xf32, #tpu.memory_space<hbm>>) target_semaphore(%run_scoped3A : memref<!tpu.dma_semaphore, #tpu.memory_space<semaphore_mem>>)
        %dma_wait3A = arith.constant 0 : i32
        %dma_wait3A_19 = arith.constant 0 : i32
        %dma_wait3A_20 = tpu.memref_slice %arg6[%arg0, %dma_wait3A, %dma_wait3A_19] : memref<2x10240x16xf32, #tpu.memory_space<hbm>> -> memref<1x10240x16xf32, #tpu.memory_space<hbm>>
        %dma_wait3A_21 = tpu.memref_squeeze %dma_wait3A_20 : memref<1x10240x16xf32, #tpu.memory_space<hbm>> -> memref<10240x16xf32, #tpu.memory_space<hbm>>
        tpu.wait_dma2 semaphore(%run_scoped3A : memref<!tpu.dma_semaphore, #tpu.memory_space<semaphore_mem>>) src(%arg11 : memref<10240x16xf32, #tpu.memory_space<vmem_shared>>) dst(%dma_wait3A_21 : memref<10240x16xf32, #tpu.memory_space<hbm>>)
        tpu.yield
      }) : () -> ()
    } else {
    }
    return
  }
}

module attributes {stable_mosaic.version = 14 : i64} {
  func.func @_tc_a_body(%arg0: memref<10240x128xf32, #tpu.memory_space<vmem>>, %arg1: memref<128x16xf32, #tpu.memory_space<vmem>>, %arg2: memref<10240x2xf32, #tpu.memory_space<vmem>>, %arg3: memref<10240x16xf32, #tpu.memory_space<vmem>>, %arg4: memref<10240x1xf32, #tpu.memory_space<vmem>>) attributes {dimension_semantics = [], scalar_prefetch = 0 : i64, scratch_operands = 0 : i64, tpu.core_type = #tpu.core_type<tc>} {
    %get3A = arith.constant 0 : index
    %get3A_0 = arith.constant 0 : index
    %get3A_1 = vector.load %arg2[%get3A, %get3A_0] : memref<10240x2xf32, #tpu.memory_space<vmem>>, vector<10240x1xf32>
    %get3A_2 = arith.constant 0 : index
    %get3A_3 = arith.constant 1 : index
    %get3A_4 = vector.load %arg2[%get3A_2, %get3A_3] : memref<10240x2xf32, #tpu.memory_space<vmem>>, vector<10240x1xf32>
    %add3A = arith.addf %get3A_1, %get3A_4 : vector<10240x1xf32>
    %add3A_5 = arith.constant 1.000000e+00 : f32
    %add3A_6 = vector.broadcast %add3A_5 : f32 to vector<10240x1xf32>
    %add3A_7 = arith.addf %add3A, %add3A_6 : vector<10240x1xf32>
    %rsqrt3A = math.rsqrt %add3A_7 : vector<10240x1xf32>
    %get3A_8 = arith.constant 0 : index
    %get3A_9 = arith.constant 0 : index
    %get3A_10 = vector.load %arg0[%get3A_8, %get3A_9] : memref<10240x128xf32, #tpu.memory_space<vmem>>, vector<10240x128xf32>
    %get3A_11 = arith.constant 0 : index
    %get3A_12 = arith.constant 0 : index
    %get3A_13 = vector.load %arg1[%get3A_11, %get3A_12] : memref<128x16xf32, #tpu.memory_space<vmem>>, vector<128x16xf32>
    %dot_general3A = arith.constant dense<0.000000e+00> : vector<10240x16xf32>
    %dot_general3A_14 = tpu.matmul %get3A_10, %get3A_13, %dot_general3A {dimension_numbers = #tpu.dot_dimension_numbers<[1], [0], [0], [1], [0, 0, 1, 1], [], []>, transpose_lhs_hint = false} : vector<10240x128xf32>, vector<128x16xf32>, vector<10240x16xf32> -> vector<10240x16xf32>
    %mul3A = vector.broadcast %rsqrt3A : vector<10240x1xf32> to vector<10240x16xf32>
    %mul3A_15 = arith.mulf %dot_general3A_14, %mul3A : vector<10240x16xf32>
    %swap3A = arith.constant 0 : index
    %swap3A_16 = arith.constant 0 : index
    %swap3A_17 = vector.load %arg3[%swap3A, %swap3A_16] : memref<10240x16xf32, #tpu.memory_space<vmem>>, vector<10240x16xf32>
    tpu.vector_store %arg3[%swap3A, %swap3A_16], %mul3A_15 {strides = array<i32>} : memref<10240x16xf32, #tpu.memory_space<vmem>>, vector<10240x16xf32>,
    %swap3A_18 = arith.constant 0 : index
    %swap3A_19 = arith.constant 0 : index
    %swap3A_20 = vector.load %arg4[%swap3A_18, %swap3A_19] : memref<10240x1xf32, #tpu.memory_space<vmem>>, vector<10240x1xf32>
    tpu.vector_store %arg4[%swap3A_18, %swap3A_19], %rsqrt3A {strides = array<i32>} : memref<10240x1xf32, #tpu.memory_space<vmem>>, vector<10240x1xf32>,
    return
  }
}

module attributes {stable_mosaic.version = 14 : i64} {
  func.func @_tc_b_body(%arg0: memref<2x10240x16xf32, #tpu.memory_space<vmem>>, %arg1: memref<10240x16xf32, #tpu.memory_space<vmem>>, %arg2: memref<10240x1xf32, #tpu.memory_space<vmem>>, %arg3: memref<1x16xf32, #tpu.memory_space<vmem>>, %arg4: memref<16x8xf32, #tpu.memory_space<vmem>>, %arg5: memref<10240x8xf32, #tpu.memory_space<vmem>>) attributes {dimension_semantics = [], scalar_prefetch = 0 : i64, scratch_operands = 0 : i64, tpu.core_type = #tpu.core_type<tc>} {
    %get3A = arith.constant 0 : index
    %get3A_0 = arith.constant 0 : index
    %get3A_1 = vector.load %arg2[%get3A, %get3A_0] : memref<10240x1xf32, #tpu.memory_space<vmem>>, vector<10240x1xf32>
    %get3A_2 = arith.constant 0 : index
    %get3A_3 = arith.constant 0 : index
    %get3A_4 = arith.constant 0 : index
    %get3A_5 = vector.load %arg0[%get3A_2, %get3A_3, %get3A_4] : memref<2x10240x16xf32, #tpu.memory_space<vmem>>, vector<1x10240x16xf32>
    %get3A_6 = vector.shape_cast %get3A_5 : vector<1x10240x16xf32> to vector<10240x16xf32>
    %get3A_7 = arith.constant 1 : index
    %get3A_8 = arith.constant 0 : index
    %get3A_9 = arith.constant 0 : index
    %get3A_10 = vector.load %arg0[%get3A_7, %get3A_8, %get3A_9] : memref<2x10240x16xf32, #tpu.memory_space<vmem>>, vector<1x10240x16xf32>
    %get3A_11 = vector.shape_cast %get3A_10 : vector<1x10240x16xf32> to vector<10240x16xf32>
    %add3A = arith.addf %get3A_6, %get3A_11 : vector<10240x16xf32>
    %get3A_12 = arith.constant 0 : index
    %get3A_13 = arith.constant 0 : index
    %get3A_14 = vector.load %arg1[%get3A_12, %get3A_13] : memref<10240x16xf32, #tpu.memory_space<vmem>>, vector<10240x16xf32>
    %add3A_15 = arith.addf %add3A, %get3A_14 : vector<10240x16xf32>
    %mul3A = vector.broadcast %get3A_1 : vector<10240x1xf32> to vector<10240x16xf32>
    %mul3A_16 = arith.mulf %mul3A, %add3A_15 : vector<10240x16xf32>
    %get3A_17 = arith.constant 0 : index
    %get3A_18 = arith.constant 0 : index
    %get3A_19 = vector.load %arg3[%get3A_17, %get3A_18] : memref<1x16xf32, #tpu.memory_space<vmem>>, vector<1x16xf32>
    %add3A_20 = vector.broadcast %get3A_19 : vector<1x16xf32> to vector<10240x16xf32>
    %add3A_21 = arith.addf %mul3A_16, %add3A_20 : vector<10240x16xf32>
    %max3A = arith.constant 0.000000e+00 : f32
    %max3A_22 = vector.broadcast %max3A : f32 to vector<10240x16xf32>
    %max3A_23 = arith.maximumf %add3A_21, %max3A_22 : vector<10240x16xf32>
    %get3A_24 = arith.constant 0 : index
    %get3A_25 = arith.constant 0 : index
    %get3A_26 = vector.load %arg4[%get3A_24, %get3A_25] : memref<16x8xf32, #tpu.memory_space<vmem>>, vector<16x8xf32>
    %dot_general3A = arith.constant dense<0.000000e+00> : vector<10240x8xf32>
    %dot_general3A_27 = tpu.matmul %max3A_23, %get3A_26, %dot_general3A {dimension_numbers = #tpu.dot_dimension_numbers<[1], [0], [0], [1], [0, 0, 1, 1], [], []>, transpose_lhs_hint = false} : vector<10240x16xf32>, vector<16x8xf32>, vector<10240x8xf32> -> vector<10240x8xf32>
    %iota3A = tpu.iota {dimensions = array<i32: 0>} : vector<10240x1xi32>
    %lt3A = arith.constant 10000 : i32
    %lt3A_28 = vector.broadcast %lt3A : i32 to vector<10240x1xi32>
    %lt3A_29 = arith.cmpi slt, %iota3A, %lt3A_28 : vector<10240x1xi32>
    %convert_element_type3A = arith.extui %lt3A_29 : vector<10240x1xi1> to vector<10240x1xi32>
    %convert_element_type3A_30 = arith.sitofp %convert_element_type3A : vector<10240x1xi32> to vector<10240x1xf32>
    %mul3A_31 = vector.broadcast %get3A_1 : vector<10240x1xf32> to vector<10240x8xf32>
    %mul3A_32 = arith.mulf %dot_general3A_27, %mul3A_31 : vector<10240x8xf32>
    %mul3A_33 = vector.broadcast %convert_element_type3A_30 : vector<10240x1xf32> to vector<10240x8xf32>
    %mul3A_34 = arith.mulf %mul3A_32, %mul3A_33 : vector<10240x8xf32>
    %swap3A = arith.constant 0 : index
    %swap3A_35 = arith.constant 0 : index
    %swap3A_36 = vector.load %arg5[%swap3A, %swap3A_35] : memref<10240x8xf32, #tpu.memory_space<vmem>>, vector<10240x8xf32>
    tpu.vector_store %arg5[%swap3A, %swap3A_35], %mul3A_34 {strides = array<i32>} : memref<10240x8xf32, #tpu.memory_space<vmem>>, vector<10240x8xf32>,
    return
  }
}

module attributes {stable_mosaic.version = 14 : i64} {
  func.func @_tc_c_body(%arg0: memref<2x10240x8xf32, #tpu.memory_space<vmem>>, %arg1: memref<10240x8xf32, #tpu.memory_space<vmem>>, %arg2: memref<10240x1xf32, #tpu.memory_space<vmem>>, %arg3: memref<1x8xf32, #tpu.memory_space<vmem>>, %arg4: memref<8x1xf32, #tpu.memory_space<vmem>>, %arg5: memref<1x1xf32, #tpu.memory_space<vmem>>, %arg6: memref<10240x1xf32, #tpu.memory_space<vmem>>) attributes {dimension_semantics = [], scalar_prefetch = 0 : i64, scratch_operands = 0 : i64, tpu.core_type = #tpu.core_type<tc>} {
    %get3A = arith.constant 0 : index
    %get3A_0 = arith.constant 0 : index
    %get3A_1 = vector.load %arg2[%get3A, %get3A_0] : memref<10240x1xf32, #tpu.memory_space<vmem>>, vector<10240x1xf32>
    %get3A_2 = arith.constant 0 : index
    %get3A_3 = arith.constant 0 : index
    %get3A_4 = arith.constant 0 : index
    %get3A_5 = vector.load %arg0[%get3A_2, %get3A_3, %get3A_4] : memref<2x10240x8xf32, #tpu.memory_space<vmem>>, vector<1x10240x8xf32>
    %get3A_6 = vector.shape_cast %get3A_5 : vector<1x10240x8xf32> to vector<10240x8xf32>
    %get3A_7 = arith.constant 1 : index
    %get3A_8 = arith.constant 0 : index
    %get3A_9 = arith.constant 0 : index
    %get3A_10 = vector.load %arg0[%get3A_7, %get3A_8, %get3A_9] : memref<2x10240x8xf32, #tpu.memory_space<vmem>>, vector<1x10240x8xf32>
    %get3A_11 = vector.shape_cast %get3A_10 : vector<1x10240x8xf32> to vector<10240x8xf32>
    %add3A = arith.addf %get3A_6, %get3A_11 : vector<10240x8xf32>
    %get3A_12 = arith.constant 0 : index
    %get3A_13 = arith.constant 0 : index
    %get3A_14 = vector.load %arg1[%get3A_12, %get3A_13] : memref<10240x8xf32, #tpu.memory_space<vmem>>, vector<10240x8xf32>
    %add3A_15 = arith.addf %add3A, %get3A_14 : vector<10240x8xf32>
    %mul3A = vector.broadcast %get3A_1 : vector<10240x1xf32> to vector<10240x8xf32>
    %mul3A_16 = arith.mulf %mul3A, %add3A_15 : vector<10240x8xf32>
    %get3A_17 = arith.constant 0 : index
    %get3A_18 = arith.constant 0 : index
    %get3A_19 = vector.load %arg3[%get3A_17, %get3A_18] : memref<1x8xf32, #tpu.memory_space<vmem>>, vector<1x8xf32>
    %add3A_20 = vector.broadcast %get3A_19 : vector<1x8xf32> to vector<10240x8xf32>
    %add3A_21 = arith.addf %mul3A_16, %add3A_20 : vector<10240x8xf32>
    %get3A_22 = arith.constant 0 : index
    %get3A_23 = arith.constant 0 : index
    %get3A_24 = vector.load %arg4[%get3A_22, %get3A_23] : memref<8x1xf32, #tpu.memory_space<vmem>>, vector<8x1xf32>
    %dot_general3A = arith.constant dense<0.000000e+00> : vector<10240x1xf32>
    %dot_general3A_25 = tpu.matmul %add3A_21, %get3A_24, %dot_general3A {dimension_numbers = #tpu.dot_dimension_numbers<[1], [0], [0], [1], [0, 0, 1, 1], [], []>, transpose_lhs_hint = false} : vector<10240x8xf32>, vector<8x1xf32>, vector<10240x1xf32> -> vector<10240x1xf32>
    %get3A_26 = arith.constant 0 : index
    %get3A_27 = arith.constant 0 : index
    %get3A_28 = vector.load %arg5[%get3A_26, %get3A_27] : memref<1x1xf32, #tpu.memory_space<vmem>>, vector<1x1xf32>
    %add3A_29 = vector.broadcast %get3A_28 : vector<1x1xf32> to vector<10240x1xf32>
    %add3A_30 = arith.addf %dot_general3A_25, %add3A_29 : vector<10240x1xf32>
    %logistic3A = arith.negf %add3A_30 : vector<10240x1xf32>
    %logistic3A_31 = math.exp %logistic3A : vector<10240x1xf32>
    %logistic3A_32 = arith.constant 1.000000e+00 : f32
    %logistic3A_33 = vector.broadcast %logistic3A_32 : f32 to vector<10240x1xf32>
    %logistic3A_34 = arith.addf %logistic3A_33, %logistic3A_31 : vector<10240x1xf32>
    %logistic3A_35 = arith.divf %logistic3A_33, %logistic3A_34 : vector<10240x1xf32>
    %swap3A = arith.constant 0 : index
    %swap3A_36 = arith.constant 0 : index
    %swap3A_37 = vector.load %arg6[%swap3A, %swap3A_36] : memref<10240x1xf32, #tpu.memory_space<vmem>>, vector<10240x1xf32>
    tpu.vector_store %arg6[%swap3A, %swap3A_36], %logistic3A_35 {strides = array<i32>} : memref<10240x1xf32, #tpu.memory_space<vmem>>, vector<10240x1xf32>,
    return
  }
}

</mosaic_0001>

<sc_bundles>
// kernel: kernel.11.cloned.1.call-start
scs
__scs_entry_jumppad:
0x0: {  	(pc) =	sbr.rel $0x88, $3  }
0x1: {  	(tag) =	ssettag $0x0;
	lr =	simm.s32 $0x1  }
0x2: {  	[smem:$0x3F99] =	sst lr;
	_ =	strace $0xD0000000  }
0x3: {  	_ = 	snop  }
0x4: {  	_ = 	snop  }
0x5: {  	_ = 	snop  }
0x6: {  	_ = 	snop  }
0x7: {  	_ = 	snop  }
__scs_overlays_trampoline_lowered:
0x8: {  	[smem:$0x3FA8] =	sst s0  }
0x9: {  	[smem:$0x3FA9] =	sst s1  }
0xa: {  	[smem:$0x3FAA] =	sst s2  }
0xb: {  	[smem:$0x3FAB] =	sst s3  }
0xc: {  	[smem:$0x3FAC] =	sst s4  }
0xd: {  	[smem:$0x3FAD] =	sst s5  }
0xe: {  	[smem:$0x3FAE] =	sst s6  }
0xf: {  	[smem:$0x3FAF] =	sst s7  }
0x10: {  	[smem:$0x3FB0] =	sst s8  }
0x11: {  	[smem:$0x3FB1] =	sst s9;
	s0 =	simm.s32 @!p0 $0x0  }
0x12: {  	s1 =	sld [smem:$0x3F97];
	s0 =	simm.s32 @p0 $0x1  }
0x13: {  	[smem:$0x3FB2] =	sst s0;
	s0 =	simm.s32 @!p1 $0x0  }
0x14: {  	s2 =	sld [smem:$0x3F96];
	s0 =	simm.s32 @p1 $0x1  }
0x15: {  	[smem:$0x3FB3] =	sst s0;
	s0 =	simm.s32 @!p2 $0x0  }
0x16: {  	s3 =	sld [smem:$0x3FDB];
	s0 =	simm.s32 @p2 $0x1  }
0x17: {  	s4 =	simm.s32 $0x1BF5;
	[smem:$0x3FB5] =	sst s0  }
0x18: {  	s0 =	sld [smem:$0x3F98];
	_ =	swait.ge [sflag:s4], $0x0  }
0x19: {  	s7 =	sld [smem:$0x3F99]  }
0x1a: {  	s8 =	sadd.s32 $0xFFFFE003, lr  }
0x1b: {  	s9 =	sadd.s32 $0xFFFFFEF7, lr;
	s5 =	simm.s32 $0xFFFFFFFF;
	p2 =	slt.u32 s8, $0xFFFFF086  }
0x1c: {  	p1 =	slt.u32 s9, $0xF7A;
	s5 =	simm.s32 @!p2 $0x0  }
0x1d: {  	s5 =	simm.s32 @p1 $0x1;
	p0 =	seq.s32 s7, s2  }
0x1e: {  	s7 =	smul.u32 @!p0 $0xF7A, s2;
	p2 =	seq.s32 @!p0 s5, $0x0  }
0x1f: {  	s9 =	smul.u32 $0xF7A, s1;
	s8 =	simm.s32 @!p0 $0x1BF5;
	p2 =	por !p2, p0  }
0x20: {  	[sflag:s8] =	ssyncset.s32 @!p0 $0xFFFFF086;
	s6 =	sadd.s32 @!p0 s3, s7;
	s7 =	simm.s32 @!p0 $0x108  }
0x21: {  	s3 =	sadd.s32 s3, s9;
	s6 =	sadd.s32 @!p0 $0x88, s6;
	s7 =	simm.s32 @p2 $0x1082  }
0x22: {  	[simem:s7], [sflag:s8] =	dma.local @!p0 [hbm:s6], $0xF7A  }
0x23: {  	s9 =	sor.u32 $0xD0000000, s2;
	s6 =	simm.s32 $0x108;
	_ =	swait.ge @!p0 [sflag:s8], $0x0  }
0x24: {  	s3 =	sadd.s32 $0x88, s3;
	s6 =	simm.s32 @!p1 $0x1082;
	[sflag:s4] =	ssyncset.s32 $0xFFFFF086  }
0x25: {  	[simem:s6], [sflag:s4] =	dma.local [hbm:s3], $0xF7A  }
0x26: {  	[smem:$0x3F99] =	sst s1;
	(tag) =	ssettag s2;
	_ =	strace s9  }
0x27: {  	s1 =	sld [smem:$0x3FA9]  }
0x28: {  	s2 =	sld [smem:$0x3FAA]  }
0x29: {  	s4 =	sld [smem:$0x3FAC]  }
0x2a: {  	p0 =	seq.s32 s5, $0x0;
	s5 =	sld [smem:$0x3FAD]  }
0x2b: {  	s6 =	sld [smem:$0x3FAE]  }
0x2c: {  	s7 =	sld [smem:$0x3FAF]  }
0x2d: {  	s3 =	simm.s32 $0x108;
	s8 =	sld [smem:$0x3FB0]  }
0x2e: {  	s3 =	simm.s32 @!p0 $0x1082;
	s9 =	sld [smem:$0x3FB1]  }
0x2f: {  	lr =	sadd.s32 s0, s3;
	s0 =	sld [smem:$0x3FA8]  }
0x30: {  	s3 =	sld [smem:$0x3FAB]  }
0x31: {  	[smem:$0x3FB4] =	sst s10  }
0x32: {  	s10 =	sld [smem:$0x3FB2];
	_ =	sdelay $0x3  }
0x33: {  	p0 =	seq.s32 s10, $0x1;
	s10 =	sld [smem:$0x3FB4];
	_ =	sdelay $0x3  }
0x34: {  	[smem:$0x3FB4] =	sst s10  }
0x35: {  	s10 =	sld [smem:$0x3FB3];
	_ =	sdelay $0x3  }
0x36: {  	p1 =	seq.s32 s10, $0x1;
	s10 =	sld [smem:$0x3FB4];
	_ =	sdelay $0x3  }
0x37: {  	[smem:$0x3FB4] =	sst s10  }
0x38: {  	s10 =	sld [smem:$0x3FB5]  }
0x39: {  	_ = 	snop;
	(pc) =	sbr.ind lr, $3  }
0x3a: {  	_ = 	snop  }
0x3b: {  	_ = 	snop  }
0x3c: {  	p2 =	seq.s32 s10, $0x1;
	s10 =	sld [smem:$0x3FB4]  }
0x3d: {  	_ =	shalt  }
0x3e: {  	_ =	shalt  }
0x3f: {  	_ =	shalt  }
0x40: {  	_ =	shalt  }
0x41: {  	_ =	shalt  }
0x42: {  	_ =	shalt  }
0x43: {  	_ =	shalt  }
0x44: {  	_ =	shalt  }
0x45: {  	_ =	shalt  }
0x46: {  	_ =	shalt  }
0x47: {  	_ =	shalt  }
0x48: {  	_ =	shalt  }
0x49: {  	_ =	shalt  }
0x4a: {  	_ =	shalt  }
0x4b: {  	_ =	shalt  }
0x4c: {  	_ =	shalt  }
0x4d: {  	_ =	shalt  }
0x4e: {  	_ =	shalt  }
0x4f: {  	_ =	shalt  }
0x50: {  	_ =	shalt  }
0x51: {  	_ =	shalt  }
0x52: {  	_ =	shalt  }
0x53: {  	_ =	shalt  }
0x54: {  	_ =	shalt  }
0x55: {  	_ =	shalt  }
0x56: {  	_ =	shalt  }
0x57: {  	_ =	shalt  }
0x58: {  	_ =	shalt  }
0x59: {  	_ =	shalt  }
0x5a: {  	_ =	shalt  }
0x5b: {  	_ =	shalt  }
0x5c: {  	_ =	shalt  }
0x5d: {  	_ =	shalt  }
0x5e: {  	_ =	shalt  }
0x5f: {  	_ =	shalt  }
0x60: {  	_ =	shalt  }
0x61: {  	_ =	shalt  }
0x62: {  	_ =	shalt  }
0x63: {  	_ =	shalt  }
0x64: {  	_ =	shalt  }
0x65: {  	_ =	shalt  }
0x66: {  	_ =	shalt  }
0x67: {  	_ =	shalt  }
0x68: {  	_ =	shalt  }
0x69: {  	_ =	shalt  }
0x6a: {  	_ =	shalt  }
0x6b: {  	_ =	shalt  }
0x6c: {  	_ =	shalt  }
0x6d: {  	_ =	shalt  }
0x6e: {  	_ =	shalt  }
0x6f: {  	_ =	shalt  }
0x70: {  	_ =	shalt  }
0x71: {  	_ =	shalt  }
0x72: {  	_ =	shalt  }
0x73: {  	_ =	shalt  }
0x74: {  	_ =	shalt  }
0x75: {  	_ =	shalt  }
0x76: {  	_ =	shalt  }
0x77: {  	_ =	shalt  }
0x78: {  	_ =	shalt  }
0x79: {  	_ =	shalt  }
0x7a: {  	_ =	shalt  }
0x7b: {  	_ =	shalt  }
0x7c: {  	_ =	shalt  }
0x7d: {  	_ =	shalt  }
0x7e: {  	_ =	shalt  }
0x7f: {  	_ =	shalt  }
0x80: {  	_ =	shalt  }
0x81: {  	_ =	shalt  }
0x82: {  	_ =	shalt  }
0x83: {  	_ =	shalt  }
0x84: {  	_ =	shalt  }
0x85: {  	_ =	shalt  }
0x86: {  	_ =	shalt  }
0x87: {  	_ =	shalt  }
.Lfunc_end0:
.L_simem_size_0:
called_computation.1_lowered:
.L_overlay_start_0:
0x88: {  	s2 =	sld [smem:$0x3FD9]  }
0x89: {  	s3 =	sld [smem:$0x3FFE];
	_ =	sdelay $0x1  }
0x8a: {  	s1 =	srdreg.scid  }
0x8b: {  	s0 =	sand.u32 $0x1, s1  }
0x8c: {  	s16 =	sshll.u32 s0, $0xA;
	s2 =	sadd.s32 s3, s2  }
0x8d: {  	s2 =	sadd.s32 s2, s16  }
0x8e: {  	[smem:$0x3FC0] =	sst s2  }
0x8f: {  	_ = 	snop  }
0x90: {  	(tm) =	ssettm $0x1  }
0x91: {  	s17 =	sld [smem:$0x3FFB];
	_ =	sdelay $0x3  }
0x92: {  	_ =	strace s17  }
0x93: {  	s2 =	sld [smem:$0x3FFC];
	_ =	sdelay $0x3  }
0x94: {  	_ =	strace s2  }
0x95: {  	s2 =	sld [smem:$0x3FFD];
	_ =	sdelay $0x3  }
0x96: {  	_ =	strace s2  }
0x97: {  	_ =	strace $0x8FFFFFFF  }
0x98: {  	s18 =	sld [smem:$0x3FDB];
	_ =	sdelay $0x1  }
0x99: {  	s19 =	simm.s32 $_scs_section_size  }
0x9a: {  	s4 =	simm.s32 $_size__tile_overlayer_lowered;
	s5 =	simm.s32 $_tile_overlayer_lowered  }
0x9b: {  	s22 =	simm.s32 $0x1BFF;
	s21 =	sshll.u32 s5, $0x1;
	s2 =	sadd.s32 s19, s18  }
0x9c: {  	s6 =	simm.s32 $0x0;
	s20 =	sshll.u32 s4, $0x1;
	s4 =	sadd.s32 s21, s2  }
0x9d: {  	[timem:s6], [sflag:s22] =	dma.local [hbm:s4], s20  }
0x9e: {  	_ =	swait.ge [sflag:s22], s20  }
0x9f: {  	s3 =	ssub.s32 $0x0, s20;
	[sflag:s22] =	ssyncset.done $0x0  }
0xa0: {  	[sflag:s22] =	ssyncadd.s32 s3;
	_ =	sdelay $0x1  }
0xa1: {  	s23 =	simm.s32 $0x1B8B  }
0xa2: {  	_ =	swait.ge [sflag:s23], $0x1  }
0xa3: {  	[sflag:s23] =	ssyncset.done $0x0  }
0xa4: {  	s25 =	simm.s32 $0x1B8E;
	s24 =	sld [smem:$0x3FFE];
	[sflag:s23] =	ssyncadd.s32 $0xFFFFFFFF  }
0xa5: {  	s26 =	simm.s32 $execute0_lowered;
	[smem:$0x3FD2] =	sst s25  }
0xa6: {  	s4 =	sshll.u32 s26, $0x1;
	_ =	strace $0x80000049;
	[dreg:$0x1] =	wrdreg $0xFFFFFFFF  }
0xa7: {  	s28 =	simm.s32 $_size_execute0_lowered;
	s2 =	sadd.s32 s2, s4;
	[dreg:$0x0] =	wrdreg $0x0  }
0xa8: {  	s4 =	sshll.u32 s28, $0x1;
	[dreg:$0x2] =	wrdreg s2  }
0xa9: {  	[dreg:$0x3] =	wrdreg s4  }
0xaa: {  	[dreg:$0x4] =	wrdreg $0xC0  }
0xab: {  	_ =	task [dreg:s6], $0x5FFFF  }
0xac: {  	[dreg:$0x1] =	wrdreg $0xFFFFFFFF  }
0xad: {  	[dreg:$0x0] =	wrdreg $0x60  }
0xae: {  	[dreg:$0x2] =	wrdreg s24  }
0xaf: {  	[dreg:$0x3] =	wrdreg $0x148000  }
0xb0: {  	[dreg:$0x4] =	wrdreg $0x120000  }
0xb1: {  	[dreg:$0x5] =	wrdreg $0x9  }
0xb2: {  	_ =	task.clear_ibuf [dreg:s6], $0x6FFFF;
	_ =	strace $0x90000049  }
0xb3: {  	s29 =	simm.s32 $0x9;
	_ =	strace $0x8000004B  }
0xb4: {  	_ =	swait.ge [sflag:s29], $0x1  }
0xb5: {  	[sflag:s29] =	ssyncadd.s32 $0xFFFFFFFF  }
0xb6: {  	_ =	strace $0x9000004B  }
0xb7: {  	_ =	sfence  }
0xb8: {  	s30 =	sld [smem:$0x0];
	_ =	sdelay $0x2  }
0xb9: {  	s31 =	sshll.u32 s1, $0xD;
	s1 =	sshrl.u32 s1, $0x2  }
0xba: {  	s3 =	sand.u32 $0x4000, s31;
	s1 =	sadd.s32 s1, s30  }
0xbb: {  	s0 =	sor.u32 s3, s0;
	s1 =	sshll.u32 s1, $0x11  }
0xbc: {  	s0 =	sor.u32 s1, s0  }
0xbd: {  	s0 =	sadd.s32 $0x8F2B, s0  }
0xbe: {  	[sflag:s0] =	ssyncadd.remote.s32 $0x1  }
0xbf: {  	_ =	sfence.sel $0xFFFF  }
0xc0: {  	[dreg:$0x0] =	wrdreg $0xFFFFFFFF;
	(pc) =	sbr.abs _section_cstart, $3  }
0xc1: {  	[dreg:$0x1] =	wrdreg $0xFFFFFFFF  }
0xc2: {  	_ =	task.clear_ibuf [dreg:s6], $0x2FFFF;
	_ =	strace $0x9FFFFFFF  }
0xc3: {  	(tm) =	ssettm $0x7FFFFFFF  }
tec
execute0_lowered:
.L_overlay_start_1:
0x0: {  	(tag) =	ssettag $0x1  }
0x1: {  	s0 =	rddreg [dreg:$0x0];
	s2 =	srdreg.scid  }
0x2: {  	s4 =	stileid.u32;
	s1 =	rddreg [dreg:$0x1]  }
0x3: {  	s3 =	simm.s32 $0x0;
	s22 =	simm.s32 $0x100;
	s24 =	simm.s32 $0x180  }
0x4: {  	s25 =	simm.s32 $0x200;
	s5 =	sand.u32 $0x1, s2;
	s2 =	rddreg [dreg:$0x2]  }
0x5: {  	s26 =	simm.s32 $0x280;
	[smem:$0x7FF] =	sst s3;
	s10 =	sadd.s32 $0x1AA00, s0  }
0x6: {  	s11 =	simm.s32 $0x480;
	_ =	strace $0x8000004A;
	[smem:$0x7F6] =	sst s10  }
0x7: {  	s12 =	simm.s32 $0x500;
	s13 =	simm.s32 $0x580;
	[dreg:$0x6] =	wrdreg s22  }
0x8: {  	s14 =	simm.s32 $0x600;
	s16 =	simm.s32 $0x680;
	[dreg:$0x7] =	wrdreg s24  }
0x9: {  	s17 =	simm.s32 $0x700;
	s18 =	simm.s32 $0x780;
	[dreg:$0x8] =	wrdreg s25  }
0xa: {  	s19 =	simm.s32 $0x1080;
	s28 =	simm.s32 $0x8800;
	[dreg:$0x9] =	wrdreg s26  }
0xb: {  	s29 =	simm.s32 $0x9000;
	s30 =	simm.s32 $0x9800;
	[dreg:$0xd] =	wrdreg s11  }
0xc: {  	s31 =	simm.s32 $0x1;
	s6 =	smul.u32 $0x5000, s4;
	[dreg:$0xe] =	wrdreg s12  }
0xd: {  	s20 =	smul.u32 $0x2800, s4;
	p0 =	sne.s32 s4, $0x0;
	[dreg:$0xf] =	wrdreg s13  }
0xe: {  	s4 =	sshll.u32 s4, $0x6;
	s7 =	smul.u32 $0x2800, s5;
	[dreg:$0x10] =	wrdreg s14  }
0xf: {  	s9 =	smul.u32 $0x5000, s5;
	s5 =	ssub.s32 $0x2, s5;
	[dreg:$0x11] =	wrdreg s16  }
0x10: {  	s10 =	simm.s32 $0x400;
	s11 =	simm.s32 $0x3;
	[dreg:$0x12] =	wrdreg s17  }
0x11: {  	s12 =	simm.s32 $0x1000;
	s13 =	simm.s32 $0x80;
	[dreg:$0x13] =	wrdreg s18  }
0x12: {  	s14 =	simm.s32 $0x2000;
	[dreg:$0x14] =	wrdreg s19;
	s16 =	simm.s32 $0x3000  }
0x13: {  	s22 =	simm.s32 $0x1200;
	s17 =	simm.s32 $0x3800;
	[dreg:$0xc] =	wrdreg s10  }
0x14: {  	s18 =	simm.s32 $0x4000;
	s24 =	simm.s32 $0x1300;
	[dreg:$0x17] =	wrdreg s22  }
0x15: {  	s25 =	simm.s32 $0x1380;
	s26 =	simm.s32 $0x1400;
	[dreg:$0x19] =	wrdreg s24  }
0x16: {  	s8 =	sshrl.u32 s20, $0x3;
	s23 =	sshrl.u32 s5, $0x1;
	[dreg:$0x1a] =	wrdreg s25  }
0x17: {  	s10 =	sor.u32 $0x1C03, s4;
	[dreg:$0x1b] =	wrdreg s26;
	s4 =	simm.s32 $0x1480  }
0x18: {  	s6 =	sadd.s32 s7, s6;
	s8 =	sadd.s32 s8, s0;
	[dreg:$0x1c] =	wrdreg s4  }
0x19: {  	s7 =	sadd.s32 s20, s2;
	s20 =	simm.s32 $0x1100;
	[smem:$0x7FD] =	sst s10  }
0x1a: {  	s5 =	ssub.s32 s5, s23;
	s23 =	simm.s32 $0x1280;
	[dreg:$0x15] =	wrdreg s20  }
0x1b: {  	s19 =	simm.s32 $0x4800;
	s8 =	sadd.s32 $0x15A00, s8;
	[dreg:$0x18] =	wrdreg s23  }
0x1c: {  	s22 =	simm.s32 $0x6000;
	s5 =	smax.u32 s5, $0x1;
	[smem:$0x7F7] =	sst s8  }
0x1d: {  	s24 =	simm.s32 $0x7000;
	s15 =	sshrl.u32 s7, $0x3;
	[smem:$0x7F9] =	sst s5  }
0x1e: {  	s6 =	sshrl.u32 s6, $0x3;
	s7 =	simm.s32 $0x1600;
	[smem:$0x7FA] =	sst s15  }
0x1f: {  	s6 =	sadd.s32 s6, s0;
	s8 =	simm.s32 $0x300;
	[dreg:$0x1f] =	wrdreg s7  }
0x20: {  	s0 =	sadd.s32 s9, s0;
	s9 =	simm.s32 $0x380;
	[dreg:$0xa] =	wrdreg s8  }
0x21: {  	s25 =	simm.s32 $0x7800;
	s5 =	simm.s32 $0x1500;
	[dreg:$0xb] =	wrdreg s9  }
0x22: {  	s26 =	simm.s32 $0x8000;
	s21 =	sadd.s32 $0x1A00, s6;
	[dreg:$0x1d] =	wrdreg s5  }
0x23: {  	s4 =	simm.s32 $0x1700;
	s6 =	sadd.s32 $0xBA00, s6;
	[dreg:$0x4] =	wrdreg s21  }
0x24: {  	s20 =	simm.s32 $0x5000;
	s0 =	sadd.s32 $0x1FA00, s0;
	[dreg:$0x5] =	wrdreg s6  }
0x25: {  	s23 =	simm.s32 $0x6800;
	s8 =	simm.s32 $0x0;
	[smem:$0x7F8] =	sst s0  }
0x26: {  	s15 =	simm.s32 $0x2800;
	s9 =	sshrl.u32 @!p0 s1, $0x3;
	[smem:$0x7FB] =	sst s8  }
0x27: {  	s5 =	simm.s32 $0x1780;
	s21 =	simm.s32 $0x1180;
	[smem:$0x7FC] =	sst s9  }
0x28: {  	s6 =	simm.s32 $0x1580;
	s0 =	simm.s32 $0x1680;
	[dreg:$0x16] =	wrdreg s21  }
0x29: {  	s21 =	simm.s32 $0x5800;
	[dreg:$0x1e] =	wrdreg s6;
	s6 =	simm.s32 $0x2  }
.LBB2_1:
0x2a: {  	s7 =	sld [smem:$0x7F6];
	_ =	sdelay $0x1  }
0x2b: {  	s8 =	simm.s32 @!p0 $0x1C03  }
0x2c: {  	[spmem:s9], [sflag:s8] =	dma.local @!p0 [hbm:s7], $0x5000  }
0x2d: {  	s8 =	simm.s32 @!p0 $0x3  }
0x2e: {  	_ =	swait.ge @!p0 [sflag:s8], $0x5000  }
0x2f: {  	[sflag:s8] =	ssyncset.done @!p0 $0x0;
	s9 =	sld [smem:$0x7FA]  }
0x30: {  	[sflag:s8] =	ssyncadd.s32 @!p0 $0xFFFFB000;
	s8 =	sld [smem:$0x7F7];
	_ =	sdelay $0x2  }
0x31: {  	[spmem:s9], [sflag:s10] =	dma.local [hbm:s8], $0x500  }
0x32: {  	_ =	swait.ge [sflag:s11], $0x500  }
0x33: {  	[sflag:s11] =	ssyncset.done $0x0  }
0x34: {  	[sflag:s11] =	ssyncadd.s32 $0xFFFFFB00  }
0x35: {  	[bflag:$0x0] =	sbarrier.arrive $0xFFFF  }
0x36: {  	s7 =	rddreg [dreg:$0x5]  }
0x37: {  	s8 =	sadd.s32 $0x0, s7  }
0x38: {  	[tilespmem:s3], [sflag:$0x3] =	stream.linear.gather [hbm4b:s8+s3], $0x800, $0x38;
	[tilespmem:$0x17000] =	vst v63  }
0x39: {  	_ =	swait.ge [sflag:s11], $0x800  }
0x3a: {  	s9 =	rddreg [dreg:$0x4];
	[sflag:s11] =	ssyncset.done $0x0  }
0x3b: {  	[sflag:s11] =	ssyncadd.s32 $0xFFFFF800;
	s8 =	sadd.s32 $0x0, s9  }
0x3c: {  	[tilespmem:s12], [sflag:$0x3] =	stream.linear.gather [hbm4b:s8+s3], $0x800, $0x38;
	[tilespmem:$0x17000] =	vst v63  }
0x3d: {  	_ =	swait.ge [sflag:s11], $0x800  }
0x3e: {  	[sflag:s11] =	ssyncset.done $0x0  }
0x3f: {  	[sflag:s11] =	ssyncadd.s32 $0xFFFFF800  }
0x40: {  	[tilespmem:s14], [sflag:$0x1] =	stream.indirect.gather [spmem:s2], $0x10, s3, s13, $0xb8;
	[tilespmem:$0x17000] =	vst v63  }
0x41: {  	_ = 	snop  }
0x42: {  	[tilespmem:s15], [sflag:$0x1] =	stream.indirect.gather [spmem:s2], $0x10, s13, s13, $0xb8;
	[tilespmem:$0x17000] =	vst v63  }
0x43: {  	s10 =	rddreg [dreg:$0x6]  }
0x44: {  	[tilespmem:s16], [sflag:$0x1] =	stream.indirect.gather [spmem:s2], $0x10, s10, s13, $0xb8;
	[tilespmem:$0x17000] =	vst v63  }
0x45: {  	s7 =	rddreg [dreg:$0x7]  }
0x46: {  	[tilespmem:s17], [sflag:$0x1] =	stream.indirect.gather [spmem:s2], $0x10, s7, s13, $0xb8;
	[tilespmem:$0x17000] =	vst v63  }
0x47: {  	s10 =	rddreg [dreg:$0x8]  }
0x48: {  	[tilespmem:s18], [sflag:$0x1] =	stream.indirect.gather [spmem:s2], $0x10, s10, s13, $0xb8;
	[tilespmem:$0x17000] =	vst v63  }
0x49: {  	s7 =	rddreg [dreg:$0x9]  }
0x4a: {  	[tilespmem:s19], [sflag:$0x1] =	stream.indirect.gather [spmem:s2], $0x10, s7, s13, $0xb8;
	[tilespmem:$0x17000] =	vst v63  }
0x4b: {  	s10 =	rddreg [dreg:$0xa]  }
0x4c: {  	[tilespmem:s20], [sflag:$0x1] =	stream.indirect.gather [spmem:s2], $0x10, s10, s13, $0xb8;
	[tilespmem:$0x17000] =	vst v63  }
0x4d: {  	s7 =	rddreg [dreg:$0xb]  }
0x4e: {  	[tilespmem:s21], [sflag:$0x1] =	stream.indirect.gather [spmem:s2], $0x10, s7, s13, $0xb8;
	[tilespmem:$0x17000] =	vst v63  }
0x4f: {  	s10 =	rddreg [dreg:$0xc]  }
0x50: {  	[tilespmem:s22], [sflag:$0x1] =	stream.indirect.gather [spmem:s2], $0x10, s10, s13, $0xb8;
	[tilespmem:$0x17000] =	vst v63  }
0x51: {  	s7 =	rddreg [dreg:$0xd]  }
0x52: {  	[tilespmem:s23], [sflag:$0x1] =	stream.indirect.gather [spmem:s2], $0x10, s7, s13, $0xb8;
	[tilespmem:$0x17000] =	vst v63  }
0x53: {  	s10 =	rddreg [dreg:$0xe]  }
0x54: {  	[tilespmem:s24], [sflag:$0x1] =	stream.indirect.gather [spmem:s2], $0x10, s10, s13, $0xb8;
	[tilespmem:$0x17000] =	vst v63  }
0x55: {  	s7 =	rddreg [dreg:$0xf]  }
0x56: {  	[tilespmem:s25], [sflag:$0x1] =	stream.indirect.gather [spmem:s2], $0x10, s7, s13, $0xb8;
	[tilespmem:$0x17000] =	vst v63  }
0x57: {  	s10 =	rddreg [dreg:$0x10]  }
0x58: {  	[tilespmem:s26], [sflag:$0x1] =	stream.indirect.gather [spmem:s2], $0x10, s10, s13, $0xb8;
	[tilespmem:$0x17000] =	vst v63  }
0x59: {  	s7 =	rddreg [dreg:$0x11]  }
0x5a: {  	[tilespmem:s28], [sflag:$0x1] =	stream.indirect.gather [spmem:s2], $0x10, s7, s13, $0xb8;
	[tilespmem:$0x17000] =	vst v63  }
0x5b: {  	s10 =	rddreg [dreg:$0x12]  }
0x5c: {  	[tilespmem:s29], [sflag:$0x1] =	stream.indirect.gather [spmem:s2], $0x10, s10, s13, $0xb8;
	[tilespmem:$0x17000] =	vst v63  }
0x5d: {  	s7 =	rddreg [dreg:$0x13]  }
0x5e: {  	[tilespmem:s30], [sflag:$0x1] =	stream.indirect.gather [spmem:s2], $0x10, s7, s13, $0xb8;
	[tilespmem:$0x17000] =	vst v63  }
0x5f: {  	_ =	swait.ge [sflag:s31], $0x800  }
0x60: {  	[sflag:s31] =	ssyncset.done $0x0  }
0x61: {  	[sflag:s31] =	ssyncadd.s32 $0xFFFFF800  }
0x62: {  	_ =	swait.ge [sflag:s31], $0x800  }
0x63: {  	[sflag:s31] =	ssyncset.done $0x0  }
0x64: {  	[sflag:s31] =	ssyncadd.s32 $0xFFFFF800  }
0x65: {  	_ =	swait.ge [sflag:s31], $0x800  }
0x66: {  	[sflag:s31] =	ssyncset.done $0x0  }
0x67: {  	[sflag:s31] =	ssyncadd.s32 $0xFFFFF800  }
0x68: {  	_ =	swait.ge [sflag:s31], $0x800  }
0x69: {  	[sflag:s31] =	ssyncset.done $0x0  }
0x6a: {  	[sflag:s31] =	ssyncadd.s32 $0xFFFFF800  }
0x6b: {  	_ =	swait.ge [sflag:s31], $0x800  }
0x6c: {  	[sflag:s31] =	ssyncset.done $0x0  }
0x6d: {  	[sflag:s31] =	ssyncadd.s32 $0xFFFFF800  }
0x6e: {  	_ =	swait.ge [sflag:s31], $0x800  }
0x6f: {  	[sflag:s31] =	ssyncset.done $0x0  }
0x70: {  	[sflag:s31] =	ssyncadd.s32 $0xFFFFF800  }
0x71: {  	_ =	swait.ge [sflag:s31], $0x800  }
0x72: {  	[sflag:s31] =	ssyncset.done $0x0  }
0x73: {  	[sflag:s31] =	ssyncadd.s32 $0xFFFFF800  }
0x74: {  	_ =	swait.ge [sflag:s31], $0x800  }
0x75: {  	[sflag:s31] =	ssyncset.done $0x0  }
0x76: {  	[sflag:s31] =	ssyncadd.s32 $0xFFFFF800  }
0x77: {  	_ =	swait.ge [sflag:s31], $0x800  }
0x78: {  	[sflag:s31] =	ssyncset.done $0x0  }
0x79: {  	[sflag:s31] =	ssyncadd.s32 $0xFFFFF800  }
0x7a: {  	_ =	swait.ge [sflag:s31], $0x800  }
0x7b: {  	[sflag:s31] =	ssyncset.done $0x0  }
0x7c: {  	[sflag:s31] =	ssyncadd.s32 $0xFFFFF800  }
0x7d: {  	_ =	swait.ge [sflag:s31], $0x800  }
0x7e: {  	[sflag:s31] =	ssyncset.done $0x0  }
0x7f: {  	[sflag:s31] =	ssyncadd.s32 $0xFFFFF800  }
0x80: {  	_ =	swait.ge [sflag:s31], $0x800  }
0x81: {  	[sflag:s31] =	ssyncset.done $0x0  }
0x82: {  	[sflag:s31] =	ssyncadd.s32 $0xFFFFF800  }
0x83: {  	_ =	swait.ge [sflag:s31], $0x800  }
0x84: {  	[sflag:s31] =	ssyncset.done $0x0  }
0x85: {  	[sflag:s31] =	ssyncadd.s32 $0xFFFFF800  }
0x86: {  	_ =	swait.ge [sflag:s31], $0x800  }
0x87: {  	[sflag:s31] =	ssyncset.done $0x0  }
0x88: {  	[sflag:s31] =	ssyncadd.s32 $0xFFFFF800  }
0x89: {  	_ =	swait.ge [sflag:s31], $0x800  }
0x8a: {  	[sflag:s31] =	ssyncset.done $0x0  }
0x8b: {  	[sflag:s31] =	ssyncadd.s32 $0xFFFFF800  }
0x8c: {  	_ =	swait.ge [sflag:s31], $0x800  }
0x8d: {  	[sflag:s31] =	ssyncset.done $0x0  }
0x8e: {  	[sflag:s31] =	ssyncadd.s32 $0xFFFFF800  }
0x8f: {  	[spmem:s1] =	stream.indirect.scatter.add.f32 [tilespmem:s14], [sflag:$0x2], $0x10, s12, s13, $0xb8;
	[tilespmem:$0x17000] =	vst v63  }
0x90: {  	s9 =	rddreg [dreg:$0x14]  }
0x91: {  	[spmem:s1] =	stream.indirect.scatter.add.f32 [tilespmem:s15], [sflag:$0x2], $0x10, s9, s13, $0xb8;
	[tilespmem:$0x17000] =	vst v63  }
0x92: {  	s10 =	rddreg [dreg:$0x15]  }
0x93: {  	[spmem:s1] =	stream.indirect.scatter.add.f32 [tilespmem:s16], [sflag:$0x2], $0x10, s10, s13, $0xb8;
	[tilespmem:$0x17000] =	vst v63  }
0x94: {  	s7 =	rddreg [dreg:$0x16]  }
0x95: {  	[spmem:s1] =	stream.indirect.scatter.add.f32 [tilespmem:s17], [sflag:$0x2], $0x10, s7, s13, $0xb8;
	[tilespmem:$0x17000] =	vst v63  }
0x96: {  	s10 =	rddreg [dreg:$0x17]  }
0x97: {  	[spmem:s1] =	stream.indirect.scatter.add.f32 [tilespmem:s18], [sflag:$0x2], $0x10, s10, s13, $0xb8;
	[tilespmem:$0x17000] =	vst v63  }
0x98: {  	s7 =	rddreg [dreg:$0x18]  }
0x99: {  	[spmem:s1] =	stream.indirect.scatter.add.f32 [tilespmem:s19], [sflag:$0x2], $0x10, s7, s13, $0xb8;
	[tilespmem:$0x17000] =	vst v63  }
0x9a: {  	s10 =	rddreg [dreg:$0x19]  }
0x9b: {  	[spmem:s1] =	stream.indirect.scatter.add.f32 [tilespmem:s20], [sflag:$0x2], $0x10, s10, s13, $0xb8;
	[tilespmem:$0x17000] =	vst v63  }
0x9c: {  	s7 =	rddreg [dreg:$0x1a]  }
0x9d: {  	[spmem:s1] =	stream.indirect.scatter.add.f32 [tilespmem:s21], [sflag:$0x2], $0x10, s7, s13, $0xb8;
	[tilespmem:$0x17000] =	vst v63  }
0x9e: {  	s10 =	rddreg [dreg:$0x1b]  }
0x9f: {  	[spmem:s1] =	stream.indirect.scatter.add.f32 [tilespmem:s22], [sflag:$0x2], $0x10, s10, s13, $0xb8;
	[tilespmem:$0x17000] =	vst v63  }
0xa0: {  	s7 =	rddreg [dreg:$0x1c]  }
0xa1: {  	[spmem:s1] =	stream.indirect.scatter.add.f32 [tilespmem:s23], [sflag:$0x2], $0x10, s7, s13, $0xb8;
	[tilespmem:$0x17000] =	vst v63  }
0xa2: {  	s10 =	rddreg [dreg:$0x1d]  }
0xa3: {  	[spmem:s1] =	stream.indirect.scatter.add.f32 [tilespmem:s24], [sflag:$0x2], $0x10, s10, s13, $0xb8;
	[tilespmem:$0x17000] =	vst v63  }
0xa4: {  	s7 =	rddreg [dreg:$0x1e]  }
0xa5: {  	[spmem:s1] =	stream.indirect.scatter.add.f32 [tilespmem:s25], [sflag:$0x2], $0x10, s7, s13, $0xb8;
	[tilespmem:$0x17000] =	vst v63  }
0xa6: {  	s10 =	rddreg [dreg:$0x1f]  }
0xa7: {  	[spmem:s1] =	stream.indirect.scatter.add.f32 [tilespmem:s26], [sflag:$0x2], $0x10, s10, s13, $0xb8;
	[tilespmem:$0x17000] =	vst v63  }
0xa8: {  	_ = 	snop  }
0xa9: {  	[spmem:s1] =	stream.indirect.scatter.add.f32 [tilespmem:s28], [sflag:$0x2], $0x10, s0, s13, $0xb8;
	[tilespmem:$0x17000] =	vst v63  }
0xaa: {  	_ = 	snop  }
0xab: {  	[spmem:s1] =	stream.indirect.scatter.add.f32 [tilespmem:s29], [sflag:$0x2], $0x10, s4, s13, $0xb8;
	[tilespmem:$0x17000] =	vst v63  }
0xac: {  	_ = 	snop  }
0xad: {  	[spmem:s1] =	stream.indirect.scatter.add.f32 [tilespmem:s30], [sflag:$0x2], $0x10, s5, s13, $0xb8;
	[tilespmem:$0x17000] =	vst v63  }
0xae: {  	_ =	swait.ge [sflag:s6], $0x800  }
0xaf: {  	[sflag:s6] =	ssyncset.done $0x0  }
0xb0: {  	[sflag:s6] =	ssyncadd.s32 $0xFFFFF800  }
0xb1: {  	_ =	swait.ge [sflag:s6], $0x800  }
0xb2: {  	[sflag:s6] =	ssyncset.done $0x0  }
0xb3: {  	[sflag:s6] =	ssyncadd.s32 $0xFFFFF800  }
0xb4: {  	_ =	swait.ge [sflag:s6], $0x800  }
0xb5: {  	[sflag:s6] =	ssyncset.done $0x0  }
0xb6: {  	[sflag:s6] =	ssyncadd.s32 $0xFFFFF800  }
0xb7: {  	_ =	swait.ge [sflag:s6], $0x800  }
0xb8: {  	[sflag:s6] =	ssyncset.done $0x0  }
0xb9: {  	[sflag:s6] =	ssyncadd.s32 $0xFFFFF800  }
0xba: {  	_ =	swait.ge [sflag:s6], $0x800  }
0xbb: {  	[sflag:s6] =	ssyncset.done $0x0  }
0xbc: {  	[sflag:s6] =	ssyncadd.s32 $0xFFFFF800  }
0xbd: {  	_ =	swait.ge [sflag:s6], $0x800  }
0xbe: {  	[sflag:s6] =	ssyncset.done $0x0  }
0xbf: {  	[sflag:s6] =	ssyncadd.s32 $0xFFFFF800  }
0xc0: {  	_ =	swait.ge [sflag:s6], $0x800  }
0xc1: {  	[sflag:s6] =	ssyncset.done $0x0  }
0xc2: {  	[sflag:s6] =	ssyncadd.s32 $0xFFFFF800  }
0xc3: {  	_ =	swait.ge [sflag:s6], $0x800  }
0xc4: {  	[sflag:s6] =	ssyncset.done $0x0  }
0xc5: {  	[sflag:s6] =	ssyncadd.s32 $0xFFFFF800  }
0xc6: {  	_ =	swait.ge [sflag:s6], $0x800  }
0xc7: {  	[sflag:s6] =	ssyncset.done $0x0  }
0xc8: {  	[sflag:s6] =	ssyncadd.s32 $0xFFFFF800  }
0xc9: {  	_ =	swait.ge [sflag:s6], $0x800  }
0xca: {  	[sflag:s6] =	ssyncset.done $0x0  }
0xcb: {  	[sflag:s6] =	ssyncadd.s32 $0xFFFFF800  }
0xcc: {  	_ =	swait.ge [sflag:s6], $0x800  }
0xcd: {  	[sflag:s6] =	ssyncset.done $0x0  }
0xce: {  	[sflag:s6] =	ssyncadd.s32 $0xFFFFF800  }
0xcf: {  	_ =	swait.ge [sflag:s6], $0x800  }
0xd0: {  	[sflag:s6] =	ssyncset.done $0x0  }
0xd1: {  	[sflag:s6] =	ssyncadd.s32 $0xFFFFF800  }
0xd2: {  	_ =	swait.ge [sflag:s6], $0x800  }
0xd3: {  	[sflag:s6] =	ssyncset.done $0x0  }
0xd4: {  	[sflag:s6] =	ssyncadd.s32 $0xFFFFF800  }
0xd5: {  	_ =	swait.ge [sflag:s6], $0x800  }
0xd6: {  	[sflag:s6] =	ssyncset.done $0x0  }
0xd7: {  	[sflag:s6] =	ssyncadd.s32 $0xFFFFF800  }
0xd8: {  	_ =	swait.ge [sflag:s6], $0x800  }
0xd9: {  	[sflag:s6] =	ssyncset.done $0x0  }
0xda: {  	[sflag:s6] =	ssyncadd.s32 $0xFFFFF800  }
0xdb: {  	s8 =	simm.s32 $0x200;
	_ =	swait.ge [sflag:s6], $0x800  }
0xdc: {  	s10 =	simm.s32 $0x100;
	s9 =	rddreg [dreg:$0x5];
	[sflag:s6] =	ssyncset.done $0x0  }
.LBB2_2:
0xdd: {  	[sflag:s6] =	ssyncadd.s32 $0xFFFFF800;
	s9 =	sadd.s32 s10, s9  }
0xde: {  	[tilespmem:s3], [sflag:$0x3] =	stream.linear.gather [hbm4b:s9+s3], $0x800, $0x38;
	[tilespmem:$0x17000] =	vst v63  }
0xdf: {  	_ =	swait.ge [sflag:s11], $0x800  }
0xe0: {  	s9 =	rddreg [dreg:$0x4];
	[sflag:s11] =	ssyncset.done $0x0  }
0xe1: {  	[sflag:s11] =	ssyncadd.s32 $0xFFFFF800;
	s9 =	sadd.s32 s10, s9  }
0xe2: {  	[tilespmem:s12], [sflag:$0x3] =	stream.linear.gather [hbm4b:s9+s3], $0x800, $0x38;
	[tilespmem:$0x17000] =	vst v63  }
0xe3: {  	_ =	swait.ge [sflag:s11], $0x800  }
0xe4: {  	[sflag:s11] =	ssyncset.done $0x0  }
0xe5: {  	[sflag:s11] =	ssyncadd.s32 $0xFFFFF800  }
0xe6: {  	[tilespmem:s14], [sflag:$0x1] =	stream.indirect.gather [spmem:s2], $0x10, s3, s13, $0xb8;
	[tilespmem:$0x17000] =	vst v63  }
0xe7: {  	s7 =	smov.u32 s8  }
0xe8: {  	[tilespmem:s15], [sflag:$0x1] =	stream.indirect.gather [spmem:s2], $0x10, s13, s13, $0xb8;
	[tilespmem:$0x17000] =	vst v63  }
0xe9: {  	s10 =	smov.u32 s7;
	s7 =	rddreg [dreg:$0x6]  }
0xea: {  	[tilespmem:s16], [sflag:$0x1] =	stream.indirect.gather [spmem:s2], $0x10, s7, s13, $0xb8;
	[tilespmem:$0x17000] =	vst v63  }
0xeb: {  	s9 =	rddreg [dreg:$0x7]  }
0xec: {  	[tilespmem:s17], [sflag:$0x1] =	stream.indirect.gather [spmem:s2], $0x10, s9, s13, $0xb8;
	[tilespmem:$0x17000] =	vst v63  }
0xed: {  	s7 =	rddreg [dreg:$0x8]  }
0xee: {  	[tilespmem:s18], [sflag:$0x1] =	stream.indirect.gather [spmem:s2], $0x10, s7, s13, $0xb8;
	[tilespmem:$0x17000] =	vst v63  }
0xef: {  	s9 =	rddreg [dreg:$0x9]  }
0xf0: {  	[tilespmem:s19], [sflag:$0x1] =	stream.indirect.gather [spmem:s2], $0x10, s9, s13, $0xb8;
	[tilespmem:$0x17000] =	vst v63  }
0xf1: {  	s7 =	rddreg [dreg:$0xa]  }
0xf2: {  	[tilespmem:s20], [sflag:$0x1] =	stream.indirect.gather [spmem:s2], $0x10, s7, s13, $0xb8;
	[tilespmem:$0x17000] =	vst v63  }
0xf3: {  	s9 =	rddreg [dreg:$0xb]  }
0xf4: {  	[tilespmem:s21], [sflag:$0x1] =	stream.indirect.gather [spmem:s2], $0x10, s9, s13, $0xb8;
	[tilespmem:$0x17000] =	vst v63  }
0xf5: {  	s7 =	rddreg [dreg:$0xc]  }
0xf6: {  	[tilespmem:s22], [sflag:$0x1] =	stream.indirect.gather [spmem:s2], $0x10, s7, s13, $0xb8;
	[tilespmem:$0x17000] =	vst v63  }
0xf7: {  	s9 =	rddreg [dreg:$0xd]  }
0xf8: {  	[tilespmem:s23], [sflag:$0x1] =	stream.indirect.gather [spmem:s2], $0x10, s9, s13, $0xb8;
	[tilespmem:$0x17000] =	vst v63  }
0xf9: {  	s7 =	rddreg [dreg:$0xe]  }
0xfa: {  	[tilespmem:s24], [sflag:$0x1] =	stream.indirect.gather [spmem:s2], $0x10, s7, s13, $0xb8;
	[tilespmem:$0x17000] =	vst v63  }
0xfb: {  	s9 =	rddreg [dreg:$0xf]  }
0xfc: {  	[tilespmem:s25], [sflag:$0x1] =	stream.indirect.gather [spmem:s2], $0x10, s9, s13, $0xb8;
	[tilespmem:$0x17000] =	vst v63  }
0xfd: {  	s7 =	rddreg [dreg:$0x10]  }
0xfe: {  	[tilespmem:s26], [sflag:$0x1] =	stream.indirect.gather [spmem:s2], $0x10, s7, s13, $0xb8;
	[tilespmem:$0x17000] =	vst v63  }
0xff: {  	s9 =	rddreg [dreg:$0x11]  }
0x100: {  	[tilespmem:s28], [sflag:$0x1] =	stream.indirect.gather [spmem:s2], $0x10, s9, s13, $0xb8;
	[tilespmem:$0x17000] =	vst v63  }
0x101: {  	s7 =	rddreg [dreg:$0x12]  }
0x102: {  	[tilespmem:s29], [sflag:$0x1] =	stream.indirect.gather [spmem:s2], $0x10, s7, s13, $0xb8;
	[tilespmem:$0x17000] =	vst v63  }
0x103: {  	s9 =	rddreg [dreg:$0x13]  }
0x104: {  	[tilespmem:s30], [sflag:$0x1] =	stream.indirect.gather [spmem:s2], $0x10, s9, s13, $0xb8;
	[tilespmem:$0x17000] =	vst v63  }
0x105: {  	_ =	swait.ge [sflag:s31], $0x800  }
0x106: {  	[sflag:s31] =	ssyncset.done $0x0  }
0x107: {  	[sflag:s31] =	ssyncadd.s32 $0xFFFFF800  }
0x108: {  	_ =	swait.ge [sflag:s31], $0x800  }
0x109: {  	[sflag:s31] =	ssyncset.done $0x0  }
0x10a: {  	[sflag:s31] =	ssyncadd.s32 $0xFFFFF800  }
0x10b: {  	_ =	swait.ge [sflag:s31], $0x800  }
0x10c: {  	[sflag:s31] =	ssyncset.done $0x0  }
0x10d: {  	[sflag:s31] =	ssyncadd.s32 $0xFFFFF800  }
0x10e: {  	_ =	swait.ge [sflag:s31], $0x800  }
0x10f: {  	[sflag:s31] =	ssyncset.done $0x0  }
0x110: {  	[sflag:s31] =	ssyncadd.s32 $0xFFFFF800  }
0x111: {  	_ =	swait.ge [sflag:s31], $0x800  }
0x112: {  	[sflag:s31] =	ssyncset.done $0x0  }
0x113: {  	[sflag:s31] =	ssyncadd.s32 $0xFFFFF800  }
0x114: {  	_ =	swait.ge [sflag:s31], $0x800  }
0x115: {  	[sflag:s31] =	ssyncset.done $0x0  }
0x116: {  	[sflag:s31] =	ssyncadd.s32 $0xFFFFF800  }
0x117: {  	_ =	swait.ge [sflag:s31], $0x800  }
0x118: {  	[sflag:s31] =	ssyncset.done $0x0  }
0x119: {  	[sflag:s31] =	ssyncadd.s32 $0xFFFFF800  }
0x11a: {  	_ =	swait.ge [sflag:s31], $0x800  }
0x11b: {  	[sflag:s31] =	ssyncset.done $0x0  }
0x11c: {  	[sflag:s31] =	ssyncadd.s32 $0xFFFFF800  }
0x11d: {  	_ =	swait.ge [sflag:s31], $0x800  }
0x11e: {  	[sflag:s31] =	ssyncset.done $0x0  }
0x11f: {  	[sflag:s31] =	ssyncadd.s32 $0xFFFFF800  }
0x120: {  	_ =	swait.ge [sflag:s31], $0x800  }
0x121: {  	[sflag:s31] =	ssyncset.done $0x0  }
0x122: {  	[sflag:s31] =	ssyncadd.s32 $0xFFFFF800  }
0x123: {  	_ =	swait.ge [sflag:s31], $0x800  }
0x124: {  	[sflag:s31] =	ssyncset.done $0x0  }
0x125: {  	[sflag:s31] =	ssyncadd.s32 $0xFFFFF800  }
0x126: {  	_ =	swait.ge [sflag:s31], $0x800  }
0x127: {  	[sflag:s31] =	ssyncset.done $0x0  }
0x128: {  	[sflag:s31] =	ssyncadd.s32 $0xFFFFF800  }
0x129: {  	_ =	swait.ge [sflag:s31], $0x800  }
0x12a: {  	[sflag:s31] =	ssyncset.done $0x0  }
0x12b: {  	[sflag:s31] =	ssyncadd.s32 $0xFFFFF800  }
0x12c: {  	_ =	swait.ge [sflag:s31], $0x800  }
0x12d: {  	[sflag:s31] =	ssyncset.done $0x0  }
0x12e: {  	[sflag:s31] =	ssyncadd.s32 $0xFFFFF800  }
0x12f: {  	_ =	swait.ge [sflag:s31], $0x800  }
0x130: {  	[sflag:s31] =	ssyncset.done $0x0  }
0x131: {  	[sflag:s31] =	ssyncadd.s32 $0xFFFFF800  }
0x132: {  	_ =	swait.ge [sflag:s31], $0x800  }
0x133: {  	[sflag:s31] =	ssyncset.done $0x0  }
0x134: {  	[sflag:s31] =	ssyncadd.s32 $0xFFFFF800  }
0x135: {  	[spmem:s1] =	stream.indirect.scatter.add.f32 [tilespmem:s14], [sflag:$0x2], $0x10, s12, s13, $0xb8;
	[tilespmem:$0x17000] =	vst v63  }
0x136: {  	s7 =	rddreg [dreg:$0x14]  }
0x137: {  	[spmem:s1] =	stream.indirect.scatter.add.f32 [tilespmem:s15], [sflag:$0x2], $0x10, s7, s13, $0xb8;
	[tilespmem:$0x17000] =	vst v63  }
0x138: {  	s9 =	rddreg [dreg:$0x15]  }
0x139: {  	[spmem:s1] =	stream.indirect.scatter.add.f32 [tilespmem:s16], [sflag:$0x2], $0x10, s9, s13, $0xb8;
	[tilespmem:$0x17000] =	vst v63  }
0x13a: {  	s7 =	rddreg [dreg:$0x16]  }
0x13b: {  	[spmem:s1] =	stream.indirect.scatter.add.f32 [tilespmem:s17], [sflag:$0x2], $0x10, s7, s13, $0xb8;
	[tilespmem:$0x17000] =	vst v63  }
0x13c: {  	s9 =	rddreg [dreg:$0x17]  }
0x13d: {  	[spmem:s1] =	stream.indirect.scatter.add.f32 [tilespmem:s18], [sflag:$0x2], $0x10, s9, s13, $0xb8;
	[tilespmem:$0x17000] =	vst v63  }
0x13e: {  	s7 =	rddreg [dreg:$0x18]  }
0x13f: {  	[spmem:s1] =	stream.indirect.scatter.add.f32 [tilespmem:s19], [sflag:$0x2], $0x10, s7, s13, $0xb8;
	[tilespmem:$0x17000] =	vst v63  }
0x140: {  	s9 =	rddreg [dreg:$0x19]  }
0x141: {  	[spmem:s1] =	stream.indirect.scatter.add.f32 [tilespmem:s20], [sflag:$0x2], $0x10, s9, s13, $0xb8;
	[tilespmem:$0x17000] =	vst v63  }
0x142: {  	s7 =	rddreg [dreg:$0x1a]  }
0x143: {  	[spmem:s1] =	stream.indirect.scatter.add.f32 [tilespmem:s21], [sflag:$0x2], $0x10, s7, s13, $0xb8;
	[tilespmem:$0x17000] =	vst v63  }
0x144: {  	s9 =	rddreg [dreg:$0x1b]  }
0x145: {  	[spmem:s1] =	stream.indirect.scatter.add.f32 [tilespmem:s22], [sflag:$0x2], $0x10, s9, s13, $0xb8;
	[tilespmem:$0x17000] =	vst v63  }
0x146: {  	s7 =	rddreg [dreg:$0x1c]  }
0x147: {  	[spmem:s1] =	stream.indirect.scatter.add.f32 [tilespmem:s23], [sflag:$0x2], $0x10, s7, s13, $0xb8;
	[tilespmem:$0x17000] =	vst v63  }
0x148: {  	s9 =	rddreg [dreg:$0x1d]  }
0x149: {  	[spmem:s1] =	stream.indirect.scatter.add.f32 [tilespmem:s24], [sflag:$0x2], $0x10, s9, s13, $0xb8;
	[tilespmem:$0x17000] =	vst v63  }
0x14a: {  	s7 =	rddreg [dreg:$0x1e]  }
0x14b: {  	[spmem:s1] =	stream.indirect.scatter.add.f32 [tilespmem:s25], [sflag:$0x2], $0x10, s7, s13, $0xb8;
	[tilespmem:$0x17000] =	vst v63  }
0x14c: {  	s9 =	rddreg [dreg:$0x1f]  }
0x14d: {  	[spmem:s1] =	stream.indirect.scatter.add.f32 [tilespmem:s26], [sflag:$0x2], $0x10, s9, s13, $0xb8;
	[tilespmem:$0x17000] =	vst v63  }
0x14e: {  	_ = 	snop  }
0x14f: {  	[spmem:s1] =	stream.indirect.scatter.add.f32 [tilespmem:s28], [sflag:$0x2], $0x10, s0, s13, $0xb8;
	[tilespmem:$0x17000] =	vst v63  }
0x150: {  	_ = 	snop  }
0x151: {  	[spmem:s1] =	stream.indirect.scatter.add.f32 [tilespmem:s29], [sflag:$0x2], $0x10, s4, s13, $0xb8;
	[tilespmem:$0x17000] =	vst v63  }
0x152: {  	_ = 	snop  }
0x153: {  	[spmem:s1] =	stream.indirect.scatter.add.f32 [tilespmem:s30], [sflag:$0x2], $0x10, s5, s13, $0xb8;
	[tilespmem:$0x17000] =	vst v63  }
0x154: {  	_ =	swait.ge [sflag:s6], $0x800  }
0x155: {  	[sflag:s6] =	ssyncset.done $0x0  }
0x156: {  	[sflag:s6] =	ssyncadd.s32 $0xFFFFF800  }
0x157: {  	_ =	swait.ge [sflag:s6], $0x800  }
0x158: {  	[sflag:s6] =	ssyncset.done $0x0  }
0x159: {  	[sflag:s6] =	ssyncadd.s32 $0xFFFFF800  }
0x15a: {  	_ =	swait.ge [sflag:s6], $0x800  }
0x15b: {  	[sflag:s6] =	ssyncset.done $0x0  }
0x15c: {  	[sflag:s6] =	ssyncadd.s32 $0xFFFFF800  }
0x15d: {  	_ =	swait.ge [sflag:s6], $0x800  }
0x15e: {  	[sflag:s6] =	ssyncset.done $0x0  }
0x15f: {  	[sflag:s6] =	ssyncadd.s32 $0xFFFFF800  }
0x160: {  	_ =	swait.ge [sflag:s6], $0x800  }
0x161: {  	[sflag:s6] =	ssyncset.done $0x0  }
0x162: {  	[sflag:s6] =	ssyncadd.s32 $0xFFFFF800  }
0x163: {  	_ =	swait.ge [sflag:s6], $0x800  }
0x164: {  	[sflag:s6] =	ssyncset.done $0x0  }
0x165: {  	[sflag:s6] =	ssyncadd.s32 $0xFFFFF800  }
0x166: {  	_ =	swait.ge [sflag:s6], $0x800  }
0x167: {  	[sflag:s6] =	ssyncset.done $0x0  }
0x168: {  	[sflag:s6] =	ssyncadd.s32 $0xFFFFF800  }
0x169: {  	_ =	swait.ge [sflag:s6], $0x800  }
0x16a: {  	[sflag:s6] =	ssyncset.done $0x0  }
0x16b: {  	[sflag:s6] =	ssyncadd.s32 $0xFFFFF800  }
0x16c: {  	_ =	swait.ge [sflag:s6], $0x800  }
0x16d: {  	[sflag:s6] =	ssyncset.done $0x0  }
0x16e: {  	[sflag:s6] =	ssyncadd.s32 $0xFFFFF800  }
0x16f: {  	_ =	swait.ge [sflag:s6], $0x800  }
0x170: {  	[sflag:s6] =	ssyncset.done $0x0  }
0x171: {  	[sflag:s6] =	ssyncadd.s32 $0xFFFFF800  }
0x172: {  	_ =	swait.ge [sflag:s6], $0x800  }
0x173: {  	[sflag:s6] =	ssyncset.done $0x0  }
0x174: {  	[sflag:s6] =	ssyncadd.s32 $0xFFFFF800  }
0x175: {  	_ =	swait.ge [sflag:s6], $0x800  }
0x176: {  	[sflag:s6] =	ssyncset.done $0x0  }
0x177: {  	[sflag:s6] =	ssyncadd.s32 $0xFFFFF800  }
0x178: {  	_ =	swait.ge [sflag:s6], $0x800  }
0x179: {  	[sflag:s6] =	ssyncset.done $0x0  }
0x17a: {  	[sflag:s6] =	ssyncadd.s32 $0xFFFFF800  }
0x17b: {  	_ =	swait.ge [sflag:s6], $0x800  }
0x17c: {  	[sflag:s6] =	ssyncset.done $0x0  }
0x17d: {  	p1 =	sne.s32 s8, $0x400;
	[sflag:s6] =	ssyncadd.s32 $0xFFFFF800  }
.Ltmp0:
0x17e: {  	_ =	swait.ge [sflag:s6], $0x800;
	(pc) =	sbr.rel @p1 .LBB2_2-.Ltmp0, $4  }
0x17f: {  	[sflag:s6] =	ssyncset.done $0x0  }
0x180: {  	[sflag:s6] =	ssyncadd.s32 $0xFFFFF800  }
0x181: {  	_ =	swait.ge [sflag:s6], $0x800  }
0x182: {  	s8 =	sadd.s32 $0x100, s8;
	s9 =	rddreg [dreg:$0x5];
	[sflag:s6] =	ssyncset.done $0x0  }
0x183: {  	[sflag:s6] =	ssyncadd.s32 $0xFFFFF800;
	s7 =	sadd.s32 s10, s9  }
0x184: {  	[tilespmem:s3], [sflag:$0x3] =	stream.linear.gather [hbm4b:s7+s3], $0x800, $0x38;
	[tilespmem:$0x17000] =	vst v63  }
0x185: {  	_ =	swait.ge [sflag:s11], $0x800  }
0x186: {  	s9 =	rddreg [dreg:$0x4];
	[sflag:s11] =	ssyncset.done $0x0  }
0x187: {  	[sflag:s11] =	ssyncadd.s32 $0xFFFFF800;
	s7 =	sadd.s32 s10, s9  }
0x188: {  	[tilespmem:s12], [sflag:$0x3] =	stream.linear.gather [hbm4b:s7+s3], $0x800, $0x38;
	[tilespmem:$0x17000] =	vst v63  }
0x189: {  	_ =	swait.ge [sflag:s11], $0x800  }
0x18a: {  	[sflag:s11] =	ssyncset.done $0x0  }
0x18b: {  	[sflag:s11] =	ssyncadd.s32 $0xFFFFF800  }
0x18c: {  	[tilespmem:s14], [sflag:$0x1] =	stream.indirect.gather [spmem:s2], $0x10, s3, s13, $0xb8;
	[tilespmem:$0x17000] =	vst v63  }
0x18d: {  	_ = 	snop  }
0x18e: {  	[tilespmem:s15], [sflag:$0x1] =	stream.indirect.gather [spmem:s2], $0x10, s13, s13, $0xb8;
	[tilespmem:$0x17000] =	vst v63  }
0x18f: {  	s10 =	rddreg [dreg:$0x6]  }
0x190: {  	[tilespmem:s16], [sflag:$0x1] =	stream.indirect.gather [spmem:s2], $0x10, s10, s13, $0xb8;
	[tilespmem:$0x17000] =	vst v63  }
0x191: {  	s8 =	rddreg [dreg:$0x7]  }
0x192: {  	[tilespmem:s17], [sflag:$0x1] =	stream.indirect.gather [spmem:s2], $0x10, s8, s13, $0xb8;
	[tilespmem:$0x17000] =	vst v63  }
0x193: {  	s9 =	rddreg [dreg:$0x8]  }
0x194: {  	[tilespmem:s18], [sflag:$0x1] =	stream.indirect.gather [spmem:s2], $0x10, s9, s13, $0xb8;
	[tilespmem:$0x17000] =	vst v63  }
0x195: {  	s10 =	rddreg [dreg:$0x9]  }
0x196: {  	[tilespmem:s19], [sflag:$0x1] =	stream.indirect.gather [spmem:s2], $0x10, s10, s13, $0xb8;
	[tilespmem:$0x17000] =	vst v63  }
0x197: {  	s9 =	rddreg [dreg:$0xa]  }
0x198: {  	[tilespmem:s20], [sflag:$0x1] =	stream.indirect.gather [spmem:s2], $0x10, s9, s13, $0xb8;
	[tilespmem:$0x17000] =	vst v63  }
0x199: {  	s10 =	rddreg [dreg:$0xb]  }
0x19a: {  	[tilespmem:s21], [sflag:$0x1] =	stream.indirect.gather [spmem:s2], $0x10, s10, s13, $0xb8;
	[tilespmem:$0x17000] =	vst v63  }
0x19b: {  	s9 =	rddreg [dreg:$0xc]  }
0x19c: {  	[tilespmem:s22], [sflag:$0x1] =	stream.indirect.gather [spmem:s2], $0x10, s9, s13, $0xb8;
	[tilespmem:$0x17000] =	vst v63  }
0x19d: {  	s10 =	rddreg [dreg:$0xd]  }
0x19e: {  	[tilespmem:s23], [sflag:$0x1] =	stream.indirect.gather [spmem:s2], $0x10, s10, s13, $0xb8;
	[tilespmem:$0x17000] =	vst v63  }
0x19f: {  	s9 =	rddreg [dreg:$0xe]  }
0x1a0: {  	[tilespmem:s24], [sflag:$0x1] =	stream.indirect.gather [spmem:s2], $0x10, s9, s13, $0xb8;
	[tilespmem:$0x17000] =	vst v63  }
0x1a1: {  	s10 =	rddreg [dreg:$0xf]  }
0x1a2: {  	[tilespmem:s25], [sflag:$0x1] =	stream.indirect.gather [spmem:s2], $0x10, s10, s13, $0xb8;
	[tilespmem:$0x17000] =	vst v63  }
0x1a3: {  	s9 =	rddreg [dreg:$0x10]  }
0x1a4: {  	[tilespmem:s26], [sflag:$0x1] =	stream.indirect.gather [spmem:s2], $0x10, s9, s13, $0xb8;
	[tilespmem:$0x17000] =	vst v63  }
0x1a5: {  	s10 =	rddreg [dreg:$0x11]  }
0x1a6: {  	[tilespmem:s28], [sflag:$0x1] =	stream.indirect.gather [spmem:s2], $0x10, s10, s13, $0xb8;
	[tilespmem:$0x17000] =	vst v63  }
0x1a7: {  	s9 =	rddreg [dreg:$0x12]  }
0x1a8: {  	[tilespmem:s29], [sflag:$0x1] =	stream.indirect.gather [spmem:s2], $0x10, s9, s13, $0xb8;
	[tilespmem:$0x17000] =	vst v63  }
0x1a9: {  	s10 =	rddreg [dreg:$0x13]  }
0x1aa: {  	[tilespmem:s30], [sflag:$0x1] =	stream.indirect.gather [spmem:s2], $0x10, s10, s13, $0xb8;
	[tilespmem:$0x17000] =	vst v63  }
0x1ab: {  	_ =	swait.ge [sflag:s31], $0x800  }
0x1ac: {  	[sflag:s31] =	ssyncset.done $0x0  }
0x1ad: {  	[sflag:s31] =	ssyncadd.s32 $0xFFFFF800  }
0x1ae: {  	_ =	swait.ge [sflag:s31], $0x800  }
0x1af: {  	[sflag:s31] =	ssyncset.done $0x0  }
0x1b0: {  	[sflag:s31] =	ssyncadd.s32 $0xFFFFF800  }
0x1b1: {  	_ =	swait.ge [sflag:s31], $0x800  }
0x1b2: {  	[sflag:s31] =	ssyncset.done $0x0  }
0x1b3: {  	[sflag:s31] =	ssyncadd.s32 $0xFFFFF800  }
0x1b4: {  	_ =	swait.ge [sflag:s31], $0x800  }
0x1b5: {  	[sflag:s31] =	ssyncset.done $0x0  }
0x1b6: {  	[sflag:s31] =	ssyncadd.s32 $0xFFFFF800  }
0x1b7: {  	_ =	swait.ge [sflag:s31], $0x800  }
0x1b8: {  	[sflag:s31] =	ssyncset.done $0x0  }
0x1b9: {  	[sflag:s31] =	ssyncadd.s32 $0xFFFFF800  }
0x1ba: {  	_ =	swait.ge [sflag:s31], $0x800  }
0x1bb: {  	[sflag:s31] =	ssyncset.done $0x0  }
0x1bc: {  	[sflag:s31] =	ssyncadd.s32 $0xFFFFF800  }
0x1bd: {  	_ =	swait.ge [sflag:s31], $0x800  }
0x1be: {  	[sflag:s31] =	ssyncset.done $0x0  }
0x1bf: {  	[sflag:s31] =	ssyncadd.s32 $0xFFFFF800  }
0x1c0: {  	_ =	swait.ge [sflag:s31], $0x800  }
0x1c1: {  	[sflag:s31] =	ssyncset.done $0x0  }
0x1c2: {  	[sflag:s31] =	ssyncadd.s32 $0xFFFFF800  }
0x1c3: {  	_ =	swait.ge [sflag:s31], $0x800  }
0x1c4: {  	[sflag:s31] =	ssyncset.done $0x0  }
0x1c5: {  	[sflag:s31] =	ssyncadd.s32 $0xFFFFF800  }
0x1c6: {  	_ =	swait.ge [sflag:s31], $0x800  }
0x1c7: {  	[sflag:s31] =	ssyncset.done $0x0  }
0x1c8: {  	[sflag:s31] =	ssyncadd.s32 $0xFFFFF800  }
0x1c9: {  	_ =	swait.ge [sflag:s31], $0x800  }
0x1ca: {  	[sflag:s31] =	ssyncset.done $0x0  }
0x1cb: {  	[sflag:s31] =	ssyncadd.s32 $0xFFFFF800  }
0x1cc: {  	_ =	swait.ge [sflag:s31], $0x800  }
0x1cd: {  	[sflag:s31] =	ssyncset.done $0x0  }
0x1ce: {  	[sflag:s31] =	ssyncadd.s32 $0xFFFFF800  }
0x1cf: {  	_ =	swait.ge [sflag:s31], $0x800  }
0x1d0: {  	[sflag:s31] =	ssyncset.done $0x0  }
0x1d1: {  	[sflag:s31] =	ssyncadd.s32 $0xFFFFF800  }
0x1d2: {  	_ =	swait.ge [sflag:s31], $0x800  }
0x1d3: {  	[sflag:s31] =	ssyncset.done $0x0  }
0x1d4: {  	[sflag:s31] =	ssyncadd.s32 $0xFFFFF800  }
0x1d5: {  	_ =	swait.ge [sflag:s31], $0x800  }
0x1d6: {  	[sflag:s31] =	ssyncset.done $0x0  }
0x1d7: {  	[sflag:s31] =	ssyncadd.s32 $0xFFFFF800  }
0x1d8: {  	_ =	swait.ge [sflag:s31], $0x800  }
0x1d9: {  	[sflag:s31] =	ssyncset.done $0x0  }
0x1da: {  	[sflag:s31] =	ssyncadd.s32 $0xFFFFF800  }
0x1db: {  	[spmem:s1] =	stream.indirect.scatter.add.f32 [tilespmem:s14], [sflag:$0x2], $0x10, s12, s13, $0xb8;
	[tilespmem:$0x17000] =	vst v63  }
0x1dc: {  	s9 =	rddreg [dreg:$0x14]  }
0x1dd: {  	[spmem:s1] =	stream.indirect.scatter.add.f32 [tilespmem:s15], [sflag:$0x2], $0x10, s9, s13, $0xb8;
	[tilespmem:$0x17000] =	vst v63  }
0x1de: {  	s10 =	rddreg [dreg:$0x15]  }
0x1df: {  	[spmem:s1] =	stream.indirect.scatter.add.f32 [tilespmem:s16], [sflag:$0x2], $0x10, s10, s13, $0xb8;
	[tilespmem:$0x17000] =	vst v63  }
0x1e0: {  	s9 =	rddreg [dreg:$0x16]  }
0x1e1: {  	[spmem:s1] =	stream.indirect.scatter.add.f32 [tilespmem:s17], [sflag:$0x2], $0x10, s9, s13, $0xb8;
	[tilespmem:$0x17000] =	vst v63  }
0x1e2: {  	s10 =	rddreg [dreg:$0x17]  }
0x1e3: {  	[spmem:s1] =	stream.indirect.scatter.add.f32 [tilespmem:s18], [sflag:$0x2], $0x10, s10, s13, $0xb8;
	[tilespmem:$0x17000] =	vst v63  }
0x1e4: {  	s9 =	rddreg [dreg:$0x18]  }
0x1e5: {  	[spmem:s1] =	stream.indirect.scatter.add.f32 [tilespmem:s19], [sflag:$0x2], $0x10, s9, s13, $0xb8;
	[tilespmem:$0x17000] =	vst v63  }
0x1e6: {  	s10 =	rddreg [dreg:$0x19]  }
0x1e7: {  	[spmem:s1] =	stream.indirect.scatter.add.f32 [tilespmem:s20], [sflag:$0x2], $0x10, s10, s13, $0xb8;
	[tilespmem:$0x17000] =	vst v63  }
0x1e8: {  	s9 =	rddreg [dreg:$0x1a]  }
0x1e9: {  	[spmem:s1] =	stream.indirect.scatter.add.f32 [tilespmem:s21], [sflag:$0x2], $0x10, s9, s13, $0xb8;
	[tilespmem:$0x17000] =	vst v63  }
0x1ea: {  	s10 =	rddreg [dreg:$0x1b]  }
0x1eb: {  	[spmem:s1] =	stream.indirect.scatter.add.f32 [tilespmem:s22], [sflag:$0x2], $0x10, s10, s13, $0xb8;
	[tilespmem:$0x17000] =	vst v63  }
0x1ec: {  	s9 =	rddreg [dreg:$0x1c]  }
0x1ed: {  	[spmem:s1] =	stream.indirect.scatter.add.f32 [tilespmem:s23], [sflag:$0x2], $0x10, s9, s13, $0xb8;
	[tilespmem:$0x17000] =	vst v63  }
0x1ee: {  	s10 =	rddreg [dreg:$0x1d]  }
0x1ef: {  	[spmem:s1] =	stream.indirect.scatter.add.f32 [tilespmem:s24], [sflag:$0x2], $0x10, s10, s13, $0xb8;
	[tilespmem:$0x17000] =	vst v63  }
0x1f0: {  	s9 =	rddreg [dreg:$0x1e]  }
0x1f1: {  	[spmem:s1] =	stream.indirect.scatter.add.f32 [tilespmem:s25], [sflag:$0x2], $0x10, s9, s13, $0xb8;
	[tilespmem:$0x17000] =	vst v63  }
0x1f2: {  	s10 =	rddreg [dreg:$0x1f]  }
0x1f3: {  	[spmem:s1] =	stream.indirect.scatter.add.f32 [tilespmem:s26], [sflag:$0x2], $0x10, s10, s13, $0xb8;
	[tilespmem:$0x17000] =	vst v63  }
0x1f4: {  	_ = 	snop  }
0x1f5: {  	[spmem:s1] =	stream.indirect.scatter.add.f32 [tilespmem:s28], [sflag:$0x2], $0x10, s0, s13, $0xb8;
	[tilespmem:$0x17000] =	vst v63  }
0x1f6: {  	_ = 	snop  }
0x1f7: {  	[spmem:s1] =	stream.indirect.scatter.add.f32 [tilespmem:s29], [sflag:$0x2], $0x10, s4, s13, $0xb8;
	[tilespmem:$0x17000] =	vst v63  }
0x1f8: {  	_ = 	snop  }
0x1f9: {  	[spmem:s1] =	stream.indirect.scatter.add.f32 [tilespmem:s30], [sflag:$0x2], $0x10, s5, s13, $0xb8;
	[tilespmem:$0x17000] =	vst v63  }
0x1fa: {  	_ =	swait.ge [sflag:s6], $0x800  }
0x1fb: {  	[sflag:s6] =	ssyncset.done $0x0  }
0x1fc: {  	[sflag:s6] =	ssyncadd.s32 $0xFFFFF800  }
0x1fd: {  	_ =	swait.ge [sflag:s6], $0x800  }
0x1fe: {  	[sflag:s6] =	ssyncset.done $0x0  }
0x1ff: {  	[sflag:s6] =	ssyncadd.s32 $0xFFFFF800  }
0x200: {  	_ =	swait.ge [sflag:s6], $0x800  }
0x201: {  	[sflag:s6] =	ssyncset.done $0x0  }
0x202: {  	[sflag:s6] =	ssyncadd.s32 $0xFFFFF800  }
0x203: {  	_ =	swait.ge [sflag:s6], $0x800  }
0x204: {  	[sflag:s6] =	ssyncset.done $0x0  }
0x205: {  	[sflag:s6] =	ssyncadd.s32 $0xFFFFF800  }
0x206: {  	_ =	swait.ge [sflag:s6], $0x800  }
0x207: {  	[sflag:s6] =	ssyncset.done $0x0  }
0x208: {  	[sflag:s6] =	ssyncadd.s32 $0xFFFFF800  }
0x209: {  	_ =	swait.ge [sflag:s6], $0x800  }
0x20a: {  	[sflag:s6] =	ssyncset.done $0x0  }
0x20b: {  	[sflag:s6] =	ssyncadd.s32 $0xFFFFF800  }
0x20c: {  	_ =	swait.ge [sflag:s6], $0x800  }
0x20d: {  	[sflag:s6] =	ssyncset.done $0x0  }
0x20e: {  	[sflag:s6] =	ssyncadd.s32 $0xFFFFF800  }
0x20f: {  	_ =	swait.ge [sflag:s6], $0x800  }
0x210: {  	[sflag:s6] =	ssyncset.done $0x0  }
0x211: {  	[sflag:s6] =	ssyncadd.s32 $0xFFFFF800  }
0x212: {  	_ =	swait.ge [sflag:s6], $0x800  }
0x213: {  	[sflag:s6] =	ssyncset.done $0x0  }
0x214: {  	[sflag:s6] =	ssyncadd.s32 $0xFFFFF800  }
0x215: {  	_ =	swait.ge [sflag:s6], $0x800  }
0x216: {  	[sflag:s6] =	ssyncset.done $0x0  }
0x217: {  	[sflag:s6] =	ssyncadd.s32 $0xFFFFF800  }
0x218: {  	_ =	swait.ge [sflag:s6], $0x800  }
0x219: {  	[sflag:s6] =	ssyncset.done $0x0  }
0x21a: {  	[sflag:s6] =	ssyncadd.s32 $0xFFFFF800  }
0x21b: {  	_ =	swait.ge [sflag:s6], $0x800  }
0x21c: {  	[sflag:s6] =	ssyncset.done $0x0  }
0x21d: {  	[sflag:s6] =	ssyncadd.s32 $0xFFFFF800  }
0x21e: {  	_ =	swait.ge [sflag:s6], $0x800  }
0x21f: {  	[sflag:s6] =	ssyncset.done $0x0  }
0x220: {  	[sflag:s6] =	ssyncadd.s32 $0xFFFFF800  }
0x221: {  	_ =	swait.ge [sflag:s6], $0x800  }
0x222: {  	[sflag:s6] =	ssyncset.done $0x0  }
0x223: {  	[sflag:s6] =	ssyncadd.s32 $0xFFFFF800  }
0x224: {  	_ =	swait.ge [sflag:s6], $0x800  }
0x225: {  	[sflag:s6] =	ssyncset.done $0x0  }
0x226: {  	[sflag:s6] =	ssyncadd.s32 $0xFFFFF800  }
0x227: {  	_ =	swait.ge [sflag:s6], $0x800  }
0x228: {  	[sflag:s6] =	ssyncset.done $0x0  }
0x229: {  	[sflag:s6] =	ssyncadd.s32 $0xFFFFF800  }
0x22a: {  	[bflag:$0x0] =	sbarrier.arrive $0xFFFF  }
0x22b: {  	s7 =	sld [smem:$0x7F8]  }
0x22c: {  	s8 =	sld [smem:$0x7FC]  }
0x22d: {  	s10 =	sld [smem:$0x7FD];
	_ =	sdelay $0x2  }
0x22e: {  	[hbm:s7], [sflag:s10] =	dma.local @!p0 [spmem:s8], $0x5000  }
0x22f: {  	s7 =	smov.u32 s8;
	s8 =	simm.s32 @!p0 $0x3  }
0x230: {  	_ =	swait.ge @!p0 [sflag:s8], $0x5000  }
0x231: {  	s9 =	sld [smem:$0x7FB]  }
0x232: {  	[sflag:s8] =	ssyncset.done @!p0 $0x0;
	s8 =	sld [smem:$0x7F9];
	_ =	sdelay $0x1  }
0x233: {  	s9 =	sadd.s32 $0x1, s9  }
0x234: {  	p1 =	sne.s32 s9, s8  }
.Ltmp1:
0x235: {  	_ = 	snop;
	(pc) =	sbr.rel @p1 .LBB2_1-.Ltmp1, $3  }
0x236: {  	_ =	sdelay $0x1  }
0x237: {  	[smem:$0x7FB] =	sst s9;
	s9 =	smov.u32 s7;
	s7 =	simm.s32 @!p0 $0x3  }
0x238: {  	[sflag:s7] =	ssyncadd.s32 @!p0 $0xFFFFB000  }
0x239: {  	_ =	sfence.sel $0x180000  }
0x23a: {  	[bflag:$0x0] =	sbarrier.arrive $0xFFFF  }
0x23b: {  	_ =	strace $0x9000004A  }
0x23c: {  	[bflag:$0x2] =	sbarrier.arrive $0xFFFF  }
0x23d: {  	s0 =	rddreg [dreg:$0x3]  }
0x23e: {  	s0 =	sadd.s32 @!p0 $0x100000, s0  }
0x23f: {  	[sflag:s0] =	ssyncadd.tile.s32 @!p0 $0x1;
	_ =	shalt  }
.Lfunc_end2:
_tile_overlayer_lowered:
.L_overlay_start_2:
0x240: {  	(tag) =	ssettag $0x2  }
0x241: {  	s0 =	rddreg [dreg:$0x0];
	s2 =	stileid.u32  }
0x242: {  	s1 =	rddreg [dreg:$0x1];
	p0 =	sne.s32 s2, $0x0  }
0x243: {  	s3 =	rddreg [dreg:$0x2];
	[bflag:$0x3] =	sbarrier.arrive $0xFFFF;
	s2 =	simm.s32 @!p0 $0x1C03  }
0x244: {  	[timem:s3], [sflag:s2] =	dma.local @!p0 [hbm:s0], s1  }
0x245: {  	s0 =	simm.s32 @!p0 $0x3  }
0x246: {  	_ =	swait.ge @!p0 [sflag:s0], s1  }
0x247: {  	s1 =	ssub.s32 @!p0 $0x0, s1;
	[sflag:s0] =	ssyncset.done @!p0 $0x0  }
0x248: {  	[sflag:s0] =	ssyncadd.s32 @!p0 s1  }
0x249: {  	[bflag:$0x3] =	sbarrier.arrive $0xFFFF  }
0x24a: {  	_ =	shalt  }

// kernel: kernel.14.cloned.1.call-start
scs
__scs_entry_jumppad:
0x0: {  	(pc) =	sbr.rel $0x88, $3  }
0x1: {  	(tag) =	ssettag $0x0;
	lr =	simm.s32 $0x1  }
0x2: {  	[smem:$0x3F99] =	sst lr;
	_ =	strace $0xD0000000  }
0x3: {  	_ = 	snop  }
0x4: {  	_ = 	snop  }
0x5: {  	_ = 	snop  }
0x6: {  	_ = 	snop  }
0x7: {  	_ = 	snop  }
__scs_overlays_trampoline_lowered:
0x8: {  	[smem:$0x3FA8] =	sst s0  }
0x9: {  	[smem:$0x3FA9] =	sst s1  }
0xa: {  	[smem:$0x3FAA] =	sst s2  }
0xb: {  	[smem:$0x3FAB] =	sst s3  }
0xc: {  	[smem:$0x3FAC] =	sst s4  }
0xd: {  	[smem:$0x3FAD] =	sst s5  }
0xe: {  	[smem:$0x3FAE] =	sst s6  }
0xf: {  	[smem:$0x3FAF] =	sst s7  }
0x10: {  	[smem:$0x3FB0] =	sst s8  }
0x11: {  	[smem:$0x3FB1] =	sst s9;
	s0 =	simm.s32 @!p0 $0x0  }
0x12: {  	s1 =	sld [smem:$0x3F97];
	s0 =	simm.s32 @p0 $0x1  }
0x13: {  	[smem:$0x3FB2] =	sst s0;
	s0 =	simm.s32 @!p1 $0x0  }
0x14: {  	s2 =	sld [smem:$0x3F96];
	s0 =	simm.s32 @p1 $0x1  }
0x15: {  	[smem:$0x3FB3] =	sst s0;
	s0 =	simm.s32 @!p2 $0x0  }
0x16: {  	s3 =	sld [smem:$0x3FDB];
	s0 =	simm.s32 @p2 $0x1  }
0x17: {  	s4 =	simm.s32 $0x1BF5;
	[smem:$0x3FB5] =	sst s0  }
0x18: {  	s0 =	sld [smem:$0x3F98];
	_ =	swait.ge [sflag:s4], $0x0  }
0x19: {  	s7 =	sld [smem:$0x3F99]  }
0x1a: {  	s8 =	sadd.s32 $0xFFFFE003, lr  }
0x1b: {  	s9 =	sadd.s32 $0xFFFFFEF7, lr;
	s5 =	simm.s32 $0xFFFFFFFF;
	p2 =	slt.u32 s8, $0xFFFFF086  }
0x1c: {  	p1 =	slt.u32 s9, $0xF7A;
	s5 =	simm.s32 @!p2 $0x0  }
0x1d: {  	s5 =	simm.s32 @p1 $0x1;
	p0 =	seq.s32 s7, s2  }
0x1e: {  	s7 =	smul.u32 @!p0 $0xF7A, s2;
	p2 =	seq.s32 @!p0 s5, $0x0  }
0x1f: {  	s9 =	smul.u32 $0xF7A, s1;
	s8 =	simm.s32 @!p0 $0x1BF5;
	p2 =	por !p2, p0  }
0x20: {  	[sflag:s8] =	ssyncset.s32 @!p0 $0xFFFFF086;
	s6 =	sadd.s32 @!p0 s3, s7;
	s7 =	simm.s32 @!p0 $0x108  }
0x21: {  	s3 =	sadd.s32 s3, s9;
	s6 =	sadd.s32 @!p0 $0x88, s6;
	s7 =	simm.s32 @p2 $0x1082  }
0x22: {  	[simem:s7], [sflag:s8] =	dma.local @!p0 [hbm:s6], $0xF7A  }
0x23: {  	s9 =	sor.u32 $0xD0000000, s2;
	s6 =	simm.s32 $0x108;
	_ =	swait.ge @!p0 [sflag:s8], $0x0  }
0x24: {  	s3 =	sadd.s32 $0x88, s3;
	s6 =	simm.s32 @!p1 $0x1082;
	[sflag:s4] =	ssyncset.s32 $0xFFFFF086  }
0x25: {  	[simem:s6], [sflag:s4] =	dma.local [hbm:s3], $0xF7A  }
0x26: {  	[smem:$0x3F99] =	sst s1;
	(tag) =	ssettag s2;
	_ =	strace s9  }
0x27: {  	s1 =	sld [smem:$0x3FA9]  }
0x28: {  	s2 =	sld [smem:$0x3FAA]  }
0x29: {  	s4 =	sld [smem:$0x3FAC]  }
0x2a: {  	p0 =	seq.s32 s5, $0x0;
	s5 =	sld [smem:$0x3FAD]  }
0x2b: {  	s6 =	sld [smem:$0x3FAE]  }
0x2c: {  	s7 =	sld [smem:$0x3FAF]  }
0x2d: {  	s3 =	simm.s32 $0x108;
	s8 =	sld [smem:$0x3FB0]  }
0x2e: {  	s3 =	simm.s32 @!p0 $0x1082;
	s9 =	sld [smem:$0x3FB1]  }
0x2f: {  	lr =	sadd.s32 s0, s3;
	s0 =	sld [smem:$0x3FA8]  }
0x30: {  	s3 =	sld [smem:$0x3FAB]  }
0x31: {  	[smem:$0x3FB4] =	sst s10  }
0x32: {  	s10 =	sld [smem:$0x3FB2];
	_ =	sdelay $0x3  }
0x33: {  	p0 =	seq.s32 s10, $0x1;
	s10 =	sld [smem:$0x3FB4];
	_ =	sdelay $0x3  }
0x34: {  	[smem:$0x3FB4] =	sst s10  }
0x35: {  	s10 =	sld [smem:$0x3FB3];
	_ =	sdelay $0x3  }
0x36: {  	p1 =	seq.s32 s10, $0x1;
	s10 =	sld [smem:$0x3FB4];
	_ =	sdelay $0x3  }
0x37: {  	[smem:$0x3FB4] =	sst s10  }
0x38: {  	s10 =	sld [smem:$0x3FB5]  }
0x39: {  	_ = 	snop;
	(pc) =	sbr.ind lr, $3  }
0x3a: {  	_ = 	snop  }
0x3b: {  	_ = 	snop  }
0x3c: {  	p2 =	seq.s32 s10, $0x1;
	s10 =	sld [smem:$0x3FB4]  }
0x3d: {  	_ =	shalt  }
0x3e: {  	_ =	shalt  }
0x3f: {  	_ =	shalt  }
0x40: {  	_ =	shalt  }
0x41: {  	_ =	shalt  }
0x42: {  	_ =	shalt  }
0x43: {  	_ =	shalt  }
0x44: {  	_ =	shalt  }
0x45: {  	_ =	shalt  }
0x46: {  	_ =	shalt  }
0x47: {  	_ =	shalt  }
0x48: {  	_ =	shalt  }
0x49: {  	_ =	shalt  }
0x4a: {  	_ =	shalt  }
0x4b: {  	_ =	shalt  }
0x4c: {  	_ =	shalt  }
0x4d: {  	_ =	shalt  }
0x4e: {  	_ =	shalt  }
0x4f: {  	_ =	shalt  }
0x50: {  	_ =	shalt  }
0x51: {  	_ =	shalt  }
0x52: {  	_ =	shalt  }
0x53: {  	_ =	shalt  }
0x54: {  	_ =	shalt  }
0x55: {  	_ =	shalt  }
0x56: {  	_ =	shalt  }
0x57: {  	_ =	shalt  }
0x58: {  	_ =	shalt  }
0x59: {  	_ =	shalt  }
0x5a: {  	_ =	shalt  }
0x5b: {  	_ =	shalt  }
0x5c: {  	_ =	shalt  }
0x5d: {  	_ =	shalt  }
0x5e: {  	_ =	shalt  }
0x5f: {  	_ =	shalt  }
0x60: {  	_ =	shalt  }
0x61: {  	_ =	shalt  }
0x62: {  	_ =	shalt  }
0x63: {  	_ =	shalt  }
0x64: {  	_ =	shalt  }
0x65: {  	_ =	shalt  }
0x66: {  	_ =	shalt  }
0x67: {  	_ =	shalt  }
0x68: {  	_ =	shalt  }
0x69: {  	_ =	shalt  }
0x6a: {  	_ =	shalt  }
0x6b: {  	_ =	shalt  }
0x6c: {  	_ =	shalt  }
0x6d: {  	_ =	shalt  }
0x6e: {  	_ =	shalt  }
0x6f: {  	_ =	shalt  }
0x70: {  	_ =	shalt  }
0x71: {  	_ =	shalt  }
0x72: {  	_ =	shalt  }
0x73: {  	_ =	shalt  }
0x74: {  	_ =	shalt  }
0x75: {  	_ =	shalt  }
0x76: {  	_ =	shalt  }
0x77: {  	_ =	shalt  }
0x78: {  	_ =	shalt  }
0x79: {  	_ =	shalt  }
0x7a: {  	_ =	shalt  }
0x7b: {  	_ =	shalt  }
0x7c: {  	_ =	shalt  }
0x7d: {  	_ =	shalt  }
0x7e: {  	_ =	shalt  }
0x7f: {  	_ =	shalt  }
0x80: {  	_ =	shalt  }
0x81: {  	_ =	shalt  }
0x82: {  	_ =	shalt  }
0x83: {  	_ =	shalt  }
0x84: {  	_ =	shalt  }
0x85: {  	_ =	shalt  }
0x86: {  	_ =	shalt  }
0x87: {  	_ =	shalt  }
.Lfunc_end0:
.L_simem_size_0:
called_computation.2_lowered:
.L_overlay_start_0:
0x88: {  	s2 =	sld [smem:$0x3FD9]  }
0x89: {  	s3 =	sld [smem:$0x3FFE];
	_ =	sdelay $0x1  }
0x8a: {  	s1 =	srdreg.scid  }
0x8b: {  	s0 =	sand.u32 $0x1, s1  }
0x8c: {  	s16 =	sshll.u32 s0, $0xA;
	s2 =	sadd.s32 s3, s2  }
0x8d: {  	s2 =	sadd.s32 s2, s16  }
0x8e: {  	[smem:$0x3FC0] =	sst s2  }
0x8f: {  	_ = 	snop  }
0x90: {  	(tm) =	ssettm $0x1  }
0x91: {  	s17 =	sld [smem:$0x3FFB];
	_ =	sdelay $0x3  }
0x92: {  	_ =	strace s17  }
0x93: {  	s2 =	sld [smem:$0x3FFC];
	_ =	sdelay $0x3  }
0x94: {  	_ =	strace s2  }
0x95: {  	s2 =	sld [smem:$0x3FFD];
	_ =	sdelay $0x3  }
0x96: {  	_ =	strace s2  }
0x97: {  	_ =	strace $0x8FFFFFFF  }
0x98: {  	s18 =	sld [smem:$0x3FDB];
	_ =	sdelay $0x1  }
0x99: {  	s19 =	simm.s32 $_scs_section_size  }
0x9a: {  	s4 =	simm.s32 $_size__tile_overlayer_lowered;
	s5 =	simm.s32 $_tile_overlayer_lowered  }
0x9b: {  	s22 =	simm.s32 $0x1BFF;
	s21 =	sshll.u32 s5, $0x1;
	s2 =	sadd.s32 s19, s18  }
0x9c: {  	s6 =	simm.s32 $0x0;
	s20 =	sshll.u32 s4, $0x1;
	s4 =	sadd.s32 s21, s2  }
0x9d: {  	[timem:s6], [sflag:s22] =	dma.local [hbm:s4], s20  }
0x9e: {  	_ =	swait.ge [sflag:s22], s20  }
0x9f: {  	s3 =	ssub.s32 $0x0, s20;
	[sflag:s22] =	ssyncset.done $0x0  }
0xa0: {  	[sflag:s22] =	ssyncadd.s32 s3;
	_ =	sdelay $0x1  }
0xa1: {  	s23 =	simm.s32 $0x1B8B  }
0xa2: {  	_ =	swait.ge [sflag:s23], $0x1  }
0xa3: {  	[sflag:s23] =	ssyncset.done $0x0  }
0xa4: {  	s25 =	simm.s32 $0x1B8E;
	s24 =	sld [smem:$0x3FFE];
	[sflag:s23] =	ssyncadd.s32 $0xFFFFFFFF  }
0xa5: {  	s26 =	simm.s32 $execute0_lowered;
	[smem:$0x3FD2] =	sst s25  }
0xa6: {  	s4 =	sshll.u32 s26, $0x1;
	_ =	strace $0x8000004C;
	[dreg:$0x1] =	wrdreg $0xFFFFFFFF  }
0xa7: {  	s28 =	simm.s32 $_size_execute0_lowered;
	s2 =	sadd.s32 s2, s4;
	[dreg:$0x0] =	wrdreg $0x0  }
0xa8: {  	s4 =	sshll.u32 s28, $0x1;
	[dreg:$0x2] =	wrdreg s2  }
0xa9: {  	[dreg:$0x3] =	wrdreg s4  }
0xaa: {  	[dreg:$0x4] =	wrdreg $0xC0  }
0xab: {  	_ =	task [dreg:s6], $0x5FFFF  }
0xac: {  	[dreg:$0x1] =	wrdreg $0xFFFFFFFF  }
0xad: {  	[dreg:$0x0] =	wrdreg $0x60  }
0xae: {  	[dreg:$0x2] =	wrdreg s24  }
0xaf: {  	[dreg:$0x3] =	wrdreg $0xB4000  }
0xb0: {  	[dreg:$0x4] =	wrdreg $0xA0000  }
0xb1: {  	[dreg:$0x5] =	wrdreg $0x9  }
0xb2: {  	_ =	task.clear_ibuf [dreg:s6], $0x6FFFF;
	_ =	strace $0x9000004C  }
0xb3: {  	s29 =	simm.s32 $0x9;
	_ =	strace $0x8000004E  }
0xb4: {  	_ =	swait.ge [sflag:s29], $0x1  }
0xb5: {  	[sflag:s29] =	ssyncadd.s32 $0xFFFFFFFF  }
0xb6: {  	_ =	strace $0x9000004E  }
0xb7: {  	_ =	sfence  }
0xb8: {  	s30 =	sld [smem:$0x0];
	_ =	sdelay $0x2  }
0xb9: {  	s31 =	sshll.u32 s1, $0xD;
	s1 =	sshrl.u32 s1, $0x2  }
0xba: {  	s3 =	sand.u32 $0x4000, s31;
	s1 =	sadd.s32 s1, s30  }
0xbb: {  	s0 =	sor.u32 s3, s0;
	s1 =	sshll.u32 s1, $0x11  }
0xbc: {  	s0 =	sor.u32 s1, s0  }
0xbd: {  	s0 =	sadd.s32 $0x8F2B, s0  }
0xbe: {  	[sflag:s0] =	ssyncadd.remote.s32 $0x1  }
0xbf: {  	_ =	sfence.sel $0xFFFF  }
0xc0: {  	[dreg:$0x0] =	wrdreg $0xFFFFFFFF;
	(pc) =	sbr.abs _section_cstart, $3  }
0xc1: {  	[dreg:$0x1] =	wrdreg $0xFFFFFFFF  }
0xc2: {  	_ =	task.clear_ibuf [dreg:s6], $0x2FFFF;
	_ =	strace $0x9FFFFFFF  }
0xc3: {  	(tm) =	ssettm $0x7FFFFFFF  }
tec
execute0_lowered:
.L_overlay_start_1:
0x0: {  	(tag) =	ssettag $0x1  }
0x1: {  	s1 =	rddreg [dreg:$0x0]  }
0x2: {  	s2 =	srdreg.scid;
	s0 =	rddreg [dreg:$0x1]  }
0x3: {  	s5 =	stileid.u32;
	s3 =	simm.s32 $0x0;
	s19 =	simm.s32 $0x100  }
0x4: {  	s21 =	simm.s32 $0x180;
	s4 =	sand.u32 $0x1, s2;
	s2 =	rddreg [dreg:$0x2]  }
0x5: {  	s22 =	simm.s32 $0x200;
	[smem:$0x7FF] =	sst s3;
	s10 =	sadd.s32 $0x18200, s1  }
0x6: {  	s24 =	simm.s32 $0x280;
	_ =	strace $0x8000004D;
	[smem:$0x7F6] =	sst s10  }
0x7: {  	s26 =	simm.s32 $0x300;
	s11 =	simm.s32 $0x500;
	[dreg:$0x6] =	wrdreg s19  }
0x8: {  	s13 =	simm.s32 $0x580;
	s14 =	simm.s32 $0x600;
	[dreg:$0x7] =	wrdreg s21  }
0x9: {  	s16 =	simm.s32 $0x680;
	s28 =	simm.s32 $0x5400;
	[dreg:$0x8] =	wrdreg s22  }
0xa: {  	s29 =	simm.s32 $0x5800;
	s30 =	simm.s32 $0x5C00;
	[dreg:$0x9] =	wrdreg s24  }
0xb: {  	s31 =	simm.s32 $0x1;
	s7 =	smul.u32 $0x5000, s5;
	[dreg:$0xa] =	wrdreg s26  }
0xc: {  	s8 =	smul.u32 $0x1400, s5;
	p0 =	sne.s32 s5, $0x0;
	[dreg:$0xe] =	wrdreg s11  }
0xd: {  	s12 =	sshll.u32 s5, $0x6;
	s5 =	simm.s32 $0x1500;
	[dreg:$0xf] =	wrdreg s13  }
0xe: {  	s6 =	smul.u32 $0x2800, s4;
	s4 =	ssub.s32 $0x2, s4;
	[dreg:$0x10] =	wrdreg s14  }
0xf: {  	s10 =	simm.s32 $0x480;
	s11 =	simm.s32 $0x3;
	[dreg:$0x11] =	wrdreg s16  }
0x10: {  	s13 =	simm.s32 $0x80;
	s19 =	simm.s32 $0x1080;
	[dreg:$0x1d] =	wrdreg s5  }
0x11: {  	s14 =	simm.s32 $0x2000;
	s21 =	simm.s32 $0x1180;
	[dreg:$0xd] =	wrdreg s10  }
0x12: {  	s16 =	simm.s32 $0x2800;
	s22 =	simm.s32 $0x1200;
	[dreg:$0x14] =	wrdreg s19  }
0x13: {  	s24 =	simm.s32 $0x1300;
	s26 =	simm.s32 $0x1400;
	[dreg:$0x16] =	wrdreg s21  }
0x14: {  	s5 =	simm.s32 $0x1780;
	s9 =	sshrl.u32 s8, $0x3;
	[dreg:$0x17] =	wrdreg s22  }
0x15: {  	s20 =	sshrl.u32 s4, $0x1;
	s23 =	sadd.s32 s8, s2;
	[dreg:$0x19] =	wrdreg s24  }
0x16: {  	s8 =	simm.s32 $0x380;
	s10 =	sor.u32 $0x1C03, s12;
	[dreg:$0x1b] =	wrdreg s26  }
0x17: {  	s12 =	simm.s32 $0x1000;
	s19 =	simm.s32 $0x3400;
	[dreg:$0xb] =	wrdreg s8  }
0x18: {  	s21 =	simm.s32 $0x3C00;
	s15 =	sshrl.u32 s23, $0x3;
	[smem:$0x7FD] =	sst s10  }
0x19: {  	s4 =	ssub.s32 s4, s20;
	s20 =	simm.s32 $0x1100;
	[smem:$0x7FA] =	sst s15  }
0x1a: {  	s22 =	simm.s32 $0x4000;
	s23 =	simm.s32 $0x1280;
	[dreg:$0x15] =	wrdreg s20  }
0x1b: {  	s9 =	sadd.s32 s9, s1;
	s8 =	simm.s32 $0x0;
	[dreg:$0x18] =	wrdreg s23  }
0x1c: {  	s24 =	simm.s32 $0x4800;
	s25 =	sadd.s32 $0x15A00, s9;
	[smem:$0x7FB] =	sst s8  }
0x1d: {  	s26 =	simm.s32 $0x5000;
	s4 =	smax.u32 s4, $0x1;
	[smem:$0x7F7] =	sst s25  }
0x1e: {  	s7 =	sadd.s32 s6, s7;
	s9 =	simm.s32 $0x400;
	[smem:$0x7F9] =	sst s4  }
0x1f: {  	s7 =	sshrl.u32 s7, $0x3;
	[dreg:$0xc] =	wrdreg s9;
	s25 =	simm.s32 $0x1380  }
0x20: {  	s7 =	sadd.s32 s7, s1;
	s4 =	simm.s32 $0x1480;
	[dreg:$0x1a] =	wrdreg s25  }
0x21: {  	s1 =	sadd.s32 s6, s1;
	s6 =	simm.s32 $0x1580;
	[dreg:$0x1c] =	wrdreg s4  }
0x22: {  	s15 =	simm.s32 $0x2400;
	s9 =	sshrl.u32 @!p0 s0, $0x3;
	[dreg:$0x1e] =	wrdreg s6  }
0x23: {  	s20 =	simm.s32 $0x3800;
	s17 =	sadd.s32 $0x1A00, s7;
	[smem:$0x7FC] =	sst s9  }
0x24: {  	s23 =	simm.s32 $0x4400;
	s18 =	sadd.s32 $0xBA00, s7;
	[dreg:$0x4] =	wrdreg s17  }
0x25: {  	s1 =	sadd.s32 $0x1AA00, s1;
	s7 =	simm.s32 $0x1600;
	[dreg:$0x5] =	wrdreg s18  }
0x26: {  	s25 =	simm.s32 $0x4C00;
	s4 =	simm.s32 $0x1700;
	[smem:$0x7F8] =	sst s1  }
0x27: {  	s6 =	simm.s32 $0x2;
	s17 =	simm.s32 $0x700;
	[dreg:$0x1f] =	wrdreg s7  }
0x28: {  	s18 =	simm.s32 $0x780;
	s1 =	simm.s32 $0x1680;
	[dreg:$0x12] =	wrdreg s17  }
0x29: {  	[dreg:$0x13] =	wrdreg s18;
	s17 =	simm.s32 $0x2C00;
	s18 =	simm.s32 $0x3000  }
.LBB2_1:
0x2a: {  	s7 =	sld [smem:$0x7F6];
	_ =	sdelay $0x1  }
0x2b: {  	s8 =	simm.s32 @!p0 $0x1C03  }
0x2c: {  	[spmem:s9], [sflag:s8] =	dma.local @!p0 [hbm:s7], $0x2800  }
0x2d: {  	s8 =	simm.s32 @!p0 $0x3  }
0x2e: {  	_ =	swait.ge @!p0 [sflag:s8], $0x2800  }
0x2f: {  	[sflag:s8] =	ssyncset.done @!p0 $0x0;
	s9 =	sld [smem:$0x7FA]  }
0x30: {  	[sflag:s8] =	ssyncadd.s32 @!p0 $0xFFFFD800;
	s8 =	sld [smem:$0x7F7];
	_ =	sdelay $0x2  }
0x31: {  	[spmem:s9], [sflag:s10] =	dma.local [hbm:s8], $0x280  }
0x32: {  	_ =	swait.ge [sflag:s11], $0x280  }
0x33: {  	[sflag:s11] =	ssyncset.done $0x0  }
0x34: {  	[sflag:s11] =	ssyncadd.s32 $0xFFFFFD80  }
0x35: {  	[bflag:$0x0] =	sbarrier.arrive $0xFFFF  }
0x36: {  	s7 =	rddreg [dreg:$0x5]  }
0x37: {  	s8 =	sadd.s32 $0x0, s7  }
0x38: {  	[tilespmem:s3], [sflag:$0x3] =	stream.linear.gather [hbm4b:s8+s3], $0x800, $0x38;
	[tilespmem:$0xC800] =	vst v63  }
0x39: {  	_ =	swait.ge [sflag:s11], $0x800  }
0x3a: {  	s9 =	rddreg [dreg:$0x4];
	[sflag:s11] =	ssyncset.done $0x0  }
0x3b: {  	[sflag:s11] =	ssyncadd.s32 $0xFFFFF800;
	s8 =	sadd.s32 $0x0, s9  }
0x3c: {  	[tilespmem:s12], [sflag:$0x3] =	stream.linear.gather [hbm4b:s8+s3], $0x800, $0x38;
	[tilespmem:$0xC800] =	vst v63  }
0x3d: {  	_ =	swait.ge [sflag:s11], $0x800  }
0x3e: {  	[sflag:s11] =	ssyncset.done $0x0  }
0x3f: {  	[sflag:s11] =	ssyncadd.s32 $0xFFFFF800  }
0x40: {  	[tilespmem:s14], [sflag:$0x1] =	stream.indirect.gather [spmem:s2], $0x8, s3, s13, $0xb8;
	[tilespmem:$0xC800] =	vst v63  }
0x41: {  	_ = 	snop  }
0x42: {  	[tilespmem:s15], [sflag:$0x1] =	stream.indirect.gather [spmem:s2], $0x8, s13, s13, $0xb8;
	[tilespmem:$0xC800] =	vst v63  }
0x43: {  	s10 =	rddreg [dreg:$0x6]  }
0x44: {  	[tilespmem:s16], [sflag:$0x1] =	stream.indirect.gather [spmem:s2], $0x8, s10, s13, $0xb8;
	[tilespmem:$0xC800] =	vst v63  }
0x45: {  	s7 =	rddreg [dreg:$0x7]  }
0x46: {  	[tilespmem:s17], [sflag:$0x1] =	stream.indirect.gather [spmem:s2], $0x8, s7, s13, $0xb8;
	[tilespmem:$0xC800] =	vst v63  }
0x47: {  	s10 =	rddreg [dreg:$0x8]  }
0x48: {  	[tilespmem:s18], [sflag:$0x1] =	stream.indirect.gather [spmem:s2], $0x8, s10, s13, $0xb8;
	[tilespmem:$0xC800] =	vst v63  }
0x49: {  	s7 =	rddreg [dreg:$0x9]  }
0x4a: {  	[tilespmem:s19], [sflag:$0x1] =	stream.indirect.gather [spmem:s2], $0x8, s7, s13, $0xb8;
	[tilespmem:$0xC800] =	vst v63  }
0x4b: {  	s10 =	rddreg [dreg:$0xa]  }
0x4c: {  	[tilespmem:s20], [sflag:$0x1] =	stream.indirect.gather [spmem:s2], $0x8, s10, s13, $0xb8;
	[tilespmem:$0xC800] =	vst v63  }
0x4d: {  	s7 =	rddreg [dreg:$0xb]  }
0x4e: {  	[tilespmem:s21], [sflag:$0x1] =	stream.indirect.gather [spmem:s2], $0x8, s7, s13, $0xb8;
	[tilespmem:$0xC800] =	vst v63  }
0x4f: {  	s10 =	rddreg [dreg:$0xc]  }
0x50: {  	[tilespmem:s22], [sflag:$0x1] =	stream.indirect.gather [spmem:s2], $0x8, s10, s13, $0xb8;
	[tilespmem:$0xC800] =	vst v63  }
0x51: {  	s7 =	rddreg [dreg:$0xd]  }
0x52: {  	[tilespmem:s23], [sflag:$0x1] =	stream.indirect.gather [spmem:s2], $0x8, s7, s13, $0xb8;
	[tilespmem:$0xC800] =	vst v63  }
0x53: {  	s10 =	rddreg [dreg:$0xe]  }
0x54: {  	[tilespmem:s24], [sflag:$0x1] =	stream.indirect.gather [spmem:s2], $0x8, s10, s13, $0xb8;
	[tilespmem:$0xC800] =	vst v63  }
0x55: {  	s7 =	rddreg [dreg:$0xf]  }
0x56: {  	[tilespmem:s25], [sflag:$0x1] =	stream.indirect.gather [spmem:s2], $0x8, s7, s13, $0xb8;
	[tilespmem:$0xC800] =	vst v63  }
0x57: {  	s10 =	rddreg [dreg:$0x10]  }
0x58: {  	[tilespmem:s26], [sflag:$0x1] =	stream.indirect.gather [spmem:s2], $0x8, s10, s13, $0xb8;
	[tilespmem:$0xC800] =	vst v63  }
0x59: {  	s7 =	rddreg [dreg:$0x11]  }
0x5a: {  	[tilespmem:s28], [sflag:$0x1] =	stream.indirect.gather [spmem:s2], $0x8, s7, s13, $0xb8;
	[tilespmem:$0xC800] =	vst v63  }
0x5b: {  	s10 =	rddreg [dreg:$0x12]  }
0x5c: {  	[tilespmem:s29], [sflag:$0x1] =	stream.indirect.gather [spmem:s2], $0x8, s10, s13, $0xb8;
	[tilespmem:$0xC800] =	vst v63  }
0x5d: {  	s7 =	rddreg [dreg:$0x13]  }
0x5e: {  	[tilespmem:s30], [sflag:$0x1] =	stream.indirect.gather [spmem:s2], $0x8, s7, s13, $0xb8;
	[tilespmem:$0xC800] =	vst v63  }
0x5f: {  	_ =	swait.ge [sflag:s31], $0x400  }
0x60: {  	[sflag:s31] =	ssyncset.done $0x0  }
0x61: {  	[sflag:s31] =	ssyncadd.s32 $0xFFFFFC00  }
0x62: {  	_ =	swait.ge [sflag:s31], $0x400  }
0x63: {  	[sflag:s31] =	ssyncset.done $0x0  }
0x64: {  	[sflag:s31] =	ssyncadd.s32 $0xFFFFFC00  }
0x65: {  	_ =	swait.ge [sflag:s31], $0x400  }
0x66: {  	[sflag:s31] =	ssyncset.done $0x0  }
0x67: {  	[sflag:s31] =	ssyncadd.s32 $0xFFFFFC00  }
0x68: {  	_ =	swait.ge [sflag:s31], $0x400  }
0x69: {  	[sflag:s31] =	ssyncset.done $0x0  }
0x6a: {  	[sflag:s31] =	ssyncadd.s32 $0xFFFFFC00  }
0x6b: {  	_ =	swait.ge [sflag:s31], $0x400  }
0x6c: {  	[sflag:s31] =	ssyncset.done $0x0  }
0x6d: {  	[sflag:s31] =	ssyncadd.s32 $0xFFFFFC00  }
0x6e: {  	_ =	swait.ge [sflag:s31], $0x400  }
0x6f: {  	[sflag:s31] =	ssyncset.done $0x0  }
0x70: {  	[sflag:s31] =	ssyncadd.s32 $0xFFFFFC00  }
0x71: {  	_ =	swait.ge [sflag:s31], $0x400  }
0x72: {  	[sflag:s31] =	ssyncset.done $0x0  }
0x73: {  	[sflag:s31] =	ssyncadd.s32 $0xFFFFFC00  }
0x74: {  	_ =	swait.ge [sflag:s31], $0x400  }
0x75: {  	[sflag:s31] =	ssyncset.done $0x0  }
0x76: {  	[sflag:s31] =	ssyncadd.s32 $0xFFFFFC00  }
0x77: {  	_ =	swait.ge [sflag:s31], $0x400  }
0x78: {  	[sflag:s31] =	ssyncset.done $0x0  }
0x79: {  	[sflag:s31] =	ssyncadd.s32 $0xFFFFFC00  }
0x7a: {  	_ =	swait.ge [sflag:s31], $0x400  }
0x7b: {  	[sflag:s31] =	ssyncset.done $0x0  }
0x7c: {  	[sflag:s31] =	ssyncadd.s32 $0xFFFFFC00  }
0x7d: {  	_ =	swait.ge [sflag:s31], $0x400  }
0x7e: {  	[sflag:s31] =	ssyncset.done $0x0  }
0x7f: {  	[sflag:s31] =	ssyncadd.s32 $0xFFFFFC00  }
0x80: {  	_ =	swait.ge [sflag:s31], $0x400  }
0x81: {  	[sflag:s31] =	ssyncset.done $0x0  }
0x82: {  	[sflag:s31] =	ssyncadd.s32 $0xFFFFFC00  }
0x83: {  	_ =	swait.ge [sflag:s31], $0x400  }
0x84: {  	[sflag:s31] =	ssyncset.done $0x0  }
0x85: {  	[sflag:s31] =	ssyncadd.s32 $0xFFFFFC00  }
0x86: {  	_ =	swait.ge [sflag:s31], $0x400  }
0x87: {  	[sflag:s31] =	ssyncset.done $0x0  }
0x88: {  	[sflag:s31] =	ssyncadd.s32 $0xFFFFFC00  }
0x89: {  	_ =	swait.ge [sflag:s31], $0x400  }
0x8a: {  	[sflag:s31] =	ssyncset.done $0x0  }
0x8b: {  	[sflag:s31] =	ssyncadd.s32 $0xFFFFFC00  }
0x8c: {  	_ =	swait.ge [sflag:s31], $0x400  }
0x8d: {  	[sflag:s31] =	ssyncset.done $0x0  }
0x8e: {  	[sflag:s31] =	ssyncadd.s32 $0xFFFFFC00  }
0x8f: {  	[spmem:s0] =	stream.indirect.scatter.add.f32 [tilespmem:s14], [sflag:$0x2], $0x8, s12, s13, $0xb8;
	[tilespmem:$0xC800] =	vst v63  }
0x90: {  	s9 =	rddreg [dreg:$0x14]  }
0x91: {  	[spmem:s0] =	stream.indirect.scatter.add.f32 [tilespmem:s15], [sflag:$0x2], $0x8, s9, s13, $0xb8;
	[tilespmem:$0xC800] =	vst v63  }
0x92: {  	s10 =	rddreg [dreg:$0x15]  }
0x93: {  	[spmem:s0] =	stream.indirect.scatter.add.f32 [tilespmem:s16], [sflag:$0x2], $0x8, s10, s13, $0xb8;
	[tilespmem:$0xC800] =	vst v63  }
0x94: {  	s7 =	rddreg [dreg:$0x16]  }
0x95: {  	[spmem:s0] =	stream.indirect.scatter.add.f32 [tilespmem:s17], [sflag:$0x2], $0x8, s7, s13, $0xb8;
	[tilespmem:$0xC800] =	vst v63  }
0x96: {  	s10 =	rddreg [dreg:$0x17]  }
0x97: {  	[spmem:s0] =	stream.indirect.scatter.add.f32 [tilespmem:s18], [sflag:$0x2], $0x8, s10, s13, $0xb8;
	[tilespmem:$0xC800] =	vst v63  }
0x98: {  	s7 =	rddreg [dreg:$0x18]  }
0x99: {  	[spmem:s0] =	stream.indirect.scatter.add.f32 [tilespmem:s19], [sflag:$0x2], $0x8, s7, s13, $0xb8;
	[tilespmem:$0xC800] =	vst v63  }
0x9a: {  	s10 =	rddreg [dreg:$0x19]  }
0x9b: {  	[spmem:s0] =	stream.indirect.scatter.add.f32 [tilespmem:s20], [sflag:$0x2], $0x8, s10, s13, $0xb8;
	[tilespmem:$0xC800] =	vst v63  }
0x9c: {  	s7 =	rddreg [dreg:$0x1a]  }
0x9d: {  	[spmem:s0] =	stream.indirect.scatter.add.f32 [tilespmem:s21], [sflag:$0x2], $0x8, s7, s13, $0xb8;
	[tilespmem:$0xC800] =	vst v63  }
0x9e: {  	s10 =	rddreg [dreg:$0x1b]  }
0x9f: {  	[spmem:s0] =	stream.indirect.scatter.add.f32 [tilespmem:s22], [sflag:$0x2], $0x8, s10, s13, $0xb8;
	[tilespmem:$0xC800] =	vst v63  }
0xa0: {  	s7 =	rddreg [dreg:$0x1c]  }
0xa1: {  	[spmem:s0] =	stream.indirect.scatter.add.f32 [tilespmem:s23], [sflag:$0x2], $0x8, s7, s13, $0xb8;
	[tilespmem:$0xC800] =	vst v63  }
0xa2: {  	s10 =	rddreg [dreg:$0x1d]  }
0xa3: {  	[spmem:s0] =	stream.indirect.scatter.add.f32 [tilespmem:s24], [sflag:$0x2], $0x8, s10, s13, $0xb8;
	[tilespmem:$0xC800] =	vst v63  }
0xa4: {  	s7 =	rddreg [dreg:$0x1e]  }
0xa5: {  	[spmem:s0] =	stream.indirect.scatter.add.f32 [tilespmem:s25], [sflag:$0x2], $0x8, s7, s13, $0xb8;
	[tilespmem:$0xC800] =	vst v63  }
0xa6: {  	s10 =	rddreg [dreg:$0x1f]  }
0xa7: {  	[spmem:s0] =	stream.indirect.scatter.add.f32 [tilespmem:s26], [sflag:$0x2], $0x8, s10, s13, $0xb8;
	[tilespmem:$0xC800] =	vst v63  }
0xa8: {  	_ = 	snop  }
0xa9: {  	[spmem:s0] =	stream.indirect.scatter.add.f32 [tilespmem:s28], [sflag:$0x2], $0x8, s1, s13, $0xb8;
	[tilespmem:$0xC800] =	vst v63  }
0xaa: {  	_ = 	snop  }
0xab: {  	[spmem:s0] =	stream.indirect.scatter.add.f32 [tilespmem:s29], [sflag:$0x2], $0x8, s4, s13, $0xb8;
	[tilespmem:$0xC800] =	vst v63  }
0xac: {  	_ = 	snop  }
0xad: {  	[spmem:s0] =	stream.indirect.scatter.add.f32 [tilespmem:s30], [sflag:$0x2], $0x8, s5, s13, $0xb8;
	[tilespmem:$0xC800] =	vst v63  }
0xae: {  	_ =	swait.ge [sflag:s6], $0x400  }
0xaf: {  	[sflag:s6] =	ssyncset.done $0x0  }
0xb0: {  	[sflag:s6] =	ssyncadd.s32 $0xFFFFFC00  }
0xb1: {  	_ =	swait.ge [sflag:s6], $0x400  }
0xb2: {  	[sflag:s6] =	ssyncset.done $0x0  }
0xb3: {  	[sflag:s6] =	ssyncadd.s32 $0xFFFFFC00  }
0xb4: {  	_ =	swait.ge [sflag:s6], $0x400  }
0xb5: {  	[sflag:s6] =	ssyncset.done $0x0  }
0xb6: {  	[sflag:s6] =	ssyncadd.s32 $0xFFFFFC00  }
0xb7: {  	_ =	swait.ge [sflag:s6], $0x400  }
0xb8: {  	[sflag:s6] =	ssyncset.done $0x0  }
0xb9: {  	[sflag:s6] =	ssyncadd.s32 $0xFFFFFC00  }
0xba: {  	_ =	swait.ge [sflag:s6], $0x400  }
0xbb: {  	[sflag:s6] =	ssyncset.done $0x0  }
0xbc: {  	[sflag:s6] =	ssyncadd.s32 $0xFFFFFC00  }
0xbd: {  	_ =	swait.ge [sflag:s6], $0x400  }
0xbe: {  	[sflag:s6] =	ssyncset.done $0x0  }
0xbf: {  	[sflag:s6] =	ssyncadd.s32 $0xFFFFFC00  }
0xc0: {  	_ =	swait.ge [sflag:s6], $0x400  }
0xc1: {  	[sflag:s6] =	ssyncset.done $0x0  }
0xc2: {  	[sflag:s6] =	ssyncadd.s32 $0xFFFFFC00  }
0xc3: {  	_ =	swait.ge [sflag:s6], $0x400  }
0xc4: {  	[sflag:s6] =	ssyncset.done $0x0  }
0xc5: {  	[sflag:s6] =	ssyncadd.s32 $0xFFFFFC00  }
0xc6: {  	_ =	swait.ge [sflag:s6], $0x400  }
0xc7: {  	[sflag:s6] =	ssyncset.done $0x0  }
0xc8: {  	[sflag:s6] =	ssyncadd.s32 $0xFFFFFC00  }
0xc9: {  	_ =	swait.ge [sflag:s6], $0x400  }
0xca: {  	[sflag:s6] =	ssyncset.done $0x0  }
0xcb: {  	[sflag:s6] =	ssyncadd.s32 $0xFFFFFC00  }
0xcc: {  	_ =	swait.ge [sflag:s6], $0x400  }
0xcd: {  	[sflag:s6] =	ssyncset.done $0x0  }
0xce: {  	[sflag:s6] =	ssyncadd.s32 $0xFFFFFC00  }
0xcf: {  	_ =	swait.ge [sflag:s6], $0x400  }
0xd0: {  	[sflag:s6] =	ssyncset.done $0x0  }
0xd1: {  	[sflag:s6] =	ssyncadd.s32 $0xFFFFFC00  }
0xd2: {  	_ =	swait.ge [sflag:s6], $0x400  }
0xd3: {  	[sflag:s6] =	ssyncset.done $0x0  }
0xd4: {  	[sflag:s6] =	ssyncadd.s32 $0xFFFFFC00  }
0xd5: {  	_ =	swait.ge [sflag:s6], $0x400  }
0xd6: {  	[sflag:s6] =	ssyncset.done $0x0  }
0xd7: {  	[sflag:s6] =	ssyncadd.s32 $0xFFFFFC00  }
0xd8: {  	_ =	swait.ge [sflag:s6], $0x400  }
0xd9: {  	[sflag:s6] =	ssyncset.done $0x0  }
0xda: {  	[sflag:s6] =	ssyncadd.s32 $0xFFFFFC00  }
0xdb: {  	s8 =	simm.s32 $0x200;
	_ =	swait.ge [sflag:s6], $0x400  }
0xdc: {  	s10 =	simm.s32 $0x100;
	s9 =	rddreg [dreg:$0x5];
	[sflag:s6] =	ssyncset.done $0x0  }
.LBB2_2:
0xdd: {  	[sflag:s6] =	ssyncadd.s32 $0xFFFFFC00;
	s9 =	sadd.s32 s10, s9  }
0xde: {  	[tilespmem:s3], [sflag:$0x3] =	stream.linear.gather [hbm4b:s9+s3], $0x800, $0x38;
	[tilespmem:$0xC800] =	vst v63  }
0xdf: {  	_ =	swait.ge [sflag:s11], $0x800  }
0xe0: {  	s9 =	rddreg [dreg:$0x4];
	[sflag:s11] =	ssyncset.done $0x0  }
0xe1: {  	[sflag:s11] =	ssyncadd.s32 $0xFFFFF800;
	s9 =	sadd.s32 s10, s9  }
0xe2: {  	[tilespmem:s12], [sflag:$0x3] =	stream.linear.gather [hbm4b:s9+s3], $0x800, $0x38;
	[tilespmem:$0xC800] =	vst v63  }
0xe3: {  	_ =	swait.ge [sflag:s11], $0x800  }
0xe4: {  	[sflag:s11] =	ssyncset.done $0x0  }
0xe5: {  	[sflag:s11] =	ssyncadd.s32 $0xFFFFF800  }
0xe6: {  	[tilespmem:s14], [sflag:$0x1] =	stream.indirect.gather [spmem:s2], $0x8, s3, s13, $0xb8;
	[tilespmem:$0xC800] =	vst v63  }
0xe7: {  	s7 =	smov.u32 s8  }
0xe8: {  	[tilespmem:s15], [sflag:$0x1] =	stream.indirect.gather [spmem:s2], $0x8, s13, s13, $0xb8;
	[tilespmem:$0xC800] =	vst v63  }
0xe9: {  	s10 =	smov.u32 s7;
	s7 =	rddreg [dreg:$0x6]  }
0xea: {  	[tilespmem:s16], [sflag:$0x1] =	stream.indirect.gather [spmem:s2], $0x8, s7, s13, $0xb8;
	[tilespmem:$0xC800] =	vst v63  }
0xeb: {  	s9 =	rddreg [dreg:$0x7]  }
0xec: {  	[tilespmem:s17], [sflag:$0x1] =	stream.indirect.gather [spmem:s2], $0x8, s9, s13, $0xb8;
	[tilespmem:$0xC800] =	vst v63  }
0xed: {  	s7 =	rddreg [dreg:$0x8]  }
0xee: {  	[tilespmem:s18], [sflag:$0x1] =	stream.indirect.gather [spmem:s2], $0x8, s7, s13, $0xb8;
	[tilespmem:$0xC800] =	vst v63  }
0xef: {  	s9 =	rddreg [dreg:$0x9]  }
0xf0: {  	[tilespmem:s19], [sflag:$0x1] =	stream.indirect.gather [spmem:s2], $0x8, s9, s13, $0xb8;
	[tilespmem:$0xC800] =	vst v63  }
0xf1: {  	s7 =	rddreg [dreg:$0xa]  }
0xf2: {  	[tilespmem:s20], [sflag:$0x1] =	stream.indirect.gather [spmem:s2], $0x8, s7, s13, $0xb8;
	[tilespmem:$0xC800] =	vst v63  }
0xf3: {  	s9 =	rddreg [dreg:$0xb]  }
0xf4: {  	[tilespmem:s21], [sflag:$0x1] =	stream.indirect.gather [spmem:s2], $0x8, s9, s13, $0xb8;
	[tilespmem:$0xC800] =	vst v63  }
0xf5: {  	s7 =	rddreg [dreg:$0xc]  }
0xf6: {  	[tilespmem:s22], [sflag:$0x1] =	stream.indirect.gather [spmem:s2], $0x8, s7, s13, $0xb8;
	[tilespmem:$0xC800] =	vst v63  }
0xf7: {  	s9 =	rddreg [dreg:$0xd]  }
0xf8: {  	[tilespmem:s23], [sflag:$0x1] =	stream.indirect.gather [spmem:s2], $0x8, s9, s13, $0xb8;
	[tilespmem:$0xC800] =	vst v63  }
0xf9: {  	s7 =	rddreg [dreg:$0xe]  }
0xfa: {  	[tilespmem:s24], [sflag:$0x1] =	stream.indirect.gather [spmem:s2], $0x8, s7, s13, $0xb8;
	[tilespmem:$0xC800] =	vst v63  }
0xfb: {  	s9 =	rddreg [dreg:$0xf]  }
0xfc: {  	[tilespmem:s25], [sflag:$0x1] =	stream.indirect.gather [spmem:s2], $0x8, s9, s13, $0xb8;
	[tilespmem:$0xC800] =	vst v63  }
0xfd: {  	s7 =	rddreg [dreg:$0x10]  }
0xfe: {  	[tilespmem:s26], [sflag:$0x1] =	stream.indirect.gather [spmem:s2], $0x8, s7, s13, $0xb8;
	[tilespmem:$0xC800] =	vst v63  }
0xff: {  	s9 =	rddreg [dreg:$0x11]  }
0x100: {  	[tilespmem:s28], [sflag:$0x1] =	stream.indirect.gather [spmem:s2], $0x8, s9, s13, $0xb8;
	[tilespmem:$0xC800] =	vst v63  }
0x101: {  	s7 =	rddreg [dreg:$0x12]  }
0x102: {  	[tilespmem:s29], [sflag:$0x1] =	stream.indirect.gather [spmem:s2], $0x8, s7, s13, $0xb8;
	[tilespmem:$0xC800] =	vst v63  }
0x103: {  	s9 =	rddreg [dreg:$0x13]  }
0x104: {  	[tilespmem:s30], [sflag:$0x1] =	stream.indirect.gather [spmem:s2], $0x8, s9, s13, $0xb8;
	[tilespmem:$0xC800] =	vst v63  }
0x105: {  	_ =	swait.ge [sflag:s31], $0x400  }
0x106: {  	[sflag:s31] =	ssyncset.done $0x0  }
0x107: {  	[sflag:s31] =	ssyncadd.s32 $0xFFFFFC00  }
0x108: {  	_ =	swait.ge [sflag:s31], $0x400  }
0x109: {  	[sflag:s31] =	ssyncset.done $0x0  }
0x10a: {  	[sflag:s31] =	ssyncadd.s32 $0xFFFFFC00  }
0x10b: {  	_ =	swait.ge [sflag:s31], $0x400  }
0x10c: {  	[sflag:s31] =	ssyncset.done $0x0  }
0x10d: {  	[sflag:s31] =	ssyncadd.s32 $0xFFFFFC00  }
0x10e: {  	_ =	swait.ge [sflag:s31], $0x400  }
0x10f: {  	[sflag:s31] =	ssyncset.done $0x0  }
0x110: {  	[sflag:s31] =	ssyncadd.s32 $0xFFFFFC00  }
0x111: {  	_ =	swait.ge [sflag:s31], $0x400  }
0x112: {  	[sflag:s31] =	ssyncset.done $0x0  }
0x113: {  	[sflag:s31] =	ssyncadd.s32 $0xFFFFFC00  }
0x114: {  	_ =	swait.ge [sflag:s31], $0x400  }
0x115: {  	[sflag:s31] =	ssyncset.done $0x0  }
0x116: {  	[sflag:s31] =	ssyncadd.s32 $0xFFFFFC00  }
0x117: {  	_ =	swait.ge [sflag:s31], $0x400  }
0x118: {  	[sflag:s31] =	ssyncset.done $0x0  }
0x119: {  	[sflag:s31] =	ssyncadd.s32 $0xFFFFFC00  }
0x11a: {  	_ =	swait.ge [sflag:s31], $0x400  }
0x11b: {  	[sflag:s31] =	ssyncset.done $0x0  }
0x11c: {  	[sflag:s31] =	ssyncadd.s32 $0xFFFFFC00  }
0x11d: {  	_ =	swait.ge [sflag:s31], $0x400  }
0x11e: {  	[sflag:s31] =	ssyncset.done $0x0  }
0x11f: {  	[sflag:s31] =	ssyncadd.s32 $0xFFFFFC00  }
0x120: {  	_ =	swait.ge [sflag:s31], $0x400  }
0x121: {  	[sflag:s31] =	ssyncset.done $0x0  }
0x122: {  	[sflag:s31] =	ssyncadd.s32 $0xFFFFFC00  }
0x123: {  	_ =	swait.ge [sflag:s31], $0x400  }
0x124: {  	[sflag:s31] =	ssyncset.done $0x0  }
0x125: {  	[sflag:s31] =	ssyncadd.s32 $0xFFFFFC00  }
0x126: {  	_ =	swait.ge [sflag:s31], $0x400  }
0x127: {  	[sflag:s31] =	ssyncset.done $0x0  }
0x128: {  	[sflag:s31] =	ssyncadd.s32 $0xFFFFFC00  }
0x129: {  	_ =	swait.ge [sflag:s31], $0x400  }
0x12a: {  	[sflag:s31] =	ssyncset.done $0x0  }
0x12b: {  	[sflag:s31] =	ssyncadd.s32 $0xFFFFFC00  }
0x12c: {  	_ =	swait.ge [sflag:s31], $0x400  }
0x12d: {  	[sflag:s31] =	ssyncset.done $0x0  }
0x12e: {  	[sflag:s31] =	ssyncadd.s32 $0xFFFFFC00  }
0x12f: {  	_ =	swait.ge [sflag:s31], $0x400  }
0x130: {  	[sflag:s31] =	ssyncset.done $0x0  }
0x131: {  	[sflag:s31] =	ssyncadd.s32 $0xFFFFFC00  }
0x132: {  	_ =	swait.ge [sflag:s31], $0x400  }
0x133: {  	[sflag:s31] =	ssyncset.done $0x0  }
0x134: {  	[sflag:s31] =	ssyncadd.s32 $0xFFFFFC00  }
0x135: {  	[spmem:s0] =	stream.indirect.scatter.add.f32 [tilespmem:s14], [sflag:$0x2], $0x8, s12, s13, $0xb8;
	[tilespmem:$0xC800] =	vst v63  }
0x136: {  	s7 =	rddreg [dreg:$0x14]  }
0x137: {  	[spmem:s0] =	stream.indirect.scatter.add.f32 [tilespmem:s15], [sflag:$0x2], $0x8, s7, s13, $0xb8;
	[tilespmem:$0xC800] =	vst v63  }
0x138: {  	s9 =	rddreg [dreg:$0x15]  }
0x139: {  	[spmem:s0] =	stream.indirect.scatter.add.f32 [tilespmem:s16], [sflag:$0x2], $0x8, s9, s13, $0xb8;
	[tilespmem:$0xC800] =	vst v63  }
0x13a: {  	s7 =	rddreg [dreg:$0x16]  }
0x13b: {  	[spmem:s0] =	stream.indirect.scatter.add.f32 [tilespmem:s17], [sflag:$0x2], $0x8, s7, s13, $0xb8;
	[tilespmem:$0xC800] =	vst v63  }
0x13c: {  	s9 =	rddreg [dreg:$0x17]  }
0x13d: {  	[spmem:s0] =	stream.indirect.scatter.add.f32 [tilespmem:s18], [sflag:$0x2], $0x8, s9, s13, $0xb8;
	[tilespmem:$0xC800] =	vst v63  }
0x13e: {  	s7 =	rddreg [dreg:$0x18]  }
0x13f: {  	[spmem:s0] =	stream.indirect.scatter.add.f32 [tilespmem:s19], [sflag:$0x2], $0x8, s7, s13, $0xb8;
	[tilespmem:$0xC800] =	vst v63  }
0x140: {  	s9 =	rddreg [dreg:$0x19]  }
0x141: {  	[spmem:s0] =	stream.indirect.scatter.add.f32 [tilespmem:s20], [sflag:$0x2], $0x8, s9, s13, $0xb8;
	[tilespmem:$0xC800] =	vst v63  }
0x142: {  	s7 =	rddreg [dreg:$0x1a]  }
0x143: {  	[spmem:s0] =	stream.indirect.scatter.add.f32 [tilespmem:s21], [sflag:$0x2], $0x8, s7, s13, $0xb8;
	[tilespmem:$0xC800] =	vst v63  }
0x144: {  	s9 =	rddreg [dreg:$0x1b]  }
0x145: {  	[spmem:s0] =	stream.indirect.scatter.add.f32 [tilespmem:s22], [sflag:$0x2], $0x8, s9, s13, $0xb8;
	[tilespmem:$0xC800] =	vst v63  }
0x146: {  	s7 =	rddreg [dreg:$0x1c]  }
0x147: {  	[spmem:s0] =	stream.indirect.scatter.add.f32 [tilespmem:s23], [sflag:$0x2], $0x8, s7, s13, $0xb8;
	[tilespmem:$0xC800] =	vst v63  }
0x148: {  	s9 =	rddreg [dreg:$0x1d]  }
0x149: {  	[spmem:s0] =	stream.indirect.scatter.add.f32 [tilespmem:s24], [sflag:$0x2], $0x8, s9, s13, $0xb8;
	[tilespmem:$0xC800] =	vst v63  }
0x14a: {  	s7 =	rddreg [dreg:$0x1e]  }
0x14b: {  	[spmem:s0] =	stream.indirect.scatter.add.f32 [tilespmem:s25], [sflag:$0x2], $0x8, s7, s13, $0xb8;
	[tilespmem:$0xC800] =	vst v63  }
0x14c: {  	s9 =	rddreg [dreg:$0x1f]  }
0x14d: {  	[spmem:s0] =	stream.indirect.scatter.add.f32 [tilespmem:s26], [sflag:$0x2], $0x8, s9, s13, $0xb8;
	[tilespmem:$0xC800] =	vst v63  }
0x14e: {  	_ = 	snop  }
0x14f: {  	[spmem:s0] =	stream.indirect.scatter.add.f32 [tilespmem:s28], [sflag:$0x2], $0x8, s1, s13, $0xb8;
	[tilespmem:$0xC800] =	vst v63  }
0x150: {  	_ = 	snop  }
0x151: {  	[spmem:s0] =	stream.indirect.scatter.add.f32 [tilespmem:s29], [sflag:$0x2], $0x8, s4, s13, $0xb8;
	[tilespmem:$0xC800] =	vst v63  }
0x152: {  	_ = 	snop  }
0x153: {  	[spmem:s0] =	stream.indirect.scatter.add.f32 [tilespmem:s30], [sflag:$0x2], $0x8, s5, s13, $0xb8;
	[tilespmem:$0xC800] =	vst v63  }
0x154: {  	_ =	swait.ge [sflag:s6], $0x400  }
0x155: {  	[sflag:s6] =	ssyncset.done $0x0  }
0x156: {  	[sflag:s6] =	ssyncadd.s32 $0xFFFFFC00  }
0x157: {  	_ =	swait.ge [sflag:s6], $0x400  }
0x158: {  	[sflag:s6] =	ssyncset.done $0x0  }
0x159: {  	[sflag:s6] =	ssyncadd.s32 $0xFFFFFC00  }
0x15a: {  	_ =	swait.ge [sflag:s6], $0x400  }
0x15b: {  	[sflag:s6] =	ssyncset.done $0x0  }
0x15c: {  	[sflag:s6] =	ssyncadd.s32 $0xFFFFFC00  }
0x15d: {  	_ =	swait.ge [sflag:s6], $0x400  }
0x15e: {  	[sflag:s6] =	ssyncset.done $0x0  }
0x15f: {  	[sflag:s6] =	ssyncadd.s32 $0xFFFFFC00  }
0x160: {  	_ =	swait.ge [sflag:s6], $0x400  }
0x161: {  	[sflag:s6] =	ssyncset.done $0x0  }
0x162: {  	[sflag:s6] =	ssyncadd.s32 $0xFFFFFC00  }
0x163: {  	_ =	swait.ge [sflag:s6], $0x400  }
0x164: {  	[sflag:s6] =	ssyncset.done $0x0  }
0x165: {  	[sflag:s6] =	ssyncadd.s32 $0xFFFFFC00  }
0x166: {  	_ =	swait.ge [sflag:s6], $0x400  }
0x167: {  	[sflag:s6] =	ssyncset.done $0x0  }
0x168: {  	[sflag:s6] =	ssyncadd.s32 $0xFFFFFC00  }
0x169: {  	_ =	swait.ge [sflag:s6], $0x400  }
0x16a: {  	[sflag:s6] =	ssyncset.done $0x0  }
0x16b: {  	[sflag:s6] =	ssyncadd.s32 $0xFFFFFC00  }
0x16c: {  	_ =	swait.ge [sflag:s6], $0x400  }
0x16d: {  	[sflag:s6] =	ssyncset.done $0x0  }
0x16e: {  	[sflag:s6] =	ssyncadd.s32 $0xFFFFFC00  }
0x16f: {  	_ =	swait.ge [sflag:s6], $0x400  }
0x170: {  	[sflag:s6] =	ssyncset.done $0x0  }
0x171: {  	[sflag:s6] =	ssyncadd.s32 $0xFFFFFC00  }
0x172: {  	_ =	swait.ge [sflag:s6], $0x400  }
0x173: {  	[sflag:s6] =	ssyncset.done $0x0  }
0x174: {  	[sflag:s6] =	ssyncadd.s32 $0xFFFFFC00  }
0x175: {  	_ =	swait.ge [sflag:s6], $0x400  }
0x176: {  	[sflag:s6] =	ssyncset.done $0x0  }
0x177: {  	[sflag:s6] =	ssyncadd.s32 $0xFFFFFC00  }
0x178: {  	_ =	swait.ge [sflag:s6], $0x400  }
0x179: {  	[sflag:s6] =	ssyncset.done $0x0  }
0x17a: {  	[sflag:s6] =	ssyncadd.s32 $0xFFFFFC00  }
0x17b: {  	_ =	swait.ge [sflag:s6], $0x400  }
0x17c: {  	[sflag:s6] =	ssyncset.done $0x0  }
0x17d: {  	p1 =	sne.s32 s8, $0x400;
	[sflag:s6] =	ssyncadd.s32 $0xFFFFFC00  }
.Ltmp0:
0x17e: {  	_ =	swait.ge [sflag:s6], $0x400;
	(pc) =	sbr.rel @p1 .LBB2_2-.Ltmp0, $4  }
0x17f: {  	[sflag:s6] =	ssyncset.done $0x0  }
0x180: {  	[sflag:s6] =	ssyncadd.s32 $0xFFFFFC00  }
0x181: {  	_ =	swait.ge [sflag:s6], $0x400  }
0x182: {  	s8 =	sadd.s32 $0x100, s8;
	s9 =	rddreg [dreg:$0x5];
	[sflag:s6] =	ssyncset.done $0x0  }
0x183: {  	[sflag:s6] =	ssyncadd.s32 $0xFFFFFC00;
	s7 =	sadd.s32 s10, s9  }
0x184: {  	[tilespmem:s3], [sflag:$0x3] =	stream.linear.gather [hbm4b:s7+s3], $0x800, $0x38;
	[tilespmem:$0xC800] =	vst v63  }
0x185: {  	_ =	swait.ge [sflag:s11], $0x800  }
0x186: {  	s9 =	rddreg [dreg:$0x4];
	[sflag:s11] =	ssyncset.done $0x0  }
0x187: {  	[sflag:s11] =	ssyncadd.s32 $0xFFFFF800;
	s7 =	sadd.s32 s10, s9  }
0x188: {  	[tilespmem:s12], [sflag:$0x3] =	stream.linear.gather [hbm4b:s7+s3], $0x800, $0x38;
	[tilespmem:$0xC800] =	vst v63  }
0x189: {  	_ =	swait.ge [sflag:s11], $0x800  }
0x18a: {  	[sflag:s11] =	ssyncset.done $0x0  }
0x18b: {  	[sflag:s11] =	ssyncadd.s32 $0xFFFFF800  }
0x18c: {  	[tilespmem:s14], [sflag:$0x1] =	stream.indirect.gather [spmem:s2], $0x8, s3, s13, $0xb8;
	[tilespmem:$0xC800] =	vst v63  }
0x18d: {  	_ = 	snop  }
0x18e: {  	[tilespmem:s15], [sflag:$0x1] =	stream.indirect.gather [spmem:s2], $0x8, s13, s13, $0xb8;
	[tilespmem:$0xC800] =	vst v63  }
0x18f: {  	s10 =	rddreg [dreg:$0x6]  }
0x190: {  	[tilespmem:s16], [sflag:$0x1] =	stream.indirect.gather [spmem:s2], $0x8, s10, s13, $0xb8;
	[tilespmem:$0xC800] =	vst v63  }
0x191: {  	s8 =	rddreg [dreg:$0x7]  }
0x192: {  	[tilespmem:s17], [sflag:$0x1] =	stream.indirect.gather [spmem:s2], $0x8, s8, s13, $0xb8;
	[tilespmem:$0xC800] =	vst v63  }
0x193: {  	s9 =	rddreg [dreg:$0x8]  }
0x194: {  	[tilespmem:s18], [sflag:$0x1] =	stream.indirect.gather [spmem:s2], $0x8, s9, s13, $0xb8;
	[tilespmem:$0xC800] =	vst v63  }
0x195: {  	s10 =	rddreg [dreg:$0x9]  }
0x196: {  	[tilespmem:s19], [sflag:$0x1] =	stream.indirect.gather [spmem:s2], $0x8, s10, s13, $0xb8;
	[tilespmem:$0xC800] =	vst v63  }
0x197: {  	s9 =	rddreg [dreg:$0xa]  }
0x198: {  	[tilespmem:s20], [sflag:$0x1] =	stream.indirect.gather [spmem:s2], $0x8, s9, s13, $0xb8;
	[tilespmem:$0xC800] =	vst v63  }
0x199: {  	s10 =	rddreg [dreg:$0xb]  }
0x19a: {  	[tilespmem:s21], [sflag:$0x1] =	stream.indirect.gather [spmem:s2], $0x8, s10, s13, $0xb8;
	[tilespmem:$0xC800] =	vst v63  }
0x19b: {  	s9 =	rddreg [dreg:$0xc]  }
0x19c: {  	[tilespmem:s22], [sflag:$0x1] =	stream.indirect.gather [spmem:s2], $0x8, s9, s13, $0xb8;
	[tilespmem:$0xC800] =	vst v63  }
0x19d: {  	s10 =	rddreg [dreg:$0xd]  }
0x19e: {  	[tilespmem:s23], [sflag:$0x1] =	stream.indirect.gather [spmem:s2], $0x8, s10, s13, $0xb8;
	[tilespmem:$0xC800] =	vst v63  }
0x19f: {  	s9 =	rddreg [dreg:$0xe]  }
0x1a0: {  	[tilespmem:s24], [sflag:$0x1] =	stream.indirect.gather [spmem:s2], $0x8, s9, s13, $0xb8;
	[tilespmem:$0xC800] =	vst v63  }
0x1a1: {  	s10 =	rddreg [dreg:$0xf]  }
0x1a2: {  	[tilespmem:s25], [sflag:$0x1] =	stream.indirect.gather [spmem:s2], $0x8, s10, s13, $0xb8;
	[tilespmem:$0xC800] =	vst v63  }
0x1a3: {  	s9 =	rddreg [dreg:$0x10]  }
0x1a4: {  	[tilespmem:s26], [sflag:$0x1] =	stream.indirect.gather [spmem:s2], $0x8, s9, s13, $0xb8;
	[tilespmem:$0xC800] =	vst v63  }
0x1a5: {  	s10 =	rddreg [dreg:$0x11]  }
0x1a6: {  	[tilespmem:s28], [sflag:$0x1] =	stream.indirect.gather [spmem:s2], $0x8, s10, s13, $0xb8;
	[tilespmem:$0xC800] =	vst v63  }
0x1a7: {  	s9 =	rddreg [dreg:$0x12]  }
0x1a8: {  	[tilespmem:s29], [sflag:$0x1] =	stream.indirect.gather [spmem:s2], $0x8, s9, s13, $0xb8;
	[tilespmem:$0xC800] =	vst v63  }
0x1a9: {  	s10 =	rddreg [dreg:$0x13]  }
0x1aa: {  	[tilespmem:s30], [sflag:$0x1] =	stream.indirect.gather [spmem:s2], $0x8, s10, s13, $0xb8;
	[tilespmem:$0xC800] =	vst v63  }
0x1ab: {  	_ =	swait.ge [sflag:s31], $0x400  }
0x1ac: {  	[sflag:s31] =	ssyncset.done $0x0  }
0x1ad: {  	[sflag:s31] =	ssyncadd.s32 $0xFFFFFC00  }
0x1ae: {  	_ =	swait.ge [sflag:s31], $0x400  }
0x1af: {  	[sflag:s31] =	ssyncset.done $0x0  }
0x1b0: {  	[sflag:s31] =	ssyncadd.s32 $0xFFFFFC00  }
0x1b1: {  	_ =	swait.ge [sflag:s31], $0x400  }
0x1b2: {  	[sflag:s31] =	ssyncset.done $0x0  }
0x1b3: {  	[sflag:s31] =	ssyncadd.s32 $0xFFFFFC00  }
0x1b4: {  	_ =	swait.ge [sflag:s31], $0x400  }
0x1b5: {  	[sflag:s31] =	ssyncset.done $0x0  }
0x1b6: {  	[sflag:s31] =	ssyncadd.s32 $0xFFFFFC00  }
0x1b7: {  	_ =	swait.ge [sflag:s31], $0x400  }
0x1b8: {  	[sflag:s31] =	ssyncset.done $0x0  }
0x1b9: {  	[sflag:s31] =	ssyncadd.s32 $0xFFFFFC00  }
0x1ba: {  	_ =	swait.ge [sflag:s31], $0x400  }
0x1bb: {  	[sflag:s31] =	ssyncset.done $0x0  }
0x1bc: {  	[sflag:s31] =	ssyncadd.s32 $0xFFFFFC00  }
0x1bd: {  	_ =	swait.ge [sflag:s31], $0x400  }
0x1be: {  	[sflag:s31] =	ssyncset.done $0x0  }
0x1bf: {  	[sflag:s31] =	ssyncadd.s32 $0xFFFFFC00  }
0x1c0: {  	_ =	swait.ge [sflag:s31], $0x400  }
0x1c1: {  	[sflag:s31] =	ssyncset.done $0x0  }
0x1c2: {  	[sflag:s31] =	ssyncadd.s32 $0xFFFFFC00  }
0x1c3: {  	_ =	swait.ge [sflag:s31], $0x400  }
0x1c4: {  	[sflag:s31] =	ssyncset.done $0x0  }
0x1c5: {  	[sflag:s31] =	ssyncadd.s32 $0xFFFFFC00  }
0x1c6: {  	_ =	swait.ge [sflag:s31], $0x400  }
0x1c7: {  	[sflag:s31] =	ssyncset.done $0x0  }
0x1c8: {  	[sflag:s31] =	ssyncadd.s32 $0xFFFFFC00  }
0x1c9: {  	_ =	swait.ge [sflag:s31], $0x400  }
0x1ca: {  	[sflag:s31] =	ssyncset.done $0x0  }
0x1cb: {  	[sflag:s31] =	ssyncadd.s32 $0xFFFFFC00  }
0x1cc: {  	_ =	swait.ge [sflag:s31], $0x400  }
0x1cd: {  	[sflag:s31] =	ssyncset.done $0x0  }
0x1ce: {  	[sflag:s31] =	ssyncadd.s32 $0xFFFFFC00  }
0x1cf: {  	_ =	swait.ge [sflag:s31], $0x400  }
0x1d0: {  	[sflag:s31] =	ssyncset.done $0x0  }
0x1d1: {  	[sflag:s31] =	ssyncadd.s32 $0xFFFFFC00  }
0x1d2: {  	_ =	swait.ge [sflag:s31], $0x400  }
0x1d3: {  	[sflag:s31] =	ssyncset.done $0x0  }
0x1d4: {  	[sflag:s31] =	ssyncadd.s32 $0xFFFFFC00  }
0x1d5: {  	_ =	swait.ge [sflag:s31], $0x400  }
0x1d6: {  	[sflag:s31] =	ssyncset.done $0x0  }
0x1d7: {  	[sflag:s31] =	ssyncadd.s32 $0xFFFFFC00  }
0x1d8: {  	_ =	swait.ge [sflag:s31], $0x400  }
0x1d9: {  	[sflag:s31] =	ssyncset.done $0x0  }
0x1da: {  	[sflag:s31] =	ssyncadd.s32 $0xFFFFFC00  }
0x1db: {  	[spmem:s0] =	stream.indirect.scatter.add.f32 [tilespmem:s14], [sflag:$0x2], $0x8, s12, s13, $0xb8;
	[tilespmem:$0xC800] =	vst v63  }
0x1dc: {  	s9 =	rddreg [dreg:$0x14]  }
0x1dd: {  	[spmem:s0] =	stream.indirect.scatter.add.f32 [tilespmem:s15], [sflag:$0x2], $0x8, s9, s13, $0xb8;
	[tilespmem:$0xC800] =	vst v63  }
0x1de: {  	s10 =	rddreg [dreg:$0x15]  }
0x1df: {  	[spmem:s0] =	stream.indirect.scatter.add.f32 [tilespmem:s16], [sflag:$0x2], $0x8, s10, s13, $0xb8;
	[tilespmem:$0xC800] =	vst v63  }
0x1e0: {  	s9 =	rddreg [dreg:$0x16]  }
0x1e1: {  	[spmem:s0] =	stream.indirect.scatter.add.f32 [tilespmem:s17], [sflag:$0x2], $0x8, s9, s13, $0xb8;
	[tilespmem:$0xC800] =	vst v63  }
0x1e2: {  	s10 =	rddreg [dreg:$0x17]  }
0x1e3: {  	[spmem:s0] =	stream.indirect.scatter.add.f32 [tilespmem:s18], [sflag:$0x2], $0x8, s10, s13, $0xb8;
	[tilespmem:$0xC800] =	vst v63  }
0x1e4: {  	s9 =	rddreg [dreg:$0x18]  }
0x1e5: {  	[spmem:s0] =	stream.indirect.scatter.add.f32 [tilespmem:s19], [sflag:$0x2], $0x8, s9, s13, $0xb8;
	[tilespmem:$0xC800] =	vst v63  }
0x1e6: {  	s10 =	rddreg [dreg:$0x19]  }
0x1e7: {  	[spmem:s0] =	stream.indirect.scatter.add.f32 [tilespmem:s20], [sflag:$0x2], $0x8, s10, s13, $0xb8;
	[tilespmem:$0xC800] =	vst v63  }
0x1e8: {  	s9 =	rddreg [dreg:$0x1a]  }
0x1e9: {  	[spmem:s0] =	stream.indirect.scatter.add.f32 [tilespmem:s21], [sflag:$0x2], $0x8, s9, s13, $0xb8;
	[tilespmem:$0xC800] =	vst v63  }
0x1ea: {  	s10 =	rddreg [dreg:$0x1b]  }
0x1eb: {  	[spmem:s0] =	stream.indirect.scatter.add.f32 [tilespmem:s22], [sflag:$0x2], $0x8, s10, s13, $0xb8;
	[tilespmem:$0xC800] =	vst v63  }
0x1ec: {  	s9 =	rddreg [dreg:$0x1c]  }
0x1ed: {  	[spmem:s0] =	stream.indirect.scatter.add.f32 [tilespmem:s23], [sflag:$0x2], $0x8, s9, s13, $0xb8;
	[tilespmem:$0xC800] =	vst v63  }
0x1ee: {  	s10 =	rddreg [dreg:$0x1d]  }
0x1ef: {  	[spmem:s0] =	stream.indirect.scatter.add.f32 [tilespmem:s24], [sflag:$0x2], $0x8, s10, s13, $0xb8;
	[tilespmem:$0xC800] =	vst v63  }
0x1f0: {  	s9 =	rddreg [dreg:$0x1e]  }
0x1f1: {  	[spmem:s0] =	stream.indirect.scatter.add.f32 [tilespmem:s25], [sflag:$0x2], $0x8, s9, s13, $0xb8;
	[tilespmem:$0xC800] =	vst v63  }
0x1f2: {  	s10 =	rddreg [dreg:$0x1f]  }
0x1f3: {  	[spmem:s0] =	stream.indirect.scatter.add.f32 [tilespmem:s26], [sflag:$0x2], $0x8, s10, s13, $0xb8;
	[tilespmem:$0xC800] =	vst v63  }
0x1f4: {  	_ = 	snop  }
0x1f5: {  	[spmem:s0] =	stream.indirect.scatter.add.f32 [tilespmem:s28], [sflag:$0x2], $0x8, s1, s13, $0xb8;
	[tilespmem:$0xC800] =	vst v63  }
0x1f6: {  	_ = 	snop  }
0x1f7: {  	[spmem:s0] =	stream.indirect.scatter.add.f32 [tilespmem:s29], [sflag:$0x2], $0x8, s4, s13, $0xb8;
	[tilespmem:$0xC800] =	vst v63  }
0x1f8: {  	_ = 	snop  }
0x1f9: {  	[spmem:s0] =	stream.indirect.scatter.add.f32 [tilespmem:s30], [sflag:$0x2], $0x8, s5, s13, $0xb8;
	[tilespmem:$0xC800] =	vst v63  }
0x1fa: {  	_ =	swait.ge [sflag:s6], $0x400  }
0x1fb: {  	[sflag:s6] =	ssyncset.done $0x0  }
0x1fc: {  	[sflag:s6] =	ssyncadd.s32 $0xFFFFFC00  }
0x1fd: {  	_ =	swait.ge [sflag:s6], $0x400  }
0x1fe: {  	[sflag:s6] =	ssyncset.done $0x0  }
0x1ff: {  	[sflag:s6] =	ssyncadd.s32 $0xFFFFFC00  }
0x200: {  	_ =	swait.ge [sflag:s6], $0x400  }
0x201: {  	[sflag:s6] =	ssyncset.done $0x0  }
0x202: {  	[sflag:s6] =	ssyncadd.s32 $0xFFFFFC00  }
0x203: {  	_ =	swait.ge [sflag:s6], $0x400  }
0x204: {  	[sflag:s6] =	ssyncset.done $0x0  }
0x205: {  	[sflag:s6] =	ssyncadd.s32 $0xFFFFFC00  }
0x206: {  	_ =	swait.ge [sflag:s6], $0x400  }
0x207: {  	[sflag:s6] =	ssyncset.done $0x0  }
0x208: {  	[sflag:s6] =	ssyncadd.s32 $0xFFFFFC00  }
0x209: {  	_ =	swait.ge [sflag:s6], $0x400  }
0x20a: {  	[sflag:s6] =	ssyncset.done $0x0  }
0x20b: {  	[sflag:s6] =	ssyncadd.s32 $0xFFFFFC00  }
0x20c: {  	_ =	swait.ge [sflag:s6], $0x400  }
0x20d: {  	[sflag:s6] =	ssyncset.done $0x0  }
0x20e: {  	[sflag:s6] =	ssyncadd.s32 $0xFFFFFC00  }
0x20f: {  	_ =	swait.ge [sflag:s6], $0x400  }
0x210: {  	[sflag:s6] =	ssyncset.done $0x0  }
0x211: {  	[sflag:s6] =	ssyncadd.s32 $0xFFFFFC00  }
0x212: {  	_ =	swait.ge [sflag:s6], $0x400  }
0x213: {  	[sflag:s6] =	ssyncset.done $0x0  }
0x214: {  	[sflag:s6] =	ssyncadd.s32 $0xFFFFFC00  }
0x215: {  	_ =	swait.ge [sflag:s6], $0x400  }
0x216: {  	[sflag:s6] =	ssyncset.done $0x0  }
0x217: {  	[sflag:s6] =	ssyncadd.s32 $0xFFFFFC00  }
0x218: {  	_ =	swait.ge [sflag:s6], $0x400  }
0x219: {  	[sflag:s6] =	ssyncset.done $0x0  }
0x21a: {  	[sflag:s6] =	ssyncadd.s32 $0xFFFFFC00  }
0x21b: {  	_ =	swait.ge [sflag:s6], $0x400  }
0x21c: {  	[sflag:s6] =	ssyncset.done $0x0  }
0x21d: {  	[sflag:s6] =	ssyncadd.s32 $0xFFFFFC00  }
0x21e: {  	_ =	swait.ge [sflag:s6], $0x400  }
0x21f: {  	[sflag:s6] =	ssyncset.done $0x0  }
0x220: {  	[sflag:s6] =	ssyncadd.s32 $0xFFFFFC00  }
0x221: {  	_ =	swait.ge [sflag:s6], $0x400  }
0x222: {  	[sflag:s6] =	ssyncset.done $0x0  }
0x223: {  	[sflag:s6] =	ssyncadd.s32 $0xFFFFFC00  }
0x224: {  	_ =	swait.ge [sflag:s6], $0x400  }
0x225: {  	[sflag:s6] =	ssyncset.done $0x0  }
0x226: {  	[sflag:s6] =	ssyncadd.s32 $0xFFFFFC00  }
0x227: {  	_ =	swait.ge [sflag:s6], $0x400  }
0x228: {  	[sflag:s6] =	ssyncset.done $0x0  }
0x229: {  	[sflag:s6] =	ssyncadd.s32 $0xFFFFFC00  }
0x22a: {  	[bflag:$0x0] =	sbarrier.arrive $0xFFFF  }
0x22b: {  	s7 =	sld [smem:$0x7F8]  }
0x22c: {  	s8 =	sld [smem:$0x7FC]  }
0x22d: {  	s10 =	sld [smem:$0x7FD];
	_ =	sdelay $0x2  }
0x22e: {  	[hbm:s7], [sflag:s10] =	dma.local @!p0 [spmem:s8], $0x2800  }
0x22f: {  	s7 =	smov.u32 s8;
	s8 =	simm.s32 @!p0 $0x3  }
0x230: {  	_ =	swait.ge @!p0 [sflag:s8], $0x2800  }
0x231: {  	s9 =	sld [smem:$0x7FB]  }
0x232: {  	[sflag:s8] =	ssyncset.done @!p0 $0x0;
	s8 =	sld [smem:$0x7F9];
	_ =	sdelay $0x1  }
0x233: {  	s9 =	sadd.s32 $0x1, s9  }
0x234: {  	p1 =	sne.s32 s9, s8  }
.Ltmp1:
0x235: {  	_ = 	snop;
	(pc) =	sbr.rel @p1 .LBB2_1-.Ltmp1, $3  }
0x236: {  	_ =	sdelay $0x1  }
0x237: {  	[smem:$0x7FB] =	sst s9;
	s9 =	smov.u32 s7;
	s7 =	simm.s32 @!p0 $0x3  }
0x238: {  	[sflag:s7] =	ssyncadd.s32 @!p0 $0xFFFFD800  }
0x239: {  	_ =	sfence.sel $0x180000  }
0x23a: {  	[bflag:$0x0] =	sbarrier.arrive $0xFFFF  }
0x23b: {  	_ =	strace $0x9000004D  }
0x23c: {  	[bflag:$0x2] =	sbarrier.arrive $0xFFFF  }
0x23d: {  	s0 =	rddreg [dreg:$0x3]  }
0x23e: {  	s0 =	sadd.s32 @!p0 $0x100000, s0  }
0x23f: {  	[sflag:s0] =	ssyncadd.tile.s32 @!p0 $0x1;
	_ =	shalt  }
.Lfunc_end2:
_tile_overlayer_lowered:
.L_overlay_start_2:
0x240: {  	(tag) =	ssettag $0x2  }
0x241: {  	s0 =	rddreg [dreg:$0x0];
	s2 =	stileid.u32  }
0x242: {  	s1 =	rddreg [dreg:$0x1];
	p0 =	sne.s32 s2, $0x0  }
0x243: {  	s3 =	rddreg [dreg:$0x2];
	[bflag:$0x3] =	sbarrier.arrive $0xFFFF;
	s2 =	simm.s32 @!p0 $0x1C03  }
0x244: {  	[timem:s3], [sflag:s2] =	dma.local @!p0 [hbm:s0], s1  }
0x245: {  	s0 =	simm.s32 @!p0 $0x3  }
0x246: {  	_ =	swait.ge @!p0 [sflag:s0], s1  }
0x247: {  	s1 =	ssub.s32 @!p0 $0x0, s1;
	[sflag:s0] =	ssyncset.done @!p0 $0x0  }
0x248: {  	[sflag:s0] =	ssyncadd.s32 @!p0 s1  }
0x249: {  	[bflag:$0x3] =	sbarrier.arrive $0xFFFF  }
0x24a: {  	_ =	shalt  }

// kernel: kernel.8.cloned.1.call-start
scs
__scs_entry_jumppad:
0x0: {  	(pc) =	sbr.rel $0x88, $3  }
0x1: {  	(tag) =	ssettag $0x0;
	lr =	simm.s32 $0x1  }
0x2: {  	[smem:$0x3F99] =	sst lr;
	_ =	strace $0xD0000000  }
0x3: {  	_ = 	snop  }
0x4: {  	_ = 	snop  }
0x5: {  	_ = 	snop  }
0x6: {  	_ = 	snop  }
0x7: {  	_ = 	snop  }
__scs_overlays_trampoline_lowered:
0x8: {  	[smem:$0x3FA8] =	sst s0  }
0x9: {  	[smem:$0x3FA9] =	sst s1  }
0xa: {  	[smem:$0x3FAA] =	sst s2  }
0xb: {  	[smem:$0x3FAB] =	sst s3  }
0xc: {  	[smem:$0x3FAC] =	sst s4  }
0xd: {  	[smem:$0x3FAD] =	sst s5  }
0xe: {  	[smem:$0x3FAE] =	sst s6  }
0xf: {  	[smem:$0x3FAF] =	sst s7  }
0x10: {  	[smem:$0x3FB0] =	sst s8  }
0x11: {  	[smem:$0x3FB1] =	sst s9;
	s0 =	simm.s32 @!p0 $0x0  }
0x12: {  	s1 =	sld [smem:$0x3F97];
	s0 =	simm.s32 @p0 $0x1  }
0x13: {  	[smem:$0x3FB2] =	sst s0;
	s0 =	simm.s32 @!p1 $0x0  }
0x14: {  	s2 =	sld [smem:$0x3F96];
	s0 =	simm.s32 @p1 $0x1  }
0x15: {  	[smem:$0x3FB3] =	sst s0;
	s0 =	simm.s32 @!p2 $0x0  }
0x16: {  	s3 =	sld [smem:$0x3FDB];
	s0 =	simm.s32 @p2 $0x1  }
0x17: {  	s4 =	simm.s32 $0x1BF5;
	[smem:$0x3FB5] =	sst s0  }
0x18: {  	s0 =	sld [smem:$0x3F98];
	_ =	swait.ge [sflag:s4], $0x0  }
0x19: {  	s7 =	sld [smem:$0x3F99]  }
0x1a: {  	s8 =	sadd.s32 $0xFFFFE003, lr  }
0x1b: {  	s9 =	sadd.s32 $0xFFFFFEF7, lr;
	s5 =	simm.s32 $0xFFFFFFFF;
	p2 =	slt.u32 s8, $0xFFFFF086  }
0x1c: {  	p1 =	slt.u32 s9, $0xF7A;
	s5 =	simm.s32 @!p2 $0x0  }
0x1d: {  	s5 =	simm.s32 @p1 $0x1;
	p0 =	seq.s32 s7, s2  }
0x1e: {  	s7 =	smul.u32 @!p0 $0xF7A, s2;
	p2 =	seq.s32 @!p0 s5, $0x0  }
0x1f: {  	s9 =	smul.u32 $0xF7A, s1;
	s8 =	simm.s32 @!p0 $0x1BF5;
	p2 =	por !p2, p0  }
0x20: {  	[sflag:s8] =	ssyncset.s32 @!p0 $0xFFFFF086;
	s6 =	sadd.s32 @!p0 s3, s7;
	s7 =	simm.s32 @!p0 $0x108  }
0x21: {  	s3 =	sadd.s32 s3, s9;
	s6 =	sadd.s32 @!p0 $0x88, s6;
	s7 =	simm.s32 @p2 $0x1082  }
0x22: {  	[simem:s7], [sflag:s8] =	dma.local @!p0 [hbm:s6], $0xF7A  }
0x23: {  	s9 =	sor.u32 $0xD0000000, s2;
	s6 =	simm.s32 $0x108;
	_ =	swait.ge @!p0 [sflag:s8], $0x0  }
0x24: {  	s3 =	sadd.s32 $0x88, s3;
	s6 =	simm.s32 @!p1 $0x1082;
	[sflag:s4] =	ssyncset.s32 $0xFFFFF086  }
0x25: {  	[simem:s6], [sflag:s4] =	dma.local [hbm:s3], $0xF7A  }
0x26: {  	[smem:$0x3F99] =	sst s1;
	(tag) =	ssettag s2;
	_ =	strace s9  }
0x27: {  	s1 =	sld [smem:$0x3FA9]  }
0x28: {  	s2 =	sld [smem:$0x3FAA]  }
0x29: {  	s4 =	sld [smem:$0x3FAC]  }
0x2a: {  	p0 =	seq.s32 s5, $0x0;
	s5 =	sld [smem:$0x3FAD]  }
0x2b: {  	s6 =	sld [smem:$0x3FAE]  }
0x2c: {  	s7 =	sld [smem:$0x3FAF]  }
0x2d: {  	s3 =	simm.s32 $0x108;
	s8 =	sld [smem:$0x3FB0]  }
0x2e: {  	s3 =	simm.s32 @!p0 $0x1082;
	s9 =	sld [smem:$0x3FB1]  }
0x2f: {  	lr =	sadd.s32 s0, s3;
	s0 =	sld [smem:$0x3FA8]  }
0x30: {  	s3 =	sld [smem:$0x3FAB]  }
0x31: {  	[smem:$0x3FB4] =	sst s10  }
0x32: {  	s10 =	sld [smem:$0x3FB2];
	_ =	sdelay $0x3  }
0x33: {  	p0 =	seq.s32 s10, $0x1;
	s10 =	sld [smem:$0x3FB4];
	_ =	sdelay $0x3  }
0x34: {  	[smem:$0x3FB4] =	sst s10  }
0x35: {  	s10 =	sld [smem:$0x3FB3];
	_ =	sdelay $0x3  }
0x36: {  	p1 =	seq.s32 s10, $0x1;
	s10 =	sld [smem:$0x3FB4];
	_ =	sdelay $0x3  }
0x37: {  	[smem:$0x3FB4] =	sst s10  }
0x38: {  	s10 =	sld [smem:$0x3FB5]  }
0x39: {  	_ = 	snop;
	(pc) =	sbr.ind lr, $3  }
0x3a: {  	_ = 	snop  }
0x3b: {  	_ = 	snop  }
0x3c: {  	p2 =	seq.s32 s10, $0x1;
	s10 =	sld [smem:$0x3FB4]  }
0x3d: {  	_ =	shalt  }
0x3e: {  	_ =	shalt  }
0x3f: {  	_ =	shalt  }
0x40: {  	_ =	shalt  }
0x41: {  	_ =	shalt  }
0x42: {  	_ =	shalt  }
0x43: {  	_ =	shalt  }
0x44: {  	_ =	shalt  }
0x45: {  	_ =	shalt  }
0x46: {  	_ =	shalt  }
0x47: {  	_ =	shalt  }
0x48: {  	_ =	shalt  }
0x49: {  	_ =	shalt  }
0x4a: {  	_ =	shalt  }
0x4b: {  	_ =	shalt  }
0x4c: {  	_ =	shalt  }
0x4d: {  	_ =	shalt  }
0x4e: {  	_ =	shalt  }
0x4f: {  	_ =	shalt  }
0x50: {  	_ =	shalt  }
0x51: {  	_ =	shalt  }
0x52: {  	_ =	shalt  }
0x53: {  	_ =	shalt  }
0x54: {  	_ =	shalt  }
0x55: {  	_ =	shalt  }
0x56: {  	_ =	shalt  }
0x57: {  	_ =	shalt  }
0x58: {  	_ =	shalt  }
0x59: {  	_ =	shalt  }
0x5a: {  	_ =	shalt  }
0x5b: {  	_ =	shalt  }
0x5c: {  	_ =	shalt  }
0x5d: {  	_ =	shalt  }
0x5e: {  	_ =	shalt  }
0x5f: {  	_ =	shalt  }
0x60: {  	_ =	shalt  }
0x61: {  	_ =	shalt  }
0x62: {  	_ =	shalt  }
0x63: {  	_ =	shalt  }
0x64: {  	_ =	shalt  }
0x65: {  	_ =	shalt  }
0x66: {  	_ =	shalt  }
0x67: {  	_ =	shalt  }
0x68: {  	_ =	shalt  }
0x69: {  	_ =	shalt  }
0x6a: {  	_ =	shalt  }
0x6b: {  	_ =	shalt  }
0x6c: {  	_ =	shalt  }
0x6d: {  	_ =	shalt  }
0x6e: {  	_ =	shalt  }
0x6f: {  	_ =	shalt  }
0x70: {  	_ =	shalt  }
0x71: {  	_ =	shalt  }
0x72: {  	_ =	shalt  }
0x73: {  	_ =	shalt  }
0x74: {  	_ =	shalt  }
0x75: {  	_ =	shalt  }
0x76: {  	_ =	shalt  }
0x77: {  	_ =	shalt  }
0x78: {  	_ =	shalt  }
0x79: {  	_ =	shalt  }
0x7a: {  	_ =	shalt  }
0x7b: {  	_ =	shalt  }
0x7c: {  	_ =	shalt  }
0x7d: {  	_ =	shalt  }
0x7e: {  	_ =	shalt  }
0x7f: {  	_ =	shalt  }
0x80: {  	_ =	shalt  }
0x81: {  	_ =	shalt  }
0x82: {  	_ =	shalt  }
0x83: {  	_ =	shalt  }
0x84: {  	_ =	shalt  }
0x85: {  	_ =	shalt  }
0x86: {  	_ =	shalt  }
0x87: {  	_ =	shalt  }
.Lfunc_end0:
.L_simem_size_0:
called_computation_lowered:
.L_overlay_start_0:
0x88: {  	s2 =	sld [smem:$0x3FD9]  }
0x89: {  	s3 =	sld [smem:$0x3FFE];
	_ =	sdelay $0x1  }
0x8a: {  	s1 =	srdreg.scid  }
0x8b: {  	s0 =	sand.u32 $0x1, s1  }
0x8c: {  	s16 =	sshll.u32 s0, $0xA;
	s2 =	sadd.s32 s3, s2  }
0x8d: {  	s2 =	sadd.s32 s2, s16  }
0x8e: {  	[smem:$0x3FC0] =	sst s2  }
0x8f: {  	_ = 	snop  }
0x90: {  	(tm) =	ssettm $0x1  }
0x91: {  	s17 =	sld [smem:$0x3FFB];
	_ =	sdelay $0x3  }
0x92: {  	_ =	strace s17  }
0x93: {  	s2 =	sld [smem:$0x3FFC];
	_ =	sdelay $0x3  }
0x94: {  	_ =	strace s2  }
0x95: {  	s2 =	sld [smem:$0x3FFD];
	_ =	sdelay $0x3  }
0x96: {  	_ =	strace s2  }
0x97: {  	_ =	strace $0x8FFFFFFF  }
0x98: {  	s18 =	sld [smem:$0x3FDB];
	_ =	sdelay $0x1  }
0x99: {  	s19 =	simm.s32 $_scs_section_size  }
0x9a: {  	s4 =	simm.s32 $_size__tile_overlayer_lowered;
	s5 =	simm.s32 $_tile_overlayer_lowered  }
0x9b: {  	s22 =	simm.s32 $0x1BFF;
	s21 =	sshll.u32 s5, $0x1;
	s2 =	sadd.s32 s19, s18  }
0x9c: {  	s6 =	simm.s32 $0x0;
	s20 =	sshll.u32 s4, $0x1;
	s4 =	sadd.s32 s21, s2  }
0x9d: {  	[timem:s6], [sflag:s22] =	dma.local [hbm:s4], s20  }
0x9e: {  	_ =	swait.ge [sflag:s22], s20  }
0x9f: {  	s3 =	ssub.s32 $0x0, s20;
	[sflag:s22] =	ssyncset.done $0x0  }
0xa0: {  	[sflag:s22] =	ssyncadd.s32 s3;
	_ =	sdelay $0x1  }
0xa1: {  	s23 =	simm.s32 $0x1B8B  }
0xa2: {  	_ =	swait.ge [sflag:s23], $0x1  }
0xa3: {  	[sflag:s23] =	ssyncset.done $0x0  }
0xa4: {  	s25 =	simm.s32 $0x1B8E;
	s24 =	sld [smem:$0x3FFE];
	[sflag:s23] =	ssyncadd.s32 $0xFFFFFFFF  }
0xa5: {  	s26 =	simm.s32 $execute0_lowered;
	[smem:$0x3FD2] =	sst s25  }
0xa6: {  	s4 =	sshll.u32 s26, $0x1;
	_ =	strace $0x80000046;
	[dreg:$0x1] =	wrdreg $0xFFFFFFFF  }
0xa7: {  	s28 =	simm.s32 $_size_execute0_lowered;
	s2 =	sadd.s32 s2, s4;
	[dreg:$0x0] =	wrdreg $0x0  }
0xa8: {  	s4 =	sshll.u32 s28, $0x1;
	[dreg:$0x2] =	wrdreg s2  }
0xa9: {  	[dreg:$0x3] =	wrdreg s4  }
0xaa: {  	[dreg:$0x4] =	wrdreg $0xC0  }
0xab: {  	_ =	task [dreg:s6], $0x5FFFF  }
0xac: {  	[dreg:$0x1] =	wrdreg $0xFFFFFFFF  }
0xad: {  	[dreg:$0x0] =	wrdreg $0x60  }
0xae: {  	[dreg:$0x2] =	wrdreg s24  }
0xaf: {  	[dreg:$0x3] =	wrdreg $0xB000  }
0xb0: {  	[dreg:$0x4] =	wrdreg $0x9  }
0xb1: {  	_ =	task.clear_ibuf [dreg:s6], $0x5FFFF;
	_ =	strace $0x90000046  }
0xb2: {  	s29 =	simm.s32 $0x9;
	_ =	strace $0x80000048  }
0xb3: {  	_ =	swait.ge [sflag:s29], $0x1  }
0xb4: {  	[sflag:s29] =	ssyncadd.s32 $0xFFFFFFFF  }
0xb5: {  	_ =	strace $0x90000048  }
0xb6: {  	_ =	sfence  }
0xb7: {  	s30 =	sld [smem:$0x0];
	_ =	sdelay $0x2  }
0xb8: {  	s31 =	sshll.u32 s1, $0xD;
	s1 =	sshrl.u32 s1, $0x2  }
0xb9: {  	s3 =	sand.u32 $0x4000, s31;
	s1 =	sadd.s32 s1, s30  }
0xba: {  	s0 =	sor.u32 s3, s0;
	s1 =	sshll.u32 s1, $0x11  }
0xbb: {  	s0 =	sor.u32 s1, s0  }
0xbc: {  	s0 =	sadd.s32 $0x8F2B, s0  }
0xbd: {  	[sflag:s0] =	ssyncadd.remote.s32 $0x1  }
0xbe: {  	_ =	sfence.sel $0xFFFF  }
0xbf: {  	[dreg:$0x0] =	wrdreg $0xFFFFFFFF;
	(pc) =	sbr.abs _section_cstart, $3  }
0xc0: {  	[dreg:$0x1] =	wrdreg $0xFFFFFFFF  }
0xc1: {  	_ =	task.clear_ibuf [dreg:s6], $0x2FFFF;
	_ =	strace $0x9FFFFFFF  }
0xc2: {  	(tm) =	ssettm $0x7FFFFFFF  }
0xc3: {  	_ =	shalt  }
tec
execute0_lowered:
.L_overlay_start_1:
0x0: {  	(tag) =	ssettag $0x1  }
0x1: {  	s0 =	srdreg.scid;
	s5 =	rddreg [dreg:$0x0]  }
0x2: {  	s30 =	stileid.u32;
	s2 =	rddreg [dreg:$0x1];
	s3 =	simm.s32 $0x0  }
0x3: {  	s11 =	simm.s32 $0x80;
	s12 =	simm.s32 $0x800;
	s13 =	simm.s32 $0x100  }
0x4: {  	s14 =	simm.s32 $0x180;
	s15 =	simm.s32 $0x200;
	s16 =	simm.s32 $0x280  }
0x5: {  	s17 =	simm.s32 $0x300;
	s18 =	simm.s32 $0x380;
	s19 =	simm.s32 $0x400  }
0x6: {  	s20 =	simm.s32 $0x480;
	s21 =	simm.s32 $0x500;
	s22 =	simm.s32 $0x580  }
0x7: {  	s23 =	simm.s32 $0x600;
	s24 =	simm.s32 $0x680;
	s25 =	simm.s32 $0x700  }
0x8: {  	s26 =	simm.s32 $0x780;
	s28 =	simm.s32 $0x1;
	s6 =	smul.u32 $0x5000, s30  }
0x9: {  	s29 =	simm.s32 $0x0;
	s1 =	sand.u32 $0x1, s0;
	s7 =	smul.u32 $0x280, s30  }
0xa: {  	[smem:$0x7FF] =	sst s3;
	s4 =	smul.u32 $0x2800, s1;
	s1 =	ssub.s32 $0x2, s1  }
0xb: {  	_ =	strace $0x80000047;
	s31 =	sshrl.u32 s7, $0x3;
	s9 =	sshrl.u32 s1, $0x1  }
0xc: {  	s6 =	sadd.s32 s4, s6;
	s4 =	sadd.s32 s7, s4;
	s1 =	ssub.s32 s1, s9  }
0xd: {  	s9 =	simm.s32 $0x880;
	s6 =	sshrl.u32 s6, $0x3;
	s4 =	sshrl.u32 s4, $0x3  }
0xe: {  	s8 =	sadd.s32 s6, s5;
	s6 =	sadd.s32 s31, s5;
	s10 =	sadd.s32 s4, s5  }
0xf: {  	s5 =	sadd.s32 s7, s2;
	s7 =	smax.u32 s1, $0x1;
	s4 =	sadd.s32 $0x15A00, s6  }
0x10: {  	v0 =	vimm.f32 $1.000000000e+00;
	s6 =	sadd.s32 $0x16000, s10;
	s8 =	sadd.s32 $0x1A00, s8;
	s10 =	simm.s32 $0x2  }
.LBB2_1:
0x11: {  	[tilespmem:s9], [sflag:$0x2] =	stream.linear.gather [hbm4b:s4+s3], $0x280, $0x38;
	[tilespmem:$0xD80] =	vst v63  }
0x12: {  	_ =	swait.ge [sflag:s10], $0x280  }
0x13: {  	[sflag:s10] =	ssyncset.done $0x0  }
0x14: {  	[sflag:s10] =	ssyncadd.s32 $0xFFFFFD80  }
0x15: {  	[spmem:s5] =	stream.linear.scatter [tilespmem:s9], [sflag:$0x2], $0x280, $0x38;
	[tilespmem:$0xD80] =	vst v63  }
0x16: {  	_ =	swait.ge [sflag:s10], $0x280  }
0x17: {  	[sflag:s10] =	ssyncset.done $0x0  }
0x18: {  	[sflag:s10] =	ssyncadd.s32 $0xFFFFFD80  }
0x19: {  	[tilespmem:$0x800] =	vst v0  }
0x1a: {  	[tilespmem:$0x810] =	vst v0  }
0x1b: {  	[tilespmem:$0x820] =	vst v0  }
0x1c: {  	[tilespmem:$0x830] =	vst v0  }
0x1d: {  	[tilespmem:$0x840] =	vst v0  }
0x1e: {  	[tilespmem:$0x850] =	vst v0  }
0x1f: {  	[tilespmem:$0x860] =	vst v0  }
0x20: {  	[tilespmem:$0x870] =	vst v0  }
0x21: {  	s1 =	sadd.s32 $0x0, s8;
	[bflag:$0x0] =	sbarrier.arrive $0xFFFF  }
0x22: {  	[tilespmem:s3], [sflag:$0x2] =	stream.linear.gather [hbm4b:s1+s3], $0x800, $0x38;
	[tilespmem:$0xD80] =	vst v63  }
0x23: {  	_ =	swait.ge [sflag:s10], $0x800  }
0x24: {  	[sflag:s10] =	ssyncset.done $0x0  }
0x25: {  	[sflag:s10] =	ssyncadd.s32 $0xFFFFF800  }
0x26: {  	[spmem:s2] =	stream.indirect.scatter.add.f32 [tilespmem:s12], [sflag:$0x1], $0x1, s3, s11, $0xb8;
	[tilespmem:$0xD80] =	vst v63  }
0x27: {  	_ = 	snop  }
0x28: {  	[spmem:s2] =	stream.indirect.scatter.add.f32 [tilespmem:s12], [sflag:$0x1], $0x1, s11, s11, $0xb8;
	[tilespmem:$0xD80] =	vst v63  }
0x29: {  	_ = 	snop  }
0x2a: {  	[spmem:s2] =	stream.indirect.scatter.add.f32 [tilespmem:s12], [sflag:$0x1], $0x1, s13, s11, $0xb8;
	[tilespmem:$0xD80] =	vst v63  }
0x2b: {  	_ = 	snop  }
0x2c: {  	[spmem:s2] =	stream.indirect.scatter.add.f32 [tilespmem:s12], [sflag:$0x1], $0x1, s14, s11, $0xb8;
	[tilespmem:$0xD80] =	vst v63  }
0x2d: {  	_ = 	snop  }
0x2e: {  	[spmem:s2] =	stream.indirect.scatter.add.f32 [tilespmem:s12], [sflag:$0x1], $0x1, s15, s11, $0xb8;
	[tilespmem:$0xD80] =	vst v63  }
0x2f: {  	_ = 	snop  }
0x30: {  	[spmem:s2] =	stream.indirect.scatter.add.f32 [tilespmem:s12], [sflag:$0x1], $0x1, s16, s11, $0xb8;
	[tilespmem:$0xD80] =	vst v63  }
0x31: {  	_ = 	snop  }
0x32: {  	[spmem:s2] =	stream.indirect.scatter.add.f32 [tilespmem:s12], [sflag:$0x1], $0x1, s17, s11, $0xb8;
	[tilespmem:$0xD80] =	vst v63  }
0x33: {  	_ = 	snop  }
0x34: {  	[spmem:s2] =	stream.indirect.scatter.add.f32 [tilespmem:s12], [sflag:$0x1], $0x1, s18, s11, $0xb8;
	[tilespmem:$0xD80] =	vst v63  }
0x35: {  	_ = 	snop  }
0x36: {  	[spmem:s2] =	stream.indirect.scatter.add.f32 [tilespmem:s12], [sflag:$0x1], $0x1, s19, s11, $0xb8;
	[tilespmem:$0xD80] =	vst v63  }
0x37: {  	_ = 	snop  }
0x38: {  	[spmem:s2] =	stream.indirect.scatter.add.f32 [tilespmem:s12], [sflag:$0x1], $0x1, s20, s11, $0xb8;
	[tilespmem:$0xD80] =	vst v63  }
0x39: {  	_ = 	snop  }
0x3a: {  	[spmem:s2] =	stream.indirect.scatter.add.f32 [tilespmem:s12], [sflag:$0x1], $0x1, s21, s11, $0xb8;
	[tilespmem:$0xD80] =	vst v63  }
0x3b: {  	_ = 	snop  }
0x3c: {  	[spmem:s2] =	stream.indirect.scatter.add.f32 [tilespmem:s12], [sflag:$0x1], $0x1, s22, s11, $0xb8;
	[tilespmem:$0xD80] =	vst v63  }
0x3d: {  	_ = 	snop  }
0x3e: {  	[spmem:s2] =	stream.indirect.scatter.add.f32 [tilespmem:s12], [sflag:$0x1], $0x1, s23, s11, $0xb8;
	[tilespmem:$0xD80] =	vst v63  }
0x3f: {  	_ = 	snop  }
0x40: {  	[spmem:s2] =	stream.indirect.scatter.add.f32 [tilespmem:s12], [sflag:$0x1], $0x1, s24, s11, $0xb8;
	[tilespmem:$0xD80] =	vst v63  }
0x41: {  	_ = 	snop  }
0x42: {  	[spmem:s2] =	stream.indirect.scatter.add.f32 [tilespmem:s12], [sflag:$0x1], $0x1, s25, s11, $0xb8;
	[tilespmem:$0xD80] =	vst v63  }
0x43: {  	_ = 	snop  }
0x44: {  	[spmem:s2] =	stream.indirect.scatter.add.f32 [tilespmem:s12], [sflag:$0x1], $0x1, s26, s11, $0xb8;
	[tilespmem:$0xD80] =	vst v63  }
0x45: {  	_ =	swait.ge [sflag:s28], $0x80  }
0x46: {  	[sflag:s28] =	ssyncset.done $0x0  }
0x47: {  	[sflag:s28] =	ssyncadd.s32 $0xFFFFFF80  }
0x48: {  	_ =	swait.ge [sflag:s28], $0x80  }
0x49: {  	[sflag:s28] =	ssyncset.done $0x0  }
0x4a: {  	[sflag:s28] =	ssyncadd.s32 $0xFFFFFF80  }
0x4b: {  	_ =	swait.ge [sflag:s28], $0x80  }
0x4c: {  	[sflag:s28] =	ssyncset.done $0x0  }
0x4d: {  	[sflag:s28] =	ssyncadd.s32 $0xFFFFFF80  }
0x4e: {  	_ =	swait.ge [sflag:s28], $0x80  }
0x4f: {  	[sflag:s28] =	ssyncset.done $0x0  }
0x50: {  	[sflag:s28] =	ssyncadd.s32 $0xFFFFFF80  }
0x51: {  	_ =	swait.ge [sflag:s28], $0x80  }
0x52: {  	[sflag:s28] =	ssyncset.done $0x0  }
0x53: {  	[sflag:s28] =	ssyncadd.s32 $0xFFFFFF80  }
0x54: {  	_ =	swait.ge [sflag:s28], $0x80  }
0x55: {  	[sflag:s28] =	ssyncset.done $0x0  }
0x56: {  	[sflag:s28] =	ssyncadd.s32 $0xFFFFFF80  }
0x57: {  	_ =	swait.ge [sflag:s28], $0x80  }
0x58: {  	[sflag:s28] =	ssyncset.done $0x0  }
0x59: {  	[sflag:s28] =	ssyncadd.s32 $0xFFFFFF80  }
0x5a: {  	_ =	swait.ge [sflag:s28], $0x80  }
0x5b: {  	[sflag:s28] =	ssyncset.done $0x0  }
0x5c: {  	[sflag:s28] =	ssyncadd.s32 $0xFFFFFF80  }
0x5d: {  	_ =	swait.ge [sflag:s28], $0x80  }
0x5e: {  	[sflag:s28] =	ssyncset.done $0x0  }
0x5f: {  	[sflag:s28] =	ssyncadd.s32 $0xFFFFFF80  }
0x60: {  	_ =	swait.ge [sflag:s28], $0x80  }
0x61: {  	[sflag:s28] =	ssyncset.done $0x0  }
0x62: {  	[sflag:s28] =	ssyncadd.s32 $0xFFFFFF80  }
0x63: {  	_ =	swait.ge [sflag:s28], $0x80  }
0x64: {  	[sflag:s28] =	ssyncset.done $0x0  }
0x65: {  	[sflag:s28] =	ssyncadd.s32 $0xFFFFFF80  }
0x66: {  	_ =	swait.ge [sflag:s28], $0x80  }
0x67: {  	[sflag:s28] =	ssyncset.done $0x0  }
0x68: {  	[sflag:s28] =	ssyncadd.s32 $0xFFFFFF80  }
0x69: {  	_ =	swait.ge [sflag:s28], $0x80  }
0x6a: {  	[sflag:s28] =	ssyncset.done $0x0  }
0x6b: {  	[sflag:s28] =	ssyncadd.s32 $0xFFFFFF80  }
0x6c: {  	_ =	swait.ge [sflag:s28], $0x80  }
0x6d: {  	[sflag:s28] =	ssyncset.done $0x0  }
0x6e: {  	[sflag:s28] =	ssyncadd.s32 $0xFFFFFF80  }
0x6f: {  	_ =	swait.ge [sflag:s28], $0x80  }
0x70: {  	[sflag:s28] =	ssyncset.done $0x0  }
0x71: {  	[sflag:s28] =	ssyncadd.s32 $0xFFFFFF80  }
0x72: {  	_ =	swait.ge [sflag:s28], $0x80  }
0x73: {  	s30 =	simm.s32 $0x100;
	s31 =	simm.s32 $0x200;
	[sflag:s28] =	ssyncset.done $0x0  }
.LBB2_2:
0x74: {  	s0 =	sadd.s32 s30, s8  }
0x75: {  	[sflag:s28] =	ssyncadd.s32 $0xFFFFFF80;
	s30 =	smov.u32 s31;
	s1 =	sadd.s32 $0x100, s31  }
0x76: {  	[tilespmem:s3], [sflag:$0x2] =	stream.linear.gather [hbm4b:s0+s3], $0x800, $0x38;
	[tilespmem:$0xD80] =	vst v63  }
0x77: {  	p0 =	sne.s32 s31, $0x400;
	_ =	swait.ge [sflag:s10], $0x800  }
0x78: {  	[sflag:s10] =	ssyncset.done $0x0  }
0x79: {  	[sflag:s10] =	ssyncadd.s32 $0xFFFFF800  }
0x7a: {  	[spmem:s2] =	stream.indirect.scatter.add.f32 [tilespmem:s12], [sflag:$0x1], $0x1, s3, s11, $0xb8;
	[tilespmem:$0xD80] =	vst v63  }
0x7b: {  	_ = 	snop  }
0x7c: {  	[spmem:s2] =	stream.indirect.scatter.add.f32 [tilespmem:s12], [sflag:$0x1], $0x1, s11, s11, $0xb8;
	[tilespmem:$0xD80] =	vst v63  }
0x7d: {  	_ = 	snop  }
0x7e: {  	[spmem:s2] =	stream.indirect.scatter.add.f32 [tilespmem:s12], [sflag:$0x1], $0x1, s13, s11, $0xb8;
	[tilespmem:$0xD80] =	vst v63  }
0x7f: {  	_ = 	snop  }
0x80: {  	[spmem:s2] =	stream.indirect.scatter.add.f32 [tilespmem:s12], [sflag:$0x1], $0x1, s14, s11, $0xb8;
	[tilespmem:$0xD80] =	vst v63  }
0x81: {  	_ = 	snop  }
0x82: {  	[spmem:s2] =	stream.indirect.scatter.add.f32 [tilespmem:s12], [sflag:$0x1], $0x1, s15, s11, $0xb8;
	[tilespmem:$0xD80] =	vst v63  }
0x83: {  	_ = 	snop  }
0x84: {  	[spmem:s2] =	stream.indirect.scatter.add.f32 [tilespmem:s12], [sflag:$0x1], $0x1, s16, s11, $0xb8;
	[tilespmem:$0xD80] =	vst v63  }
0x85: {  	_ = 	snop  }
0x86: {  	[spmem:s2] =	stream.indirect.scatter.add.f32 [tilespmem:s12], [sflag:$0x1], $0x1, s17, s11, $0xb8;
	[tilespmem:$0xD80] =	vst v63  }
0x87: {  	_ = 	snop  }
0x88: {  	[spmem:s2] =	stream.indirect.scatter.add.f32 [tilespmem:s12], [sflag:$0x1], $0x1, s18, s11, $0xb8;
	[tilespmem:$0xD80] =	vst v63  }
0x89: {  	_ = 	snop  }
0x8a: {  	[spmem:s2] =	stream.indirect.scatter.add.f32 [tilespmem:s12], [sflag:$0x1], $0x1, s19, s11, $0xb8;
	[tilespmem:$0xD80] =	vst v63  }
0x8b: {  	_ = 	snop  }
0x8c: {  	[spmem:s2] =	stream.indirect.scatter.add.f32 [tilespmem:s12], [sflag:$0x1], $0x1, s20, s11, $0xb8;
	[tilespmem:$0xD80] =	vst v63  }
0x8d: {  	_ = 	snop  }
0x8e: {  	[spmem:s2] =	stream.indirect.scatter.add.f32 [tilespmem:s12], [sflag:$0x1], $0x1, s21, s11, $0xb8;
	[tilespmem:$0xD80] =	vst v63  }
0x8f: {  	_ = 	snop  }
0x90: {  	[spmem:s2] =	stream.indirect.scatter.add.f32 [tilespmem:s12], [sflag:$0x1], $0x1, s22, s11, $0xb8;
	[tilespmem:$0xD80] =	vst v63  }
0x91: {  	_ = 	snop  }
0x92: {  	[spmem:s2] =	stream.indirect.scatter.add.f32 [tilespmem:s12], [sflag:$0x1], $0x1, s23, s11, $0xb8;
	[tilespmem:$0xD80] =	vst v63  }
0x93: {  	_ = 	snop  }
0x94: {  	[spmem:s2] =	stream.indirect.scatter.add.f32 [tilespmem:s12], [sflag:$0x1], $0x1, s24, s11, $0xb8;
	[tilespmem:$0xD80] =	vst v63  }
0x95: {  	_ = 	snop  }
0x96: {  	[spmem:s2] =	stream.indirect.scatter.add.f32 [tilespmem:s12], [sflag:$0x1], $0x1, s25, s11, $0xb8;
	[tilespmem:$0xD80] =	vst v63  }
0x97: {  	_ = 	snop  }
0x98: {  	[spmem:s2] =	stream.indirect.scatter.add.f32 [tilespmem:s12], [sflag:$0x1], $0x1, s26, s11, $0xb8;
	[tilespmem:$0xD80] =	vst v63  }
0x99: {  	_ =	swait.ge [sflag:s28], $0x80  }
0x9a: {  	[sflag:s28] =	ssyncset.done $0x0  }
0x9b: {  	[sflag:s28] =	ssyncadd.s32 $0xFFFFFF80  }
0x9c: {  	_ =	swait.ge [sflag:s28], $0x80  }
0x9d: {  	[sflag:s28] =	ssyncset.done $0x0  }
0x9e: {  	[sflag:s28] =	ssyncadd.s32 $0xFFFFFF80  }
0x9f: {  	_ =	swait.ge [sflag:s28], $0x80  }
0xa0: {  	[sflag:s28] =	ssyncset.done $0x0  }
0xa1: {  	[sflag:s28] =	ssyncadd.s32 $0xFFFFFF80  }
0xa2: {  	_ =	swait.ge [sflag:s28], $0x80  }
0xa3: {  	[sflag:s28] =	ssyncset.done $0x0  }
0xa4: {  	[sflag:s28] =	ssyncadd.s32 $0xFFFFFF80  }
0xa5: {  	_ =	swait.ge [sflag:s28], $0x80  }
0xa6: {  	[sflag:s28] =	ssyncset.done $0x0  }
0xa7: {  	[sflag:s28] =	ssyncadd.s32 $0xFFFFFF80  }
0xa8: {  	_ =	swait.ge [sflag:s28], $0x80  }
0xa9: {  	[sflag:s28] =	ssyncset.done $0x0  }
0xaa: {  	[sflag:s28] =	ssyncadd.s32 $0xFFFFFF80  }
0xab: {  	_ =	swait.ge [sflag:s28], $0x80  }
0xac: {  	[sflag:s28] =	ssyncset.done $0x0  }
0xad: {  	[sflag:s28] =	ssyncadd.s32 $0xFFFFFF80  }
0xae: {  	_ =	swait.ge [sflag:s28], $0x80  }
0xaf: {  	[sflag:s28] =	ssyncset.done $0x0  }
0xb0: {  	[sflag:s28] =	ssyncadd.s32 $0xFFFFFF80  }
0xb1: {  	_ =	swait.ge [sflag:s28], $0x80  }
0xb2: {  	[sflag:s28] =	ssyncset.done $0x0  }
0xb3: {  	[sflag:s28] =	ssyncadd.s32 $0xFFFFFF80  }
0xb4: {  	_ =	swait.ge [sflag:s28], $0x80  }
0xb5: {  	[sflag:s28] =	ssyncset.done $0x0  }
0xb6: {  	[sflag:s28] =	ssyncadd.s32 $0xFFFFFF80  }
0xb7: {  	_ =	swait.ge [sflag:s28], $0x80  }
0xb8: {  	[sflag:s28] =	ssyncset.done $0x0  }
0xb9: {  	[sflag:s28] =	ssyncadd.s32 $0xFFFFFF80  }
0xba: {  	_ =	swait.ge [sflag:s28], $0x80  }
0xbb: {  	[sflag:s28] =	ssyncset.done $0x0  }
0xbc: {  	[sflag:s28] =	ssyncadd.s32 $0xFFFFFF80  }
0xbd: {  	_ =	swait.ge [sflag:s28], $0x80  }
0xbe: {  	[sflag:s28] =	ssyncset.done $0x0  }
0xbf: {  	[sflag:s28] =	ssyncadd.s32 $0xFFFFFF80  }
0xc0: {  	_ =	swait.ge [sflag:s28], $0x80  }
0xc1: {  	[sflag:s28] =	ssyncset.done $0x0  }
0xc2: {  	[sflag:s28] =	ssyncadd.s32 $0xFFFFFF80  }
.Ltmp0:
0xc3: {  	_ =	swait.ge [sflag:s28], $0x80;
	(pc) =	sbr.rel @p0 .LBB2_2-.Ltmp0, $4  }
0xc4: {  	[sflag:s28] =	ssyncset.done $0x0  }
0xc5: {  	[sflag:s28] =	ssyncadd.s32 $0xFFFFFF80  }
0xc6: {  	_ =	swait.ge [sflag:s28], $0x80  }
0xc7: {  	s31 =	smov.u32 s1;
	[sflag:s28] =	ssyncset.done $0x0  }
0xc8: {  	s0 =	sadd.s32 s30, s8;
	[sflag:s28] =	ssyncadd.s32 $0xFFFFFF80  }
0xc9: {  	[tilespmem:s3], [sflag:$0x2] =	stream.linear.gather [hbm4b:s0+s3], $0x800, $0x38;
	[tilespmem:$0xD80] =	vst v63  }
0xca: {  	_ =	swait.ge [sflag:s10], $0x800  }
0xcb: {  	[sflag:s10] =	ssyncset.done $0x0  }
0xcc: {  	[sflag:s10] =	ssyncadd.s32 $0xFFFFF800  }
0xcd: {  	[spmem:s2] =	stream.indirect.scatter.add.f32 [tilespmem:s12], [sflag:$0x1], $0x1, s3, s11, $0xb8;
	[tilespmem:$0xD80] =	vst v63  }
0xce: {  	_ = 	snop  }
0xcf: {  	[spmem:s2] =	stream.indirect.scatter.add.f32 [tilespmem:s12], [sflag:$0x1], $0x1, s11, s11, $0xb8;
	[tilespmem:$0xD80] =	vst v63  }
0xd0: {  	_ = 	snop  }
0xd1: {  	[spmem:s2] =	stream.indirect.scatter.add.f32 [tilespmem:s12], [sflag:$0x1], $0x1, s13, s11, $0xb8;
	[tilespmem:$0xD80] =	vst v63  }
0xd2: {  	_ = 	snop  }
0xd3: {  	[spmem:s2] =	stream.indirect.scatter.add.f32 [tilespmem:s12], [sflag:$0x1], $0x1, s14, s11, $0xb8;
	[tilespmem:$0xD80] =	vst v63  }
0xd4: {  	_ = 	snop  }
0xd5: {  	[spmem:s2] =	stream.indirect.scatter.add.f32 [tilespmem:s12], [sflag:$0x1], $0x1, s15, s11, $0xb8;
	[tilespmem:$0xD80] =	vst v63  }
0xd6: {  	_ = 	snop  }
0xd7: {  	[spmem:s2] =	stream.indirect.scatter.add.f32 [tilespmem:s12], [sflag:$0x1], $0x1, s16, s11, $0xb8;
	[tilespmem:$0xD80] =	vst v63  }
0xd8: {  	_ = 	snop  }
0xd9: {  	[spmem:s2] =	stream.indirect.scatter.add.f32 [tilespmem:s12], [sflag:$0x1], $0x1, s17, s11, $0xb8;
	[tilespmem:$0xD80] =	vst v63  }
0xda: {  	_ = 	snop  }
0xdb: {  	[spmem:s2] =	stream.indirect.scatter.add.f32 [tilespmem:s12], [sflag:$0x1], $0x1, s18, s11, $0xb8;
	[tilespmem:$0xD80] =	vst v63  }
0xdc: {  	_ = 	snop  }
0xdd: {  	[spmem:s2] =	stream.indirect.scatter.add.f32 [tilespmem:s12], [sflag:$0x1], $0x1, s19, s11, $0xb8;
	[tilespmem:$0xD80] =	vst v63  }
0xde: {  	_ = 	snop  }
0xdf: {  	[spmem:s2] =	stream.indirect.scatter.add.f32 [tilespmem:s12], [sflag:$0x1], $0x1, s20, s11, $0xb8;
	[tilespmem:$0xD80] =	vst v63  }
0xe0: {  	_ = 	snop  }
0xe1: {  	[spmem:s2] =	stream.indirect.scatter.add.f32 [tilespmem:s12], [sflag:$0x1], $0x1, s21, s11, $0xb8;
	[tilespmem:$0xD80] =	vst v63  }
0xe2: {  	_ = 	snop  }
0xe3: {  	[spmem:s2] =	stream.indirect.scatter.add.f32 [tilespmem:s12], [sflag:$0x1], $0x1, s22, s11, $0xb8;
	[tilespmem:$0xD80] =	vst v63  }
0xe4: {  	_ = 	snop  }
0xe5: {  	[spmem:s2] =	stream.indirect.scatter.add.f32 [tilespmem:s12], [sflag:$0x1], $0x1, s23, s11, $0xb8;
	[tilespmem:$0xD80] =	vst v63  }
0xe6: {  	_ = 	snop  }
0xe7: {  	[spmem:s2] =	stream.indirect.scatter.add.f32 [tilespmem:s12], [sflag:$0x1], $0x1, s24, s11, $0xb8;
	[tilespmem:$0xD80] =	vst v63  }
0xe8: {  	_ = 	snop  }
0xe9: {  	[spmem:s2] =	stream.indirect.scatter.add.f32 [tilespmem:s12], [sflag:$0x1], $0x1, s25, s11, $0xb8;
	[tilespmem:$0xD80] =	vst v63  }
0xea: {  	_ = 	snop  }
0xeb: {  	[spmem:s2] =	stream.indirect.scatter.add.f32 [tilespmem:s12], [sflag:$0x1], $0x1, s26, s11, $0xb8;
	[tilespmem:$0xD80] =	vst v63  }
0xec: {  	_ =	swait.ge [sflag:s28], $0x80  }
0xed: {  	[sflag:s28] =	ssyncset.done $0x0  }
0xee: {  	[sflag:s28] =	ssyncadd.s32 $0xFFFFFF80  }
0xef: {  	_ =	swait.ge [sflag:s28], $0x80  }
0xf0: {  	[sflag:s28] =	ssyncset.done $0x0  }
0xf1: {  	[sflag:s28] =	ssyncadd.s32 $0xFFFFFF80  }
0xf2: {  	_ =	swait.ge [sflag:s28], $0x80  }
0xf3: {  	[sflag:s28] =	ssyncset.done $0x0  }
0xf4: {  	[sflag:s28] =	ssyncadd.s32 $0xFFFFFF80  }
0xf5: {  	_ =	swait.ge [sflag:s28], $0x80  }
0xf6: {  	[sflag:s28] =	ssyncset.done $0x0  }
0xf7: {  	[sflag:s28] =	ssyncadd.s32 $0xFFFFFF80  }
0xf8: {  	_ =	swait.ge [sflag:s28], $0x80  }
0xf9: {  	[sflag:s28] =	ssyncset.done $0x0  }
0xfa: {  	[sflag:s28] =	ssyncadd.s32 $0xFFFFFF80  }
0xfb: {  	_ =	swait.ge [sflag:s28], $0x80  }
0xfc: {  	[sflag:s28] =	ssyncset.done $0x0  }
0xfd: {  	[sflag:s28] =	ssyncadd.s32 $0xFFFFFF80  }
0xfe: {  	_ =	swait.ge [sflag:s28], $0x80  }
0xff: {  	[sflag:s28] =	ssyncset.done $0x0  }
0x100: {  	[sflag:s28] =	ssyncadd.s32 $0xFFFFFF80  }
0x101: {  	_ =	swait.ge [sflag:s28], $0x80  }
0x102: {  	[sflag:s28] =	ssyncset.done $0x0  }
0x103: {  	[sflag:s28] =	ssyncadd.s32 $0xFFFFFF80  }
0x104: {  	_ =	swait.ge [sflag:s28], $0x80  }
0x105: {  	[sflag:s28] =	ssyncset.done $0x0  }
0x106: {  	[sflag:s28] =	ssyncadd.s32 $0xFFFFFF80  }
0x107: {  	_ =	swait.ge [sflag:s28], $0x80  }
0x108: {  	[sflag:s28] =	ssyncset.done $0x0  }
0x109: {  	[sflag:s28] =	ssyncadd.s32 $0xFFFFFF80  }
0x10a: {  	_ =	swait.ge [sflag:s28], $0x80  }
0x10b: {  	[sflag:s28] =	ssyncset.done $0x0  }
0x10c: {  	[sflag:s28] =	ssyncadd.s32 $0xFFFFFF80  }
0x10d: {  	_ =	swait.ge [sflag:s28], $0x80  }
0x10e: {  	[sflag:s28] =	ssyncset.done $0x0  }
0x10f: {  	[sflag:s28] =	ssyncadd.s32 $0xFFFFFF80  }
0x110: {  	_ =	swait.ge [sflag:s28], $0x80  }
0x111: {  	[sflag:s28] =	ssyncset.done $0x0  }
0x112: {  	[sflag:s28] =	ssyncadd.s32 $0xFFFFFF80  }
0x113: {  	_ =	swait.ge [sflag:s28], $0x80  }
0x114: {  	[sflag:s28] =	ssyncset.done $0x0  }
0x115: {  	[sflag:s28] =	ssyncadd.s32 $0xFFFFFF80  }
0x116: {  	_ =	swait.ge [sflag:s28], $0x80  }
0x117: {  	[sflag:s28] =	ssyncset.done $0x0  }
0x118: {  	[sflag:s28] =	ssyncadd.s32 $0xFFFFFF80  }
0x119: {  	_ =	swait.ge [sflag:s28], $0x80  }
0x11a: {  	[sflag:s28] =	ssyncset.done $0x0  }
0x11b: {  	[sflag:s28] =	ssyncadd.s32 $0xFFFFFF80  }
0x11c: {  	[bflag:$0x0] =	sbarrier.arrive $0xFFFF  }
0x11d: {  	[tilespmem:s9], [sflag:$0x2] =	stream.linear.gather [spmem:s5], $0x280, $0x38;
	[tilespmem:$0xD80] =	vst v63  }
0x11e: {  	s29 =	sadd.s32 $0x1, s29;
	_ =	swait.ge [sflag:s10], $0x280  }
0x11f: {  	p0 =	sne.s32 s29, s7;
	[sflag:s10] =	ssyncset.done $0x0  }
.Ltmp1:
0x120: {  	[sflag:s10] =	ssyncadd.s32 $0xFFFFFD80;
	(pc) =	sbr.rel @p0 .LBB2_1-.Ltmp1, $4  }
0x121: {  	[hbm4b:s6+s3] =	stream.linear.scatter [tilespmem:s9], [sflag:$0x2], $0x280, $0x38;
	[tilespmem:$0xD80] =	vst v63  }
0x122: {  	_ =	swait.ge [sflag:s10], $0x280  }
0x123: {  	[sflag:s10] =	ssyncset.done $0x0  }
0x124: {  	[sflag:s10] =	ssyncadd.s32 $0xFFFFFD80  }
0x125: {  	_ =	sfence.sel $0x180000  }
0x126: {  	[bflag:$0x0] =	sbarrier.arrive $0xFFFF  }
0x127: {  	_ =	strace $0x90000047  }
0x128: {  	s0 =	stileid.u32;
	[bflag:$0x2] =	sbarrier.arrive $0xFFFF  }
0x129: {  	p0 =	sne.s32 s0, $0x0;
	s0 =	rddreg [dreg:$0x2]  }
0x12a: {  	s0 =	sadd.s32 @!p0 $0x100000, s0  }
0x12b: {  	[sflag:s0] =	ssyncadd.tile.s32 @!p0 $0x1;
	_ =	shalt  }
.Lfunc_end2:
_tile_overlayer_lowered:
.L_overlay_start_2:
0x12c: {  	(tag) =	ssettag $0x2  }
0x12d: {  	s0 =	rddreg [dreg:$0x0];
	s2 =	stileid.u32  }
0x12e: {  	s1 =	rddreg [dreg:$0x1];
	p0 =	sne.s32 s2, $0x0  }
0x12f: {  	s3 =	rddreg [dreg:$0x2];
	[bflag:$0x3] =	sbarrier.arrive $0xFFFF;
	s2 =	simm.s32 @!p0 $0x1C02  }
0x130: {  	[timem:s3], [sflag:s2] =	dma.local @!p0 [hbm:s0], s1  }
0x131: {  	s0 =	simm.s32 @!p0 $0x2  }
0x132: {  	_ =	swait.ge @!p0 [sflag:s0], s1  }
0x133: {  	s1 =	ssub.s32 @!p0 $0x0, s1;
	[sflag:s0] =	ssyncset.done @!p0 $0x0  }
0x134: {  	[sflag:s0] =	ssyncadd.s32 @!p0 s1  }
0x135: {  	[bflag:$0x3] =	sbarrier.arrive $0xFFFF  }
0x136: {  	_ =	shalt  }

</sc_bundles>
